<compile_context>
chip_gen: v7x
topology: tpu7x:2x2x1
jax: 0.10.2.dev20260603
libtpu: 0.0.44.dev20260713+nightly
codegen_flags: <defaults>
</compile_context>

<pallas_src>
import functools

import jax
import jax.numpy as jnp
from jax import lax
from jax.experimental import pallas as pl
from jax.experimental.pallas import tpu as pltpu
from jax.experimental.pallas import tpu_sc as plsc

DIM_WORD = 128
DIM_FEAT = 64
DIM_OUT = DIM_WORD + DIM_FEAT

NC = 2
NS = 16
NW = NC * NS
L = 16

BPW = 128


def _build(batch, seq):
    assert batch == NW * BPW and seq % 2 == 0

    mesh = plsc.VectorSubcoreMesh(core_axis_name="c", subcore_axis_name="s")

    @functools.partial(
        pl.kernel,
        mesh=mesh,
        out_type=jax.ShapeDtypeStruct((seq, DIM_OUT, batch), jnp.float32),
        scratch_types=[
            pltpu.VMEM((seq, BPW), jnp.int32),
            pltpu.VMEM((seq, BPW), jnp.int32),
            pltpu.VMEM((2, BPW, DIM_WORD), jnp.float32),
            pltpu.VMEM((2, BPW, DIM_WORD), jnp.float32),
            pltpu.VMEM((2, DIM_WORD, BPW), jnp.float32),
            pltpu.VMEM((2, DIM_FEAT, BPW), jnp.float32),
            pltpu.SemaphoreType.DMA,
            pltpu.SemaphoreType.DMA,
            pltpu.SemaphoreType.DMA,
            pltpu.SemaphoreType.DMA,
        ],
        compiler_params=pltpu.CompilerParams(needs_layout_passes=False),
    )
    def k(wT_hbm, fT_hbm, ww_hbm, wf_hbm, out_hbm,
          widx_v, fidx_v, gw_v, gf_v, tw_v, tf_v,
          gsem0, gsem1, wsem0, wsem1):
        wid = lax.axis_index("s") * NC + lax.axis_index("c")
        b0 = wid * BPW
        pltpu.sync_copy(wT_hbm.at[:, pl.ds(b0, BPW)], widx_v)
        pltpu.sync_copy(fT_hbm.at[:, pl.ds(b0, BPW)], fidx_v)

        gsem = (gsem0, gsem1)
        wsem = (wsem0, wsem1)
        iota = lax.iota(jnp.int32, L)
        row_ids = [iota + L * g for g in range(BPW // L)]

        def fire_gather(s, sl):
            pltpu.async_copy(ww_hbm.at[widx_v.at[s]], gw_v.at[sl], gsem[sl])
            pltpu.async_copy(wf_hbm.at[fidx_v.at[s]], gf_v.at[sl], gsem[sl])

        def drain_gather(sl):
            pltpu.make_async_copy(ww_hbm.at[pl.ds(0, BPW)],
                                  gw_v.at[sl], gsem[sl]).wait()
            pltpu.make_async_copy(wf_hbm.at[pl.ds(0, BPW)],
                                  gf_v.at[sl], gsem[sl]).wait()

        def fire_write_word(s, sl):
            pltpu.async_copy(tw_v.at[sl],
                             out_hbm.at[s, pl.ds(0, DIM_WORD),
                                        pl.ds(b0, BPW)], wsem[sl])

        def fire_write_feat(s, sl):
            pltpu.async_copy(tf_v.at[sl],
                             out_hbm.at[s, pl.ds(DIM_WORD, DIM_FEAT),
                                        pl.ds(b0, BPW)], wsem[sl])

        def drain_write(sl):
            pltpu.make_async_copy(tw_v.at[sl],
                                  out_hbm.at[0, pl.ds(0, DIM_WORD),
                                             pl.ds(0, BPW)], wsem[sl]).wait()
            pltpu.make_async_copy(tf_v.at[sl],
                                  out_hbm.at[0, pl.ds(DIM_WORD, DIM_FEAT),
                                             pl.ds(0, BPW)], wsem[sl]).wait()

        def tr(src, dst, n_d, unroll):
            def body(it):
                rot = (iota + it) & (L - 1)
                c_idx = rot + (it & -L)
                for g in range(BPW // L):
                    v = plsc.load_gather(src, [row_ids[g], c_idx])
                    plsc.store_scatter(dst, [c_idx, row_ids[g]], v)
            plsc.parallel_loop(0, n_d, 1, unroll=unroll)(body)

        def step(s, sl, next_s=None, dw=True):
            if next_s is not None:
                fire_gather(next_s, 1 - sl)
            drain_gather(sl)
            if dw:
                drain_write(sl)
            tr(gw_v.at[sl], tw_v.at[sl], DIM_WORD, 2)
            fire_write_word(s, sl)
            tr(gf_v.at[sl], tf_v.at[sl], DIM_FEAT, 2)
            fire_write_feat(s, sl)

        fire_gather(0, 0)
        step(0, 0, next_s=1, dw=False)
        step(1, 1, next_s=2, dw=False)

        def body(k_, _):
            s0 = 2 * k_
            step(s0, 0, next_s=s0 + 1)
            step(s0 + 1, 1, next_s=s0 + 2)
            return _

        lax.fori_loop(1, seq // 2 - 1, body, 0)

        step(seq - 2, 0, next_s=seq - 1)
        step(seq - 1, 1)
        drain_write(0)
        drain_write(1)

    return k


def kernel(word, feat, W_word, W_feat):
    b, s = word.shape
    wT = word.T.astype(jnp.int32)
    fT = feat.T.astype(jnp.int32)
    wf_pad = jnp.pad(W_feat, ((0, 0), (0, DIM_WORD - DIM_FEAT)))
    out = _build(b, s)(wT, fT, W_word, wf_pad)
    return out.transpose(2, 0, 1)

# --- scband reference (transcript-rebuilt; emitter-appended) ---
"""Pipeline reference for scband-embeddings-stack-24361054503452 (READ-ONLY COPY).

The authoritative reference and input builder live on the scoring server;
editing this copy changes nothing except your own understanding.
"""

import jax, jax.numpy as jnp
import numpy as np

VOCAB_WORD = 100000
DIM_WORD = 128
VOCAB_FEAT = 1000
DIM_FEAT = 64
BATCH = 4096
SEQ = 50


def setup_inputs(seed: int = 0) -> dict:
    key = jax.random.key(seed)
    k1, k2, k3, k4 = jax.random.split(key, 4)
    word = jax.random.randint(k1, (BATCH, SEQ), 0, VOCAB_WORD, dtype=jnp.int64 if jax.config.jax_enable_x64 else jnp.int32)
    feat = jax.random.randint(k2, (BATCH, SEQ), 0, VOCAB_FEAT, dtype=jnp.int64 if jax.config.jax_enable_x64 else jnp.int32)
    W_word = jax.random.normal(k3, (VOCAB_WORD, DIM_WORD), dtype=jnp.float32) * 0.02
    W_feat = jax.random.normal(k4, (VOCAB_FEAT, DIM_FEAT), dtype=jnp.float32) * 0.02
    return {"word": word, "feat": feat, "W_word": W_word, "W_feat": W_feat}


def reference(word, feat, W_word, W_feat):
    # EmbeddingsStack.forward: per-key embedding lookup, concat along last dim.
    # dropout_rate = 0.0 -> dropout is identity.
    emb_word = jnp.take(W_word, word, axis=0)   # [B, S, 128]
    emb_feat = jnp.take(W_feat, feat, axis=0)   # [B, S, 64]
    word_embeddings = jnp.concatenate([emb_word, emb_feat], axis=-1)  # [B, S, 192]
    return word_embeddings

if __name__ == "__main__":
    import jax
    _d = setup_inputs()
    print(jax.jit(kernel)(*tuple(_d.values())))

</pallas_src>

<mosaic_0001>
#map = affine_map<(d0, d1) -> (0, 0)>
#map1 = affine_map<(d0, d1) -> (0, 0, 0)>
module attributes {stable_mosaic.version = 14 : i64} {
  func.func @k(%arg0: i32, %arg1: i32, %arg2: memref<50x4096xi32, #tpu.memory_space<hbm>>, %arg3: memref<50x4096xi32, #tpu.memory_space<hbm>>, %arg4: memref<100000x128xf32, #tpu.memory_space<hbm>>, %arg5: memref<1000x128xf32, #tpu.memory_space<hbm>>, %arg6: memref<50x192x4096xf32, #tpu.memory_space<hbm>>, %arg7: memref<50x128xi32, #tpu.memory_space<vmem>>, %arg8: memref<50x128xi32, #tpu.memory_space<vmem>>, %arg9: memref<2x128x128xf32, #tpu.memory_space<vmem>>, %arg10: memref<2x128x128xf32, #tpu.memory_space<vmem>>, %arg11: memref<2x128x128xf32, #tpu.memory_space<vmem>>, %arg12: memref<2x64x128xf32, #tpu.memory_space<vmem>>, %arg13: memref<!tpu.dma_semaphore, #tpu.memory_space<semaphore_mem>>, %arg14: memref<!tpu.dma_semaphore, #tpu.memory_space<semaphore_mem>>, %arg15: memref<!tpu.dma_semaphore, #tpu.memory_space<semaphore_mem>>, %arg16: memref<!tpu.dma_semaphore, #tpu.memory_space<semaphore_mem>>) attributes {dimension_semantics = [#tpu.dimension_semantics<core_parallel>, #tpu.dimension_semantics<subcore_parallel>], iteration_bounds = array<i64: 2, 16>, scalar_prefetch = 0 : i64, scratch_operands = 10 : i64, tpu.core_type = #tpu.core_type<sc_vector_subcore>, window_params = [{transform_indices = #map}, {transform_indices = #map}, {transform_indices = #map}, {transform_indices = #map}, {transform_indices = #map1}]} {
    %mul3A = arith.constant 2 : i32
    %mul3A_0 = arith.muli %arg1, %mul3A : i32
    %add3A = arith.addi %mul3A_0, %arg0 : i32
    %mul3A_1 = arith.constant 128 : i32
    %mul3A_2 = arith.muli %add3A, %mul3A_1 : i32
    "tpu.region"() ({
      %run_scoped3A = tpu.sem_alloc : memref<!tpu.dma_semaphore, #tpu.memory_space<semaphore_mem>>
      %dma_start3A_557 = arith.constant 0 : i32
      %dma_start3A_558 = tpu.memref_slice %arg2[%dma_start3A_557, %mul3A_2] : memref<50x4096xi32, #tpu.memory_space<hbm>> -> memref<50x128xi32, #tpu.memory_space<hbm>>
      %dma_start3A_559 = arith.constant 0 : i32
      %dma_start3A_560 = tpu.memref_slice %arg2[%dma_start3A_559, %mul3A_2] : memref<50x4096xi32, #tpu.memory_space<hbm>> -> memref<50x128xi32, #tpu.memory_space<hbm>>
      tpu.enqueue_dma source(%dma_start3A_560 : memref<50x128xi32, #tpu.memory_space<hbm>>) target(%arg7 : memref<50x128xi32, #tpu.memory_space<vmem>>) target_semaphore(%run_scoped3A : memref<!tpu.dma_semaphore, #tpu.memory_space<semaphore_mem>>)
      %dma_wait3A_561 = arith.constant 0 : i32
      %dma_wait3A_562 = tpu.memref_slice %arg2[%dma_wait3A_561, %mul3A_2] : memref<50x4096xi32, #tpu.memory_space<hbm>> -> memref<50x128xi32, #tpu.memory_space<hbm>>
      %dma_wait3A_563 = arith.constant 0 : i32
      %dma_wait3A_564 = tpu.memref_slice %arg2[%dma_wait3A_563, %mul3A_2] : memref<50x4096xi32, #tpu.memory_space<hbm>> -> memref<50x128xi32, #tpu.memory_space<hbm>>
      tpu.wait_dma2 semaphore(%run_scoped3A : memref<!tpu.dma_semaphore, #tpu.memory_space<semaphore_mem>>) src(%dma_wait3A_564 : memref<50x128xi32, #tpu.memory_space<hbm>>) dst(%arg7 : memref<50x128xi32, #tpu.memory_space<vmem>>)
      tpu.yield
    }) : () -> ()
    "tpu.region"() ({
      %run_scoped3A = tpu.sem_alloc : memref<!tpu.dma_semaphore, #tpu.memory_space<semaphore_mem>>
      %dma_start3A_557 = arith.constant 0 : i32
      %dma_start3A_558 = tpu.memref_slice %arg3[%dma_start3A_557, %mul3A_2] : memref<50x4096xi32, #tpu.memory_space<hbm>> -> memref<50x128xi32, #tpu.memory_space<hbm>>
      %dma_start3A_559 = arith.constant 0 : i32
      %dma_start3A_560 = tpu.memref_slice %arg3[%dma_start3A_559, %mul3A_2] : memref<50x4096xi32, #tpu.memory_space<hbm>> -> memref<50x128xi32, #tpu.memory_space<hbm>>
      tpu.enqueue_dma source(%dma_start3A_560 : memref<50x128xi32, #tpu.memory_space<hbm>>) target(%arg8 : memref<50x128xi32, #tpu.memory_space<vmem>>) target_semaphore(%run_scoped3A : memref<!tpu.dma_semaphore, #tpu.memory_space<semaphore_mem>>)
      %dma_wait3A_561 = arith.constant 0 : i32
      %dma_wait3A_562 = tpu.memref_slice %arg3[%dma_wait3A_561, %mul3A_2] : memref<50x4096xi32, #tpu.memory_space<hbm>> -> memref<50x128xi32, #tpu.memory_space<hbm>>
      %dma_wait3A_563 = arith.constant 0 : i32
      %dma_wait3A_564 = tpu.memref_slice %arg3[%dma_wait3A_563, %mul3A_2] : memref<50x4096xi32, #tpu.memory_space<hbm>> -> memref<50x128xi32, #tpu.memory_space<hbm>>
      tpu.wait_dma2 semaphore(%run_scoped3A : memref<!tpu.dma_semaphore, #tpu.memory_space<semaphore_mem>>) src(%dma_wait3A_564 : memref<50x128xi32, #tpu.memory_space<hbm>>) dst(%arg8 : memref<50x128xi32, #tpu.memory_space<vmem>>)
      tpu.yield
    }) : () -> ()
    %iota3A = tpu.iota {dimensions = array<i32: 0>} : vector<16xi32>
    %add3A_3 = arith.constant 0 : i32
    %add3A_4 = vector.broadcast %add3A_3 : i32 to vector<16xi32>
    %add3A_5 = arith.addi %iota3A, %add3A_4 : vector<16xi32>
    %add3A_6 = arith.constant 16 : i32
    %add3A_7 = vector.broadcast %add3A_6 : i32 to vector<16xi32>
    %add3A_8 = arith.addi %iota3A, %add3A_7 : vector<16xi32>
    %add3A_9 = arith.constant 32 : i32
    %add3A_10 = vector.broadcast %add3A_9 : i32 to vector<16xi32>
    %add3A_11 = arith.addi %iota3A, %add3A_10 : vector<16xi32>
    %add3A_12 = arith.constant 48 : i32
    %add3A_13 = vector.broadcast %add3A_12 : i32 to vector<16xi32>
    %add3A_14 = arith.addi %iota3A, %add3A_13 : vector<16xi32>
    %add3A_15 = arith.constant 64 : i32
    %add3A_16 = vector.broadcast %add3A_15 : i32 to vector<16xi32>
    %add3A_17 = arith.addi %iota3A, %add3A_16 : vector<16xi32>
    %add3A_18 = arith.constant 80 : i32
    %add3A_19 = vector.broadcast %add3A_18 : i32 to vector<16xi32>
    %add3A_20 = arith.addi %iota3A, %add3A_19 : vector<16xi32>
    %add3A_21 = arith.constant 96 : i32
    %add3A_22 = vector.broadcast %add3A_21 : i32 to vector<16xi32>
    %add3A_23 = arith.addi %iota3A, %add3A_22 : vector<16xi32>
    %add3A_24 = arith.constant 112 : i32
    %add3A_25 = vector.broadcast %add3A_24 : i32 to vector<16xi32>
    %add3A_26 = arith.addi %iota3A, %add3A_25 : vector<16xi32>
    %dma_start3A = arith.constant 0 : i32
    %dma_start3A_27 = arith.constant 0 : i32
    %dma_start3A_28 = arith.constant 0 : i32
    %dma_start3A_29 = arith.constant 0 : i32
    %dma_start3A_30 = tpu.memref_slice %arg9[%dma_start3A_27, %dma_start3A_28, %dma_start3A_29] : memref<2x128x128xf32, #tpu.memory_space<vmem>> -> memref<1x128x128xf32, #tpu.memory_space<vmem>>
    %dma_start3A_31 = tpu.memref_squeeze %dma_start3A_30 : memref<1x128x128xf32, #tpu.memory_space<vmem>> -> memref<128x128xf32, #tpu.memory_space<vmem>>
    %dma_start3A_32 = arith.constant 0 : i32
    %dma_start3A_33 = tpu.memref_slice %arg7[%dma_start3A, %dma_start3A_32] : memref<50x128xi32, #tpu.memory_space<vmem>> -> memref<1x128xi32, #tpu.memory_space<vmem>>
    %dma_start3A_34 = tpu.memref_squeeze %dma_start3A_33 : memref<1x128xi32, #tpu.memory_space<vmem>> -> memref<128xi32, #tpu.memory_space<vmem>>
    %dma_start3A_35 = arith.constant 0 : i32
    %dma_start3A_36 = arith.constant 0 : i32
    %dma_start3A_37 = tpu.memref_slice %arg4[%dma_start3A_35, %dma_start3A_36] : memref<100000x128xf32, #tpu.memory_space<hbm>> -> memref<100000x128xf32, #tpu.memory_space<hbm>>
    tpu.enqueue_indirect_dma source(%dma_start3A_37 : memref<100000x128xf32, #tpu.memory_space<hbm>>) target(%dma_start3A_31 : memref<128x128xf32, #tpu.memory_space<vmem>>) offsets(%dma_start3A_34 : memref<128xi32, #tpu.memory_space<vmem>>) semaphore(%arg13 : memref<!tpu.dma_semaphore, #tpu.memory_space<semaphore_mem>>)
    %dma_start3A_38 = arith.constant 0 : i32
    %dma_start3A_39 = arith.constant 0 : i32
    %dma_start3A_40 = arith.constant 0 : i32
    %dma_start3A_41 = arith.constant 0 : i32
    %dma_start3A_42 = tpu.memref_slice %arg10[%dma_start3A_39, %dma_start3A_40, %dma_start3A_41] : memref<2x128x128xf32, #tpu.memory_space<vmem>> -> memref<1x128x128xf32, #tpu.memory_space<vmem>>
    %dma_start3A_43 = tpu.memref_squeeze %dma_start3A_42 : memref<1x128x128xf32, #tpu.memory_space<vmem>> -> memref<128x128xf32, #tpu.memory_space<vmem>>
    %dma_start3A_44 = arith.constant 0 : i32
    %dma_start3A_45 = tpu.memref_slice %arg8[%dma_start3A_38, %dma_start3A_44] : memref<50x128xi32, #tpu.memory_space<vmem>> -> memref<1x128xi32, #tpu.memory_space<vmem>>
    %dma_start3A_46 = tpu.memref_squeeze %dma_start3A_45 : memref<1x128xi32, #tpu.memory_space<vmem>> -> memref<128xi32, #tpu.memory_space<vmem>>
    %dma_start3A_47 = arith.constant 0 : i32
    %dma_start3A_48 = arith.constant 0 : i32
    %dma_start3A_49 = tpu.memref_slice %arg5[%dma_start3A_47, %dma_start3A_48] : memref<1000x128xf32, #tpu.memory_space<hbm>> -> memref<1000x128xf32, #tpu.memory_space<hbm>>
    tpu.enqueue_indirect_dma source(%dma_start3A_49 : memref<1000x128xf32, #tpu.memory_space<hbm>>) target(%dma_start3A_43 : memref<128x128xf32, #tpu.memory_space<vmem>>) offsets(%dma_start3A_46 : memref<128xi32, #tpu.memory_space<vmem>>) semaphore(%arg13 : memref<!tpu.dma_semaphore, #tpu.memory_space<semaphore_mem>>)
    %dma_start3A_50 = arith.constant 1 : i32
    %dma_start3A_51 = arith.constant 1 : i32
    %dma_start3A_52 = arith.constant 0 : i32
    %dma_start3A_53 = arith.constant 0 : i32
    %dma_start3A_54 = tpu.memref_slice %arg9[%dma_start3A_51, %dma_start3A_52, %dma_start3A_53] : memref<2x128x128xf32, #tpu.memory_space<vmem>> -> memref<1x128x128xf32, #tpu.memory_space<vmem>>
    %dma_start3A_55 = tpu.memref_squeeze %dma_start3A_54 : memref<1x128x128xf32, #tpu.memory_space<vmem>> -> memref<128x128xf32, #tpu.memory_space<vmem>>
    %dma_start3A_56 = arith.constant 0 : i32
    %dma_start3A_57 = tpu.memref_slice %arg7[%dma_start3A_50, %dma_start3A_56] : memref<50x128xi32, #tpu.memory_space<vmem>> -> memref<1x128xi32, #tpu.memory_space<vmem>>
    %dma_start3A_58 = tpu.memref_squeeze %dma_start3A_57 : memref<1x128xi32, #tpu.memory_space<vmem>> -> memref<128xi32, #tpu.memory_space<vmem>>
    %dma_start3A_59 = arith.constant 0 : i32
    %dma_start3A_60 = arith.constant 0 : i32
    %dma_start3A_61 = tpu.memref_slice %arg4[%dma_start3A_59, %dma_start3A_60] : memref<100000x128xf32, #tpu.memory_space<hbm>> -> memref<100000x128xf32, #tpu.memory_space<hbm>>
    tpu.enqueue_indirect_dma source(%dma_start3A_61 : memref<100000x128xf32, #tpu.memory_space<hbm>>) target(%dma_start3A_55 : memref<128x128xf32, #tpu.memory_space<vmem>>) offsets(%dma_start3A_58 : memref<128xi32, #tpu.memory_space<vmem>>) semaphore(%arg14 : memref<!tpu.dma_semaphore, #tpu.memory_space<semaphore_mem>>)
    %dma_start3A_62 = arith.constant 1 : i32
    %dma_start3A_63 = arith.constant 1 : i32
    %dma_start3A_64 = arith.constant 0 : i32
    %dma_start3A_65 = arith.constant 0 : i32
    %dma_start3A_66 = tpu.memref_slice %arg10[%dma_start3A_63, %dma_start3A_64, %dma_start3A_65] : memref<2x128x128xf32, #tpu.memory_space<vmem>> -> memref<1x128x128xf32, #tpu.memory_space<vmem>>
    %dma_start3A_67 = tpu.memref_squeeze %dma_start3A_66 : memref<1x128x128xf32, #tpu.memory_space<vmem>> -> memref<128x128xf32, #tpu.memory_space<vmem>>
    %dma_start3A_68 = arith.constant 0 : i32
    %dma_start3A_69 = tpu.memref_slice %arg8[%dma_start3A_62, %dma_start3A_68] : memref<50x128xi32, #tpu.memory_space<vmem>> -> memref<1x128xi32, #tpu.memory_space<vmem>>
    %dma_start3A_70 = tpu.memref_squeeze %dma_start3A_69 : memref<1x128xi32, #tpu.memory_space<vmem>> -> memref<128xi32, #tpu.memory_space<vmem>>
    %dma_start3A_71 = arith.constant 0 : i32
    %dma_start3A_72 = arith.constant 0 : i32
    %dma_start3A_73 = tpu.memref_slice %arg5[%dma_start3A_71, %dma_start3A_72] : memref<1000x128xf32, #tpu.memory_space<hbm>> -> memref<1000x128xf32, #tpu.memory_space<hbm>>
    tpu.enqueue_indirect_dma source(%dma_start3A_73 : memref<1000x128xf32, #tpu.memory_space<hbm>>) target(%dma_start3A_67 : memref<128x128xf32, #tpu.memory_space<vmem>>) offsets(%dma_start3A_70 : memref<128xi32, #tpu.memory_space<vmem>>) semaphore(%arg14 : memref<!tpu.dma_semaphore, #tpu.memory_space<semaphore_mem>>)
    %dma_wait3A = arith.constant 0 : i32
    %dma_wait3A_74 = arith.constant 0 : i32
    %dma_wait3A_75 = arith.constant 0 : i32
    %dma_wait3A_76 = tpu.memref_slice %arg9[%dma_wait3A, %dma_wait3A_74, %dma_wait3A_75] : memref<2x128x128xf32, #tpu.memory_space<vmem>> -> memref<1x128x128xf32, #tpu.memory_space<vmem>>
    %dma_wait3A_77 = tpu.memref_squeeze %dma_wait3A_76 : memref<1x128x128xf32, #tpu.memory_space<vmem>> -> memref<128x128xf32, #tpu.memory_space<vmem>>
    %dma_wait3A_78 = arith.constant 0 : i32
    %dma_wait3A_79 = arith.constant 0 : i32
    %dma_wait3A_80 = tpu.memref_slice %arg4[%dma_wait3A_78, %dma_wait3A_79] : memref<100000x128xf32, #tpu.memory_space<hbm>> -> memref<128x128xf32, #tpu.memory_space<hbm>>
    %dma_wait3A_81 = arith.constant 0 : i32
    %dma_wait3A_82 = arith.constant 0 : i32
    %dma_wait3A_83 = tpu.memref_slice %arg9[%dma_wait3A, %dma_wait3A_81, %dma_wait3A_82] : memref<2x128x128xf32, #tpu.memory_space<vmem>> -> memref<1x128x128xf32, #tpu.memory_space<vmem>>
    %dma_wait3A_84 = tpu.memref_squeeze %dma_wait3A_83 : memref<1x128x128xf32, #tpu.memory_space<vmem>> -> memref<128x128xf32, #tpu.memory_space<vmem>>
    %dma_wait3A_85 = arith.constant 0 : i32
    %dma_wait3A_86 = arith.constant 0 : i32
    %dma_wait3A_87 = tpu.memref_slice %arg4[%dma_wait3A_85, %dma_wait3A_86] : memref<100000x128xf32, #tpu.memory_space<hbm>> -> memref<128x128xf32, #tpu.memory_space<hbm>>
    tpu.wait_dma2 semaphore(%arg13 : memref<!tpu.dma_semaphore, #tpu.memory_space<semaphore_mem>>) src(%dma_wait3A_87 : memref<128x128xf32, #tpu.memory_space<hbm>>) dst(%dma_wait3A_84 : memref<128x128xf32, #tpu.memory_space<vmem>>)
    %dma_wait3A_88 = arith.constant 0 : i32
    %dma_wait3A_89 = arith.constant 0 : i32
    %dma_wait3A_90 = arith.constant 0 : i32
    %dma_wait3A_91 = tpu.memref_slice %arg10[%dma_wait3A_88, %dma_wait3A_89, %dma_wait3A_90] : memref<2x128x128xf32, #tpu.memory_space<vmem>> -> memref<1x128x128xf32, #tpu.memory_space<vmem>>
    %dma_wait3A_92 = tpu.memref_squeeze %dma_wait3A_91 : memref<1x128x128xf32, #tpu.memory_space<vmem>> -> memref<128x128xf32, #tpu.memory_space<vmem>>
    %dma_wait3A_93 = arith.constant 0 : i32
    %dma_wait3A_94 = arith.constant 0 : i32
    %dma_wait3A_95 = tpu.memref_slice %arg5[%dma_wait3A_93, %dma_wait3A_94] : memref<1000x128xf32, #tpu.memory_space<hbm>> -> memref<128x128xf32, #tpu.memory_space<hbm>>
    %dma_wait3A_96 = arith.constant 0 : i32
    %dma_wait3A_97 = arith.constant 0 : i32
    %dma_wait3A_98 = tpu.memref_slice %arg10[%dma_wait3A_88, %dma_wait3A_96, %dma_wait3A_97] : memref<2x128x128xf32, #tpu.memory_space<vmem>> -> memref<1x128x128xf32, #tpu.memory_space<vmem>>
    %dma_wait3A_99 = tpu.memref_squeeze %dma_wait3A_98 : memref<1x128x128xf32, #tpu.memory_space<vmem>> -> memref<128x128xf32, #tpu.memory_space<vmem>>
    %dma_wait3A_100 = arith.constant 0 : i32
    %dma_wait3A_101 = arith.constant 0 : i32
    %dma_wait3A_102 = tpu.memref_slice %arg5[%dma_wait3A_100, %dma_wait3A_101] : memref<1000x128xf32, #tpu.memory_space<hbm>> -> memref<128x128xf32, #tpu.memory_space<hbm>>
    tpu.wait_dma2 semaphore(%arg13 : memref<!tpu.dma_semaphore, #tpu.memory_space<semaphore_mem>>) src(%dma_wait3A_102 : memref<128x128xf32, #tpu.memory_space<hbm>>) dst(%dma_wait3A_99 : memref<128x128xf32, #tpu.memory_space<vmem>>)
    %parallel_loop3A = arith.constant 0 : i32
    %parallel_loop3A_103 = arith.constant 128 : i32
    %parallel_loop3A_104 = arith.constant 1 : i32
    %parallel_loop3A_105 = arith.constant 0 : i32
    %parallel_loop3A_106 = arith.constant 0 : i32
    scf.for %parallel_loop3A_557 = %parallel_loop3A to %parallel_loop3A_103 step %parallel_loop3A_104  : i32 {
      %parallel_loop3A_558 = vector.broadcast %parallel_loop3A_557 : i32 to vector<16xi32>
      %parallel_loop3A_559 = arith.addi %iota3A, %parallel_loop3A_558 : vector<16xi32>
      %parallel_loop3A_560 = arith.constant 15 : i32
      %parallel_loop3A_561 = vector.broadcast %parallel_loop3A_560 : i32 to vector<16xi32>
      %parallel_loop3A_562 = arith.andi %parallel_loop3A_559, %parallel_loop3A_561 : vector<16xi32>
      %parallel_loop3A_563 = arith.constant -16 : i32
      %parallel_loop3A_564 = arith.andi %parallel_loop3A_557, %parallel_loop3A_563 : i32
      %parallel_loop3A_565 = vector.broadcast %parallel_loop3A_564 : i32 to vector<16xi32>
      %parallel_loop3A_566 = arith.addi %parallel_loop3A_562, %parallel_loop3A_565 : vector<16xi32>
      %parallel_loop3A_567 = arith.constant 0 : i32
      %parallel_loop3A_568 = arith.constant 0 : i32
      %parallel_loop3A_569 = tpu.memref_slice %arg9[%parallel_loop3A_105, %parallel_loop3A_567, %parallel_loop3A_568] : memref<2x128x128xf32, #tpu.memory_space<vmem>> -> memref<1x128x128xf32, #tpu.memory_space<vmem>>
      %parallel_loop3A_570 = tpu.memref_squeeze %parallel_loop3A_569 : memref<1x128x128xf32, #tpu.memory_space<vmem>> -> memref<128x128xf32, #tpu.memory_space<vmem>>
      %parallel_loop3A_571 = tpu.vector_load_idx %parallel_loop3A_570[%add3A_5, %parallel_loop3A_566] : memref<128x128xf32, #tpu.memory_space<vmem>>[vector<16xi32>, vector<16xi32>], vector<16xf32>,
      %parallel_loop3A_572 = arith.constant 0 : i32
      %parallel_loop3A_573 = arith.constant 0 : i32
      %parallel_loop3A_574 = tpu.memref_slice %arg11[%parallel_loop3A_106, %parallel_loop3A_572, %parallel_loop3A_573] : memref<2x128x128xf32, #tpu.memory_space<vmem>> -> memref<1x128x128xf32, #tpu.memory_space<vmem>>
      %parallel_loop3A_575 = tpu.memref_squeeze %parallel_loop3A_574 : memref<1x128x128xf32, #tpu.memory_space<vmem>> -> memref<128x128xf32, #tpu.memory_space<vmem>>
      tpu.vector_store_idx %parallel_loop3A_575[%parallel_loop3A_566, %add3A_5], %parallel_loop3A_571 : memref<128x128xf32, #tpu.memory_space<vmem>>[vector<16xi32>, vector<16xi32>], vector<16xf32>,
      %parallel_loop3A_576 = arith.constant 0 : i32
      %parallel_loop3A_577 = arith.constant 0 : i32
      %parallel_loop3A_578 = tpu.memref_slice %arg9[%parallel_loop3A_105, %parallel_loop3A_576, %parallel_loop3A_577] : memref<2x128x128xf32, #tpu.memory_space<vmem>> -> memref<1x128x128xf32, #tpu.memory_space<vmem>>
      %parallel_loop3A_579 = tpu.memref_squeeze %parallel_loop3A_578 : memref<1x128x128xf32, #tpu.memory_space<vmem>> -> memref<128x128xf32, #tpu.memory_space<vmem>>
      %parallel_loop3A_580 = tpu.vector_load_idx %parallel_loop3A_579[%add3A_8, %parallel_loop3A_566] : memref<128x128xf32, #tpu.memory_space<vmem>>[vector<16xi32>, vector<16xi32>], vector<16xf32>,
      %parallel_loop3A_581 = arith.constant 0 : i32
      %parallel_loop3A_582 = arith.constant 0 : i32
      %parallel_loop3A_583 = tpu.memref_slice %arg11[%parallel_loop3A_106, %parallel_loop3A_581, %parallel_loop3A_582] : memref<2x128x128xf32, #tpu.memory_space<vmem>> -> memref<1x128x128xf32, #tpu.memory_space<vmem>>
      %parallel_loop3A_584 = tpu.memref_squeeze %parallel_loop3A_583 : memref<1x128x128xf32, #tpu.memory_space<vmem>> -> memref<128x128xf32, #tpu.memory_space<vmem>>
      tpu.vector_store_idx %parallel_loop3A_584[%parallel_loop3A_566, %add3A_8], %parallel_loop3A_580 : memref<128x128xf32, #tpu.memory_space<vmem>>[vector<16xi32>, vector<16xi32>], vector<16xf32>,
      %parallel_loop3A_585 = arith.constant 0 : i32
      %parallel_loop3A_586 = arith.constant 0 : i32
      %parallel_loop3A_587 = tpu.memref_slice %arg9[%parallel_loop3A_105, %parallel_loop3A_585, %parallel_loop3A_586] : memref<2x128x128xf32, #tpu.memory_space<vmem>> -> memref<1x128x128xf32, #tpu.memory_space<vmem>>
      %parallel_loop3A_588 = tpu.memref_squeeze %parallel_loop3A_587 : memref<1x128x128xf32, #tpu.memory_space<vmem>> -> memref<128x128xf32, #tpu.memory_space<vmem>>
      %parallel_loop3A_589 = tpu.vector_load_idx %parallel_loop3A_588[%add3A_11, %parallel_loop3A_566] : memref<128x128xf32, #tpu.memory_space<vmem>>[vector<16xi32>, vector<16xi32>], vector<16xf32>,
      %parallel_loop3A_590 = arith.constant 0 : i32
      %parallel_loop3A_591 = arith.constant 0 : i32
      %parallel_loop3A_592 = tpu.memref_slice %arg11[%parallel_loop3A_106, %parallel_loop3A_590, %parallel_loop3A_591] : memref<2x128x128xf32, #tpu.memory_space<vmem>> -> memref<1x128x128xf32, #tpu.memory_space<vmem>>
      %parallel_loop3A_593 = tpu.memref_squeeze %parallel_loop3A_592 : memref<1x128x128xf32, #tpu.memory_space<vmem>> -> memref<128x128xf32, #tpu.memory_space<vmem>>
      tpu.vector_store_idx %parallel_loop3A_593[%parallel_loop3A_566, %add3A_11], %parallel_loop3A_589 : memref<128x128xf32, #tpu.memory_space<vmem>>[vector<16xi32>, vector<16xi32>], vector<16xf32>,
      %parallel_loop3A_594 = arith.constant 0 : i32
      %parallel_loop3A_595 = arith.constant 0 : i32
      %parallel_loop3A_596 = tpu.memref_slice %arg9[%parallel_loop3A_105, %parallel_loop3A_594, %parallel_loop3A_595] : memref<2x128x128xf32, #tpu.memory_space<vmem>> -> memref<1x128x128xf32, #tpu.memory_space<vmem>>
      %parallel_loop3A_597 = tpu.memref_squeeze %parallel_loop3A_596 : memref<1x128x128xf32, #tpu.memory_space<vmem>> -> memref<128x128xf32, #tpu.memory_space<vmem>>
      %parallel_loop3A_598 = tpu.vector_load_idx %parallel_loop3A_597[%add3A_14, %parallel_loop3A_566] : memref<128x128xf32, #tpu.memory_space<vmem>>[vector<16xi32>, vector<16xi32>], vector<16xf32>,
      %parallel_loop3A_599 = arith.constant 0 : i32
      %parallel_loop3A_600 = arith.constant 0 : i32
      %parallel_loop3A_601 = tpu.memref_slice %arg11[%parallel_loop3A_106, %parallel_loop3A_599, %parallel_loop3A_600] : memref<2x128x128xf32, #tpu.memory_space<vmem>> -> memref<1x128x128xf32, #tpu.memory_space<vmem>>
      %parallel_loop3A_602 = tpu.memref_squeeze %parallel_loop3A_601 : memref<1x128x128xf32, #tpu.memory_space<vmem>> -> memref<128x128xf32, #tpu.memory_space<vmem>>
      tpu.vector_store_idx %parallel_loop3A_602[%parallel_loop3A_566, %add3A_14], %parallel_loop3A_598 : memref<128x128xf32, #tpu.memory_space<vmem>>[vector<16xi32>, vector<16xi32>], vector<16xf32>,
      %parallel_loop3A_603 = arith.constant 0 : i32
      %parallel_loop3A_604 = arith.constant 0 : i32
      %parallel_loop3A_605 = tpu.memref_slice %arg9[%parallel_loop3A_105, %parallel_loop3A_603, %parallel_loop3A_604] : memref<2x128x128xf32, #tpu.memory_space<vmem>> -> memref<1x128x128xf32, #tpu.memory_space<vmem>>
      %parallel_loop3A_606 = tpu.memref_squeeze %parallel_loop3A_605 : memref<1x128x128xf32, #tpu.memory_space<vmem>> -> memref<128x128xf32, #tpu.memory_space<vmem>>
      %parallel_loop3A_607 = tpu.vector_load_idx %parallel_loop3A_606[%add3A_17, %parallel_loop3A_566] : memref<128x128xf32, #tpu.memory_space<vmem>>[vector<16xi32>, vector<16xi32>], vector<16xf32>,
      %parallel_loop3A_608 = arith.constant 0 : i32
      %parallel_loop3A_609 = arith.constant 0 : i32
      %parallel_loop3A_610 = tpu.memref_slice %arg11[%parallel_loop3A_106, %parallel_loop3A_608, %parallel_loop3A_609] : memref<2x128x128xf32, #tpu.memory_space<vmem>> -> memref<1x128x128xf32, #tpu.memory_space<vmem>>
      %parallel_loop3A_611 = tpu.memref_squeeze %parallel_loop3A_610 : memref<1x128x128xf32, #tpu.memory_space<vmem>> -> memref<128x128xf32, #tpu.memory_space<vmem>>
      tpu.vector_store_idx %parallel_loop3A_611[%parallel_loop3A_566, %add3A_17], %parallel_loop3A_607 : memref<128x128xf32, #tpu.memory_space<vmem>>[vector<16xi32>, vector<16xi32>], vector<16xf32>,
      %parallel_loop3A_612 = arith.constant 0 : i32
      %parallel_loop3A_613 = arith.constant 0 : i32
      %parallel_loop3A_614 = tpu.memref_slice %arg9[%parallel_loop3A_105, %parallel_loop3A_612, %parallel_loop3A_613] : memref<2x128x128xf32, #tpu.memory_space<vmem>> -> memref<1x128x128xf32, #tpu.memory_space<vmem>>
      %parallel_loop3A_615 = tpu.memref_squeeze %parallel_loop3A_614 : memref<1x128x128xf32, #tpu.memory_space<vmem>> -> memref<128x128xf32, #tpu.memory_space<vmem>>
      %parallel_loop3A_616 = tpu.vector_load_idx %parallel_loop3A_615[%add3A_20, %parallel_loop3A_566] : memref<128x128xf32, #tpu.memory_space<vmem>>[vector<16xi32>, vector<16xi32>], vector<16xf32>,
      %parallel_loop3A_617 = arith.constant 0 : i32
      %parallel_loop3A_618 = arith.constant 0 : i32
      %parallel_loop3A_619 = tpu.memref_slice %arg11[%parallel_loop3A_106, %parallel_loop3A_617, %parallel_loop3A_618] : memref<2x128x128xf32, #tpu.memory_space<vmem>> -> memref<1x128x128xf32, #tpu.memory_space<vmem>>
      %parallel_loop3A_620 = tpu.memref_squeeze %parallel_loop3A_619 : memref<1x128x128xf32, #tpu.memory_space<vmem>> -> memref<128x128xf32, #tpu.memory_space<vmem>>
      tpu.vector_store_idx %parallel_loop3A_620[%parallel_loop3A_566, %add3A_20], %parallel_loop3A_616 : memref<128x128xf32, #tpu.memory_space<vmem>>[vector<16xi32>, vector<16xi32>], vector<16xf32>,
      %parallel_loop3A_621 = arith.constant 0 : i32
      %parallel_loop3A_622 = arith.constant 0 : i32
      %parallel_loop3A_623 = tpu.memref_slice %arg9[%parallel_loop3A_105, %parallel_loop3A_621, %parallel_loop3A_622] : memref<2x128x128xf32, #tpu.memory_space<vmem>> -> memref<1x128x128xf32, #tpu.memory_space<vmem>>
      %parallel_loop3A_624 = tpu.memref_squeeze %parallel_loop3A_623 : memref<1x128x128xf32, #tpu.memory_space<vmem>> -> memref<128x128xf32, #tpu.memory_space<vmem>>
      %parallel_loop3A_625 = tpu.vector_load_idx %parallel_loop3A_624[%add3A_23, %parallel_loop3A_566] : memref<128x128xf32, #tpu.memory_space<vmem>>[vector<16xi32>, vector<16xi32>], vector<16xf32>,
      %parallel_loop3A_626 = arith.constant 0 : i32
      %parallel_loop3A_627 = arith.constant 0 : i32
      %parallel_loop3A_628 = tpu.memref_slice %arg11[%parallel_loop3A_106, %parallel_loop3A_626, %parallel_loop3A_627] : memref<2x128x128xf32, #tpu.memory_space<vmem>> -> memref<1x128x128xf32, #tpu.memory_space<vmem>>
      %parallel_loop3A_629 = tpu.memref_squeeze %parallel_loop3A_628 : memref<1x128x128xf32, #tpu.memory_space<vmem>> -> memref<128x128xf32, #tpu.memory_space<vmem>>
      tpu.vector_store_idx %parallel_loop3A_629[%parallel_loop3A_566, %add3A_23], %parallel_loop3A_625 : memref<128x128xf32, #tpu.memory_space<vmem>>[vector<16xi32>, vector<16xi32>], vector<16xf32>,
      %parallel_loop3A_630 = arith.constant 0 : i32
      %parallel_loop3A_631 = arith.constant 0 : i32
      %parallel_loop3A_632 = tpu.memref_slice %arg9[%parallel_loop3A_105, %parallel_loop3A_630, %parallel_loop3A_631] : memref<2x128x128xf32, #tpu.memory_space<vmem>> -> memref<1x128x128xf32, #tpu.memory_space<vmem>>
      %parallel_loop3A_633 = tpu.memref_squeeze %parallel_loop3A_632 : memref<1x128x128xf32, #tpu.memory_space<vmem>> -> memref<128x128xf32, #tpu.memory_space<vmem>>
      %parallel_loop3A_634 = tpu.vector_load_idx %parallel_loop3A_633[%add3A_26, %parallel_loop3A_566] : memref<128x128xf32, #tpu.memory_space<vmem>>[vector<16xi32>, vector<16xi32>], vector<16xf32>,
      %parallel_loop3A_635 = arith.constant 0 : i32
      %parallel_loop3A_636 = arith.constant 0 : i32
      %parallel_loop3A_637 = tpu.memref_slice %arg11[%parallel_loop3A_106, %parallel_loop3A_635, %parallel_loop3A_636] : memref<2x128x128xf32, #tpu.memory_space<vmem>> -> memref<1x128x128xf32, #tpu.memory_space<vmem>>
      %parallel_loop3A_638 = tpu.memref_squeeze %parallel_loop3A_637 : memref<1x128x128xf32, #tpu.memory_space<vmem>> -> memref<128x128xf32, #tpu.memory_space<vmem>>
      tpu.vector_store_idx %parallel_loop3A_638[%parallel_loop3A_566, %add3A_26], %parallel_loop3A_634 : memref<128x128xf32, #tpu.memory_space<vmem>>[vector<16xi32>, vector<16xi32>], vector<16xf32>,
    } {sc.loop_unroll_factor = 2 : i64, sc.parallel_access}
    %dma_start3A_107 = arith.constant 0 : i32
    %dma_start3A_108 = arith.constant 0 : i32
    %dma_start3A_109 = arith.constant 0 : i32
    %dma_start3A_110 = arith.constant 0 : i32
    %dma_start3A_111 = tpu.memref_slice %arg11[%dma_start3A_107, %dma_start3A_109, %dma_start3A_110] : memref<2x128x128xf32, #tpu.memory_space<vmem>> -> memref<1x128x128xf32, #tpu.memory_space<vmem>>
    %dma_start3A_112 = tpu.memref_squeeze %dma_start3A_111 : memref<1x128x128xf32, #tpu.memory_space<vmem>> -> memref<128x128xf32, #tpu.memory_space<vmem>>
    %dma_start3A_113 = arith.constant 0 : i32
    %dma_start3A_114 = tpu.memref_slice %arg6[%dma_start3A_108, %dma_start3A_113, %mul3A_2] : memref<50x192x4096xf32, #tpu.memory_space<hbm>> -> memref<1x128x128xf32, #tpu.memory_space<hbm>>
    %dma_start3A_115 = tpu.memref_squeeze %dma_start3A_114 : memref<1x128x128xf32, #tpu.memory_space<hbm>> -> memref<128x128xf32, #tpu.memory_space<hbm>>
    %dma_start3A_116 = arith.constant 0 : i32
    %dma_start3A_117 = tpu.memref_slice %arg6[%dma_start3A_108, %dma_start3A_116, %mul3A_2] : memref<50x192x4096xf32, #tpu.memory_space<hbm>> -> memref<1x128x128xf32, #tpu.memory_space<hbm>>
    %dma_start3A_118 = tpu.memref_squeeze %dma_start3A_117 : memref<1x128x128xf32, #tpu.memory_space<hbm>> -> memref<128x128xf32, #tpu.memory_space<hbm>>
    %dma_start3A_119 = arith.constant 0 : i32
    %dma_start3A_120 = arith.constant 0 : i32
    %dma_start3A_121 = tpu.memref_slice %arg11[%dma_start3A_107, %dma_start3A_119, %dma_start3A_120] : memref<2x128x128xf32, #tpu.memory_space<vmem>> -> memref<1x128x128xf32, #tpu.memory_space<vmem>>
    %dma_start3A_122 = tpu.memref_squeeze %dma_start3A_121 : memref<1x128x128xf32, #tpu.memory_space<vmem>> -> memref<128x128xf32, #tpu.memory_space<vmem>>
    tpu.enqueue_dma source(%dma_start3A_122 : memref<128x128xf32, #tpu.memory_space<vmem>>) target(%dma_start3A_118 : memref<128x128xf32, #tpu.memory_space<hbm>>) target_semaphore(%arg15 : memref<!tpu.dma_semaphore, #tpu.memory_space<semaphore_mem>>)
    %parallel_loop3A_123 = arith.constant 0 : i32
    %parallel_loop3A_124 = arith.constant 64 : i32
    %parallel_loop3A_125 = arith.constant 1 : i32
    %parallel_loop3A_126 = arith.constant 0 : i32
    %parallel_loop3A_127 = arith.constant 0 : i32
    scf.for %parallel_loop3A_557 = %parallel_loop3A_123 to %parallel_loop3A_124 step %parallel_loop3A_125  : i32 {
      %parallel_loop3A_558 = vector.broadcast %parallel_loop3A_557 : i32 to vector<16xi32>
      %parallel_loop3A_559 = arith.addi %iota3A, %parallel_loop3A_558 : vector<16xi32>
      %parallel_loop3A_560 = arith.constant 15 : i32
      %parallel_loop3A_561 = vector.broadcast %parallel_loop3A_560 : i32 to vector<16xi32>
      %parallel_loop3A_562 = arith.andi %parallel_loop3A_559, %parallel_loop3A_561 : vector<16xi32>
      %parallel_loop3A_563 = arith.constant -16 : i32
      %parallel_loop3A_564 = arith.andi %parallel_loop3A_557, %parallel_loop3A_563 : i32
      %parallel_loop3A_565 = vector.broadcast %parallel_loop3A_564 : i32 to vector<16xi32>
      %parallel_loop3A_566 = arith.addi %parallel_loop3A_562, %parallel_loop3A_565 : vector<16xi32>
      %parallel_loop3A_567 = arith.constant 0 : i32
      %parallel_loop3A_568 = arith.constant 0 : i32
      %parallel_loop3A_569 = tpu.memref_slice %arg10[%parallel_loop3A_126, %parallel_loop3A_567, %parallel_loop3A_568] : memref<2x128x128xf32, #tpu.memory_space<vmem>> -> memref<1x128x128xf32, #tpu.memory_space<vmem>>
      %parallel_loop3A_570 = tpu.memref_squeeze %parallel_loop3A_569 : memref<1x128x128xf32, #tpu.memory_space<vmem>> -> memref<128x128xf32, #tpu.memory_space<vmem>>
      %parallel_loop3A_571 = tpu.vector_load_idx %parallel_loop3A_570[%add3A_5, %parallel_loop3A_566] : memref<128x128xf32, #tpu.memory_space<vmem>>[vector<16xi32>, vector<16xi32>], vector<16xf32>,
      %parallel_loop3A_572 = arith.constant 0 : i32
      %parallel_loop3A_573 = arith.constant 0 : i32
      %parallel_loop3A_574 = tpu.memref_slice %arg12[%parallel_loop3A_127, %parallel_loop3A_572, %parallel_loop3A_573] : memref<2x64x128xf32, #tpu.memory_space<vmem>> -> memref<1x64x128xf32, #tpu.memory_space<vmem>>
      %parallel_loop3A_575 = tpu.memref_squeeze %parallel_loop3A_574 : memref<1x64x128xf32, #tpu.memory_space<vmem>> -> memref<64x128xf32, #tpu.memory_space<vmem>>
      tpu.vector_store_idx %parallel_loop3A_575[%parallel_loop3A_566, %add3A_5], %parallel_loop3A_571 : memref<64x128xf32, #tpu.memory_space<vmem>>[vector<16xi32>, vector<16xi32>], vector<16xf32>,
      %parallel_loop3A_576 = arith.constant 0 : i32
      %parallel_loop3A_577 = arith.constant 0 : i32
      %parallel_loop3A_578 = tpu.memref_slice %arg10[%parallel_loop3A_126, %parallel_loop3A_576, %parallel_loop3A_577] : memref<2x128x128xf32, #tpu.memory_space<vmem>> -> memref<1x128x128xf32, #tpu.memory_space<vmem>>
      %parallel_loop3A_579 = tpu.memref_squeeze %parallel_loop3A_578 : memref<1x128x128xf32, #tpu.memory_space<vmem>> -> memref<128x128xf32, #tpu.memory_space<vmem>>
      %parallel_loop3A_580 = tpu.vector_load_idx %parallel_loop3A_579[%add3A_8, %parallel_loop3A_566] : memref<128x128xf32, #tpu.memory_space<vmem>>[vector<16xi32>, vector<16xi32>], vector<16xf32>,
      %parallel_loop3A_581 = arith.constant 0 : i32
      %parallel_loop3A_582 = arith.constant 0 : i32
      %parallel_loop3A_583 = tpu.memref_slice %arg12[%parallel_loop3A_127, %parallel_loop3A_581, %parallel_loop3A_582] : memref<2x64x128xf32, #tpu.memory_space<vmem>> -> memref<1x64x128xf32, #tpu.memory_space<vmem>>
      %parallel_loop3A_584 = tpu.memref_squeeze %parallel_loop3A_583 : memref<1x64x128xf32, #tpu.memory_space<vmem>> -> memref<64x128xf32, #tpu.memory_space<vmem>>
      tpu.vector_store_idx %parallel_loop3A_584[%parallel_loop3A_566, %add3A_8], %parallel_loop3A_580 : memref<64x128xf32, #tpu.memory_space<vmem>>[vector<16xi32>, vector<16xi32>], vector<16xf32>,
      %parallel_loop3A_585 = arith.constant 0 : i32
      %parallel_loop3A_586 = arith.constant 0 : i32
      %parallel_loop3A_587 = tpu.memref_slice %arg10[%parallel_loop3A_126, %parallel_loop3A_585, %parallel_loop3A_586] : memref<2x128x128xf32, #tpu.memory_space<vmem>> -> memref<1x128x128xf32, #tpu.memory_space<vmem>>
      %parallel_loop3A_588 = tpu.memref_squeeze %parallel_loop3A_587 : memref<1x128x128xf32, #tpu.memory_space<vmem>> -> memref<128x128xf32, #tpu.memory_space<vmem>>
      %parallel_loop3A_589 = tpu.vector_load_idx %parallel_loop3A_588[%add3A_11, %parallel_loop3A_566] : memref<128x128xf32, #tpu.memory_space<vmem>>[vector<16xi32>, vector<16xi32>], vector<16xf32>,
      %parallel_loop3A_590 = arith.constant 0 : i32
      %parallel_loop3A_591 = arith.constant 0 : i32
      %parallel_loop3A_592 = tpu.memref_slice %arg12[%parallel_loop3A_127, %parallel_loop3A_590, %parallel_loop3A_591] : memref<2x64x128xf32, #tpu.memory_space<vmem>> -> memref<1x64x128xf32, #tpu.memory_space<vmem>>
      %parallel_loop3A_593 = tpu.memref_squeeze %parallel_loop3A_592 : memref<1x64x128xf32, #tpu.memory_space<vmem>> -> memref<64x128xf32, #tpu.memory_space<vmem>>
      tpu.vector_store_idx %parallel_loop3A_593[%parallel_loop3A_566, %add3A_11], %parallel_loop3A_589 : memref<64x128xf32, #tpu.memory_space<vmem>>[vector<16xi32>, vector<16xi32>], vector<16xf32>,
      %parallel_loop3A_594 = arith.constant 0 : i32
      %parallel_loop3A_595 = arith.constant 0 : i32
      %parallel_loop3A_596 = tpu.memref_slice %arg10[%parallel_loop3A_126, %parallel_loop3A_594, %parallel_loop3A_595] : memref<2x128x128xf32, #tpu.memory_space<vmem>> -> memref<1x128x128xf32, #tpu.memory_space<vmem>>
      %parallel_loop3A_597 = tpu.memref_squeeze %parallel_loop3A_596 : memref<1x128x128xf32, #tpu.memory_space<vmem>> -> memref<128x128xf32, #tpu.memory_space<vmem>>
      %parallel_loop3A_598 = tpu.vector_load_idx %parallel_loop3A_597[%add3A_14, %parallel_loop3A_566] : memref<128x128xf32, #tpu.memory_space<vmem>>[vector<16xi32>, vector<16xi32>], vector<16xf32>,
      %parallel_loop3A_599 = arith.constant 0 : i32
      %parallel_loop3A_600 = arith.constant 0 : i32
      %parallel_loop3A_601 = tpu.memref_slice %arg12[%parallel_loop3A_127, %parallel_loop3A_599, %parallel_loop3A_600] : memref<2x64x128xf32, #tpu.memory_space<vmem>> -> memref<1x64x128xf32, #tpu.memory_space<vmem>>
      %parallel_loop3A_602 = tpu.memref_squeeze %parallel_loop3A_601 : memref<1x64x128xf32, #tpu.memory_space<vmem>> -> memref<64x128xf32, #tpu.memory_space<vmem>>
      tpu.vector_store_idx %parallel_loop3A_602[%parallel_loop3A_566, %add3A_14], %parallel_loop3A_598 : memref<64x128xf32, #tpu.memory_space<vmem>>[vector<16xi32>, vector<16xi32>], vector<16xf32>,
      %parallel_loop3A_603 = arith.constant 0 : i32
      %parallel_loop3A_604 = arith.constant 0 : i32
      %parallel_loop3A_605 = tpu.memref_slice %arg10[%parallel_loop3A_126, %parallel_loop3A_603, %parallel_loop3A_604] : memref<2x128x128xf32, #tpu.memory_space<vmem>> -> memref<1x128x128xf32, #tpu.memory_space<vmem>>
      %parallel_loop3A_606 = tpu.memref_squeeze %parallel_loop3A_605 : memref<1x128x128xf32, #tpu.memory_space<vmem>> -> memref<128x128xf32, #tpu.memory_space<vmem>>
      %parallel_loop3A_607 = tpu.vector_load_idx %parallel_loop3A_606[%add3A_17, %parallel_loop3A_566] : memref<128x128xf32, #tpu.memory_space<vmem>>[vector<16xi32>, vector<16xi32>], vector<16xf32>,
      %parallel_loop3A_608 = arith.constant 0 : i32
      %parallel_loop3A_609 = arith.constant 0 : i32
      %parallel_loop3A_610 = tpu.memref_slice %arg12[%parallel_loop3A_127, %parallel_loop3A_608, %parallel_loop3A_609] : memref<2x64x128xf32, #tpu.memory_space<vmem>> -> memref<1x64x128xf32, #tpu.memory_space<vmem>>
      %parallel_loop3A_611 = tpu.memref_squeeze %parallel_loop3A_610 : memref<1x64x128xf32, #tpu.memory_space<vmem>> -> memref<64x128xf32, #tpu.memory_space<vmem>>
      tpu.vector_store_idx %parallel_loop3A_611[%parallel_loop3A_566, %add3A_17], %parallel_loop3A_607 : memref<64x128xf32, #tpu.memory_space<vmem>>[vector<16xi32>, vector<16xi32>], vector<16xf32>,
      %parallel_loop3A_612 = arith.constant 0 : i32
      %parallel_loop3A_613 = arith.constant 0 : i32
      %parallel_loop3A_614 = tpu.memref_slice %arg10[%parallel_loop3A_126, %parallel_loop3A_612, %parallel_loop3A_613] : memref<2x128x128xf32, #tpu.memory_space<vmem>> -> memref<1x128x128xf32, #tpu.memory_space<vmem>>
      %parallel_loop3A_615 = tpu.memref_squeeze %parallel_loop3A_614 : memref<1x128x128xf32, #tpu.memory_space<vmem>> -> memref<128x128xf32, #tpu.memory_space<vmem>>
      %parallel_loop3A_616 = tpu.vector_load_idx %parallel_loop3A_615[%add3A_20, %parallel_loop3A_566] : memref<128x128xf32, #tpu.memory_space<vmem>>[vector<16xi32>, vector<16xi32>], vector<16xf32>,
      %parallel_loop3A_617 = arith.constant 0 : i32
      %parallel_loop3A_618 = arith.constant 0 : i32
      %parallel_loop3A_619 = tpu.memref_slice %arg12[%parallel_loop3A_127, %parallel_loop3A_617, %parallel_loop3A_618] : memref<2x64x128xf32, #tpu.memory_space<vmem>> -> memref<1x64x128xf32, #tpu.memory_space<vmem>>
      %parallel_loop3A_620 = tpu.memref_squeeze %parallel_loop3A_619 : memref<1x64x128xf32, #tpu.memory_space<vmem>> -> memref<64x128xf32, #tpu.memory_space<vmem>>
      tpu.vector_store_idx %parallel_loop3A_620[%parallel_loop3A_566, %add3A_20], %parallel_loop3A_616 : memref<64x128xf32, #tpu.memory_space<vmem>>[vector<16xi32>, vector<16xi32>], vector<16xf32>,
      %parallel_loop3A_621 = arith.constant 0 : i32
      %parallel_loop3A_622 = arith.constant 0 : i32
      %parallel_loop3A_623 = tpu.memref_slice %arg10[%parallel_loop3A_126, %parallel_loop3A_621, %parallel_loop3A_622] : memref<2x128x128xf32, #tpu.memory_space<vmem>> -> memref<1x128x128xf32, #tpu.memory_space<vmem>>
      %parallel_loop3A_624 = tpu.memref_squeeze %parallel_loop3A_623 : memref<1x128x128xf32, #tpu.memory_space<vmem>> -> memref<128x128xf32, #tpu.memory_space<vmem>>
      %parallel_loop3A_625 = tpu.vector_load_idx %parallel_loop3A_624[%add3A_23, %parallel_loop3A_566] : memref<128x128xf32, #tpu.memory_space<vmem>>[vector<16xi32>, vector<16xi32>], vector<16xf32>,
      %parallel_loop3A_626 = arith.constant 0 : i32
      %parallel_loop3A_627 = arith.constant 0 : i32
      %parallel_loop3A_628 = tpu.memref_slice %arg12[%parallel_loop3A_127, %parallel_loop3A_626, %parallel_loop3A_627] : memref<2x64x128xf32, #tpu.memory_space<vmem>> -> memref<1x64x128xf32, #tpu.memory_space<vmem>>
      %parallel_loop3A_629 = tpu.memref_squeeze %parallel_loop3A_628 : memref<1x64x128xf32, #tpu.memory_space<vmem>> -> memref<64x128xf32, #tpu.memory_space<vmem>>
      tpu.vector_store_idx %parallel_loop3A_629[%parallel_loop3A_566, %add3A_23], %parallel_loop3A_625 : memref<64x128xf32, #tpu.memory_space<vmem>>[vector<16xi32>, vector<16xi32>], vector<16xf32>,
      %parallel_loop3A_630 = arith.constant 0 : i32
      %parallel_loop3A_631 = arith.constant 0 : i32
      %parallel_loop3A_632 = tpu.memref_slice %arg10[%parallel_loop3A_126, %parallel_loop3A_630, %parallel_loop3A_631] : memref<2x128x128xf32, #tpu.memory_space<vmem>> -> memref<1x128x128xf32, #tpu.memory_space<vmem>>
      %parallel_loop3A_633 = tpu.memref_squeeze %parallel_loop3A_632 : memref<1x128x128xf32, #tpu.memory_space<vmem>> -> memref<128x128xf32, #tpu.memory_space<vmem>>
      %parallel_loop3A_634 = tpu.vector_load_idx %parallel_loop3A_633[%add3A_26, %parallel_loop3A_566] : memref<128x128xf32, #tpu.memory_space<vmem>>[vector<16xi32>, vector<16xi32>], vector<16xf32>,
      %parallel_loop3A_635 = arith.constant 0 : i32
      %parallel_loop3A_636 = arith.constant 0 : i32
      %parallel_loop3A_637 = tpu.memref_slice %arg12[%parallel_loop3A_127, %parallel_loop3A_635, %parallel_loop3A_636] : memref<2x64x128xf32, #tpu.memory_space<vmem>> -> memref<1x64x128xf32, #tpu.memory_space<vmem>>
      %parallel_loop3A_638 = tpu.memref_squeeze %parallel_loop3A_637 : memref<1x64x128xf32, #tpu.memory_space<vmem>> -> memref<64x128xf32, #tpu.memory_space<vmem>>
      tpu.vector_store_idx %parallel_loop3A_638[%parallel_loop3A_566, %add3A_26], %parallel_loop3A_634 : memref<64x128xf32, #tpu.memory_space<vmem>>[vector<16xi32>, vector<16xi32>], vector<16xf32>,
    } {sc.loop_unroll_factor = 2 : i64, sc.parallel_access}
    %dma_start3A_128 = arith.constant 0 : i32
    %dma_start3A_129 = arith.constant 0 : i32
    %dma_start3A_130 = arith.constant 0 : i32
    %dma_start3A_131 = arith.constant 0 : i32
    %dma_start3A_132 = tpu.memref_slice %arg12[%dma_start3A_128, %dma_start3A_130, %dma_start3A_131] : memref<2x64x128xf32, #tpu.memory_space<vmem>> -> memref<1x64x128xf32, #tpu.memory_space<vmem>>
    %dma_start3A_133 = tpu.memref_squeeze %dma_start3A_132 : memref<1x64x128xf32, #tpu.memory_space<vmem>> -> memref<64x128xf32, #tpu.memory_space<vmem>>
    %dma_start3A_134 = arith.constant 128 : i32
    %dma_start3A_135 = tpu.memref_slice %arg6[%dma_start3A_129, %dma_start3A_134, %mul3A_2] : memref<50x192x4096xf32, #tpu.memory_space<hbm>> -> memref<1x64x128xf32, #tpu.memory_space<hbm>>
    %dma_start3A_136 = tpu.memref_squeeze %dma_start3A_135 : memref<1x64x128xf32, #tpu.memory_space<hbm>> -> memref<64x128xf32, #tpu.memory_space<hbm>>
    %dma_start3A_137 = arith.constant 128 : i32
    %dma_start3A_138 = tpu.memref_slice %arg6[%dma_start3A_129, %dma_start3A_137, %mul3A_2] : memref<50x192x4096xf32, #tpu.memory_space<hbm>> -> memref<1x64x128xf32, #tpu.memory_space<hbm>>
    %dma_start3A_139 = tpu.memref_squeeze %dma_start3A_138 : memref<1x64x128xf32, #tpu.memory_space<hbm>> -> memref<64x128xf32, #tpu.memory_space<hbm>>
    %dma_start3A_140 = arith.constant 0 : i32
    %dma_start3A_141 = arith.constant 0 : i32
    %dma_start3A_142 = tpu.memref_slice %arg12[%dma_start3A_128, %dma_start3A_140, %dma_start3A_141] : memref<2x64x128xf32, #tpu.memory_space<vmem>> -> memref<1x64x128xf32, #tpu.memory_space<vmem>>
    %dma_start3A_143 = tpu.memref_squeeze %dma_start3A_142 : memref<1x64x128xf32, #tpu.memory_space<vmem>> -> memref<64x128xf32, #tpu.memory_space<vmem>>
    tpu.enqueue_dma source(%dma_start3A_143 : memref<64x128xf32, #tpu.memory_space<vmem>>) target(%dma_start3A_139 : memref<64x128xf32, #tpu.memory_space<hbm>>) target_semaphore(%arg15 : memref<!tpu.dma_semaphore, #tpu.memory_space<semaphore_mem>>)
    %dma_start3A_144 = arith.constant 2 : i32
    %dma_start3A_145 = arith.constant 0 : i32
    %dma_start3A_146 = arith.constant 0 : i32
    %dma_start3A_147 = arith.constant 0 : i32
    %dma_start3A_148 = tpu.memref_slice %arg9[%dma_start3A_145, %dma_start3A_146, %dma_start3A_147] : memref<2x128x128xf32, #tpu.memory_space<vmem>> -> memref<1x128x128xf32, #tpu.memory_space<vmem>>
    %dma_start3A_149 = tpu.memref_squeeze %dma_start3A_148 : memref<1x128x128xf32, #tpu.memory_space<vmem>> -> memref<128x128xf32, #tpu.memory_space<vmem>>
    %dma_start3A_150 = arith.constant 0 : i32
    %dma_start3A_151 = tpu.memref_slice %arg7[%dma_start3A_144, %dma_start3A_150] : memref<50x128xi32, #tpu.memory_space<vmem>> -> memref<1x128xi32, #tpu.memory_space<vmem>>
    %dma_start3A_152 = tpu.memref_squeeze %dma_start3A_151 : memref<1x128xi32, #tpu.memory_space<vmem>> -> memref<128xi32, #tpu.memory_space<vmem>>
    %dma_start3A_153 = arith.constant 0 : i32
    %dma_start3A_154 = arith.constant 0 : i32
    %dma_start3A_155 = tpu.memref_slice %arg4[%dma_start3A_153, %dma_start3A_154] : memref<100000x128xf32, #tpu.memory_space<hbm>> -> memref<100000x128xf32, #tpu.memory_space<hbm>>
    tpu.enqueue_indirect_dma source(%dma_start3A_155 : memref<100000x128xf32, #tpu.memory_space<hbm>>) target(%dma_start3A_149 : memref<128x128xf32, #tpu.memory_space<vmem>>) offsets(%dma_start3A_152 : memref<128xi32, #tpu.memory_space<vmem>>) semaphore(%arg13 : memref<!tpu.dma_semaphore, #tpu.memory_space<semaphore_mem>>)
    %dma_start3A_156 = arith.constant 2 : i32
    %dma_start3A_157 = arith.constant 0 : i32
    %dma_start3A_158 = arith.constant 0 : i32
    %dma_start3A_159 = arith.constant 0 : i32
    %dma_start3A_160 = tpu.memref_slice %arg10[%dma_start3A_157, %dma_start3A_158, %dma_start3A_159] : memref<2x128x128xf32, #tpu.memory_space<vmem>> -> memref<1x128x128xf32, #tpu.memory_space<vmem>>
    %dma_start3A_161 = tpu.memref_squeeze %dma_start3A_160 : memref<1x128x128xf32, #tpu.memory_space<vmem>> -> memref<128x128xf32, #tpu.memory_space<vmem>>
    %dma_start3A_162 = arith.constant 0 : i32
    %dma_start3A_163 = tpu.memref_slice %arg8[%dma_start3A_156, %dma_start3A_162] : memref<50x128xi32, #tpu.memory_space<vmem>> -> memref<1x128xi32, #tpu.memory_space<vmem>>
    %dma_start3A_164 = tpu.memref_squeeze %dma_start3A_163 : memref<1x128xi32, #tpu.memory_space<vmem>> -> memref<128xi32, #tpu.memory_space<vmem>>
    %dma_start3A_165 = arith.constant 0 : i32
    %dma_start3A_166 = arith.constant 0 : i32
    %dma_start3A_167 = tpu.memref_slice %arg5[%dma_start3A_165, %dma_start3A_166] : memref<1000x128xf32, #tpu.memory_space<hbm>> -> memref<1000x128xf32, #tpu.memory_space<hbm>>
    tpu.enqueue_indirect_dma source(%dma_start3A_167 : memref<1000x128xf32, #tpu.memory_space<hbm>>) target(%dma_start3A_161 : memref<128x128xf32, #tpu.memory_space<vmem>>) offsets(%dma_start3A_164 : memref<128xi32, #tpu.memory_space<vmem>>) semaphore(%arg13 : memref<!tpu.dma_semaphore, #tpu.memory_space<semaphore_mem>>)
    %dma_wait3A_168 = arith.constant 1 : i32
    %dma_wait3A_169 = arith.constant 0 : i32
    %dma_wait3A_170 = arith.constant 0 : i32
    %dma_wait3A_171 = tpu.memref_slice %arg9[%dma_wait3A_168, %dma_wait3A_169, %dma_wait3A_170] : memref<2x128x128xf32, #tpu.memory_space<vmem>> -> memref<1x128x128xf32, #tpu.memory_space<vmem>>
    %dma_wait3A_172 = tpu.memref_squeeze %dma_wait3A_171 : memref<1x128x128xf32, #tpu.memory_space<vmem>> -> memref<128x128xf32, #tpu.memory_space<vmem>>
    %dma_wait3A_173 = arith.constant 0 : i32
    %dma_wait3A_174 = arith.constant 0 : i32
    %dma_wait3A_175 = tpu.memref_slice %arg4[%dma_wait3A_173, %dma_wait3A_174] : memref<100000x128xf32, #tpu.memory_space<hbm>> -> memref<128x128xf32, #tpu.memory_space<hbm>>
    %dma_wait3A_176 = arith.constant 0 : i32
    %dma_wait3A_177 = arith.constant 0 : i32
    %dma_wait3A_178 = tpu.memref_slice %arg9[%dma_wait3A_168, %dma_wait3A_176, %dma_wait3A_177] : memref<2x128x128xf32, #tpu.memory_space<vmem>> -> memref<1x128x128xf32, #tpu.memory_space<vmem>>
    %dma_wait3A_179 = tpu.memref_squeeze %dma_wait3A_178 : memref<1x128x128xf32, #tpu.memory_space<vmem>> -> memref<128x128xf32, #tpu.memory_space<vmem>>
    %dma_wait3A_180 = arith.constant 0 : i32
    %dma_wait3A_181 = arith.constant 0 : i32
    %dma_wait3A_182 = tpu.memref_slice %arg4[%dma_wait3A_180, %dma_wait3A_181] : memref<100000x128xf32, #tpu.memory_space<hbm>> -> memref<128x128xf32, #tpu.memory_space<hbm>>
    tpu.wait_dma2 semaphore(%arg14 : memref<!tpu.dma_semaphore, #tpu.memory_space<semaphore_mem>>) src(%dma_wait3A_182 : memref<128x128xf32, #tpu.memory_space<hbm>>) dst(%dma_wait3A_179 : memref<128x128xf32, #tpu.memory_space<vmem>>)
    %dma_wait3A_183 = arith.constant 1 : i32
    %dma_wait3A_184 = arith.constant 0 : i32
    %dma_wait3A_185 = arith.constant 0 : i32
    %dma_wait3A_186 = tpu.memref_slice %arg10[%dma_wait3A_183, %dma_wait3A_184, %dma_wait3A_185] : memref<2x128x128xf32, #tpu.memory_space<vmem>> -> memref<1x128x128xf32, #tpu.memory_space<vmem>>
    %dma_wait3A_187 = tpu.memref_squeeze %dma_wait3A_186 : memref<1x128x128xf32, #tpu.memory_space<vmem>> -> memref<128x128xf32, #tpu.memory_space<vmem>>
    %dma_wait3A_188 = arith.constant 0 : i32
    %dma_wait3A_189 = arith.constant 0 : i32
    %dma_wait3A_190 = tpu.memref_slice %arg5[%dma_wait3A_188, %dma_wait3A_189] : memref<1000x128xf32, #tpu.memory_space<hbm>> -> memref<128x128xf32, #tpu.memory_space<hbm>>
    %dma_wait3A_191 = arith.constant 0 : i32
    %dma_wait3A_192 = arith.constant 0 : i32
    %dma_wait3A_193 = tpu.memref_slice %arg10[%dma_wait3A_183, %dma_wait3A_191, %dma_wait3A_192] : memref<2x128x128xf32, #tpu.memory_space<vmem>> -> memref<1x128x128xf32, #tpu.memory_space<vmem>>
    %dma_wait3A_194 = tpu.memref_squeeze %dma_wait3A_193 : memref<1x128x128xf32, #tpu.memory_space<vmem>> -> memref<128x128xf32, #tpu.memory_space<vmem>>
    %dma_wait3A_195 = arith.constant 0 : i32
    %dma_wait3A_196 = arith.constant 0 : i32
    %dma_wait3A_197 = tpu.memref_slice %arg5[%dma_wait3A_195, %dma_wait3A_196] : memref<1000x128xf32, #tpu.memory_space<hbm>> -> memref<128x128xf32, #tpu.memory_space<hbm>>
    tpu.wait_dma2 semaphore(%arg14 : memref<!tpu.dma_semaphore, #tpu.memory_space<semaphore_mem>>) src(%dma_wait3A_197 : memref<128x128xf32, #tpu.memory_space<hbm>>) dst(%dma_wait3A_194 : memref<128x128xf32, #tpu.memory_space<vmem>>)
    %parallel_loop3A_198 = arith.constant 0 : i32
    %parallel_loop3A_199 = arith.constant 128 : i32
    %parallel_loop3A_200 = arith.constant 1 : i32
    %parallel_loop3A_201 = arith.constant 1 : i32
    %parallel_loop3A_202 = arith.constant 1 : i32
    scf.for %parallel_loop3A_557 = %parallel_loop3A_198 to %parallel_loop3A_199 step %parallel_loop3A_200  : i32 {
      %parallel_loop3A_558 = vector.broadcast %parallel_loop3A_557 : i32 to vector<16xi32>
      %parallel_loop3A_559 = arith.addi %iota3A, %parallel_loop3A_558 : vector<16xi32>
      %parallel_loop3A_560 = arith.constant 15 : i32
      %parallel_loop3A_561 = vector.broadcast %parallel_loop3A_560 : i32 to vector<16xi32>
      %parallel_loop3A_562 = arith.andi %parallel_loop3A_559, %parallel_loop3A_561 : vector<16xi32>
      %parallel_loop3A_563 = arith.constant -16 : i32
      %parallel_loop3A_564 = arith.andi %parallel_loop3A_557, %parallel_loop3A_563 : i32
      %parallel_loop3A_565 = vector.broadcast %parallel_loop3A_564 : i32 to vector<16xi32>
      %parallel_loop3A_566 = arith.addi %parallel_loop3A_562, %parallel_loop3A_565 : vector<16xi32>
      %parallel_loop3A_567 = arith.constant 0 : i32
      %parallel_loop3A_568 = arith.constant 0 : i32
      %parallel_loop3A_569 = tpu.memref_slice %arg9[%parallel_loop3A_201, %parallel_loop3A_567, %parallel_loop3A_568] : memref<2x128x128xf32, #tpu.memory_space<vmem>> -> memref<1x128x128xf32, #tpu.memory_space<vmem>>
      %parallel_loop3A_570 = tpu.memref_squeeze %parallel_loop3A_569 : memref<1x128x128xf32, #tpu.memory_space<vmem>> -> memref<128x128xf32, #tpu.memory_space<vmem>>
      %parallel_loop3A_571 = tpu.vector_load_idx %parallel_loop3A_570[%add3A_5, %parallel_loop3A_566] : memref<128x128xf32, #tpu.memory_space<vmem>>[vector<16xi32>, vector<16xi32>], vector<16xf32>,
      %parallel_loop3A_572 = arith.constant 0 : i32
      %parallel_loop3A_573 = arith.constant 0 : i32
      %parallel_loop3A_574 = tpu.memref_slice %arg11[%parallel_loop3A_202, %parallel_loop3A_572, %parallel_loop3A_573] : memref<2x128x128xf32, #tpu.memory_space<vmem>> -> memref<1x128x128xf32, #tpu.memory_space<vmem>>
      %parallel_loop3A_575 = tpu.memref_squeeze %parallel_loop3A_574 : memref<1x128x128xf32, #tpu.memory_space<vmem>> -> memref<128x128xf32, #tpu.memory_space<vmem>>
      tpu.vector_store_idx %parallel_loop3A_575[%parallel_loop3A_566, %add3A_5], %parallel_loop3A_571 : memref<128x128xf32, #tpu.memory_space<vmem>>[vector<16xi32>, vector<16xi32>], vector<16xf32>,
      %parallel_loop3A_576 = arith.constant 0 : i32
      %parallel_loop3A_577 = arith.constant 0 : i32
      %parallel_loop3A_578 = tpu.memref_slice %arg9[%parallel_loop3A_201, %parallel_loop3A_576, %parallel_loop3A_577] : memref<2x128x128xf32, #tpu.memory_space<vmem>> -> memref<1x128x128xf32, #tpu.memory_space<vmem>>
      %parallel_loop3A_579 = tpu.memref_squeeze %parallel_loop3A_578 : memref<1x128x128xf32, #tpu.memory_space<vmem>> -> memref<128x128xf32, #tpu.memory_space<vmem>>
      %parallel_loop3A_580 = tpu.vector_load_idx %parallel_loop3A_579[%add3A_8, %parallel_loop3A_566] : memref<128x128xf32, #tpu.memory_space<vmem>>[vector<16xi32>, vector<16xi32>], vector<16xf32>,
      %parallel_loop3A_581 = arith.constant 0 : i32
      %parallel_loop3A_582 = arith.constant 0 : i32
      %parallel_loop3A_583 = tpu.memref_slice %arg11[%parallel_loop3A_202, %parallel_loop3A_581, %parallel_loop3A_582] : memref<2x128x128xf32, #tpu.memory_space<vmem>> -> memref<1x128x128xf32, #tpu.memory_space<vmem>>
      %parallel_loop3A_584 = tpu.memref_squeeze %parallel_loop3A_583 : memref<1x128x128xf32, #tpu.memory_space<vmem>> -> memref<128x128xf32, #tpu.memory_space<vmem>>
      tpu.vector_store_idx %parallel_loop3A_584[%parallel_loop3A_566, %add3A_8], %parallel_loop3A_580 : memref<128x128xf32, #tpu.memory_space<vmem>>[vector<16xi32>, vector<16xi32>], vector<16xf32>,
      %parallel_loop3A_585 = arith.constant 0 : i32
      %parallel_loop3A_586 = arith.constant 0 : i32
      %parallel_loop3A_587 = tpu.memref_slice %arg9[%parallel_loop3A_201, %parallel_loop3A_585, %parallel_loop3A_586] : memref<2x128x128xf32, #tpu.memory_space<vmem>> -> memref<1x128x128xf32, #tpu.memory_space<vmem>>
      %parallel_loop3A_588 = tpu.memref_squeeze %parallel_loop3A_587 : memref<1x128x128xf32, #tpu.memory_space<vmem>> -> memref<128x128xf32, #tpu.memory_space<vmem>>
      %parallel_loop3A_589 = tpu.vector_load_idx %parallel_loop3A_588[%add3A_11, %parallel_loop3A_566] : memref<128x128xf32, #tpu.memory_space<vmem>>[vector<16xi32>, vector<16xi32>], vector<16xf32>,
      %parallel_loop3A_590 = arith.constant 0 : i32
      %parallel_loop3A_591 = arith.constant 0 : i32
      %parallel_loop3A_592 = tpu.memref_slice %arg11[%parallel_loop3A_202, %parallel_loop3A_590, %parallel_loop3A_591] : memref<2x128x128xf32, #tpu.memory_space<vmem>> -> memref<1x128x128xf32, #tpu.memory_space<vmem>>
      %parallel_loop3A_593 = tpu.memref_squeeze %parallel_loop3A_592 : memref<1x128x128xf32, #tpu.memory_space<vmem>> -> memref<128x128xf32, #tpu.memory_space<vmem>>
      tpu.vector_store_idx %parallel_loop3A_593[%parallel_loop3A_566, %add3A_11], %parallel_loop3A_589 : memref<128x128xf32, #tpu.memory_space<vmem>>[vector<16xi32>, vector<16xi32>], vector<16xf32>,
      %parallel_loop3A_594 = arith.constant 0 : i32
      %parallel_loop3A_595 = arith.constant 0 : i32
      %parallel_loop3A_596 = tpu.memref_slice %arg9[%parallel_loop3A_201, %parallel_loop3A_594, %parallel_loop3A_595] : memref<2x128x128xf32, #tpu.memory_space<vmem>> -> memref<1x128x128xf32, #tpu.memory_space<vmem>>
      %parallel_loop3A_597 = tpu.memref_squeeze %parallel_loop3A_596 : memref<1x128x128xf32, #tpu.memory_space<vmem>> -> memref<128x128xf32, #tpu.memory_space<vmem>>
      %parallel_loop3A_598 = tpu.vector_load_idx %parallel_loop3A_597[%add3A_14, %parallel_loop3A_566] : memref<128x128xf32, #tpu.memory_space<vmem>>[vector<16xi32>, vector<16xi32>], vector<16xf32>,
      %parallel_loop3A_599 = arith.constant 0 : i32
      %parallel_loop3A_600 = arith.constant 0 : i32
      %parallel_loop3A_601 = tpu.memref_slice %arg11[%parallel_loop3A_202, %parallel_loop3A_599, %parallel_loop3A_600] : memref<2x128x128xf32, #tpu.memory_space<vmem>> -> memref<1x128x128xf32, #tpu.memory_space<vmem>>
      %parallel_loop3A_602 = tpu.memref_squeeze %parallel_loop3A_601 : memref<1x128x128xf32, #tpu.memory_space<vmem>> -> memref<128x128xf32, #tpu.memory_space<vmem>>
      tpu.vector_store_idx %parallel_loop3A_602[%parallel_loop3A_566, %add3A_14], %parallel_loop3A_598 : memref<128x128xf32, #tpu.memory_space<vmem>>[vector<16xi32>, vector<16xi32>], vector<16xf32>,
      %parallel_loop3A_603 = arith.constant 0 : i32
      %parallel_loop3A_604 = arith.constant 0 : i32
      %parallel_loop3A_605 = tpu.memref_slice %arg9[%parallel_loop3A_201, %parallel_loop3A_603, %parallel_loop3A_604] : memref<2x128x128xf32, #tpu.memory_space<vmem>> -> memref<1x128x128xf32, #tpu.memory_space<vmem>>
      %parallel_loop3A_606 = tpu.memref_squeeze %parallel_loop3A_605 : memref<1x128x128xf32, #tpu.memory_space<vmem>> -> memref<128x128xf32, #tpu.memory_space<vmem>>
      %parallel_loop3A_607 = tpu.vector_load_idx %parallel_loop3A_606[%add3A_17, %parallel_loop3A_566] : memref<128x128xf32, #tpu.memory_space<vmem>>[vector<16xi32>, vector<16xi32>], vector<16xf32>,
      %parallel_loop3A_608 = arith.constant 0 : i32
      %parallel_loop3A_609 = arith.constant 0 : i32
      %parallel_loop3A_610 = tpu.memref_slice %arg11[%parallel_loop3A_202, %parallel_loop3A_608, %parallel_loop3A_609] : memref<2x128x128xf32, #tpu.memory_space<vmem>> -> memref<1x128x128xf32, #tpu.memory_space<vmem>>
      %parallel_loop3A_611 = tpu.memref_squeeze %parallel_loop3A_610 : memref<1x128x128xf32, #tpu.memory_space<vmem>> -> memref<128x128xf32, #tpu.memory_space<vmem>>
      tpu.vector_store_idx %parallel_loop3A_611[%parallel_loop3A_566, %add3A_17], %parallel_loop3A_607 : memref<128x128xf32, #tpu.memory_space<vmem>>[vector<16xi32>, vector<16xi32>], vector<16xf32>,
      %parallel_loop3A_612 = arith.constant 0 : i32
      %parallel_loop3A_613 = arith.constant 0 : i32
      %parallel_loop3A_614 = tpu.memref_slice %arg9[%parallel_loop3A_201, %parallel_loop3A_612, %parallel_loop3A_613] : memref<2x128x128xf32, #tpu.memory_space<vmem>> -> memref<1x128x128xf32, #tpu.memory_space<vmem>>
      %parallel_loop3A_615 = tpu.memref_squeeze %parallel_loop3A_614 : memref<1x128x128xf32, #tpu.memory_space<vmem>> -> memref<128x128xf32, #tpu.memory_space<vmem>>
      %parallel_loop3A_616 = tpu.vector_load_idx %parallel_loop3A_615[%add3A_20, %parallel_loop3A_566] : memref<128x128xf32, #tpu.memory_space<vmem>>[vector<16xi32>, vector<16xi32>], vector<16xf32>,
      %parallel_loop3A_617 = arith.constant 0 : i32
      %parallel_loop3A_618 = arith.constant 0 : i32
      %parallel_loop3A_619 = tpu.memref_slice %arg11[%parallel_loop3A_202, %parallel_loop3A_617, %parallel_loop3A_618] : memref<2x128x128xf32, #tpu.memory_space<vmem>> -> memref<1x128x128xf32, #tpu.memory_space<vmem>>
      %parallel_loop3A_620 = tpu.memref_squeeze %parallel_loop3A_619 : memref<1x128x128xf32, #tpu.memory_space<vmem>> -> memref<128x128xf32, #tpu.memory_space<vmem>>
      tpu.vector_store_idx %parallel_loop3A_620[%parallel_loop3A_566, %add3A_20], %parallel_loop3A_616 : memref<128x128xf32, #tpu.memory_space<vmem>>[vector<16xi32>, vector<16xi32>], vector<16xf32>,
      %parallel_loop3A_621 = arith.constant 0 : i32
      %parallel_loop3A_622 = arith.constant 0 : i32
      %parallel_loop3A_623 = tpu.memref_slice %arg9[%parallel_loop3A_201, %parallel_loop3A_621, %parallel_loop3A_622] : memref<2x128x128xf32, #tpu.memory_space<vmem>> -> memref<1x128x128xf32, #tpu.memory_space<vmem>>
      %parallel_loop3A_624 = tpu.memref_squeeze %parallel_loop3A_623 : memref<1x128x128xf32, #tpu.memory_space<vmem>> -> memref<128x128xf32, #tpu.memory_space<vmem>>
      %parallel_loop3A_625 = tpu.vector_load_idx %parallel_loop3A_624[%add3A_23, %parallel_loop3A_566] : memref<128x128xf32, #tpu.memory_space<vmem>>[vector<16xi32>, vector<16xi32>], vector<16xf32>,
      %parallel_loop3A_626 = arith.constant 0 : i32
      %parallel_loop3A_627 = arith.constant 0 : i32
      %parallel_loop3A_628 = tpu.memref_slice %arg11[%parallel_loop3A_202, %parallel_loop3A_626, %parallel_loop3A_627] : memref<2x128x128xf32, #tpu.memory_space<vmem>> -> memref<1x128x128xf32, #tpu.memory_space<vmem>>
      %parallel_loop3A_629 = tpu.memref_squeeze %parallel_loop3A_628 : memref<1x128x128xf32, #tpu.memory_space<vmem>> -> memref<128x128xf32, #tpu.memory_space<vmem>>
      tpu.vector_store_idx %parallel_loop3A_629[%parallel_loop3A_566, %add3A_23], %parallel_loop3A_625 : memref<128x128xf32, #tpu.memory_space<vmem>>[vector<16xi32>, vector<16xi32>], vector<16xf32>,
      %parallel_loop3A_630 = arith.constant 0 : i32
      %parallel_loop3A_631 = arith.constant 0 : i32
      %parallel_loop3A_632 = tpu.memref_slice %arg9[%parallel_loop3A_201, %parallel_loop3A_630, %parallel_loop3A_631] : memref<2x128x128xf32, #tpu.memory_space<vmem>> -> memref<1x128x128xf32, #tpu.memory_space<vmem>>
      %parallel_loop3A_633 = tpu.memref_squeeze %parallel_loop3A_632 : memref<1x128x128xf32, #tpu.memory_space<vmem>> -> memref<128x128xf32, #tpu.memory_space<vmem>>
      %parallel_loop3A_634 = tpu.vector_load_idx %parallel_loop3A_633[%add3A_26, %parallel_loop3A_566] : memref<128x128xf32, #tpu.memory_space<vmem>>[vector<16xi32>, vector<16xi32>], vector<16xf32>,
      %parallel_loop3A_635 = arith.constant 0 : i32
      %parallel_loop3A_636 = arith.constant 0 : i32
      %parallel_loop3A_637 = tpu.memref_slice %arg11[%parallel_loop3A_202, %parallel_loop3A_635, %parallel_loop3A_636] : memref<2x128x128xf32, #tpu.memory_space<vmem>> -> memref<1x128x128xf32, #tpu.memory_space<vmem>>
      %parallel_loop3A_638 = tpu.memref_squeeze %parallel_loop3A_637 : memref<1x128x128xf32, #tpu.memory_space<vmem>> -> memref<128x128xf32, #tpu.memory_space<vmem>>
      tpu.vector_store_idx %parallel_loop3A_638[%parallel_loop3A_566, %add3A_26], %parallel_loop3A_634 : memref<128x128xf32, #tpu.memory_space<vmem>>[vector<16xi32>, vector<16xi32>], vector<16xf32>,
    } {sc.loop_unroll_factor = 2 : i64, sc.parallel_access}
    %dma_start3A_203 = arith.constant 1 : i32
    %dma_start3A_204 = arith.constant 1 : i32
    %dma_start3A_205 = arith.constant 0 : i32
    %dma_start3A_206 = arith.constant 0 : i32
    %dma_start3A_207 = tpu.memref_slice %arg11[%dma_start3A_203, %dma_start3A_205, %dma_start3A_206] : memref<2x128x128xf32, #tpu.memory_space<vmem>> -> memref<1x128x128xf32, #tpu.memory_space<vmem>>
    %dma_start3A_208 = tpu.memref_squeeze %dma_start3A_207 : memref<1x128x128xf32, #tpu.memory_space<vmem>> -> memref<128x128xf32, #tpu.memory_space<vmem>>
    %dma_start3A_209 = arith.constant 0 : i32
    %dma_start3A_210 = tpu.memref_slice %arg6[%dma_start3A_204, %dma_start3A_209, %mul3A_2] : memref<50x192x4096xf32, #tpu.memory_space<hbm>> -> memref<1x128x128xf32, #tpu.memory_space<hbm>>
    %dma_start3A_211 = tpu.memref_squeeze %dma_start3A_210 : memref<1x128x128xf32, #tpu.memory_space<hbm>> -> memref<128x128xf32, #tpu.memory_space<hbm>>
    %dma_start3A_212 = arith.constant 0 : i32
    %dma_start3A_213 = tpu.memref_slice %arg6[%dma_start3A_204, %dma_start3A_212, %mul3A_2] : memref<50x192x4096xf32, #tpu.memory_space<hbm>> -> memref<1x128x128xf32, #tpu.memory_space<hbm>>
    %dma_start3A_214 = tpu.memref_squeeze %dma_start3A_213 : memref<1x128x128xf32, #tpu.memory_space<hbm>> -> memref<128x128xf32, #tpu.memory_space<hbm>>
    %dma_start3A_215 = arith.constant 0 : i32
    %dma_start3A_216 = arith.constant 0 : i32
    %dma_start3A_217 = tpu.memref_slice %arg11[%dma_start3A_203, %dma_start3A_215, %dma_start3A_216] : memref<2x128x128xf32, #tpu.memory_space<vmem>> -> memref<1x128x128xf32, #tpu.memory_space<vmem>>
    %dma_start3A_218 = tpu.memref_squeeze %dma_start3A_217 : memref<1x128x128xf32, #tpu.memory_space<vmem>> -> memref<128x128xf32, #tpu.memory_space<vmem>>
    tpu.enqueue_dma source(%dma_start3A_218 : memref<128x128xf32, #tpu.memory_space<vmem>>) target(%dma_start3A_214 : memref<128x128xf32, #tpu.memory_space<hbm>>) target_semaphore(%arg16 : memref<!tpu.dma_semaphore, #tpu.memory_space<semaphore_mem>>)
    %parallel_loop3A_219 = arith.constant 0 : i32
    %parallel_loop3A_220 = arith.constant 64 : i32
    %parallel_loop3A_221 = arith.constant 1 : i32
    %parallel_loop3A_222 = arith.constant 1 : i32
    %parallel_loop3A_223 = arith.constant 1 : i32
    scf.for %parallel_loop3A_557 = %parallel_loop3A_219 to %parallel_loop3A_220 step %parallel_loop3A_221  : i32 {
      %parallel_loop3A_558 = vector.broadcast %parallel_loop3A_557 : i32 to vector<16xi32>
      %parallel_loop3A_559 = arith.addi %iota3A, %parallel_loop3A_558 : vector<16xi32>
      %parallel_loop3A_560 = arith.constant 15 : i32
      %parallel_loop3A_561 = vector.broadcast %parallel_loop3A_560 : i32 to vector<16xi32>
      %parallel_loop3A_562 = arith.andi %parallel_loop3A_559, %parallel_loop3A_561 : vector<16xi32>
      %parallel_loop3A_563 = arith.constant -16 : i32
      %parallel_loop3A_564 = arith.andi %parallel_loop3A_557, %parallel_loop3A_563 : i32
      %parallel_loop3A_565 = vector.broadcast %parallel_loop3A_564 : i32 to vector<16xi32>
      %parallel_loop3A_566 = arith.addi %parallel_loop3A_562, %parallel_loop3A_565 : vector<16xi32>
      %parallel_loop3A_567 = arith.constant 0 : i32
      %parallel_loop3A_568 = arith.constant 0 : i32
      %parallel_loop3A_569 = tpu.memref_slice %arg10[%parallel_loop3A_222, %parallel_loop3A_567, %parallel_loop3A_568] : memref<2x128x128xf32, #tpu.memory_space<vmem>> -> memref<1x128x128xf32, #tpu.memory_space<vmem>>
      %parallel_loop3A_570 = tpu.memref_squeeze %parallel_loop3A_569 : memref<1x128x128xf32, #tpu.memory_space<vmem>> -> memref<128x128xf32, #tpu.memory_space<vmem>>
      %parallel_loop3A_571 = tpu.vector_load_idx %parallel_loop3A_570[%add3A_5, %parallel_loop3A_566] : memref<128x128xf32, #tpu.memory_space<vmem>>[vector<16xi32>, vector<16xi32>], vector<16xf32>,
      %parallel_loop3A_572 = arith.constant 0 : i32
      %parallel_loop3A_573 = arith.constant 0 : i32
      %parallel_loop3A_574 = tpu.memref_slice %arg12[%parallel_loop3A_223, %parallel_loop3A_572, %parallel_loop3A_573] : memref<2x64x128xf32, #tpu.memory_space<vmem>> -> memref<1x64x128xf32, #tpu.memory_space<vmem>>
      %parallel_loop3A_575 = tpu.memref_squeeze %parallel_loop3A_574 : memref<1x64x128xf32, #tpu.memory_space<vmem>> -> memref<64x128xf32, #tpu.memory_space<vmem>>
      tpu.vector_store_idx %parallel_loop3A_575[%parallel_loop3A_566, %add3A_5], %parallel_loop3A_571 : memref<64x128xf32, #tpu.memory_space<vmem>>[vector<16xi32>, vector<16xi32>], vector<16xf32>,
      %parallel_loop3A_576 = arith.constant 0 : i32
      %parallel_loop3A_577 = arith.constant 0 : i32
      %parallel_loop3A_578 = tpu.memref_slice %arg10[%parallel_loop3A_222, %parallel_loop3A_576, %parallel_loop3A_577] : memref<2x128x128xf32, #tpu.memory_space<vmem>> -> memref<1x128x128xf32, #tpu.memory_space<vmem>>
      %parallel_loop3A_579 = tpu.memref_squeeze %parallel_loop3A_578 : memref<1x128x128xf32, #tpu.memory_space<vmem>> -> memref<128x128xf32, #tpu.memory_space<vmem>>
      %parallel_loop3A_580 = tpu.vector_load_idx %parallel_loop3A_579[%add3A_8, %parallel_loop3A_566] : memref<128x128xf32, #tpu.memory_space<vmem>>[vector<16xi32>, vector<16xi32>], vector<16xf32>,
      %parallel_loop3A_581 = arith.constant 0 : i32
      %parallel_loop3A_582 = arith.constant 0 : i32
      %parallel_loop3A_583 = tpu.memref_slice %arg12[%parallel_loop3A_223, %parallel_loop3A_581, %parallel_loop3A_582] : memref<2x64x128xf32, #tpu.memory_space<vmem>> -> memref<1x64x128xf32, #tpu.memory_space<vmem>>
      %parallel_loop3A_584 = tpu.memref_squeeze %parallel_loop3A_583 : memref<1x64x128xf32, #tpu.memory_space<vmem>> -> memref<64x128xf32, #tpu.memory_space<vmem>>
      tpu.vector_store_idx %parallel_loop3A_584[%parallel_loop3A_566, %add3A_8], %parallel_loop3A_580 : memref<64x128xf32, #tpu.memory_space<vmem>>[vector<16xi32>, vector<16xi32>], vector<16xf32>,
      %parallel_loop3A_585 = arith.constant 0 : i32
      %parallel_loop3A_586 = arith.constant 0 : i32
      %parallel_loop3A_587 = tpu.memref_slice %arg10[%parallel_loop3A_222, %parallel_loop3A_585, %parallel_loop3A_586] : memref<2x128x128xf32, #tpu.memory_space<vmem>> -> memref<1x128x128xf32, #tpu.memory_space<vmem>>
      %parallel_loop3A_588 = tpu.memref_squeeze %parallel_loop3A_587 : memref<1x128x128xf32, #tpu.memory_space<vmem>> -> memref<128x128xf32, #tpu.memory_space<vmem>>
      %parallel_loop3A_589 = tpu.vector_load_idx %parallel_loop3A_588[%add3A_11, %parallel_loop3A_566] : memref<128x128xf32, #tpu.memory_space<vmem>>[vector<16xi32>, vector<16xi32>], vector<16xf32>,
      %parallel_loop3A_590 = arith.constant 0 : i32
      %parallel_loop3A_591 = arith.constant 0 : i32
      %parallel_loop3A_592 = tpu.memref_slice %arg12[%parallel_loop3A_223, %parallel_loop3A_590, %parallel_loop3A_591] : memref<2x64x128xf32, #tpu.memory_space<vmem>> -> memref<1x64x128xf32, #tpu.memory_space<vmem>>
      %parallel_loop3A_593 = tpu.memref_squeeze %parallel_loop3A_592 : memref<1x64x128xf32, #tpu.memory_space<vmem>> -> memref<64x128xf32, #tpu.memory_space<vmem>>
      tpu.vector_store_idx %parallel_loop3A_593[%parallel_loop3A_566, %add3A_11], %parallel_loop3A_589 : memref<64x128xf32, #tpu.memory_space<vmem>>[vector<16xi32>, vector<16xi32>], vector<16xf32>,
      %parallel_loop3A_594 = arith.constant 0 : i32
      %parallel_loop3A_595 = arith.constant 0 : i32
      %parallel_loop3A_596 = tpu.memref_slice %arg10[%parallel_loop3A_222, %parallel_loop3A_594, %parallel_loop3A_595] : memref<2x128x128xf32, #tpu.memory_space<vmem>> -> memref<1x128x128xf32, #tpu.memory_space<vmem>>
      %parallel_loop3A_597 = tpu.memref_squeeze %parallel_loop3A_596 : memref<1x128x128xf32, #tpu.memory_space<vmem>> -> memref<128x128xf32, #tpu.memory_space<vmem>>
      %parallel_loop3A_598 = tpu.vector_load_idx %parallel_loop3A_597[%add3A_14, %parallel_loop3A_566] : memref<128x128xf32, #tpu.memory_space<vmem>>[vector<16xi32>, vector<16xi32>], vector<16xf32>,
      %parallel_loop3A_599 = arith.constant 0 : i32
      %parallel_loop3A_600 = arith.constant 0 : i32
      %parallel_loop3A_601 = tpu.memref_slice %arg12[%parallel_loop3A_223, %parallel_loop3A_599, %parallel_loop3A_600] : memref<2x64x128xf32, #tpu.memory_space<vmem>> -> memref<1x64x128xf32, #tpu.memory_space<vmem>>
      %parallel_loop3A_602 = tpu.memref_squeeze %parallel_loop3A_601 : memref<1x64x128xf32, #tpu.memory_space<vmem>> -> memref<64x128xf32, #tpu.memory_space<vmem>>
      tpu.vector_store_idx %parallel_loop3A_602[%parallel_loop3A_566, %add3A_14], %parallel_loop3A_598 : memref<64x128xf32, #tpu.memory_space<vmem>>[vector<16xi32>, vector<16xi32>], vector<16xf32>,
      %parallel_loop3A_603 = arith.constant 0 : i32
      %parallel_loop3A_604 = arith.constant 0 : i32
      %parallel_loop3A_605 = tpu.memref_slice %arg10[%parallel_loop3A_222, %parallel_loop3A_603, %parallel_loop3A_604] : memref<2x128x128xf32, #tpu.memory_space<vmem>> -> memref<1x128x128xf32, #tpu.memory_space<vmem>>
      %parallel_loop3A_606 = tpu.memref_squeeze %parallel_loop3A_605 : memref<1x128x128xf32, #tpu.memory_space<vmem>> -> memref<128x128xf32, #tpu.memory_space<vmem>>
      %parallel_loop3A_607 = tpu.vector_load_idx %parallel_loop3A_606[%add3A_17, %parallel_loop3A_566] : memref<128x128xf32, #tpu.memory_space<vmem>>[vector<16xi32>, vector<16xi32>], vector<16xf32>,
      %parallel_loop3A_608 = arith.constant 0 : i32
      %parallel_loop3A_609 = arith.constant 0 : i32
      %parallel_loop3A_610 = tpu.memref_slice %arg12[%parallel_loop3A_223, %parallel_loop3A_608, %parallel_loop3A_609] : memref<2x64x128xf32, #tpu.memory_space<vmem>> -> memref<1x64x128xf32, #tpu.memory_space<vmem>>
      %parallel_loop3A_611 = tpu.memref_squeeze %parallel_loop3A_610 : memref<1x64x128xf32, #tpu.memory_space<vmem>> -> memref<64x128xf32, #tpu.memory_space<vmem>>
      tpu.vector_store_idx %parallel_loop3A_611[%parallel_loop3A_566, %add3A_17], %parallel_loop3A_607 : memref<64x128xf32, #tpu.memory_space<vmem>>[vector<16xi32>, vector<16xi32>], vector<16xf32>,
      %parallel_loop3A_612 = arith.constant 0 : i32
      %parallel_loop3A_613 = arith.constant 0 : i32
      %parallel_loop3A_614 = tpu.memref_slice %arg10[%parallel_loop3A_222, %parallel_loop3A_612, %parallel_loop3A_613] : memref<2x128x128xf32, #tpu.memory_space<vmem>> -> memref<1x128x128xf32, #tpu.memory_space<vmem>>
      %parallel_loop3A_615 = tpu.memref_squeeze %parallel_loop3A_614 : memref<1x128x128xf32, #tpu.memory_space<vmem>> -> memref<128x128xf32, #tpu.memory_space<vmem>>
      %parallel_loop3A_616 = tpu.vector_load_idx %parallel_loop3A_615[%add3A_20, %parallel_loop3A_566] : memref<128x128xf32, #tpu.memory_space<vmem>>[vector<16xi32>, vector<16xi32>], vector<16xf32>,
      %parallel_loop3A_617 = arith.constant 0 : i32
      %parallel_loop3A_618 = arith.constant 0 : i32
      %parallel_loop3A_619 = tpu.memref_slice %arg12[%parallel_loop3A_223, %parallel_loop3A_617, %parallel_loop3A_618] : memref<2x64x128xf32, #tpu.memory_space<vmem>> -> memref<1x64x128xf32, #tpu.memory_space<vmem>>
      %parallel_loop3A_620 = tpu.memref_squeeze %parallel_loop3A_619 : memref<1x64x128xf32, #tpu.memory_space<vmem>> -> memref<64x128xf32, #tpu.memory_space<vmem>>
      tpu.vector_store_idx %parallel_loop3A_620[%parallel_loop3A_566, %add3A_20], %parallel_loop3A_616 : memref<64x128xf32, #tpu.memory_space<vmem>>[vector<16xi32>, vector<16xi32>], vector<16xf32>,
      %parallel_loop3A_621 = arith.constant 0 : i32
      %parallel_loop3A_622 = arith.constant 0 : i32
      %parallel_loop3A_623 = tpu.memref_slice %arg10[%parallel_loop3A_222, %parallel_loop3A_621, %parallel_loop3A_622] : memref<2x128x128xf32, #tpu.memory_space<vmem>> -> memref<1x128x128xf32, #tpu.memory_space<vmem>>
      %parallel_loop3A_624 = tpu.memref_squeeze %parallel_loop3A_623 : memref<1x128x128xf32, #tpu.memory_space<vmem>> -> memref<128x128xf32, #tpu.memory_space<vmem>>
      %parallel_loop3A_625 = tpu.vector_load_idx %parallel_loop3A_624[%add3A_23, %parallel_loop3A_566] : memref<128x128xf32, #tpu.memory_space<vmem>>[vector<16xi32>, vector<16xi32>], vector<16xf32>,
      %parallel_loop3A_626 = arith.constant 0 : i32
      %parallel_loop3A_627 = arith.constant 0 : i32
      %parallel_loop3A_628 = tpu.memref_slice %arg12[%parallel_loop3A_223, %parallel_loop3A_626, %parallel_loop3A_627] : memref<2x64x128xf32, #tpu.memory_space<vmem>> -> memref<1x64x128xf32, #tpu.memory_space<vmem>>
      %parallel_loop3A_629 = tpu.memref_squeeze %parallel_loop3A_628 : memref<1x64x128xf32, #tpu.memory_space<vmem>> -> memref<64x128xf32, #tpu.memory_space<vmem>>
      tpu.vector_store_idx %parallel_loop3A_629[%parallel_loop3A_566, %add3A_23], %parallel_loop3A_625 : memref<64x128xf32, #tpu.memory_space<vmem>>[vector<16xi32>, vector<16xi32>], vector<16xf32>,
      %parallel_loop3A_630 = arith.constant 0 : i32
      %parallel_loop3A_631 = arith.constant 0 : i32
      %parallel_loop3A_632 = tpu.memref_slice %arg10[%parallel_loop3A_222, %parallel_loop3A_630, %parallel_loop3A_631] : memref<2x128x128xf32, #tpu.memory_space<vmem>> -> memref<1x128x128xf32, #tpu.memory_space<vmem>>
      %parallel_loop3A_633 = tpu.memref_squeeze %parallel_loop3A_632 : memref<1x128x128xf32, #tpu.memory_space<vmem>> -> memref<128x128xf32, #tpu.memory_space<vmem>>
      %parallel_loop3A_634 = tpu.vector_load_idx %parallel_loop3A_633[%add3A_26, %parallel_loop3A_566] : memref<128x128xf32, #tpu.memory_space<vmem>>[vector<16xi32>, vector<16xi32>], vector<16xf32>,
      %parallel_loop3A_635 = arith.constant 0 : i32
      %parallel_loop3A_636 = arith.constant 0 : i32
      %parallel_loop3A_637 = tpu.memref_slice %arg12[%parallel_loop3A_223, %parallel_loop3A_635, %parallel_loop3A_636] : memref<2x64x128xf32, #tpu.memory_space<vmem>> -> memref<1x64x128xf32, #tpu.memory_space<vmem>>
      %parallel_loop3A_638 = tpu.memref_squeeze %parallel_loop3A_637 : memref<1x64x128xf32, #tpu.memory_space<vmem>> -> memref<64x128xf32, #tpu.memory_space<vmem>>
      tpu.vector_store_idx %parallel_loop3A_638[%parallel_loop3A_566, %add3A_26], %parallel_loop3A_634 : memref<64x128xf32, #tpu.memory_space<vmem>>[vector<16xi32>, vector<16xi32>], vector<16xf32>,
    } {sc.loop_unroll_factor = 2 : i64, sc.parallel_access}
    %dma_start3A_224 = arith.constant 1 : i32
    %dma_start3A_225 = arith.constant 1 : i32
    %dma_start3A_226 = arith.constant 0 : i32
    %dma_start3A_227 = arith.constant 0 : i32
    %dma_start3A_228 = tpu.memref_slice %arg12[%dma_start3A_224, %dma_start3A_226, %dma_start3A_227] : memref<2x64x128xf32, #tpu.memory_space<vmem>> -> memref<1x64x128xf32, #tpu.memory_space<vmem>>
    %dma_start3A_229 = tpu.memref_squeeze %dma_start3A_228 : memref<1x64x128xf32, #tpu.memory_space<vmem>> -> memref<64x128xf32, #tpu.memory_space<vmem>>
    %dma_start3A_230 = arith.constant 128 : i32
    %dma_start3A_231 = tpu.memref_slice %arg6[%dma_start3A_225, %dma_start3A_230, %mul3A_2] : memref<50x192x4096xf32, #tpu.memory_space<hbm>> -> memref<1x64x128xf32, #tpu.memory_space<hbm>>
    %dma_start3A_232 = tpu.memref_squeeze %dma_start3A_231 : memref<1x64x128xf32, #tpu.memory_space<hbm>> -> memref<64x128xf32, #tpu.memory_space<hbm>>
    %dma_start3A_233 = arith.constant 128 : i32
    %dma_start3A_234 = tpu.memref_slice %arg6[%dma_start3A_225, %dma_start3A_233, %mul3A_2] : memref<50x192x4096xf32, #tpu.memory_space<hbm>> -> memref<1x64x128xf32, #tpu.memory_space<hbm>>
    %dma_start3A_235 = tpu.memref_squeeze %dma_start3A_234 : memref<1x64x128xf32, #tpu.memory_space<hbm>> -> memref<64x128xf32, #tpu.memory_space<hbm>>
    %dma_start3A_236 = arith.constant 0 : i32
    %dma_start3A_237 = arith.constant 0 : i32
    %dma_start3A_238 = tpu.memref_slice %arg12[%dma_start3A_224, %dma_start3A_236, %dma_start3A_237] : memref<2x64x128xf32, #tpu.memory_space<vmem>> -> memref<1x64x128xf32, #tpu.memory_space<vmem>>
    %dma_start3A_239 = tpu.memref_squeeze %dma_start3A_238 : memref<1x64x128xf32, #tpu.memory_space<vmem>> -> memref<64x128xf32, #tpu.memory_space<vmem>>
    tpu.enqueue_dma source(%dma_start3A_239 : memref<64x128xf32, #tpu.memory_space<vmem>>) target(%dma_start3A_235 : memref<64x128xf32, #tpu.memory_space<hbm>>) target_semaphore(%arg16 : memref<!tpu.dma_semaphore, #tpu.memory_space<semaphore_mem>>)
    %scan3A = arith.constant 0 : i32
    %scan3A_240 = arith.constant 1 : i32
    %scan3A_241 = arith.constant 23 : i32
    %scan3A_242 = arith.addi %scan3A_240, %scan3A_241 : i32
    %scan3A_243 = arith.constant 1 : i32
    scf.for %scan3A_557 = %scan3A_240 to %scan3A_242 step %scan3A_243  : i32 {
      %mul3A_558 = arith.constant 2 : i32
      %mul3A_559 = arith.muli %mul3A_558, %scan3A_557 : i32
      %add3A_560 = arith.constant 1 : i32
      %add3A_561 = arith.addi %mul3A_559, %add3A_560 : i32
      %dma_start3A_562 = arith.constant 1 : i32
      %dma_start3A_563 = arith.constant 0 : i32
      %dma_start3A_564 = arith.constant 0 : i32
      %dma_start3A_565 = tpu.memref_slice %arg9[%dma_start3A_562, %dma_start3A_563, %dma_start3A_564] : memref<2x128x128xf32, #tpu.memory_space<vmem>> -> memref<1x128x128xf32, #tpu.memory_space<vmem>>
      %dma_start3A_566 = tpu.memref_squeeze %dma_start3A_565 : memref<1x128x128xf32, #tpu.memory_space<vmem>> -> memref<128x128xf32, #tpu.memory_space<vmem>>
      %dma_start3A_567 = arith.constant 0 : i32
      %dma_start3A_568 = tpu.memref_slice %arg7[%add3A_561, %dma_start3A_567] : memref<50x128xi32, #tpu.memory_space<vmem>> -> memref<1x128xi32, #tpu.memory_space<vmem>>
      %dma_start3A_569 = tpu.memref_squeeze %dma_start3A_568 : memref<1x128xi32, #tpu.memory_space<vmem>> -> memref<128xi32, #tpu.memory_space<vmem>>
      %dma_start3A_570 = arith.constant 0 : i32
      %dma_start3A_571 = arith.constant 0 : i32
      %dma_start3A_572 = tpu.memref_slice %arg4[%dma_start3A_570, %dma_start3A_571] : memref<100000x128xf32, #tpu.memory_space<hbm>> -> memref<100000x128xf32, #tpu.memory_space<hbm>>
      tpu.enqueue_indirect_dma source(%dma_start3A_572 : memref<100000x128xf32, #tpu.memory_space<hbm>>) target(%dma_start3A_566 : memref<128x128xf32, #tpu.memory_space<vmem>>) offsets(%dma_start3A_569 : memref<128xi32, #tpu.memory_space<vmem>>) semaphore(%arg14 : memref<!tpu.dma_semaphore, #tpu.memory_space<semaphore_mem>>)
      %dma_start3A_573 = arith.constant 1 : i32
      %dma_start3A_574 = arith.constant 0 : i32
      %dma_start3A_575 = arith.constant 0 : i32
      %dma_start3A_576 = tpu.memref_slice %arg10[%dma_start3A_573, %dma_start3A_574, %dma_start3A_575] : memref<2x128x128xf32, #tpu.memory_space<vmem>> -> memref<1x128x128xf32, #tpu.memory_space<vmem>>
      %dma_start3A_577 = tpu.memref_squeeze %dma_start3A_576 : memref<1x128x128xf32, #tpu.memory_space<vmem>> -> memref<128x128xf32, #tpu.memory_space<vmem>>
      %dma_start3A_578 = arith.constant 0 : i32
      %dma_start3A_579 = tpu.memref_slice %arg8[%add3A_561, %dma_start3A_578] : memref<50x128xi32, #tpu.memory_space<vmem>> -> memref<1x128xi32, #tpu.memory_space<vmem>>
      %dma_start3A_580 = tpu.memref_squeeze %dma_start3A_579 : memref<1x128xi32, #tpu.memory_space<vmem>> -> memref<128xi32, #tpu.memory_space<vmem>>
      %dma_start3A_581 = arith.constant 0 : i32
      %dma_start3A_582 = arith.constant 0 : i32
      %dma_start3A_583 = tpu.memref_slice %arg5[%dma_start3A_581, %dma_start3A_582] : memref<1000x128xf32, #tpu.memory_space<hbm>> -> memref<1000x128xf32, #tpu.memory_space<hbm>>
      tpu.enqueue_indirect_dma source(%dma_start3A_583 : memref<1000x128xf32, #tpu.memory_space<hbm>>) target(%dma_start3A_577 : memref<128x128xf32, #tpu.memory_space<vmem>>) offsets(%dma_start3A_580 : memref<128xi32, #tpu.memory_space<vmem>>) semaphore(%arg14 : memref<!tpu.dma_semaphore, #tpu.memory_space<semaphore_mem>>)
      %dma_wait3A_584 = arith.constant 0 : i32
      %dma_wait3A_585 = arith.constant 0 : i32
      %dma_wait3A_586 = arith.constant 0 : i32
      %dma_wait3A_587 = tpu.memref_slice %arg9[%dma_wait3A_584, %dma_wait3A_585, %dma_wait3A_586] : memref<2x128x128xf32, #tpu.memory_space<vmem>> -> memref<1x128x128xf32, #tpu.memory_space<vmem>>
      %dma_wait3A_588 = tpu.memref_squeeze %dma_wait3A_587 : memref<1x128x128xf32, #tpu.memory_space<vmem>> -> memref<128x128xf32, #tpu.memory_space<vmem>>
      %dma_wait3A_589 = arith.constant 0 : i32
      %dma_wait3A_590 = arith.constant 0 : i32
      %dma_wait3A_591 = tpu.memref_slice %arg4[%dma_wait3A_589, %dma_wait3A_590] : memref<100000x128xf32, #tpu.memory_space<hbm>> -> memref<128x128xf32, #tpu.memory_space<hbm>>
      %dma_wait3A_592 = arith.constant 0 : i32
      %dma_wait3A_593 = arith.constant 0 : i32
      %dma_wait3A_594 = tpu.memref_slice %arg9[%dma_wait3A_584, %dma_wait3A_592, %dma_wait3A_593] : memref<2x128x128xf32, #tpu.memory_space<vmem>> -> memref<1x128x128xf32, #tpu.memory_space<vmem>>
      %dma_wait3A_595 = tpu.memref_squeeze %dma_wait3A_594 : memref<1x128x128xf32, #tpu.memory_space<vmem>> -> memref<128x128xf32, #tpu.memory_space<vmem>>
      %dma_wait3A_596 = arith.constant 0 : i32
      %dma_wait3A_597 = arith.constant 0 : i32
      %dma_wait3A_598 = tpu.memref_slice %arg4[%dma_wait3A_596, %dma_wait3A_597] : memref<100000x128xf32, #tpu.memory_space<hbm>> -> memref<128x128xf32, #tpu.memory_space<hbm>>
      tpu.wait_dma2 semaphore(%arg13 : memref<!tpu.dma_semaphore, #tpu.memory_space<semaphore_mem>>) src(%dma_wait3A_598 : memref<128x128xf32, #tpu.memory_space<hbm>>) dst(%dma_wait3A_595 : memref<128x128xf32, #tpu.memory_space<vmem>>)
      %dma_wait3A_599 = arith.constant 0 : i32
      %dma_wait3A_600 = arith.constant 0 : i32
      %dma_wait3A_601 = arith.constant 0 : i32
      %dma_wait3A_602 = tpu.memref_slice %arg10[%dma_wait3A_599, %dma_wait3A_600, %dma_wait3A_601] : memref<2x128x128xf32, #tpu.memory_space<vmem>> -> memref<1x128x128xf32, #tpu.memory_space<vmem>>
      %dma_wait3A_603 = tpu.memref_squeeze %dma_wait3A_602 : memref<1x128x128xf32, #tpu.memory_space<vmem>> -> memref<128x128xf32, #tpu.memory_space<vmem>>
      %dma_wait3A_604 = arith.constant 0 : i32
      %dma_wait3A_605 = arith.constant 0 : i32
      %dma_wait3A_606 = tpu.memref_slice %arg5[%dma_wait3A_604, %dma_wait3A_605] : memref<1000x128xf32, #tpu.memory_space<hbm>> -> memref<128x128xf32, #tpu.memory_space<hbm>>
      %dma_wait3A_607 = arith.constant 0 : i32
      %dma_wait3A_608 = arith.constant 0 : i32
      %dma_wait3A_609 = tpu.memref_slice %arg10[%dma_wait3A_599, %dma_wait3A_607, %dma_wait3A_608] : memref<2x128x128xf32, #tpu.memory_space<vmem>> -> memref<1x128x128xf32, #tpu.memory_space<vmem>>
      %dma_wait3A_610 = tpu.memref_squeeze %dma_wait3A_609 : memref<1x128x128xf32, #tpu.memory_space<vmem>> -> memref<128x128xf32, #tpu.memory_space<vmem>>
      %dma_wait3A_611 = arith.constant 0 : i32
      %dma_wait3A_612 = arith.constant 0 : i32
      %dma_wait3A_613 = tpu.memref_slice %arg5[%dma_wait3A_611, %dma_wait3A_612] : memref<1000x128xf32, #tpu.memory_space<hbm>> -> memref<128x128xf32, #tpu.memory_space<hbm>>
      tpu.wait_dma2 semaphore(%arg13 : memref<!tpu.dma_semaphore, #tpu.memory_space<semaphore_mem>>) src(%dma_wait3A_613 : memref<128x128xf32, #tpu.memory_space<hbm>>) dst(%dma_wait3A_610 : memref<128x128xf32, #tpu.memory_space<vmem>>)
      %dma_wait3A_614 = arith.constant 0 : i32
      %dma_wait3A_615 = arith.constant 0 : i32
      %dma_wait3A_616 = arith.constant 0 : i32
      %dma_wait3A_617 = arith.constant 0 : i32
      %dma_wait3A_618 = tpu.memref_slice %arg11[%dma_wait3A_614, %dma_wait3A_616, %dma_wait3A_617] : memref<2x128x128xf32, #tpu.memory_space<vmem>> -> memref<1x128x128xf32, #tpu.memory_space<vmem>>
      %dma_wait3A_619 = tpu.memref_squeeze %dma_wait3A_618 : memref<1x128x128xf32, #tpu.memory_space<vmem>> -> memref<128x128xf32, #tpu.memory_space<vmem>>
      %dma_wait3A_620 = arith.constant 0 : i32
      %dma_wait3A_621 = arith.constant 0 : i32
      %dma_wait3A_622 = tpu.memref_slice %arg6[%dma_wait3A_615, %dma_wait3A_620, %dma_wait3A_621] : memref<50x192x4096xf32, #tpu.memory_space<hbm>> -> memref<1x128x128xf32, #tpu.memory_space<hbm>>
      %dma_wait3A_623 = tpu.memref_squeeze %dma_wait3A_622 : memref<1x128x128xf32, #tpu.memory_space<hbm>> -> memref<128x128xf32, #tpu.memory_space<hbm>>
      %dma_wait3A_624 = arith.constant 0 : i32
      %dma_wait3A_625 = arith.constant 0 : i32
      %dma_wait3A_626 = tpu.memref_slice %arg6[%dma_wait3A_615, %dma_wait3A_624, %dma_wait3A_625] : memref<50x192x4096xf32, #tpu.memory_space<hbm>> -> memref<1x128x128xf32, #tpu.memory_space<hbm>>
      %dma_wait3A_627 = tpu.memref_squeeze %dma_wait3A_626 : memref<1x128x128xf32, #tpu.memory_space<hbm>> -> memref<128x128xf32, #tpu.memory_space<hbm>>
      %dma_wait3A_628 = arith.constant 0 : i32
      %dma_wait3A_629 = arith.constant 0 : i32
      %dma_wait3A_630 = tpu.memref_slice %arg11[%dma_wait3A_614, %dma_wait3A_628, %dma_wait3A_629] : memref<2x128x128xf32, #tpu.memory_space<vmem>> -> memref<1x128x128xf32, #tpu.memory_space<vmem>>
      %dma_wait3A_631 = tpu.memref_squeeze %dma_wait3A_630 : memref<1x128x128xf32, #tpu.memory_space<vmem>> -> memref<128x128xf32, #tpu.memory_space<vmem>>
      tpu.wait_dma2 semaphore(%arg15 : memref<!tpu.dma_semaphore, #tpu.memory_space<semaphore_mem>>) src(%dma_wait3A_631 : memref<128x128xf32, #tpu.memory_space<vmem>>) dst(%dma_wait3A_627 : memref<128x128xf32, #tpu.memory_space<hbm>>)
      %dma_wait3A_632 = arith.constant 0 : i32
      %dma_wait3A_633 = arith.constant 0 : i32
      %dma_wait3A_634 = arith.constant 0 : i32
      %dma_wait3A_635 = arith.constant 0 : i32
      %dma_wait3A_636 = tpu.memref_slice %arg12[%dma_wait3A_632, %dma_wait3A_634, %dma_wait3A_635] : memref<2x64x128xf32, #tpu.memory_space<vmem>> -> memref<1x64x128xf32, #tpu.memory_space<vmem>>
      %dma_wait3A_637 = tpu.memref_squeeze %dma_wait3A_636 : memref<1x64x128xf32, #tpu.memory_space<vmem>> -> memref<64x128xf32, #tpu.memory_space<vmem>>
      %dma_wait3A_638 = arith.constant 128 : i32
      %dma_wait3A_639 = arith.constant 0 : i32
      %dma_wait3A_640 = tpu.memref_slice %arg6[%dma_wait3A_633, %dma_wait3A_638, %dma_wait3A_639] : memref<50x192x4096xf32, #tpu.memory_space<hbm>> -> memref<1x64x128xf32, #tpu.memory_space<hbm>>
      %dma_wait3A_641 = tpu.memref_squeeze %dma_wait3A_640 : memref<1x64x128xf32, #tpu.memory_space<hbm>> -> memref<64x128xf32, #tpu.memory_space<hbm>>
      %dma_wait3A_642 = arith.constant 128 : i32
      %dma_wait3A_643 = arith.constant 0 : i32
      %dma_wait3A_644 = tpu.memref_slice %arg6[%dma_wait3A_633, %dma_wait3A_642, %dma_wait3A_643] : memref<50x192x4096xf32, #tpu.memory_space<hbm>> -> memref<1x64x128xf32, #tpu.memory_space<hbm>>
      %dma_wait3A_645 = tpu.memref_squeeze %dma_wait3A_644 : memref<1x64x128xf32, #tpu.memory_space<hbm>> -> memref<64x128xf32, #tpu.memory_space<hbm>>
      %dma_wait3A_646 = arith.constant 0 : i32
      %dma_wait3A_647 = arith.constant 0 : i32
      %dma_wait3A_648 = tpu.memref_slice %arg12[%dma_wait3A_632, %dma_wait3A_646, %dma_wait3A_647] : memref<2x64x128xf32, #tpu.memory_space<vmem>> -> memref<1x64x128xf32, #tpu.memory_space<vmem>>
      %dma_wait3A_649 = tpu.memref_squeeze %dma_wait3A_648 : memref<1x64x128xf32, #tpu.memory_space<vmem>> -> memref<64x128xf32, #tpu.memory_space<vmem>>
      tpu.wait_dma2 semaphore(%arg15 : memref<!tpu.dma_semaphore, #tpu.memory_space<semaphore_mem>>) src(%dma_wait3A_649 : memref<64x128xf32, #tpu.memory_space<vmem>>) dst(%dma_wait3A_645 : memref<64x128xf32, #tpu.memory_space<hbm>>)
      %parallel_loop3A_650 = arith.constant 0 : i32
      %parallel_loop3A_651 = arith.constant 128 : i32
      %parallel_loop3A_652 = arith.constant 1 : i32
      %parallel_loop3A_653 = arith.constant 0 : i32
      %parallel_loop3A_654 = arith.constant 0 : i32
      scf.for %parallel_loop3A_822 = %parallel_loop3A_650 to %parallel_loop3A_651 step %parallel_loop3A_652  : i32 {
        %parallel_loop3A_823 = vector.broadcast %parallel_loop3A_822 : i32 to vector<16xi32>
        %parallel_loop3A_824 = arith.addi %iota3A, %parallel_loop3A_823 : vector<16xi32>
        %parallel_loop3A_825 = arith.constant 15 : i32
        %parallel_loop3A_826 = vector.broadcast %parallel_loop3A_825 : i32 to vector<16xi32>
        %parallel_loop3A_827 = arith.andi %parallel_loop3A_824, %parallel_loop3A_826 : vector<16xi32>
        %parallel_loop3A_828 = arith.constant -16 : i32
        %parallel_loop3A_829 = arith.andi %parallel_loop3A_822, %parallel_loop3A_828 : i32
        %parallel_loop3A_830 = vector.broadcast %parallel_loop3A_829 : i32 to vector<16xi32>
        %parallel_loop3A_831 = arith.addi %parallel_loop3A_827, %parallel_loop3A_830 : vector<16xi32>
        %parallel_loop3A_832 = arith.constant 0 : i32
        %parallel_loop3A_833 = arith.constant 0 : i32
        %parallel_loop3A_834 = tpu.memref_slice %arg9[%parallel_loop3A_653, %parallel_loop3A_832, %parallel_loop3A_833] : memref<2x128x128xf32, #tpu.memory_space<vmem>> -> memref<1x128x128xf32, #tpu.memory_space<vmem>>
        %parallel_loop3A_835 = tpu.memref_squeeze %parallel_loop3A_834 : memref<1x128x128xf32, #tpu.memory_space<vmem>> -> memref<128x128xf32, #tpu.memory_space<vmem>>
        %parallel_loop3A_836 = tpu.vector_load_idx %parallel_loop3A_835[%add3A_5, %parallel_loop3A_831] : memref<128x128xf32, #tpu.memory_space<vmem>>[vector<16xi32>, vector<16xi32>], vector<16xf32>,
        %parallel_loop3A_837 = arith.constant 0 : i32
        %parallel_loop3A_838 = arith.constant 0 : i32
        %parallel_loop3A_839 = tpu.memref_slice %arg11[%parallel_loop3A_654, %parallel_loop3A_837, %parallel_loop3A_838] : memref<2x128x128xf32, #tpu.memory_space<vmem>> -> memref<1x128x128xf32, #tpu.memory_space<vmem>>
        %parallel_loop3A_840 = tpu.memref_squeeze %parallel_loop3A_839 : memref<1x128x128xf32, #tpu.memory_space<vmem>> -> memref<128x128xf32, #tpu.memory_space<vmem>>
        tpu.vector_store_idx %parallel_loop3A_840[%parallel_loop3A_831, %add3A_5], %parallel_loop3A_836 : memref<128x128xf32, #tpu.memory_space<vmem>>[vector<16xi32>, vector<16xi32>], vector<16xf32>,
        %parallel_loop3A_841 = arith.constant 0 : i32
        %parallel_loop3A_842 = arith.constant 0 : i32
        %parallel_loop3A_843 = tpu.memref_slice %arg9[%parallel_loop3A_653, %parallel_loop3A_841, %parallel_loop3A_842] : memref<2x128x128xf32, #tpu.memory_space<vmem>> -> memref<1x128x128xf32, #tpu.memory_space<vmem>>
        %parallel_loop3A_844 = tpu.memref_squeeze %parallel_loop3A_843 : memref<1x128x128xf32, #tpu.memory_space<vmem>> -> memref<128x128xf32, #tpu.memory_space<vmem>>
        %parallel_loop3A_845 = tpu.vector_load_idx %parallel_loop3A_844[%add3A_8, %parallel_loop3A_831] : memref<128x128xf32, #tpu.memory_space<vmem>>[vector<16xi32>, vector<16xi32>], vector<16xf32>,
        %parallel_loop3A_846 = arith.constant 0 : i32
        %parallel_loop3A_847 = arith.constant 0 : i32
        %parallel_loop3A_848 = tpu.memref_slice %arg11[%parallel_loop3A_654, %parallel_loop3A_846, %parallel_loop3A_847] : memref<2x128x128xf32, #tpu.memory_space<vmem>> -> memref<1x128x128xf32, #tpu.memory_space<vmem>>
        %parallel_loop3A_849 = tpu.memref_squeeze %parallel_loop3A_848 : memref<1x128x128xf32, #tpu.memory_space<vmem>> -> memref<128x128xf32, #tpu.memory_space<vmem>>
        tpu.vector_store_idx %parallel_loop3A_849[%parallel_loop3A_831, %add3A_8], %parallel_loop3A_845 : memref<128x128xf32, #tpu.memory_space<vmem>>[vector<16xi32>, vector<16xi32>], vector<16xf32>,
        %parallel_loop3A_850 = arith.constant 0 : i32
        %parallel_loop3A_851 = arith.constant 0 : i32
        %parallel_loop3A_852 = tpu.memref_slice %arg9[%parallel_loop3A_653, %parallel_loop3A_850, %parallel_loop3A_851] : memref<2x128x128xf32, #tpu.memory_space<vmem>> -> memref<1x128x128xf32, #tpu.memory_space<vmem>>
        %parallel_loop3A_853 = tpu.memref_squeeze %parallel_loop3A_852 : memref<1x128x128xf32, #tpu.memory_space<vmem>> -> memref<128x128xf32, #tpu.memory_space<vmem>>
        %parallel_loop3A_854 = tpu.vector_load_idx %parallel_loop3A_853[%add3A_11, %parallel_loop3A_831] : memref<128x128xf32, #tpu.memory_space<vmem>>[vector<16xi32>, vector<16xi32>], vector<16xf32>,
        %parallel_loop3A_855 = arith.constant 0 : i32
        %parallel_loop3A_856 = arith.constant 0 : i32
        %parallel_loop3A_857 = tpu.memref_slice %arg11[%parallel_loop3A_654, %parallel_loop3A_855, %parallel_loop3A_856] : memref<2x128x128xf32, #tpu.memory_space<vmem>> -> memref<1x128x128xf32, #tpu.memory_space<vmem>>
        %parallel_loop3A_858 = tpu.memref_squeeze %parallel_loop3A_857 : memref<1x128x128xf32, #tpu.memory_space<vmem>> -> memref<128x128xf32, #tpu.memory_space<vmem>>
        tpu.vector_store_idx %parallel_loop3A_858[%parallel_loop3A_831, %add3A_11], %parallel_loop3A_854 : memref<128x128xf32, #tpu.memory_space<vmem>>[vector<16xi32>, vector<16xi32>], vector<16xf32>,
        %parallel_loop3A_859 = arith.constant 0 : i32
        %parallel_loop3A_860 = arith.constant 0 : i32
        %parallel_loop3A_861 = tpu.memref_slice %arg9[%parallel_loop3A_653, %parallel_loop3A_859, %parallel_loop3A_860] : memref<2x128x128xf32, #tpu.memory_space<vmem>> -> memref<1x128x128xf32, #tpu.memory_space<vmem>>
        %parallel_loop3A_862 = tpu.memref_squeeze %parallel_loop3A_861 : memref<1x128x128xf32, #tpu.memory_space<vmem>> -> memref<128x128xf32, #tpu.memory_space<vmem>>
        %parallel_loop3A_863 = tpu.vector_load_idx %parallel_loop3A_862[%add3A_14, %parallel_loop3A_831] : memref<128x128xf32, #tpu.memory_space<vmem>>[vector<16xi32>, vector<16xi32>], vector<16xf32>,
        %parallel_loop3A_864 = arith.constant 0 : i32
        %parallel_loop3A_865 = arith.constant 0 : i32
        %parallel_loop3A_866 = tpu.memref_slice %arg11[%parallel_loop3A_654, %parallel_loop3A_864, %parallel_loop3A_865] : memref<2x128x128xf32, #tpu.memory_space<vmem>> -> memref<1x128x128xf32, #tpu.memory_space<vmem>>
        %parallel_loop3A_867 = tpu.memref_squeeze %parallel_loop3A_866 : memref<1x128x128xf32, #tpu.memory_space<vmem>> -> memref<128x128xf32, #tpu.memory_space<vmem>>
        tpu.vector_store_idx %parallel_loop3A_867[%parallel_loop3A_831, %add3A_14], %parallel_loop3A_863 : memref<128x128xf32, #tpu.memory_space<vmem>>[vector<16xi32>, vector<16xi32>], vector<16xf32>,
        %parallel_loop3A_868 = arith.constant 0 : i32
        %parallel_loop3A_869 = arith.constant 0 : i32
        %parallel_loop3A_870 = tpu.memref_slice %arg9[%parallel_loop3A_653, %parallel_loop3A_868, %parallel_loop3A_869] : memref<2x128x128xf32, #tpu.memory_space<vmem>> -> memref<1x128x128xf32, #tpu.memory_space<vmem>>
        %parallel_loop3A_871 = tpu.memref_squeeze %parallel_loop3A_870 : memref<1x128x128xf32, #tpu.memory_space<vmem>> -> memref<128x128xf32, #tpu.memory_space<vmem>>
        %parallel_loop3A_872 = tpu.vector_load_idx %parallel_loop3A_871[%add3A_17, %parallel_loop3A_831] : memref<128x128xf32, #tpu.memory_space<vmem>>[vector<16xi32>, vector<16xi32>], vector<16xf32>,
        %parallel_loop3A_873 = arith.constant 0 : i32
        %parallel_loop3A_874 = arith.constant 0 : i32
        %parallel_loop3A_875 = tpu.memref_slice %arg11[%parallel_loop3A_654, %parallel_loop3A_873, %parallel_loop3A_874] : memref<2x128x128xf32, #tpu.memory_space<vmem>> -> memref<1x128x128xf32, #tpu.memory_space<vmem>>
        %parallel_loop3A_876 = tpu.memref_squeeze %parallel_loop3A_875 : memref<1x128x128xf32, #tpu.memory_space<vmem>> -> memref<128x128xf32, #tpu.memory_space<vmem>>
        tpu.vector_store_idx %parallel_loop3A_876[%parallel_loop3A_831, %add3A_17], %parallel_loop3A_872 : memref<128x128xf32, #tpu.memory_space<vmem>>[vector<16xi32>, vector<16xi32>], vector<16xf32>,
        %parallel_loop3A_877 = arith.constant 0 : i32
        %parallel_loop3A_878 = arith.constant 0 : i32
        %parallel_loop3A_879 = tpu.memref_slice %arg9[%parallel_loop3A_653, %parallel_loop3A_877, %parallel_loop3A_878] : memref<2x128x128xf32, #tpu.memory_space<vmem>> -> memref<1x128x128xf32, #tpu.memory_space<vmem>>
        %parallel_loop3A_880 = tpu.memref_squeeze %parallel_loop3A_879 : memref<1x128x128xf32, #tpu.memory_space<vmem>> -> memref<128x128xf32, #tpu.memory_space<vmem>>
        %parallel_loop3A_881 = tpu.vector_load_idx %parallel_loop3A_880[%add3A_20, %parallel_loop3A_831] : memref<128x128xf32, #tpu.memory_space<vmem>>[vector<16xi32>, vector<16xi32>], vector<16xf32>,
        %parallel_loop3A_882 = arith.constant 0 : i32
        %parallel_loop3A_883 = arith.constant 0 : i32
        %parallel_loop3A_884 = tpu.memref_slice %arg11[%parallel_loop3A_654, %parallel_loop3A_882, %parallel_loop3A_883] : memref<2x128x128xf32, #tpu.memory_space<vmem>> -> memref<1x128x128xf32, #tpu.memory_space<vmem>>
        %parallel_loop3A_885 = tpu.memref_squeeze %parallel_loop3A_884 : memref<1x128x128xf32, #tpu.memory_space<vmem>> -> memref<128x128xf32, #tpu.memory_space<vmem>>
        tpu.vector_store_idx %parallel_loop3A_885[%parallel_loop3A_831, %add3A_20], %parallel_loop3A_881 : memref<128x128xf32, #tpu.memory_space<vmem>>[vector<16xi32>, vector<16xi32>], vector<16xf32>,
        %parallel_loop3A_886 = arith.constant 0 : i32
        %parallel_loop3A_887 = arith.constant 0 : i32
        %parallel_loop3A_888 = tpu.memref_slice %arg9[%parallel_loop3A_653, %parallel_loop3A_886, %parallel_loop3A_887] : memref<2x128x128xf32, #tpu.memory_space<vmem>> -> memref<1x128x128xf32, #tpu.memory_space<vmem>>
        %parallel_loop3A_889 = tpu.memref_squeeze %parallel_loop3A_888 : memref<1x128x128xf32, #tpu.memory_space<vmem>> -> memref<128x128xf32, #tpu.memory_space<vmem>>
        %parallel_loop3A_890 = tpu.vector_load_idx %parallel_loop3A_889[%add3A_23, %parallel_loop3A_831] : memref<128x128xf32, #tpu.memory_space<vmem>>[vector<16xi32>, vector<16xi32>], vector<16xf32>,
        %parallel_loop3A_891 = arith.constant 0 : i32
        %parallel_loop3A_892 = arith.constant 0 : i32
        %parallel_loop3A_893 = tpu.memref_slice %arg11[%parallel_loop3A_654, %parallel_loop3A_891, %parallel_loop3A_892] : memref<2x128x128xf32, #tpu.memory_space<vmem>> -> memref<1x128x128xf32, #tpu.memory_space<vmem>>
        %parallel_loop3A_894 = tpu.memref_squeeze %parallel_loop3A_893 : memref<1x128x128xf32, #tpu.memory_space<vmem>> -> memref<128x128xf32, #tpu.memory_space<vmem>>
        tpu.vector_store_idx %parallel_loop3A_894[%parallel_loop3A_831, %add3A_23], %parallel_loop3A_890 : memref<128x128xf32, #tpu.memory_space<vmem>>[vector<16xi32>, vector<16xi32>], vector<16xf32>,
        %parallel_loop3A_895 = arith.constant 0 : i32
        %parallel_loop3A_896 = arith.constant 0 : i32
        %parallel_loop3A_897 = tpu.memref_slice %arg9[%parallel_loop3A_653, %parallel_loop3A_895, %parallel_loop3A_896] : memref<2x128x128xf32, #tpu.memory_space<vmem>> -> memref<1x128x128xf32, #tpu.memory_space<vmem>>
        %parallel_loop3A_898 = tpu.memref_squeeze %parallel_loop3A_897 : memref<1x128x128xf32, #tpu.memory_space<vmem>> -> memref<128x128xf32, #tpu.memory_space<vmem>>
        %parallel_loop3A_899 = tpu.vector_load_idx %parallel_loop3A_898[%add3A_26, %parallel_loop3A_831] : memref<128x128xf32, #tpu.memory_space<vmem>>[vector<16xi32>, vector<16xi32>], vector<16xf32>,
        %parallel_loop3A_900 = arith.constant 0 : i32
        %parallel_loop3A_901 = arith.constant 0 : i32
        %parallel_loop3A_902 = tpu.memref_slice %arg11[%parallel_loop3A_654, %parallel_loop3A_900, %parallel_loop3A_901] : memref<2x128x128xf32, #tpu.memory_space<vmem>> -> memref<1x128x128xf32, #tpu.memory_space<vmem>>
        %parallel_loop3A_903 = tpu.memref_squeeze %parallel_loop3A_902 : memref<1x128x128xf32, #tpu.memory_space<vmem>> -> memref<128x128xf32, #tpu.memory_space<vmem>>
        tpu.vector_store_idx %parallel_loop3A_903[%parallel_loop3A_831, %add3A_26], %parallel_loop3A_899 : memref<128x128xf32, #tpu.memory_space<vmem>>[vector<16xi32>, vector<16xi32>], vector<16xf32>,
      } {sc.loop_unroll_factor = 2 : i64, sc.parallel_access}
      %dma_start3A_655 = arith.constant 0 : i32
      %dma_start3A_656 = arith.constant 0 : i32
      %dma_start3A_657 = arith.constant 0 : i32
      %dma_start3A_658 = tpu.memref_slice %arg11[%dma_start3A_655, %dma_start3A_656, %dma_start3A_657] : memref<2x128x128xf32, #tpu.memory_space<vmem>> -> memref<1x128x128xf32, #tpu.memory_space<vmem>>
      %dma_start3A_659 = tpu.memref_squeeze %dma_start3A_658 : memref<1x128x128xf32, #tpu.memory_space<vmem>> -> memref<128x128xf32, #tpu.memory_space<vmem>>
      %dma_start3A_660 = arith.constant 0 : i32
      %dma_start3A_661 = tpu.memref_slice %arg6[%mul3A_559, %dma_start3A_660, %mul3A_2] : memref<50x192x4096xf32, #tpu.memory_space<hbm>> -> memref<1x128x128xf32, #tpu.memory_space<hbm>>
      %dma_start3A_662 = tpu.memref_squeeze %dma_start3A_661 : memref<1x128x128xf32, #tpu.memory_space<hbm>> -> memref<128x128xf32, #tpu.memory_space<hbm>>
      %dma_start3A_663 = arith.constant 0 : i32
      %dma_start3A_664 = tpu.memref_slice %arg6[%mul3A_559, %dma_start3A_663, %mul3A_2] : memref<50x192x4096xf32, #tpu.memory_space<hbm>> -> memref<1x128x128xf32, #tpu.memory_space<hbm>>
      %dma_start3A_665 = tpu.memref_squeeze %dma_start3A_664 : memref<1x128x128xf32, #tpu.memory_space<hbm>> -> memref<128x128xf32, #tpu.memory_space<hbm>>
      %dma_start3A_666 = arith.constant 0 : i32
      %dma_start3A_667 = arith.constant 0 : i32
      %dma_start3A_668 = tpu.memref_slice %arg11[%dma_start3A_655, %dma_start3A_666, %dma_start3A_667] : memref<2x128x128xf32, #tpu.memory_space<vmem>> -> memref<1x128x128xf32, #tpu.memory_space<vmem>>
      %dma_start3A_669 = tpu.memref_squeeze %dma_start3A_668 : memref<1x128x128xf32, #tpu.memory_space<vmem>> -> memref<128x128xf32, #tpu.memory_space<vmem>>
      tpu.enqueue_dma source(%dma_start3A_669 : memref<128x128xf32, #tpu.memory_space<vmem>>) target(%dma_start3A_665 : memref<128x128xf32, #tpu.memory_space<hbm>>) target_semaphore(%arg15 : memref<!tpu.dma_semaphore, #tpu.memory_space<semaphore_mem>>)
      %parallel_loop3A_670 = arith.constant 0 : i32
      %parallel_loop3A_671 = arith.constant 64 : i32
      %parallel_loop3A_672 = arith.constant 1 : i32
      %parallel_loop3A_673 = arith.constant 0 : i32
      %parallel_loop3A_674 = arith.constant 0 : i32
      scf.for %parallel_loop3A_822 = %parallel_loop3A_670 to %parallel_loop3A_671 step %parallel_loop3A_672  : i32 {
        %parallel_loop3A_823 = vector.broadcast %parallel_loop3A_822 : i32 to vector<16xi32>
        %parallel_loop3A_824 = arith.addi %iota3A, %parallel_loop3A_823 : vector<16xi32>
        %parallel_loop3A_825 = arith.constant 15 : i32
        %parallel_loop3A_826 = vector.broadcast %parallel_loop3A_825 : i32 to vector<16xi32>
        %parallel_loop3A_827 = arith.andi %parallel_loop3A_824, %parallel_loop3A_826 : vector<16xi32>
        %parallel_loop3A_828 = arith.constant -16 : i32
        %parallel_loop3A_829 = arith.andi %parallel_loop3A_822, %parallel_loop3A_828 : i32
        %parallel_loop3A_830 = vector.broadcast %parallel_loop3A_829 : i32 to vector<16xi32>
        %parallel_loop3A_831 = arith.addi %parallel_loop3A_827, %parallel_loop3A_830 : vector<16xi32>
        %parallel_loop3A_832 = arith.constant 0 : i32
        %parallel_loop3A_833 = arith.constant 0 : i32
        %parallel_loop3A_834 = tpu.memref_slice %arg10[%parallel_loop3A_673, %parallel_loop3A_832, %parallel_loop3A_833] : memref<2x128x128xf32, #tpu.memory_space<vmem>> -> memref<1x128x128xf32, #tpu.memory_space<vmem>>
        %parallel_loop3A_835 = tpu.memref_squeeze %parallel_loop3A_834 : memref<1x128x128xf32, #tpu.memory_space<vmem>> -> memref<128x128xf32, #tpu.memory_space<vmem>>
        %parallel_loop3A_836 = tpu.vector_load_idx %parallel_loop3A_835[%add3A_5, %parallel_loop3A_831] : memref<128x128xf32, #tpu.memory_space<vmem>>[vector<16xi32>, vector<16xi32>], vector<16xf32>,
        %parallel_loop3A_837 = arith.constant 0 : i32
        %parallel_loop3A_838 = arith.constant 0 : i32
        %parallel_loop3A_839 = tpu.memref_slice %arg12[%parallel_loop3A_674, %parallel_loop3A_837, %parallel_loop3A_838] : memref<2x64x128xf32, #tpu.memory_space<vmem>> -> memref<1x64x128xf32, #tpu.memory_space<vmem>>
        %parallel_loop3A_840 = tpu.memref_squeeze %parallel_loop3A_839 : memref<1x64x128xf32, #tpu.memory_space<vmem>> -> memref<64x128xf32, #tpu.memory_space<vmem>>
        tpu.vector_store_idx %parallel_loop3A_840[%parallel_loop3A_831, %add3A_5], %parallel_loop3A_836 : memref<64x128xf32, #tpu.memory_space<vmem>>[vector<16xi32>, vector<16xi32>], vector<16xf32>,
        %parallel_loop3A_841 = arith.constant 0 : i32
        %parallel_loop3A_842 = arith.constant 0 : i32
        %parallel_loop3A_843 = tpu.memref_slice %arg10[%parallel_loop3A_673, %parallel_loop3A_841, %parallel_loop3A_842] : memref<2x128x128xf32, #tpu.memory_space<vmem>> -> memref<1x128x128xf32, #tpu.memory_space<vmem>>
        %parallel_loop3A_844 = tpu.memref_squeeze %parallel_loop3A_843 : memref<1x128x128xf32, #tpu.memory_space<vmem>> -> memref<128x128xf32, #tpu.memory_space<vmem>>
        %parallel_loop3A_845 = tpu.vector_load_idx %parallel_loop3A_844[%add3A_8, %parallel_loop3A_831] : memref<128x128xf32, #tpu.memory_space<vmem>>[vector<16xi32>, vector<16xi32>], vector<16xf32>,
        %parallel_loop3A_846 = arith.constant 0 : i32
        %parallel_loop3A_847 = arith.constant 0 : i32
        %parallel_loop3A_848 = tpu.memref_slice %arg12[%parallel_loop3A_674, %parallel_loop3A_846, %parallel_loop3A_847] : memref<2x64x128xf32, #tpu.memory_space<vmem>> -> memref<1x64x128xf32, #tpu.memory_space<vmem>>
        %parallel_loop3A_849 = tpu.memref_squeeze %parallel_loop3A_848 : memref<1x64x128xf32, #tpu.memory_space<vmem>> -> memref<64x128xf32, #tpu.memory_space<vmem>>
        tpu.vector_store_idx %parallel_loop3A_849[%parallel_loop3A_831, %add3A_8], %parallel_loop3A_845 : memref<64x128xf32, #tpu.memory_space<vmem>>[vector<16xi32>, vector<16xi32>], vector<16xf32>,
        %parallel_loop3A_850 = arith.constant 0 : i32
        %parallel_loop3A_851 = arith.constant 0 : i32
        %parallel_loop3A_852 = tpu.memref_slice %arg10[%parallel_loop3A_673, %parallel_loop3A_850, %parallel_loop3A_851] : memref<2x128x128xf32, #tpu.memory_space<vmem>> -> memref<1x128x128xf32, #tpu.memory_space<vmem>>
        %parallel_loop3A_853 = tpu.memref_squeeze %parallel_loop3A_852 : memref<1x128x128xf32, #tpu.memory_space<vmem>> -> memref<128x128xf32, #tpu.memory_space<vmem>>
        %parallel_loop3A_854 = tpu.vector_load_idx %parallel_loop3A_853[%add3A_11, %parallel_loop3A_831] : memref<128x128xf32, #tpu.memory_space<vmem>>[vector<16xi32>, vector<16xi32>], vector<16xf32>,
        %parallel_loop3A_855 = arith.constant 0 : i32
        %parallel_loop3A_856 = arith.constant 0 : i32
        %parallel_loop3A_857 = tpu.memref_slice %arg12[%parallel_loop3A_674, %parallel_loop3A_855, %parallel_loop3A_856] : memref<2x64x128xf32, #tpu.memory_space<vmem>> -> memref<1x64x128xf32, #tpu.memory_space<vmem>>
        %parallel_loop3A_858 = tpu.memref_squeeze %parallel_loop3A_857 : memref<1x64x128xf32, #tpu.memory_space<vmem>> -> memref<64x128xf32, #tpu.memory_space<vmem>>
        tpu.vector_store_idx %parallel_loop3A_858[%parallel_loop3A_831, %add3A_11], %parallel_loop3A_854 : memref<64x128xf32, #tpu.memory_space<vmem>>[vector<16xi32>, vector<16xi32>], vector<16xf32>,
        %parallel_loop3A_859 = arith.constant 0 : i32
        %parallel_loop3A_860 = arith.constant 0 : i32
        %parallel_loop3A_861 = tpu.memref_slice %arg10[%parallel_loop3A_673, %parallel_loop3A_859, %parallel_loop3A_860] : memref<2x128x128xf32, #tpu.memory_space<vmem>> -> memref<1x128x128xf32, #tpu.memory_space<vmem>>
        %parallel_loop3A_862 = tpu.memref_squeeze %parallel_loop3A_861 : memref<1x128x128xf32, #tpu.memory_space<vmem>> -> memref<128x128xf32, #tpu.memory_space<vmem>>
        %parallel_loop3A_863 = tpu.vector_load_idx %parallel_loop3A_862[%add3A_14, %parallel_loop3A_831] : memref<128x128xf32, #tpu.memory_space<vmem>>[vector<16xi32>, vector<16xi32>], vector<16xf32>,
        %parallel_loop3A_864 = arith.constant 0 : i32
        %parallel_loop3A_865 = arith.constant 0 : i32
        %parallel_loop3A_866 = tpu.memref_slice %arg12[%parallel_loop3A_674, %parallel_loop3A_864, %parallel_loop3A_865] : memref<2x64x128xf32, #tpu.memory_space<vmem>> -> memref<1x64x128xf32, #tpu.memory_space<vmem>>
        %parallel_loop3A_867 = tpu.memref_squeeze %parallel_loop3A_866 : memref<1x64x128xf32, #tpu.memory_space<vmem>> -> memref<64x128xf32, #tpu.memory_space<vmem>>
        tpu.vector_store_idx %parallel_loop3A_867[%parallel_loop3A_831, %add3A_14], %parallel_loop3A_863 : memref<64x128xf32, #tpu.memory_space<vmem>>[vector<16xi32>, vector<16xi32>], vector<16xf32>,
        %parallel_loop3A_868 = arith.constant 0 : i32
        %parallel_loop3A_869 = arith.constant 0 : i32
        %parallel_loop3A_870 = tpu.memref_slice %arg10[%parallel_loop3A_673, %parallel_loop3A_868, %parallel_loop3A_869] : memref<2x128x128xf32, #tpu.memory_space<vmem>> -> memref<1x128x128xf32, #tpu.memory_space<vmem>>
        %parallel_loop3A_871 = tpu.memref_squeeze %parallel_loop3A_870 : memref<1x128x128xf32, #tpu.memory_space<vmem>> -> memref<128x128xf32, #tpu.memory_space<vmem>>
        %parallel_loop3A_872 = tpu.vector_load_idx %parallel_loop3A_871[%add3A_17, %parallel_loop3A_831] : memref<128x128xf32, #tpu.memory_space<vmem>>[vector<16xi32>, vector<16xi32>], vector<16xf32>,
        %parallel_loop3A_873 = arith.constant 0 : i32
        %parallel_loop3A_874 = arith.constant 0 : i32
        %parallel_loop3A_875 = tpu.memref_slice %arg12[%parallel_loop3A_674, %parallel_loop3A_873, %parallel_loop3A_874] : memref<2x64x128xf32, #tpu.memory_space<vmem>> -> memref<1x64x128xf32, #tpu.memory_space<vmem>>
        %parallel_loop3A_876 = tpu.memref_squeeze %parallel_loop3A_875 : memref<1x64x128xf32, #tpu.memory_space<vmem>> -> memref<64x128xf32, #tpu.memory_space<vmem>>
        tpu.vector_store_idx %parallel_loop3A_876[%parallel_loop3A_831, %add3A_17], %parallel_loop3A_872 : memref<64x128xf32, #tpu.memory_space<vmem>>[vector<16xi32>, vector<16xi32>], vector<16xf32>,
        %parallel_loop3A_877 = arith.constant 0 : i32
        %parallel_loop3A_878 = arith.constant 0 : i32
        %parallel_loop3A_879 = tpu.memref_slice %arg10[%parallel_loop3A_673, %parallel_loop3A_877, %parallel_loop3A_878] : memref<2x128x128xf32, #tpu.memory_space<vmem>> -> memref<1x128x128xf32, #tpu.memory_space<vmem>>
        %parallel_loop3A_880 = tpu.memref_squeeze %parallel_loop3A_879 : memref<1x128x128xf32, #tpu.memory_space<vmem>> -> memref<128x128xf32, #tpu.memory_space<vmem>>
        %parallel_loop3A_881 = tpu.vector_load_idx %parallel_loop3A_880[%add3A_20, %parallel_loop3A_831] : memref<128x128xf32, #tpu.memory_space<vmem>>[vector<16xi32>, vector<16xi32>], vector<16xf32>,
        %parallel_loop3A_882 = arith.constant 0 : i32
        %parallel_loop3A_883 = arith.constant 0 : i32
        %parallel_loop3A_884 = tpu.memref_slice %arg12[%parallel_loop3A_674, %parallel_loop3A_882, %parallel_loop3A_883] : memref<2x64x128xf32, #tpu.memory_space<vmem>> -> memref<1x64x128xf32, #tpu.memory_space<vmem>>
        %parallel_loop3A_885 = tpu.memref_squeeze %parallel_loop3A_884 : memref<1x64x128xf32, #tpu.memory_space<vmem>> -> memref<64x128xf32, #tpu.memory_space<vmem>>
        tpu.vector_store_idx %parallel_loop3A_885[%parallel_loop3A_831, %add3A_20], %parallel_loop3A_881 : memref<64x128xf32, #tpu.memory_space<vmem>>[vector<16xi32>, vector<16xi32>], vector<16xf32>,
        %parallel_loop3A_886 = arith.constant 0 : i32
        %parallel_loop3A_887 = arith.constant 0 : i32
        %parallel_loop3A_888 = tpu.memref_slice %arg10[%parallel_loop3A_673, %parallel_loop3A_886, %parallel_loop3A_887] : memref<2x128x128xf32, #tpu.memory_space<vmem>> -> memref<1x128x128xf32, #tpu.memory_space<vmem>>
        %parallel_loop3A_889 = tpu.memref_squeeze %parallel_loop3A_888 : memref<1x128x128xf32, #tpu.memory_space<vmem>> -> memref<128x128xf32, #tpu.memory_space<vmem>>
        %parallel_loop3A_890 = tpu.vector_load_idx %parallel_loop3A_889[%add3A_23, %parallel_loop3A_831] : memref<128x128xf32, #tpu.memory_space<vmem>>[vector<16xi32>, vector<16xi32>], vector<16xf32>,
        %parallel_loop3A_891 = arith.constant 0 : i32
        %parallel_loop3A_892 = arith.constant 0 : i32
        %parallel_loop3A_893 = tpu.memref_slice %arg12[%parallel_loop3A_674, %parallel_loop3A_891, %parallel_loop3A_892] : memref<2x64x128xf32, #tpu.memory_space<vmem>> -> memref<1x64x128xf32, #tpu.memory_space<vmem>>
        %parallel_loop3A_894 = tpu.memref_squeeze %parallel_loop3A_893 : memref<1x64x128xf32, #tpu.memory_space<vmem>> -> memref<64x128xf32, #tpu.memory_space<vmem>>
        tpu.vector_store_idx %parallel_loop3A_894[%parallel_loop3A_831, %add3A_23], %parallel_loop3A_890 : memref<64x128xf32, #tpu.memory_space<vmem>>[vector<16xi32>, vector<16xi32>], vector<16xf32>,
        %parallel_loop3A_895 = arith.constant 0 : i32
        %parallel_loop3A_896 = arith.constant 0 : i32
        %parallel_loop3A_897 = tpu.memref_slice %arg10[%parallel_loop3A_673, %parallel_loop3A_895, %parallel_loop3A_896] : memref<2x128x128xf32, #tpu.memory_space<vmem>> -> memref<1x128x128xf32, #tpu.memory_space<vmem>>
        %parallel_loop3A_898 = tpu.memref_squeeze %parallel_loop3A_897 : memref<1x128x128xf32, #tpu.memory_space<vmem>> -> memref<128x128xf32, #tpu.memory_space<vmem>>
        %parallel_loop3A_899 = tpu.vector_load_idx %parallel_loop3A_898[%add3A_26, %parallel_loop3A_831] : memref<128x128xf32, #tpu.memory_space<vmem>>[vector<16xi32>, vector<16xi32>], vector<16xf32>,
        %parallel_loop3A_900 = arith.constant 0 : i32
        %parallel_loop3A_901 = arith.constant 0 : i32
        %parallel_loop3A_902 = tpu.memref_slice %arg12[%parallel_loop3A_674, %parallel_loop3A_900, %parallel_loop3A_901] : memref<2x64x128xf32, #tpu.memory_space<vmem>> -> memref<1x64x128xf32, #tpu.memory_space<vmem>>
        %parallel_loop3A_903 = tpu.memref_squeeze %parallel_loop3A_902 : memref<1x64x128xf32, #tpu.memory_space<vmem>> -> memref<64x128xf32, #tpu.memory_space<vmem>>
        tpu.vector_store_idx %parallel_loop3A_903[%parallel_loop3A_831, %add3A_26], %parallel_loop3A_899 : memref<64x128xf32, #tpu.memory_space<vmem>>[vector<16xi32>, vector<16xi32>], vector<16xf32>,
      } {sc.loop_unroll_factor = 2 : i64, sc.parallel_access}
      %dma_start3A_675 = arith.constant 0 : i32
      %dma_start3A_676 = arith.constant 0 : i32
      %dma_start3A_677 = arith.constant 0 : i32
      %dma_start3A_678 = tpu.memref_slice %arg12[%dma_start3A_675, %dma_start3A_676, %dma_start3A_677] : memref<2x64x128xf32, #tpu.memory_space<vmem>> -> memref<1x64x128xf32, #tpu.memory_space<vmem>>
      %dma_start3A_679 = tpu.memref_squeeze %dma_start3A_678 : memref<1x64x128xf32, #tpu.memory_space<vmem>> -> memref<64x128xf32, #tpu.memory_space<vmem>>
      %dma_start3A_680 = arith.constant 128 : i32
      %dma_start3A_681 = tpu.memref_slice %arg6[%mul3A_559, %dma_start3A_680, %mul3A_2] : memref<50x192x4096xf32, #tpu.memory_space<hbm>> -> memref<1x64x128xf32, #tpu.memory_space<hbm>>
      %dma_start3A_682 = tpu.memref_squeeze %dma_start3A_681 : memref<1x64x128xf32, #tpu.memory_space<hbm>> -> memref<64x128xf32, #tpu.memory_space<hbm>>
      %dma_start3A_683 = arith.constant 128 : i32
      %dma_start3A_684 = tpu.memref_slice %arg6[%mul3A_559, %dma_start3A_683, %mul3A_2] : memref<50x192x4096xf32, #tpu.memory_space<hbm>> -> memref<1x64x128xf32, #tpu.memory_space<hbm>>
      %dma_start3A_685 = tpu.memref_squeeze %dma_start3A_684 : memref<1x64x128xf32, #tpu.memory_space<hbm>> -> memref<64x128xf32, #tpu.memory_space<hbm>>
      %dma_start3A_686 = arith.constant 0 : i32
      %dma_start3A_687 = arith.constant 0 : i32
      %dma_start3A_688 = tpu.memref_slice %arg12[%dma_start3A_675, %dma_start3A_686, %dma_start3A_687] : memref<2x64x128xf32, #tpu.memory_space<vmem>> -> memref<1x64x128xf32, #tpu.memory_space<vmem>>
      %dma_start3A_689 = tpu.memref_squeeze %dma_start3A_688 : memref<1x64x128xf32, #tpu.memory_space<vmem>> -> memref<64x128xf32, #tpu.memory_space<vmem>>
      tpu.enqueue_dma source(%dma_start3A_689 : memref<64x128xf32, #tpu.memory_space<vmem>>) target(%dma_start3A_685 : memref<64x128xf32, #tpu.memory_space<hbm>>) target_semaphore(%arg15 : memref<!tpu.dma_semaphore, #tpu.memory_space<semaphore_mem>>)
      %add3A_690 = arith.constant 1 : i32
      %add3A_691 = arith.addi %mul3A_559, %add3A_690 : i32
      %add3A_692 = arith.constant 2 : i32
      %add3A_693 = arith.addi %mul3A_559, %add3A_692 : i32
      %dma_start3A_694 = arith.constant 0 : i32
      %dma_start3A_695 = arith.constant 0 : i32
      %dma_start3A_696 = arith.constant 0 : i32
      %dma_start3A_697 = tpu.memref_slice %arg9[%dma_start3A_694, %dma_start3A_695, %dma_start3A_696] : memref<2x128x128xf32, #tpu.memory_space<vmem>> -> memref<1x128x128xf32, #tpu.memory_space<vmem>>
      %dma_start3A_698 = tpu.memref_squeeze %dma_start3A_697 : memref<1x128x128xf32, #tpu.memory_space<vmem>> -> memref<128x128xf32, #tpu.memory_space<vmem>>
      %dma_start3A_699 = arith.constant 0 : i32
      %dma_start3A_700 = tpu.memref_slice %arg7[%add3A_693, %dma_start3A_699] : memref<50x128xi32, #tpu.memory_space<vmem>> -> memref<1x128xi32, #tpu.memory_space<vmem>>
      %dma_start3A_701 = tpu.memref_squeeze %dma_start3A_700 : memref<1x128xi32, #tpu.memory_space<vmem>> -> memref<128xi32, #tpu.memory_space<vmem>>
      %dma_start3A_702 = arith.constant 0 : i32
      %dma_start3A_703 = arith.constant 0 : i32
      %dma_start3A_704 = tpu.memref_slice %arg4[%dma_start3A_702, %dma_start3A_703] : memref<100000x128xf32, #tpu.memory_space<hbm>> -> memref<100000x128xf32, #tpu.memory_space<hbm>>
      tpu.enqueue_indirect_dma source(%dma_start3A_704 : memref<100000x128xf32, #tpu.memory_space<hbm>>) target(%dma_start3A_698 : memref<128x128xf32, #tpu.memory_space<vmem>>) offsets(%dma_start3A_701 : memref<128xi32, #tpu.memory_space<vmem>>) semaphore(%arg13 : memref<!tpu.dma_semaphore, #tpu.memory_space<semaphore_mem>>)
      %dma_start3A_705 = arith.constant 0 : i32
      %dma_start3A_706 = arith.constant 0 : i32
      %dma_start3A_707 = arith.constant 0 : i32
      %dma_start3A_708 = tpu.memref_slice %arg10[%dma_start3A_705, %dma_start3A_706, %dma_start3A_707] : memref<2x128x128xf32, #tpu.memory_space<vmem>> -> memref<1x128x128xf32, #tpu.memory_space<vmem>>
      %dma_start3A_709 = tpu.memref_squeeze %dma_start3A_708 : memref<1x128x128xf32, #tpu.memory_space<vmem>> -> memref<128x128xf32, #tpu.memory_space<vmem>>
      %dma_start3A_710 = arith.constant 0 : i32
      %dma_start3A_711 = tpu.memref_slice %arg8[%add3A_693, %dma_start3A_710] : memref<50x128xi32, #tpu.memory_space<vmem>> -> memref<1x128xi32, #tpu.memory_space<vmem>>
      %dma_start3A_712 = tpu.memref_squeeze %dma_start3A_711 : memref<1x128xi32, #tpu.memory_space<vmem>> -> memref<128xi32, #tpu.memory_space<vmem>>
      %dma_start3A_713 = arith.constant 0 : i32
      %dma_start3A_714 = arith.constant 0 : i32
      %dma_start3A_715 = tpu.memref_slice %arg5[%dma_start3A_713, %dma_start3A_714] : memref<1000x128xf32, #tpu.memory_space<hbm>> -> memref<1000x128xf32, #tpu.memory_space<hbm>>
      tpu.enqueue_indirect_dma source(%dma_start3A_715 : memref<1000x128xf32, #tpu.memory_space<hbm>>) target(%dma_start3A_709 : memref<128x128xf32, #tpu.memory_space<vmem>>) offsets(%dma_start3A_712 : memref<128xi32, #tpu.memory_space<vmem>>) semaphore(%arg13 : memref<!tpu.dma_semaphore, #tpu.memory_space<semaphore_mem>>)
      %dma_wait3A_716 = arith.constant 1 : i32
      %dma_wait3A_717 = arith.constant 0 : i32
      %dma_wait3A_718 = arith.constant 0 : i32
      %dma_wait3A_719 = tpu.memref_slice %arg9[%dma_wait3A_716, %dma_wait3A_717, %dma_wait3A_718] : memref<2x128x128xf32, #tpu.memory_space<vmem>> -> memref<1x128x128xf32, #tpu.memory_space<vmem>>
      %dma_wait3A_720 = tpu.memref_squeeze %dma_wait3A_719 : memref<1x128x128xf32, #tpu.memory_space<vmem>> -> memref<128x128xf32, #tpu.memory_space<vmem>>
      %dma_wait3A_721 = arith.constant 0 : i32
      %dma_wait3A_722 = arith.constant 0 : i32
      %dma_wait3A_723 = tpu.memref_slice %arg4[%dma_wait3A_721, %dma_wait3A_722] : memref<100000x128xf32, #tpu.memory_space<hbm>> -> memref<128x128xf32, #tpu.memory_space<hbm>>
      %dma_wait3A_724 = arith.constant 0 : i32
      %dma_wait3A_725 = arith.constant 0 : i32
      %dma_wait3A_726 = tpu.memref_slice %arg9[%dma_wait3A_716, %dma_wait3A_724, %dma_wait3A_725] : memref<2x128x128xf32, #tpu.memory_space<vmem>> -> memref<1x128x128xf32, #tpu.memory_space<vmem>>
      %dma_wait3A_727 = tpu.memref_squeeze %dma_wait3A_726 : memref<1x128x128xf32, #tpu.memory_space<vmem>> -> memref<128x128xf32, #tpu.memory_space<vmem>>
      %dma_wait3A_728 = arith.constant 0 : i32
      %dma_wait3A_729 = arith.constant 0 : i32
      %dma_wait3A_730 = tpu.memref_slice %arg4[%dma_wait3A_728, %dma_wait3A_729] : memref<100000x128xf32, #tpu.memory_space<hbm>> -> memref<128x128xf32, #tpu.memory_space<hbm>>
      tpu.wait_dma2 semaphore(%arg14 : memref<!tpu.dma_semaphore, #tpu.memory_space<semaphore_mem>>) src(%dma_wait3A_730 : memref<128x128xf32, #tpu.memory_space<hbm>>) dst(%dma_wait3A_727 : memref<128x128xf32, #tpu.memory_space<vmem>>)
      %dma_wait3A_731 = arith.constant 1 : i32
      %dma_wait3A_732 = arith.constant 0 : i32
      %dma_wait3A_733 = arith.constant 0 : i32
      %dma_wait3A_734 = tpu.memref_slice %arg10[%dma_wait3A_731, %dma_wait3A_732, %dma_wait3A_733] : memref<2x128x128xf32, #tpu.memory_space<vmem>> -> memref<1x128x128xf32, #tpu.memory_space<vmem>>
      %dma_wait3A_735 = tpu.memref_squeeze %dma_wait3A_734 : memref<1x128x128xf32, #tpu.memory_space<vmem>> -> memref<128x128xf32, #tpu.memory_space<vmem>>
      %dma_wait3A_736 = arith.constant 0 : i32
      %dma_wait3A_737 = arith.constant 0 : i32
      %dma_wait3A_738 = tpu.memref_slice %arg5[%dma_wait3A_736, %dma_wait3A_737] : memref<1000x128xf32, #tpu.memory_space<hbm>> -> memref<128x128xf32, #tpu.memory_space<hbm>>
      %dma_wait3A_739 = arith.constant 0 : i32
      %dma_wait3A_740 = arith.constant 0 : i32
      %dma_wait3A_741 = tpu.memref_slice %arg10[%dma_wait3A_731, %dma_wait3A_739, %dma_wait3A_740] : memref<2x128x128xf32, #tpu.memory_space<vmem>> -> memref<1x128x128xf32, #tpu.memory_space<vmem>>
      %dma_wait3A_742 = tpu.memref_squeeze %dma_wait3A_741 : memref<1x128x128xf32, #tpu.memory_space<vmem>> -> memref<128x128xf32, #tpu.memory_space<vmem>>
      %dma_wait3A_743 = arith.constant 0 : i32
      %dma_wait3A_744 = arith.constant 0 : i32
      %dma_wait3A_745 = tpu.memref_slice %arg5[%dma_wait3A_743, %dma_wait3A_744] : memref<1000x128xf32, #tpu.memory_space<hbm>> -> memref<128x128xf32, #tpu.memory_space<hbm>>
      tpu.wait_dma2 semaphore(%arg14 : memref<!tpu.dma_semaphore, #tpu.memory_space<semaphore_mem>>) src(%dma_wait3A_745 : memref<128x128xf32, #tpu.memory_space<hbm>>) dst(%dma_wait3A_742 : memref<128x128xf32, #tpu.memory_space<vmem>>)
      %dma_wait3A_746 = arith.constant 1 : i32
      %dma_wait3A_747 = arith.constant 0 : i32
      %dma_wait3A_748 = arith.constant 0 : i32
      %dma_wait3A_749 = arith.constant 0 : i32
      %dma_wait3A_750 = tpu.memref_slice %arg11[%dma_wait3A_746, %dma_wait3A_748, %dma_wait3A_749] : memref<2x128x128xf32, #tpu.memory_space<vmem>> -> memref<1x128x128xf32, #tpu.memory_space<vmem>>
      %dma_wait3A_751 = tpu.memref_squeeze %dma_wait3A_750 : memref<1x128x128xf32, #tpu.memory_space<vmem>> -> memref<128x128xf32, #tpu.memory_space<vmem>>
      %dma_wait3A_752 = arith.constant 0 : i32
      %dma_wait3A_753 = arith.constant 0 : i32
      %dma_wait3A_754 = tpu.memref_slice %arg6[%dma_wait3A_747, %dma_wait3A_752, %dma_wait3A_753] : memref<50x192x4096xf32, #tpu.memory_space<hbm>> -> memref<1x128x128xf32, #tpu.memory_space<hbm>>
      %dma_wait3A_755 = tpu.memref_squeeze %dma_wait3A_754 : memref<1x128x128xf32, #tpu.memory_space<hbm>> -> memref<128x128xf32, #tpu.memory_space<hbm>>
      %dma_wait3A_756 = arith.constant 0 : i32
      %dma_wait3A_757 = arith.constant 0 : i32
      %dma_wait3A_758 = tpu.memref_slice %arg6[%dma_wait3A_747, %dma_wait3A_756, %dma_wait3A_757] : memref<50x192x4096xf32, #tpu.memory_space<hbm>> -> memref<1x128x128xf32, #tpu.memory_space<hbm>>
      %dma_wait3A_759 = tpu.memref_squeeze %dma_wait3A_758 : memref<1x128x128xf32, #tpu.memory_space<hbm>> -> memref<128x128xf32, #tpu.memory_space<hbm>>
      %dma_wait3A_760 = arith.constant 0 : i32
      %dma_wait3A_761 = arith.constant 0 : i32
      %dma_wait3A_762 = tpu.memref_slice %arg11[%dma_wait3A_746, %dma_wait3A_760, %dma_wait3A_761] : memref<2x128x128xf32, #tpu.memory_space<vmem>> -> memref<1x128x128xf32, #tpu.memory_space<vmem>>
      %dma_wait3A_763 = tpu.memref_squeeze %dma_wait3A_762 : memref<1x128x128xf32, #tpu.memory_space<vmem>> -> memref<128x128xf32, #tpu.memory_space<vmem>>
      tpu.wait_dma2 semaphore(%arg16 : memref<!tpu.dma_semaphore, #tpu.memory_space<semaphore_mem>>) src(%dma_wait3A_763 : memref<128x128xf32, #tpu.memory_space<vmem>>) dst(%dma_wait3A_759 : memref<128x128xf32, #tpu.memory_space<hbm>>)
      %dma_wait3A_764 = arith.constant 1 : i32
      %dma_wait3A_765 = arith.constant 0 : i32
      %dma_wait3A_766 = arith.constant 0 : i32
      %dma_wait3A_767 = arith.constant 0 : i32
      %dma_wait3A_768 = tpu.memref_slice %arg12[%dma_wait3A_764, %dma_wait3A_766, %dma_wait3A_767] : memref<2x64x128xf32, #tpu.memory_space<vmem>> -> memref<1x64x128xf32, #tpu.memory_space<vmem>>
      %dma_wait3A_769 = tpu.memref_squeeze %dma_wait3A_768 : memref<1x64x128xf32, #tpu.memory_space<vmem>> -> memref<64x128xf32, #tpu.memory_space<vmem>>
      %dma_wait3A_770 = arith.constant 128 : i32
      %dma_wait3A_771 = arith.constant 0 : i32
      %dma_wait3A_772 = tpu.memref_slice %arg6[%dma_wait3A_765, %dma_wait3A_770, %dma_wait3A_771] : memref<50x192x4096xf32, #tpu.memory_space<hbm>> -> memref<1x64x128xf32, #tpu.memory_space<hbm>>
      %dma_wait3A_773 = tpu.memref_squeeze %dma_wait3A_772 : memref<1x64x128xf32, #tpu.memory_space<hbm>> -> memref<64x128xf32, #tpu.memory_space<hbm>>
      %dma_wait3A_774 = arith.constant 128 : i32
      %dma_wait3A_775 = arith.constant 0 : i32
      %dma_wait3A_776 = tpu.memref_slice %arg6[%dma_wait3A_765, %dma_wait3A_774, %dma_wait3A_775] : memref<50x192x4096xf32, #tpu.memory_space<hbm>> -> memref<1x64x128xf32, #tpu.memory_space<hbm>>
      %dma_wait3A_777 = tpu.memref_squeeze %dma_wait3A_776 : memref<1x64x128xf32, #tpu.memory_space<hbm>> -> memref<64x128xf32, #tpu.memory_space<hbm>>
      %dma_wait3A_778 = arith.constant 0 : i32
      %dma_wait3A_779 = arith.constant 0 : i32
      %dma_wait3A_780 = tpu.memref_slice %arg12[%dma_wait3A_764, %dma_wait3A_778, %dma_wait3A_779] : memref<2x64x128xf32, #tpu.memory_space<vmem>> -> memref<1x64x128xf32, #tpu.memory_space<vmem>>
      %dma_wait3A_781 = tpu.memref_squeeze %dma_wait3A_780 : memref<1x64x128xf32, #tpu.memory_space<vmem>> -> memref<64x128xf32, #tpu.memory_space<vmem>>
      tpu.wait_dma2 semaphore(%arg16 : memref<!tpu.dma_semaphore, #tpu.memory_space<semaphore_mem>>) src(%dma_wait3A_781 : memref<64x128xf32, #tpu.memory_space<vmem>>) dst(%dma_wait3A_777 : memref<64x128xf32, #tpu.memory_space<hbm>>)
      %parallel_loop3A_782 = arith.constant 0 : i32
      %parallel_loop3A_783 = arith.constant 128 : i32
      %parallel_loop3A_784 = arith.constant 1 : i32
      %parallel_loop3A_785 = arith.constant 1 : i32
      %parallel_loop3A_786 = arith.constant 1 : i32
      scf.for %parallel_loop3A_822 = %parallel_loop3A_782 to %parallel_loop3A_783 step %parallel_loop3A_784  : i32 {
        %parallel_loop3A_823 = vector.broadcast %parallel_loop3A_822 : i32 to vector<16xi32>
        %parallel_loop3A_824 = arith.addi %iota3A, %parallel_loop3A_823 : vector<16xi32>
        %parallel_loop3A_825 = arith.constant 15 : i32
        %parallel_loop3A_826 = vector.broadcast %parallel_loop3A_825 : i32 to vector<16xi32>
        %parallel_loop3A_827 = arith.andi %parallel_loop3A_824, %parallel_loop3A_826 : vector<16xi32>
        %parallel_loop3A_828 = arith.constant -16 : i32
        %parallel_loop3A_829 = arith.andi %parallel_loop3A_822, %parallel_loop3A_828 : i32
        %parallel_loop3A_830 = vector.broadcast %parallel_loop3A_829 : i32 to vector<16xi32>
        %parallel_loop3A_831 = arith.addi %parallel_loop3A_827, %parallel_loop3A_830 : vector<16xi32>
        %parallel_loop3A_832 = arith.constant 0 : i32
        %parallel_loop3A_833 = arith.constant 0 : i32
        %parallel_loop3A_834 = tpu.memref_slice %arg9[%parallel_loop3A_785, %parallel_loop3A_832, %parallel_loop3A_833] : memref<2x128x128xf32, #tpu.memory_space<vmem>> -> memref<1x128x128xf32, #tpu.memory_space<vmem>>
        %parallel_loop3A_835 = tpu.memref_squeeze %parallel_loop3A_834 : memref<1x128x128xf32, #tpu.memory_space<vmem>> -> memref<128x128xf32, #tpu.memory_space<vmem>>
        %parallel_loop3A_836 = tpu.vector_load_idx %parallel_loop3A_835[%add3A_5, %parallel_loop3A_831] : memref<128x128xf32, #tpu.memory_space<vmem>>[vector<16xi32>, vector<16xi32>], vector<16xf32>,
        %parallel_loop3A_837 = arith.constant 0 : i32
        %parallel_loop3A_838 = arith.constant 0 : i32
        %parallel_loop3A_839 = tpu.memref_slice %arg11[%parallel_loop3A_786, %parallel_loop3A_837, %parallel_loop3A_838] : memref<2x128x128xf32, #tpu.memory_space<vmem>> -> memref<1x128x128xf32, #tpu.memory_space<vmem>>
        %parallel_loop3A_840 = tpu.memref_squeeze %parallel_loop3A_839 : memref<1x128x128xf32, #tpu.memory_space<vmem>> -> memref<128x128xf32, #tpu.memory_space<vmem>>
        tpu.vector_store_idx %parallel_loop3A_840[%parallel_loop3A_831, %add3A_5], %parallel_loop3A_836 : memref<128x128xf32, #tpu.memory_space<vmem>>[vector<16xi32>, vector<16xi32>], vector<16xf32>,
        %parallel_loop3A_841 = arith.constant 0 : i32
        %parallel_loop3A_842 = arith.constant 0 : i32
        %parallel_loop3A_843 = tpu.memref_slice %arg9[%parallel_loop3A_785, %parallel_loop3A_841, %parallel_loop3A_842] : memref<2x128x128xf32, #tpu.memory_space<vmem>> -> memref<1x128x128xf32, #tpu.memory_space<vmem>>
        %parallel_loop3A_844 = tpu.memref_squeeze %parallel_loop3A_843 : memref<1x128x128xf32, #tpu.memory_space<vmem>> -> memref<128x128xf32, #tpu.memory_space<vmem>>
        %parallel_loop3A_845 = tpu.vector_load_idx %parallel_loop3A_844[%add3A_8, %parallel_loop3A_831] : memref<128x128xf32, #tpu.memory_space<vmem>>[vector<16xi32>, vector<16xi32>], vector<16xf32>,
        %parallel_loop3A_846 = arith.constant 0 : i32
        %parallel_loop3A_847 = arith.constant 0 : i32
        %parallel_loop3A_848 = tpu.memref_slice %arg11[%parallel_loop3A_786, %parallel_loop3A_846, %parallel_loop3A_847] : memref<2x128x128xf32, #tpu.memory_space<vmem>> -> memref<1x128x128xf32, #tpu.memory_space<vmem>>
        %parallel_loop3A_849 = tpu.memref_squeeze %parallel_loop3A_848 : memref<1x128x128xf32, #tpu.memory_space<vmem>> -> memref<128x128xf32, #tpu.memory_space<vmem>>
        tpu.vector_store_idx %parallel_loop3A_849[%parallel_loop3A_831, %add3A_8], %parallel_loop3A_845 : memref<128x128xf32, #tpu.memory_space<vmem>>[vector<16xi32>, vector<16xi32>], vector<16xf32>,
        %parallel_loop3A_850 = arith.constant 0 : i32
        %parallel_loop3A_851 = arith.constant 0 : i32
        %parallel_loop3A_852 = tpu.memref_slice %arg9[%parallel_loop3A_785, %parallel_loop3A_850, %parallel_loop3A_851] : memref<2x128x128xf32, #tpu.memory_space<vmem>> -> memref<1x128x128xf32, #tpu.memory_space<vmem>>
        %parallel_loop3A_853 = tpu.memref_squeeze %parallel_loop3A_852 : memref<1x128x128xf32, #tpu.memory_space<vmem>> -> memref<128x128xf32, #tpu.memory_space<vmem>>
        %parallel_loop3A_854 = tpu.vector_load_idx %parallel_loop3A_853[%add3A_11, %parallel_loop3A_831] : memref<128x128xf32, #tpu.memory_space<vmem>>[vector<16xi32>, vector<16xi32>], vector<16xf32>,
        %parallel_loop3A_855 = arith.constant 0 : i32
        %parallel_loop3A_856 = arith.constant 0 : i32
        %parallel_loop3A_857 = tpu.memref_slice %arg11[%parallel_loop3A_786, %parallel_loop3A_855, %parallel_loop3A_856] : memref<2x128x128xf32, #tpu.memory_space<vmem>> -> memref<1x128x128xf32, #tpu.memory_space<vmem>>
        %parallel_loop3A_858 = tpu.memref_squeeze %parallel_loop3A_857 : memref<1x128x128xf32, #tpu.memory_space<vmem>> -> memref<128x128xf32, #tpu.memory_space<vmem>>
        tpu.vector_store_idx %parallel_loop3A_858[%parallel_loop3A_831, %add3A_11], %parallel_loop3A_854 : memref<128x128xf32, #tpu.memory_space<vmem>>[vector<16xi32>, vector<16xi32>], vector<16xf32>,
        %parallel_loop3A_859 = arith.constant 0 : i32
        %parallel_loop3A_860 = arith.constant 0 : i32
        %parallel_loop3A_861 = tpu.memref_slice %arg9[%parallel_loop3A_785, %parallel_loop3A_859, %parallel_loop3A_860] : memref<2x128x128xf32, #tpu.memory_space<vmem>> -> memref<1x128x128xf32, #tpu.memory_space<vmem>>
        %parallel_loop3A_862 = tpu.memref_squeeze %parallel_loop3A_861 : memref<1x128x128xf32, #tpu.memory_space<vmem>> -> memref<128x128xf32, #tpu.memory_space<vmem>>
        %parallel_loop3A_863 = tpu.vector_load_idx %parallel_loop3A_862[%add3A_14, %parallel_loop3A_831] : memref<128x128xf32, #tpu.memory_space<vmem>>[vector<16xi32>, vector<16xi32>], vector<16xf32>,
        %parallel_loop3A_864 = arith.constant 0 : i32
        %parallel_loop3A_865 = arith.constant 0 : i32
        %parallel_loop3A_866 = tpu.memref_slice %arg11[%parallel_loop3A_786, %parallel_loop3A_864, %parallel_loop3A_865] : memref<2x128x128xf32, #tpu.memory_space<vmem>> -> memref<1x128x128xf32, #tpu.memory_space<vmem>>
        %parallel_loop3A_867 = tpu.memref_squeeze %parallel_loop3A_866 : memref<1x128x128xf32, #tpu.memory_space<vmem>> -> memref<128x128xf32, #tpu.memory_space<vmem>>
        tpu.vector_store_idx %parallel_loop3A_867[%parallel_loop3A_831, %add3A_14], %parallel_loop3A_863 : memref<128x128xf32, #tpu.memory_space<vmem>>[vector<16xi32>, vector<16xi32>], vector<16xf32>,
        %parallel_loop3A_868 = arith.constant 0 : i32
        %parallel_loop3A_869 = arith.constant 0 : i32
        %parallel_loop3A_870 = tpu.memref_slice %arg9[%parallel_loop3A_785, %parallel_loop3A_868, %parallel_loop3A_869] : memref<2x128x128xf32, #tpu.memory_space<vmem>> -> memref<1x128x128xf32, #tpu.memory_space<vmem>>
        %parallel_loop3A_871 = tpu.memref_squeeze %parallel_loop3A_870 : memref<1x128x128xf32, #tpu.memory_space<vmem>> -> memref<128x128xf32, #tpu.memory_space<vmem>>
        %parallel_loop3A_872 = tpu.vector_load_idx %parallel_loop3A_871[%add3A_17, %parallel_loop3A_831] : memref<128x128xf32, #tpu.memory_space<vmem>>[vector<16xi32>, vector<16xi32>], vector<16xf32>,
        %parallel_loop3A_873 = arith.constant 0 : i32
        %parallel_loop3A_874 = arith.constant 0 : i32
        %parallel_loop3A_875 = tpu.memref_slice %arg11[%parallel_loop3A_786, %parallel_loop3A_873, %parallel_loop3A_874] : memref<2x128x128xf32, #tpu.memory_space<vmem>> -> memref<1x128x128xf32, #tpu.memory_space<vmem>>
        %parallel_loop3A_876 = tpu.memref_squeeze %parallel_loop3A_875 : memref<1x128x128xf32, #tpu.memory_space<vmem>> -> memref<128x128xf32, #tpu.memory_space<vmem>>
        tpu.vector_store_idx %parallel_loop3A_876[%parallel_loop3A_831, %add3A_17], %parallel_loop3A_872 : memref<128x128xf32, #tpu.memory_space<vmem>>[vector<16xi32>, vector<16xi32>], vector<16xf32>,
        %parallel_loop3A_877 = arith.constant 0 : i32
        %parallel_loop3A_878 = arith.constant 0 : i32
        %parallel_loop3A_879 = tpu.memref_slice %arg9[%parallel_loop3A_785, %parallel_loop3A_877, %parallel_loop3A_878] : memref<2x128x128xf32, #tpu.memory_space<vmem>> -> memref<1x128x128xf32, #tpu.memory_space<vmem>>
        %parallel_loop3A_880 = tpu.memref_squeeze %parallel_loop3A_879 : memref<1x128x128xf32, #tpu.memory_space<vmem>> -> memref<128x128xf32, #tpu.memory_space<vmem>>
        %parallel_loop3A_881 = tpu.vector_load_idx %parallel_loop3A_880[%add3A_20, %parallel_loop3A_831] : memref<128x128xf32, #tpu.memory_space<vmem>>[vector<16xi32>, vector<16xi32>], vector<16xf32>,
        %parallel_loop3A_882 = arith.constant 0 : i32
        %parallel_loop3A_883 = arith.constant 0 : i32
        %parallel_loop3A_884 = tpu.memref_slice %arg11[%parallel_loop3A_786, %parallel_loop3A_882, %parallel_loop3A_883] : memref<2x128x128xf32, #tpu.memory_space<vmem>> -> memref<1x128x128xf32, #tpu.memory_space<vmem>>
        %parallel_loop3A_885 = tpu.memref_squeeze %parallel_loop3A_884 : memref<1x128x128xf32, #tpu.memory_space<vmem>> -> memref<128x128xf32, #tpu.memory_space<vmem>>
        tpu.vector_store_idx %parallel_loop3A_885[%parallel_loop3A_831, %add3A_20], %parallel_loop3A_881 : memref<128x128xf32, #tpu.memory_space<vmem>>[vector<16xi32>, vector<16xi32>], vector<16xf32>,
        %parallel_loop3A_886 = arith.constant 0 : i32
        %parallel_loop3A_887 = arith.constant 0 : i32
        %parallel_loop3A_888 = tpu.memref_slice %arg9[%parallel_loop3A_785, %parallel_loop3A_886, %parallel_loop3A_887] : memref<2x128x128xf32, #tpu.memory_space<vmem>> -> memref<1x128x128xf32, #tpu.memory_space<vmem>>
        %parallel_loop3A_889 = tpu.memref_squeeze %parallel_loop3A_888 : memref<1x128x128xf32, #tpu.memory_space<vmem>> -> memref<128x128xf32, #tpu.memory_space<vmem>>
        %parallel_loop3A_890 = tpu.vector_load_idx %parallel_loop3A_889[%add3A_23, %parallel_loop3A_831] : memref<128x128xf32, #tpu.memory_space<vmem>>[vector<16xi32>, vector<16xi32>], vector<16xf32>,
        %parallel_loop3A_891 = arith.constant 0 : i32
        %parallel_loop3A_892 = arith.constant 0 : i32
        %parallel_loop3A_893 = tpu.memref_slice %arg11[%parallel_loop3A_786, %parallel_loop3A_891, %parallel_loop3A_892] : memref<2x128x128xf32, #tpu.memory_space<vmem>> -> memref<1x128x128xf32, #tpu.memory_space<vmem>>
        %parallel_loop3A_894 = tpu.memref_squeeze %parallel_loop3A_893 : memref<1x128x128xf32, #tpu.memory_space<vmem>> -> memref<128x128xf32, #tpu.memory_space<vmem>>
        tpu.vector_store_idx %parallel_loop3A_894[%parallel_loop3A_831, %add3A_23], %parallel_loop3A_890 : memref<128x128xf32, #tpu.memory_space<vmem>>[vector<16xi32>, vector<16xi32>], vector<16xf32>,
        %parallel_loop3A_895 = arith.constant 0 : i32
        %parallel_loop3A_896 = arith.constant 0 : i32
        %parallel_loop3A_897 = tpu.memref_slice %arg9[%parallel_loop3A_785, %parallel_loop3A_895, %parallel_loop3A_896] : memref<2x128x128xf32, #tpu.memory_space<vmem>> -> memref<1x128x128xf32, #tpu.memory_space<vmem>>
        %parallel_loop3A_898 = tpu.memref_squeeze %parallel_loop3A_897 : memref<1x128x128xf32, #tpu.memory_space<vmem>> -> memref<128x128xf32, #tpu.memory_space<vmem>>
        %parallel_loop3A_899 = tpu.vector_load_idx %parallel_loop3A_898[%add3A_26, %parallel_loop3A_831] : memref<128x128xf32, #tpu.memory_space<vmem>>[vector<16xi32>, vector<16xi32>], vector<16xf32>,
        %parallel_loop3A_900 = arith.constant 0 : i32
        %parallel_loop3A_901 = arith.constant 0 : i32
        %parallel_loop3A_902 = tpu.memref_slice %arg11[%parallel_loop3A_786, %parallel_loop3A_900, %parallel_loop3A_901] : memref<2x128x128xf32, #tpu.memory_space<vmem>> -> memref<1x128x128xf32, #tpu.memory_space<vmem>>
        %parallel_loop3A_903 = tpu.memref_squeeze %parallel_loop3A_902 : memref<1x128x128xf32, #tpu.memory_space<vmem>> -> memref<128x128xf32, #tpu.memory_space<vmem>>
        tpu.vector_store_idx %parallel_loop3A_903[%parallel_loop3A_831, %add3A_26], %parallel_loop3A_899 : memref<128x128xf32, #tpu.memory_space<vmem>>[vector<16xi32>, vector<16xi32>], vector<16xf32>,
      } {sc.loop_unroll_factor = 2 : i64, sc.parallel_access}
      %dma_start3A_787 = arith.constant 1 : i32
      %dma_start3A_788 = arith.constant 0 : i32
      %dma_start3A_789 = arith.constant 0 : i32
      %dma_start3A_790 = tpu.memref_slice %arg11[%dma_start3A_787, %dma_start3A_788, %dma_start3A_789] : memref<2x128x128xf32, #tpu.memory_space<vmem>> -> memref<1x128x128xf32, #tpu.memory_space<vmem>>
      %dma_start3A_791 = tpu.memref_squeeze %dma_start3A_790 : memref<1x128x128xf32, #tpu.memory_space<vmem>> -> memref<128x128xf32, #tpu.memory_space<vmem>>
      %dma_start3A_792 = arith.constant 0 : i32
      %dma_start3A_793 = tpu.memref_slice %arg6[%add3A_691, %dma_start3A_792, %mul3A_2] : memref<50x192x4096xf32, #tpu.memory_space<hbm>> -> memref<1x128x128xf32, #tpu.memory_space<hbm>>
      %dma_start3A_794 = tpu.memref_squeeze %dma_start3A_793 : memref<1x128x128xf32, #tpu.memory_space<hbm>> -> memref<128x128xf32, #tpu.memory_space<hbm>>
      %dma_start3A_795 = arith.constant 0 : i32
      %dma_start3A_796 = tpu.memref_slice %arg6[%add3A_691, %dma_start3A_795, %mul3A_2] : memref<50x192x4096xf32, #tpu.memory_space<hbm>> -> memref<1x128x128xf32, #tpu.memory_space<hbm>>
      %dma_start3A_797 = tpu.memref_squeeze %dma_start3A_796 : memref<1x128x128xf32, #tpu.memory_space<hbm>> -> memref<128x128xf32, #tpu.memory_space<hbm>>
      %dma_start3A_798 = arith.constant 0 : i32
      %dma_start3A_799 = arith.constant 0 : i32
      %dma_start3A_800 = tpu.memref_slice %arg11[%dma_start3A_787, %dma_start3A_798, %dma_start3A_799] : memref<2x128x128xf32, #tpu.memory_space<vmem>> -> memref<1x128x128xf32, #tpu.memory_space<vmem>>
      %dma_start3A_801 = tpu.memref_squeeze %dma_start3A_800 : memref<1x128x128xf32, #tpu.memory_space<vmem>> -> memref<128x128xf32, #tpu.memory_space<vmem>>
      tpu.enqueue_dma source(%dma_start3A_801 : memref<128x128xf32, #tpu.memory_space<vmem>>) target(%dma_start3A_797 : memref<128x128xf32, #tpu.memory_space<hbm>>) target_semaphore(%arg16 : memref<!tpu.dma_semaphore, #tpu.memory_space<semaphore_mem>>)
      %parallel_loop3A_802 = arith.constant 0 : i32
      %parallel_loop3A_803 = arith.constant 64 : i32
      %parallel_loop3A_804 = arith.constant 1 : i32
      %parallel_loop3A_805 = arith.constant 1 : i32
      %parallel_loop3A_806 = arith.constant 1 : i32
      scf.for %parallel_loop3A_822 = %parallel_loop3A_802 to %parallel_loop3A_803 step %parallel_loop3A_804  : i32 {
        %parallel_loop3A_823 = vector.broadcast %parallel_loop3A_822 : i32 to vector<16xi32>
        %parallel_loop3A_824 = arith.addi %iota3A, %parallel_loop3A_823 : vector<16xi32>
        %parallel_loop3A_825 = arith.constant 15 : i32
        %parallel_loop3A_826 = vector.broadcast %parallel_loop3A_825 : i32 to vector<16xi32>
        %parallel_loop3A_827 = arith.andi %parallel_loop3A_824, %parallel_loop3A_826 : vector<16xi32>
        %parallel_loop3A_828 = arith.constant -16 : i32
        %parallel_loop3A_829 = arith.andi %parallel_loop3A_822, %parallel_loop3A_828 : i32
        %parallel_loop3A_830 = vector.broadcast %parallel_loop3A_829 : i32 to vector<16xi32>
        %parallel_loop3A_831 = arith.addi %parallel_loop3A_827, %parallel_loop3A_830 : vector<16xi32>
        %parallel_loop3A_832 = arith.constant 0 : i32
        %parallel_loop3A_833 = arith.constant 0 : i32
        %parallel_loop3A_834 = tpu.memref_slice %arg10[%parallel_loop3A_805, %parallel_loop3A_832, %parallel_loop3A_833] : memref<2x128x128xf32, #tpu.memory_space<vmem>> -> memref<1x128x128xf32, #tpu.memory_space<vmem>>
        %parallel_loop3A_835 = tpu.memref_squeeze %parallel_loop3A_834 : memref<1x128x128xf32, #tpu.memory_space<vmem>> -> memref<128x128xf32, #tpu.memory_space<vmem>>
        %parallel_loop3A_836 = tpu.vector_load_idx %parallel_loop3A_835[%add3A_5, %parallel_loop3A_831] : memref<128x128xf32, #tpu.memory_space<vmem>>[vector<16xi32>, vector<16xi32>], vector<16xf32>,
        %parallel_loop3A_837 = arith.constant 0 : i32
        %parallel_loop3A_838 = arith.constant 0 : i32
        %parallel_loop3A_839 = tpu.memref_slice %arg12[%parallel_loop3A_806, %parallel_loop3A_837, %parallel_loop3A_838] : memref<2x64x128xf32, #tpu.memory_space<vmem>> -> memref<1x64x128xf32, #tpu.memory_space<vmem>>
        %parallel_loop3A_840 = tpu.memref_squeeze %parallel_loop3A_839 : memref<1x64x128xf32, #tpu.memory_space<vmem>> -> memref<64x128xf32, #tpu.memory_space<vmem>>
        tpu.vector_store_idx %parallel_loop3A_840[%parallel_loop3A_831, %add3A_5], %parallel_loop3A_836 : memref<64x128xf32, #tpu.memory_space<vmem>>[vector<16xi32>, vector<16xi32>], vector<16xf32>,
        %parallel_loop3A_841 = arith.constant 0 : i32
        %parallel_loop3A_842 = arith.constant 0 : i32
        %parallel_loop3A_843 = tpu.memref_slice %arg10[%parallel_loop3A_805, %parallel_loop3A_841, %parallel_loop3A_842] : memref<2x128x128xf32, #tpu.memory_space<vmem>> -> memref<1x128x128xf32, #tpu.memory_space<vmem>>
        %parallel_loop3A_844 = tpu.memref_squeeze %parallel_loop3A_843 : memref<1x128x128xf32, #tpu.memory_space<vmem>> -> memref<128x128xf32, #tpu.memory_space<vmem>>
        %parallel_loop3A_845 = tpu.vector_load_idx %parallel_loop3A_844[%add3A_8, %parallel_loop3A_831] : memref<128x128xf32, #tpu.memory_space<vmem>>[vector<16xi32>, vector<16xi32>], vector<16xf32>,
        %parallel_loop3A_846 = arith.constant 0 : i32
        %parallel_loop3A_847 = arith.constant 0 : i32
        %parallel_loop3A_848 = tpu.memref_slice %arg12[%parallel_loop3A_806, %parallel_loop3A_846, %parallel_loop3A_847] : memref<2x64x128xf32, #tpu.memory_space<vmem>> -> memref<1x64x128xf32, #tpu.memory_space<vmem>>
        %parallel_loop3A_849 = tpu.memref_squeeze %parallel_loop3A_848 : memref<1x64x128xf32, #tpu.memory_space<vmem>> -> memref<64x128xf32, #tpu.memory_space<vmem>>
        tpu.vector_store_idx %parallel_loop3A_849[%parallel_loop3A_831, %add3A_8], %parallel_loop3A_845 : memref<64x128xf32, #tpu.memory_space<vmem>>[vector<16xi32>, vector<16xi32>], vector<16xf32>,
        %parallel_loop3A_850 = arith.constant 0 : i32
        %parallel_loop3A_851 = arith.constant 0 : i32
        %parallel_loop3A_852 = tpu.memref_slice %arg10[%parallel_loop3A_805, %parallel_loop3A_850, %parallel_loop3A_851] : memref<2x128x128xf32, #tpu.memory_space<vmem>> -> memref<1x128x128xf32, #tpu.memory_space<vmem>>
        %parallel_loop3A_853 = tpu.memref_squeeze %parallel_loop3A_852 : memref<1x128x128xf32, #tpu.memory_space<vmem>> -> memref<128x128xf32, #tpu.memory_space<vmem>>
        %parallel_loop3A_854 = tpu.vector_load_idx %parallel_loop3A_853[%add3A_11, %parallel_loop3A_831] : memref<128x128xf32, #tpu.memory_space<vmem>>[vector<16xi32>, vector<16xi32>], vector<16xf32>,
        %parallel_loop3A_855 = arith.constant 0 : i32
        %parallel_loop3A_856 = arith.constant 0 : i32
        %parallel_loop3A_857 = tpu.memref_slice %arg12[%parallel_loop3A_806, %parallel_loop3A_855, %parallel_loop3A_856] : memref<2x64x128xf32, #tpu.memory_space<vmem>> -> memref<1x64x128xf32, #tpu.memory_space<vmem>>
        %parallel_loop3A_858 = tpu.memref_squeeze %parallel_loop3A_857 : memref<1x64x128xf32, #tpu.memory_space<vmem>> -> memref<64x128xf32, #tpu.memory_space<vmem>>
        tpu.vector_store_idx %parallel_loop3A_858[%parallel_loop3A_831, %add3A_11], %parallel_loop3A_854 : memref<64x128xf32, #tpu.memory_space<vmem>>[vector<16xi32>, vector<16xi32>], vector<16xf32>,
        %parallel_loop3A_859 = arith.constant 0 : i32
        %parallel_loop3A_860 = arith.constant 0 : i32
        %parallel_loop3A_861 = tpu.memref_slice %arg10[%parallel_loop3A_805, %parallel_loop3A_859, %parallel_loop3A_860] : memref<2x128x128xf32, #tpu.memory_space<vmem>> -> memref<1x128x128xf32, #tpu.memory_space<vmem>>
        %parallel_loop3A_862 = tpu.memref_squeeze %parallel_loop3A_861 : memref<1x128x128xf32, #tpu.memory_space<vmem>> -> memref<128x128xf32, #tpu.memory_space<vmem>>
        %parallel_loop3A_863 = tpu.vector_load_idx %parallel_loop3A_862[%add3A_14, %parallel_loop3A_831] : memref<128x128xf32, #tpu.memory_space<vmem>>[vector<16xi32>, vector<16xi32>], vector<16xf32>,
        %parallel_loop3A_864 = arith.constant 0 : i32
        %parallel_loop3A_865 = arith.constant 0 : i32
        %parallel_loop3A_866 = tpu.memref_slice %arg12[%parallel_loop3A_806, %parallel_loop3A_864, %parallel_loop3A_865] : memref<2x64x128xf32, #tpu.memory_space<vmem>> -> memref<1x64x128xf32, #tpu.memory_space<vmem>>
        %parallel_loop3A_867 = tpu.memref_squeeze %parallel_loop3A_866 : memref<1x64x128xf32, #tpu.memory_space<vmem>> -> memref<64x128xf32, #tpu.memory_space<vmem>>
        tpu.vector_store_idx %parallel_loop3A_867[%parallel_loop3A_831, %add3A_14], %parallel_loop3A_863 : memref<64x128xf32, #tpu.memory_space<vmem>>[vector<16xi32>, vector<16xi32>], vector<16xf32>,
        %parallel_loop3A_868 = arith.constant 0 : i32
        %parallel_loop3A_869 = arith.constant 0 : i32
        %parallel_loop3A_870 = tpu.memref_slice %arg10[%parallel_loop3A_805, %parallel_loop3A_868, %parallel_loop3A_869] : memref<2x128x128xf32, #tpu.memory_space<vmem>> -> memref<1x128x128xf32, #tpu.memory_space<vmem>>
        %parallel_loop3A_871 = tpu.memref_squeeze %parallel_loop3A_870 : memref<1x128x128xf32, #tpu.memory_space<vmem>> -> memref<128x128xf32, #tpu.memory_space<vmem>>
        %parallel_loop3A_872 = tpu.vector_load_idx %parallel_loop3A_871[%add3A_17, %parallel_loop3A_831] : memref<128x128xf32, #tpu.memory_space<vmem>>[vector<16xi32>, vector<16xi32>], vector<16xf32>,
        %parallel_loop3A_873 = arith.constant 0 : i32
        %parallel_loop3A_874 = arith.constant 0 : i32
        %parallel_loop3A_875 = tpu.memref_slice %arg12[%parallel_loop3A_806, %parallel_loop3A_873, %parallel_loop3A_874] : memref<2x64x128xf32, #tpu.memory_space<vmem>> -> memref<1x64x128xf32, #tpu.memory_space<vmem>>
        %parallel_loop3A_876 = tpu.memref_squeeze %parallel_loop3A_875 : memref<1x64x128xf32, #tpu.memory_space<vmem>> -> memref<64x128xf32, #tpu.memory_space<vmem>>
        tpu.vector_store_idx %parallel_loop3A_876[%parallel_loop3A_831, %add3A_17], %parallel_loop3A_872 : memref<64x128xf32, #tpu.memory_space<vmem>>[vector<16xi32>, vector<16xi32>], vector<16xf32>,
        %parallel_loop3A_877 = arith.constant 0 : i32
        %parallel_loop3A_878 = arith.constant 0 : i32
        %parallel_loop3A_879 = tpu.memref_slice %arg10[%parallel_loop3A_805, %parallel_loop3A_877, %parallel_loop3A_878] : memref<2x128x128xf32, #tpu.memory_space<vmem>> -> memref<1x128x128xf32, #tpu.memory_space<vmem>>
        %parallel_loop3A_880 = tpu.memref_squeeze %parallel_loop3A_879 : memref<1x128x128xf32, #tpu.memory_space<vmem>> -> memref<128x128xf32, #tpu.memory_space<vmem>>
        %parallel_loop3A_881 = tpu.vector_load_idx %parallel_loop3A_880[%add3A_20, %parallel_loop3A_831] : memref<128x128xf32, #tpu.memory_space<vmem>>[vector<16xi32>, vector<16xi32>], vector<16xf32>,
        %parallel_loop3A_882 = arith.constant 0 : i32
        %parallel_loop3A_883 = arith.constant 0 : i32
        %parallel_loop3A_884 = tpu.memref_slice %arg12[%parallel_loop3A_806, %parallel_loop3A_882, %parallel_loop3A_883] : memref<2x64x128xf32, #tpu.memory_space<vmem>> -> memref<1x64x128xf32, #tpu.memory_space<vmem>>
        %parallel_loop3A_885 = tpu.memref_squeeze %parallel_loop3A_884 : memref<1x64x128xf32, #tpu.memory_space<vmem>> -> memref<64x128xf32, #tpu.memory_space<vmem>>
        tpu.vector_store_idx %parallel_loop3A_885[%parallel_loop3A_831, %add3A_20], %parallel_loop3A_881 : memref<64x128xf32, #tpu.memory_space<vmem>>[vector<16xi32>, vector<16xi32>], vector<16xf32>,
        %parallel_loop3A_886 = arith.constant 0 : i32
        %parallel_loop3A_887 = arith.constant 0 : i32
        %parallel_loop3A_888 = tpu.memref_slice %arg10[%parallel_loop3A_805, %parallel_loop3A_886, %parallel_loop3A_887] : memref<2x128x128xf32, #tpu.memory_space<vmem>> -> memref<1x128x128xf32, #tpu.memory_space<vmem>>
        %parallel_loop3A_889 = tpu.memref_squeeze %parallel_loop3A_888 : memref<1x128x128xf32, #tpu.memory_space<vmem>> -> memref<128x128xf32, #tpu.memory_space<vmem>>
        %parallel_loop3A_890 = tpu.vector_load_idx %parallel_loop3A_889[%add3A_23, %parallel_loop3A_831] : memref<128x128xf32, #tpu.memory_space<vmem>>[vector<16xi32>, vector<16xi32>], vector<16xf32>,
        %parallel_loop3A_891 = arith.constant 0 : i32
        %parallel_loop3A_892 = arith.constant 0 : i32
        %parallel_loop3A_893 = tpu.memref_slice %arg12[%parallel_loop3A_806, %parallel_loop3A_891, %parallel_loop3A_892] : memref<2x64x128xf32, #tpu.memory_space<vmem>> -> memref<1x64x128xf32, #tpu.memory_space<vmem>>
        %parallel_loop3A_894 = tpu.memref_squeeze %parallel_loop3A_893 : memref<1x64x128xf32, #tpu.memory_space<vmem>> -> memref<64x128xf32, #tpu.memory_space<vmem>>
        tpu.vector_store_idx %parallel_loop3A_894[%parallel_loop3A_831, %add3A_23], %parallel_loop3A_890 : memref<64x128xf32, #tpu.memory_space<vmem>>[vector<16xi32>, vector<16xi32>], vector<16xf32>,
        %parallel_loop3A_895 = arith.constant 0 : i32
        %parallel_loop3A_896 = arith.constant 0 : i32
        %parallel_loop3A_897 = tpu.memref_slice %arg10[%parallel_loop3A_805, %parallel_loop3A_895, %parallel_loop3A_896] : memref<2x128x128xf32, #tpu.memory_space<vmem>> -> memref<1x128x128xf32, #tpu.memory_space<vmem>>
        %parallel_loop3A_898 = tpu.memref_squeeze %parallel_loop3A_897 : memref<1x128x128xf32, #tpu.memory_space<vmem>> -> memref<128x128xf32, #tpu.memory_space<vmem>>
        %parallel_loop3A_899 = tpu.vector_load_idx %parallel_loop3A_898[%add3A_26, %parallel_loop3A_831] : memref<128x128xf32, #tpu.memory_space<vmem>>[vector<16xi32>, vector<16xi32>], vector<16xf32>,
        %parallel_loop3A_900 = arith.constant 0 : i32
        %parallel_loop3A_901 = arith.constant 0 : i32
        %parallel_loop3A_902 = tpu.memref_slice %arg12[%parallel_loop3A_806, %parallel_loop3A_900, %parallel_loop3A_901] : memref<2x64x128xf32, #tpu.memory_space<vmem>> -> memref<1x64x128xf32, #tpu.memory_space<vmem>>
        %parallel_loop3A_903 = tpu.memref_squeeze %parallel_loop3A_902 : memref<1x64x128xf32, #tpu.memory_space<vmem>> -> memref<64x128xf32, #tpu.memory_space<vmem>>
        tpu.vector_store_idx %parallel_loop3A_903[%parallel_loop3A_831, %add3A_26], %parallel_loop3A_899 : memref<64x128xf32, #tpu.memory_space<vmem>>[vector<16xi32>, vector<16xi32>], vector<16xf32>,
      } {sc.loop_unroll_factor = 2 : i64, sc.parallel_access}
      %dma_start3A_807 = arith.constant 1 : i32
      %dma_start3A_808 = arith.constant 0 : i32
      %dma_start3A_809 = arith.constant 0 : i32
      %dma_start3A_810 = tpu.memref_slice %arg12[%dma_start3A_807, %dma_start3A_808, %dma_start3A_809] : memref<2x64x128xf32, #tpu.memory_space<vmem>> -> memref<1x64x128xf32, #tpu.memory_space<vmem>>
      %dma_start3A_811 = tpu.memref_squeeze %dma_start3A_810 : memref<1x64x128xf32, #tpu.memory_space<vmem>> -> memref<64x128xf32, #tpu.memory_space<vmem>>
      %dma_start3A_812 = arith.constant 128 : i32
      %dma_start3A_813 = tpu.memref_slice %arg6[%add3A_691, %dma_start3A_812, %mul3A_2] : memref<50x192x4096xf32, #tpu.memory_space<hbm>> -> memref<1x64x128xf32, #tpu.memory_space<hbm>>
      %dma_start3A_814 = tpu.memref_squeeze %dma_start3A_813 : memref<1x64x128xf32, #tpu.memory_space<hbm>> -> memref<64x128xf32, #tpu.memory_space<hbm>>
      %dma_start3A_815 = arith.constant 128 : i32
      %dma_start3A_816 = tpu.memref_slice %arg6[%add3A_691, %dma_start3A_815, %mul3A_2] : memref<50x192x4096xf32, #tpu.memory_space<hbm>> -> memref<1x64x128xf32, #tpu.memory_space<hbm>>
      %dma_start3A_817 = tpu.memref_squeeze %dma_start3A_816 : memref<1x64x128xf32, #tpu.memory_space<hbm>> -> memref<64x128xf32, #tpu.memory_space<hbm>>
      %dma_start3A_818 = arith.constant 0 : i32
      %dma_start3A_819 = arith.constant 0 : i32
      %dma_start3A_820 = tpu.memref_slice %arg12[%dma_start3A_807, %dma_start3A_818, %dma_start3A_819] : memref<2x64x128xf32, #tpu.memory_space<vmem>> -> memref<1x64x128xf32, #tpu.memory_space<vmem>>
      %dma_start3A_821 = tpu.memref_squeeze %dma_start3A_820 : memref<1x64x128xf32, #tpu.memory_space<vmem>> -> memref<64x128xf32, #tpu.memory_space<vmem>>
      tpu.enqueue_dma source(%dma_start3A_821 : memref<64x128xf32, #tpu.memory_space<vmem>>) target(%dma_start3A_817 : memref<64x128xf32, #tpu.memory_space<hbm>>) target_semaphore(%arg16 : memref<!tpu.dma_semaphore, #tpu.memory_space<semaphore_mem>>)
    }
    %scan3A_244 = arith.constant 23 : i32
    %dma_start3A_245 = arith.constant 49 : i32
    %dma_start3A_246 = arith.constant 1 : i32
    %dma_start3A_247 = arith.constant 0 : i32
    %dma_start3A_248 = arith.constant 0 : i32
    %dma_start3A_249 = tpu.memref_slice %arg9[%dma_start3A_246, %dma_start3A_247, %dma_start3A_248] : memref<2x128x128xf32, #tpu.memory_space<vmem>> -> memref<1x128x128xf32, #tpu.memory_space<vmem>>
    %dma_start3A_250 = tpu.memref_squeeze %dma_start3A_249 : memref<1x128x128xf32, #tpu.memory_space<vmem>> -> memref<128x128xf32, #tpu.memory_space<vmem>>
    %dma_start3A_251 = arith.constant 0 : i32
    %dma_start3A_252 = tpu.memref_slice %arg7[%dma_start3A_245, %dma_start3A_251] : memref<50x128xi32, #tpu.memory_space<vmem>> -> memref<1x128xi32, #tpu.memory_space<vmem>>
    %dma_start3A_253 = tpu.memref_squeeze %dma_start3A_252 : memref<1x128xi32, #tpu.memory_space<vmem>> -> memref<128xi32, #tpu.memory_space<vmem>>
    %dma_start3A_254 = arith.constant 0 : i32
    %dma_start3A_255 = arith.constant 0 : i32
    %dma_start3A_256 = tpu.memref_slice %arg4[%dma_start3A_254, %dma_start3A_255] : memref<100000x128xf32, #tpu.memory_space<hbm>> -> memref<100000x128xf32, #tpu.memory_space<hbm>>
    tpu.enqueue_indirect_dma source(%dma_start3A_256 : memref<100000x128xf32, #tpu.memory_space<hbm>>) target(%dma_start3A_250 : memref<128x128xf32, #tpu.memory_space<vmem>>) offsets(%dma_start3A_253 : memref<128xi32, #tpu.memory_space<vmem>>) semaphore(%arg14 : memref<!tpu.dma_semaphore, #tpu.memory_space<semaphore_mem>>)
    %dma_start3A_257 = arith.constant 49 : i32
    %dma_start3A_258 = arith.constant 1 : i32
    %dma_start3A_259 = arith.constant 0 : i32
    %dma_start3A_260 = arith.constant 0 : i32
    %dma_start3A_261 = tpu.memref_slice %arg10[%dma_start3A_258, %dma_start3A_259, %dma_start3A_260] : memref<2x128x128xf32, #tpu.memory_space<vmem>> -> memref<1x128x128xf32, #tpu.memory_space<vmem>>
    %dma_start3A_262 = tpu.memref_squeeze %dma_start3A_261 : memref<1x128x128xf32, #tpu.memory_space<vmem>> -> memref<128x128xf32, #tpu.memory_space<vmem>>
    %dma_start3A_263 = arith.constant 0 : i32
    %dma_start3A_264 = tpu.memref_slice %arg8[%dma_start3A_257, %dma_start3A_263] : memref<50x128xi32, #tpu.memory_space<vmem>> -> memref<1x128xi32, #tpu.memory_space<vmem>>
    %dma_start3A_265 = tpu.memref_squeeze %dma_start3A_264 : memref<1x128xi32, #tpu.memory_space<vmem>> -> memref<128xi32, #tpu.memory_space<vmem>>
    %dma_start3A_266 = arith.constant 0 : i32
    %dma_start3A_267 = arith.constant 0 : i32
    %dma_start3A_268 = tpu.memref_slice %arg5[%dma_start3A_266, %dma_start3A_267] : memref<1000x128xf32, #tpu.memory_space<hbm>> -> memref<1000x128xf32, #tpu.memory_space<hbm>>
    tpu.enqueue_indirect_dma source(%dma_start3A_268 : memref<1000x128xf32, #tpu.memory_space<hbm>>) target(%dma_start3A_262 : memref<128x128xf32, #tpu.memory_space<vmem>>) offsets(%dma_start3A_265 : memref<128xi32, #tpu.memory_space<vmem>>) semaphore(%arg14 : memref<!tpu.dma_semaphore, #tpu.memory_space<semaphore_mem>>)
    %dma_wait3A_269 = arith.constant 0 : i32
    %dma_wait3A_270 = arith.constant 0 : i32
    %dma_wait3A_271 = arith.constant 0 : i32
    %dma_wait3A_272 = tpu.memref_slice %arg9[%dma_wait3A_269, %dma_wait3A_270, %dma_wait3A_271] : memref<2x128x128xf32, #tpu.memory_space<vmem>> -> memref<1x128x128xf32, #tpu.memory_space<vmem>>
    %dma_wait3A_273 = tpu.memref_squeeze %dma_wait3A_272 : memref<1x128x128xf32, #tpu.memory_space<vmem>> -> memref<128x128xf32, #tpu.memory_space<vmem>>
    %dma_wait3A_274 = arith.constant 0 : i32
    %dma_wait3A_275 = arith.constant 0 : i32
    %dma_wait3A_276 = tpu.memref_slice %arg4[%dma_wait3A_274, %dma_wait3A_275] : memref<100000x128xf32, #tpu.memory_space<hbm>> -> memref<128x128xf32, #tpu.memory_space<hbm>>
    %dma_wait3A_277 = arith.constant 0 : i32
    %dma_wait3A_278 = arith.constant 0 : i32
    %dma_wait3A_279 = tpu.memref_slice %arg9[%dma_wait3A_269, %dma_wait3A_277, %dma_wait3A_278] : memref<2x128x128xf32, #tpu.memory_space<vmem>> -> memref<1x128x128xf32, #tpu.memory_space<vmem>>
    %dma_wait3A_280 = tpu.memref_squeeze %dma_wait3A_279 : memref<1x128x128xf32, #tpu.memory_space<vmem>> -> memref<128x128xf32, #tpu.memory_space<vmem>>
    %dma_wait3A_281 = arith.constant 0 : i32
    %dma_wait3A_282 = arith.constant 0 : i32
    %dma_wait3A_283 = tpu.memref_slice %arg4[%dma_wait3A_281, %dma_wait3A_282] : memref<100000x128xf32, #tpu.memory_space<hbm>> -> memref<128x128xf32, #tpu.memory_space<hbm>>
    tpu.wait_dma2 semaphore(%arg13 : memref<!tpu.dma_semaphore, #tpu.memory_space<semaphore_mem>>) src(%dma_wait3A_283 : memref<128x128xf32, #tpu.memory_space<hbm>>) dst(%dma_wait3A_280 : memref<128x128xf32, #tpu.memory_space<vmem>>)
    %dma_wait3A_284 = arith.constant 0 : i32
    %dma_wait3A_285 = arith.constant 0 : i32
    %dma_wait3A_286 = arith.constant 0 : i32
    %dma_wait3A_287 = tpu.memref_slice %arg10[%dma_wait3A_284, %dma_wait3A_285, %dma_wait3A_286] : memref<2x128x128xf32, #tpu.memory_space<vmem>> -> memref<1x128x128xf32, #tpu.memory_space<vmem>>
    %dma_wait3A_288 = tpu.memref_squeeze %dma_wait3A_287 : memref<1x128x128xf32, #tpu.memory_space<vmem>> -> memref<128x128xf32, #tpu.memory_space<vmem>>
    %dma_wait3A_289 = arith.constant 0 : i32
    %dma_wait3A_290 = arith.constant 0 : i32
    %dma_wait3A_291 = tpu.memref_slice %arg5[%dma_wait3A_289, %dma_wait3A_290] : memref<1000x128xf32, #tpu.memory_space<hbm>> -> memref<128x128xf32, #tpu.memory_space<hbm>>
    %dma_wait3A_292 = arith.constant 0 : i32
    %dma_wait3A_293 = arith.constant 0 : i32
    %dma_wait3A_294 = tpu.memref_slice %arg10[%dma_wait3A_284, %dma_wait3A_292, %dma_wait3A_293] : memref<2x128x128xf32, #tpu.memory_space<vmem>> -> memref<1x128x128xf32, #tpu.memory_space<vmem>>
    %dma_wait3A_295 = tpu.memref_squeeze %dma_wait3A_294 : memref<1x128x128xf32, #tpu.memory_space<vmem>> -> memref<128x128xf32, #tpu.memory_space<vmem>>
    %dma_wait3A_296 = arith.constant 0 : i32
    %dma_wait3A_297 = arith.constant 0 : i32
    %dma_wait3A_298 = tpu.memref_slice %arg5[%dma_wait3A_296, %dma_wait3A_297] : memref<1000x128xf32, #tpu.memory_space<hbm>> -> memref<128x128xf32, #tpu.memory_space<hbm>>
    tpu.wait_dma2 semaphore(%arg13 : memref<!tpu.dma_semaphore, #tpu.memory_space<semaphore_mem>>) src(%dma_wait3A_298 : memref<128x128xf32, #tpu.memory_space<hbm>>) dst(%dma_wait3A_295 : memref<128x128xf32, #tpu.memory_space<vmem>>)
    %dma_wait3A_299 = arith.constant 0 : i32
    %dma_wait3A_300 = arith.constant 0 : i32
    %dma_wait3A_301 = arith.constant 0 : i32
    %dma_wait3A_302 = arith.constant 0 : i32
    %dma_wait3A_303 = tpu.memref_slice %arg11[%dma_wait3A_299, %dma_wait3A_301, %dma_wait3A_302] : memref<2x128x128xf32, #tpu.memory_space<vmem>> -> memref<1x128x128xf32, #tpu.memory_space<vmem>>
    %dma_wait3A_304 = tpu.memref_squeeze %dma_wait3A_303 : memref<1x128x128xf32, #tpu.memory_space<vmem>> -> memref<128x128xf32, #tpu.memory_space<vmem>>
    %dma_wait3A_305 = arith.constant 0 : i32
    %dma_wait3A_306 = arith.constant 0 : i32
    %dma_wait3A_307 = tpu.memref_slice %arg6[%dma_wait3A_300, %dma_wait3A_305, %dma_wait3A_306] : memref<50x192x4096xf32, #tpu.memory_space<hbm>> -> memref<1x128x128xf32, #tpu.memory_space<hbm>>
    %dma_wait3A_308 = tpu.memref_squeeze %dma_wait3A_307 : memref<1x128x128xf32, #tpu.memory_space<hbm>> -> memref<128x128xf32, #tpu.memory_space<hbm>>
    %dma_wait3A_309 = arith.constant 0 : i32
    %dma_wait3A_310 = arith.constant 0 : i32
    %dma_wait3A_311 = tpu.memref_slice %arg6[%dma_wait3A_300, %dma_wait3A_309, %dma_wait3A_310] : memref<50x192x4096xf32, #tpu.memory_space<hbm>> -> memref<1x128x128xf32, #tpu.memory_space<hbm>>
    %dma_wait3A_312 = tpu.memref_squeeze %dma_wait3A_311 : memref<1x128x128xf32, #tpu.memory_space<hbm>> -> memref<128x128xf32, #tpu.memory_space<hbm>>
    %dma_wait3A_313 = arith.constant 0 : i32
    %dma_wait3A_314 = arith.constant 0 : i32
    %dma_wait3A_315 = tpu.memref_slice %arg11[%dma_wait3A_299, %dma_wait3A_313, %dma_wait3A_314] : memref<2x128x128xf32, #tpu.memory_space<vmem>> -> memref<1x128x128xf32, #tpu.memory_space<vmem>>
    %dma_wait3A_316 = tpu.memref_squeeze %dma_wait3A_315 : memref<1x128x128xf32, #tpu.memory_space<vmem>> -> memref<128x128xf32, #tpu.memory_space<vmem>>
    tpu.wait_dma2 semaphore(%arg15 : memref<!tpu.dma_semaphore, #tpu.memory_space<semaphore_mem>>) src(%dma_wait3A_316 : memref<128x128xf32, #tpu.memory_space<vmem>>) dst(%dma_wait3A_312 : memref<128x128xf32, #tpu.memory_space<hbm>>)
    %dma_wait3A_317 = arith.constant 0 : i32
    %dma_wait3A_318 = arith.constant 0 : i32
    %dma_wait3A_319 = arith.constant 0 : i32
    %dma_wait3A_320 = arith.constant 0 : i32
    %dma_wait3A_321 = tpu.memref_slice %arg12[%dma_wait3A_317, %dma_wait3A_319, %dma_wait3A_320] : memref<2x64x128xf32, #tpu.memory_space<vmem>> -> memref<1x64x128xf32, #tpu.memory_space<vmem>>
    %dma_wait3A_322 = tpu.memref_squeeze %dma_wait3A_321 : memref<1x64x128xf32, #tpu.memory_space<vmem>> -> memref<64x128xf32, #tpu.memory_space<vmem>>
    %dma_wait3A_323 = arith.constant 128 : i32
    %dma_wait3A_324 = arith.constant 0 : i32
    %dma_wait3A_325 = tpu.memref_slice %arg6[%dma_wait3A_318, %dma_wait3A_323, %dma_wait3A_324] : memref<50x192x4096xf32, #tpu.memory_space<hbm>> -> memref<1x64x128xf32, #tpu.memory_space<hbm>>
    %dma_wait3A_326 = tpu.memref_squeeze %dma_wait3A_325 : memref<1x64x128xf32, #tpu.memory_space<hbm>> -> memref<64x128xf32, #tpu.memory_space<hbm>>
    %dma_wait3A_327 = arith.constant 128 : i32
    %dma_wait3A_328 = arith.constant 0 : i32
    %dma_wait3A_329 = tpu.memref_slice %arg6[%dma_wait3A_318, %dma_wait3A_327, %dma_wait3A_328] : memref<50x192x4096xf32, #tpu.memory_space<hbm>> -> memref<1x64x128xf32, #tpu.memory_space<hbm>>
    %dma_wait3A_330 = tpu.memref_squeeze %dma_wait3A_329 : memref<1x64x128xf32, #tpu.memory_space<hbm>> -> memref<64x128xf32, #tpu.memory_space<hbm>>
    %dma_wait3A_331 = arith.constant 0 : i32
    %dma_wait3A_332 = arith.constant 0 : i32
    %dma_wait3A_333 = tpu.memref_slice %arg12[%dma_wait3A_317, %dma_wait3A_331, %dma_wait3A_332] : memref<2x64x128xf32, #tpu.memory_space<vmem>> -> memref<1x64x128xf32, #tpu.memory_space<vmem>>
    %dma_wait3A_334 = tpu.memref_squeeze %dma_wait3A_333 : memref<1x64x128xf32, #tpu.memory_space<vmem>> -> memref<64x128xf32, #tpu.memory_space<vmem>>
    tpu.wait_dma2 semaphore(%arg15 : memref<!tpu.dma_semaphore, #tpu.memory_space<semaphore_mem>>) src(%dma_wait3A_334 : memref<64x128xf32, #tpu.memory_space<vmem>>) dst(%dma_wait3A_330 : memref<64x128xf32, #tpu.memory_space<hbm>>)
    %parallel_loop3A_335 = arith.constant 0 : i32
    %parallel_loop3A_336 = arith.constant 128 : i32
    %parallel_loop3A_337 = arith.constant 1 : i32
    %parallel_loop3A_338 = arith.constant 0 : i32
    %parallel_loop3A_339 = arith.constant 0 : i32
    scf.for %parallel_loop3A_557 = %parallel_loop3A_335 to %parallel_loop3A_336 step %parallel_loop3A_337  : i32 {
      %parallel_loop3A_558 = vector.broadcast %parallel_loop3A_557 : i32 to vector<16xi32>
      %parallel_loop3A_559 = arith.addi %iota3A, %parallel_loop3A_558 : vector<16xi32>
      %parallel_loop3A_560 = arith.constant 15 : i32
      %parallel_loop3A_561 = vector.broadcast %parallel_loop3A_560 : i32 to vector<16xi32>
      %parallel_loop3A_562 = arith.andi %parallel_loop3A_559, %parallel_loop3A_561 : vector<16xi32>
      %parallel_loop3A_563 = arith.constant -16 : i32
      %parallel_loop3A_564 = arith.andi %parallel_loop3A_557, %parallel_loop3A_563 : i32
      %parallel_loop3A_565 = vector.broadcast %parallel_loop3A_564 : i32 to vector<16xi32>
      %parallel_loop3A_566 = arith.addi %parallel_loop3A_562, %parallel_loop3A_565 : vector<16xi32>
      %parallel_loop3A_567 = arith.constant 0 : i32
      %parallel_loop3A_568 = arith.constant 0 : i32
      %parallel_loop3A_569 = tpu.memref_slice %arg9[%parallel_loop3A_338, %parallel_loop3A_567, %parallel_loop3A_568] : memref<2x128x128xf32, #tpu.memory_space<vmem>> -> memref<1x128x128xf32, #tpu.memory_space<vmem>>
      %parallel_loop3A_570 = tpu.memref_squeeze %parallel_loop3A_569 : memref<1x128x128xf32, #tpu.memory_space<vmem>> -> memref<128x128xf32, #tpu.memory_space<vmem>>
      %parallel_loop3A_571 = tpu.vector_load_idx %parallel_loop3A_570[%add3A_5, %parallel_loop3A_566] : memref<128x128xf32, #tpu.memory_space<vmem>>[vector<16xi32>, vector<16xi32>], vector<16xf32>,
      %parallel_loop3A_572 = arith.constant 0 : i32
      %parallel_loop3A_573 = arith.constant 0 : i32
      %parallel_loop3A_574 = tpu.memref_slice %arg11[%parallel_loop3A_339, %parallel_loop3A_572, %parallel_loop3A_573] : memref<2x128x128xf32, #tpu.memory_space<vmem>> -> memref<1x128x128xf32, #tpu.memory_space<vmem>>
      %parallel_loop3A_575 = tpu.memref_squeeze %parallel_loop3A_574 : memref<1x128x128xf32, #tpu.memory_space<vmem>> -> memref<128x128xf32, #tpu.memory_space<vmem>>
      tpu.vector_store_idx %parallel_loop3A_575[%parallel_loop3A_566, %add3A_5], %parallel_loop3A_571 : memref<128x128xf32, #tpu.memory_space<vmem>>[vector<16xi32>, vector<16xi32>], vector<16xf32>,
      %parallel_loop3A_576 = arith.constant 0 : i32
      %parallel_loop3A_577 = arith.constant 0 : i32
      %parallel_loop3A_578 = tpu.memref_slice %arg9[%parallel_loop3A_338, %parallel_loop3A_576, %parallel_loop3A_577] : memref<2x128x128xf32, #tpu.memory_space<vmem>> -> memref<1x128x128xf32, #tpu.memory_space<vmem>>
      %parallel_loop3A_579 = tpu.memref_squeeze %parallel_loop3A_578 : memref<1x128x128xf32, #tpu.memory_space<vmem>> -> memref<128x128xf32, #tpu.memory_space<vmem>>
      %parallel_loop3A_580 = tpu.vector_load_idx %parallel_loop3A_579[%add3A_8, %parallel_loop3A_566] : memref<128x128xf32, #tpu.memory_space<vmem>>[vector<16xi32>, vector<16xi32>], vector<16xf32>,
      %parallel_loop3A_581 = arith.constant 0 : i32
      %parallel_loop3A_582 = arith.constant 0 : i32
      %parallel_loop3A_583 = tpu.memref_slice %arg11[%parallel_loop3A_339, %parallel_loop3A_581, %parallel_loop3A_582] : memref<2x128x128xf32, #tpu.memory_space<vmem>> -> memref<1x128x128xf32, #tpu.memory_space<vmem>>
      %parallel_loop3A_584 = tpu.memref_squeeze %parallel_loop3A_583 : memref<1x128x128xf32, #tpu.memory_space<vmem>> -> memref<128x128xf32, #tpu.memory_space<vmem>>
      tpu.vector_store_idx %parallel_loop3A_584[%parallel_loop3A_566, %add3A_8], %parallel_loop3A_580 : memref<128x128xf32, #tpu.memory_space<vmem>>[vector<16xi32>, vector<16xi32>], vector<16xf32>,
      %parallel_loop3A_585 = arith.constant 0 : i32
      %parallel_loop3A_586 = arith.constant 0 : i32
      %parallel_loop3A_587 = tpu.memref_slice %arg9[%parallel_loop3A_338, %parallel_loop3A_585, %parallel_loop3A_586] : memref<2x128x128xf32, #tpu.memory_space<vmem>> -> memref<1x128x128xf32, #tpu.memory_space<vmem>>
      %parallel_loop3A_588 = tpu.memref_squeeze %parallel_loop3A_587 : memref<1x128x128xf32, #tpu.memory_space<vmem>> -> memref<128x128xf32, #tpu.memory_space<vmem>>
      %parallel_loop3A_589 = tpu.vector_load_idx %parallel_loop3A_588[%add3A_11, %parallel_loop3A_566] : memref<128x128xf32, #tpu.memory_space<vmem>>[vector<16xi32>, vector<16xi32>], vector<16xf32>,
      %parallel_loop3A_590 = arith.constant 0 : i32
      %parallel_loop3A_591 = arith.constant 0 : i32
      %parallel_loop3A_592 = tpu.memref_slice %arg11[%parallel_loop3A_339, %parallel_loop3A_590, %parallel_loop3A_591] : memref<2x128x128xf32, #tpu.memory_space<vmem>> -> memref<1x128x128xf32, #tpu.memory_space<vmem>>
      %parallel_loop3A_593 = tpu.memref_squeeze %parallel_loop3A_592 : memref<1x128x128xf32, #tpu.memory_space<vmem>> -> memref<128x128xf32, #tpu.memory_space<vmem>>
      tpu.vector_store_idx %parallel_loop3A_593[%parallel_loop3A_566, %add3A_11], %parallel_loop3A_589 : memref<128x128xf32, #tpu.memory_space<vmem>>[vector<16xi32>, vector<16xi32>], vector<16xf32>,
      %parallel_loop3A_594 = arith.constant 0 : i32
      %parallel_loop3A_595 = arith.constant 0 : i32
      %parallel_loop3A_596 = tpu.memref_slice %arg9[%parallel_loop3A_338, %parallel_loop3A_594, %parallel_loop3A_595] : memref<2x128x128xf32, #tpu.memory_space<vmem>> -> memref<1x128x128xf32, #tpu.memory_space<vmem>>
      %parallel_loop3A_597 = tpu.memref_squeeze %parallel_loop3A_596 : memref<1x128x128xf32, #tpu.memory_space<vmem>> -> memref<128x128xf32, #tpu.memory_space<vmem>>
      %parallel_loop3A_598 = tpu.vector_load_idx %parallel_loop3A_597[%add3A_14, %parallel_loop3A_566] : memref<128x128xf32, #tpu.memory_space<vmem>>[vector<16xi32>, vector<16xi32>], vector<16xf32>,
      %parallel_loop3A_599 = arith.constant 0 : i32
      %parallel_loop3A_600 = arith.constant 0 : i32
      %parallel_loop3A_601 = tpu.memref_slice %arg11[%parallel_loop3A_339, %parallel_loop3A_599, %parallel_loop3A_600] : memref<2x128x128xf32, #tpu.memory_space<vmem>> -> memref<1x128x128xf32, #tpu.memory_space<vmem>>
      %parallel_loop3A_602 = tpu.memref_squeeze %parallel_loop3A_601 : memref<1x128x128xf32, #tpu.memory_space<vmem>> -> memref<128x128xf32, #tpu.memory_space<vmem>>
      tpu.vector_store_idx %parallel_loop3A_602[%parallel_loop3A_566, %add3A_14], %parallel_loop3A_598 : memref<128x128xf32, #tpu.memory_space<vmem>>[vector<16xi32>, vector<16xi32>], vector<16xf32>,
      %parallel_loop3A_603 = arith.constant 0 : i32
      %parallel_loop3A_604 = arith.constant 0 : i32
      %parallel_loop3A_605 = tpu.memref_slice %arg9[%parallel_loop3A_338, %parallel_loop3A_603, %parallel_loop3A_604] : memref<2x128x128xf32, #tpu.memory_space<vmem>> -> memref<1x128x128xf32, #tpu.memory_space<vmem>>
      %parallel_loop3A_606 = tpu.memref_squeeze %parallel_loop3A_605 : memref<1x128x128xf32, #tpu.memory_space<vmem>> -> memref<128x128xf32, #tpu.memory_space<vmem>>
      %parallel_loop3A_607 = tpu.vector_load_idx %parallel_loop3A_606[%add3A_17, %parallel_loop3A_566] : memref<128x128xf32, #tpu.memory_space<vmem>>[vector<16xi32>, vector<16xi32>], vector<16xf32>,
      %parallel_loop3A_608 = arith.constant 0 : i32
      %parallel_loop3A_609 = arith.constant 0 : i32
      %parallel_loop3A_610 = tpu.memref_slice %arg11[%parallel_loop3A_339, %parallel_loop3A_608, %parallel_loop3A_609] : memref<2x128x128xf32, #tpu.memory_space<vmem>> -> memref<1x128x128xf32, #tpu.memory_space<vmem>>
      %parallel_loop3A_611 = tpu.memref_squeeze %parallel_loop3A_610 : memref<1x128x128xf32, #tpu.memory_space<vmem>> -> memref<128x128xf32, #tpu.memory_space<vmem>>
      tpu.vector_store_idx %parallel_loop3A_611[%parallel_loop3A_566, %add3A_17], %parallel_loop3A_607 : memref<128x128xf32, #tpu.memory_space<vmem>>[vector<16xi32>, vector<16xi32>], vector<16xf32>,
      %parallel_loop3A_612 = arith.constant 0 : i32
      %parallel_loop3A_613 = arith.constant 0 : i32
      %parallel_loop3A_614 = tpu.memref_slice %arg9[%parallel_loop3A_338, %parallel_loop3A_612, %parallel_loop3A_613] : memref<2x128x128xf32, #tpu.memory_space<vmem>> -> memref<1x128x128xf32, #tpu.memory_space<vmem>>
      %parallel_loop3A_615 = tpu.memref_squeeze %parallel_loop3A_614 : memref<1x128x128xf32, #tpu.memory_space<vmem>> -> memref<128x128xf32, #tpu.memory_space<vmem>>
      %parallel_loop3A_616 = tpu.vector_load_idx %parallel_loop3A_615[%add3A_20, %parallel_loop3A_566] : memref<128x128xf32, #tpu.memory_space<vmem>>[vector<16xi32>, vector<16xi32>], vector<16xf32>,
      %parallel_loop3A_617 = arith.constant 0 : i32
      %parallel_loop3A_618 = arith.constant 0 : i32
      %parallel_loop3A_619 = tpu.memref_slice %arg11[%parallel_loop3A_339, %parallel_loop3A_617, %parallel_loop3A_618] : memref<2x128x128xf32, #tpu.memory_space<vmem>> -> memref<1x128x128xf32, #tpu.memory_space<vmem>>
      %parallel_loop3A_620 = tpu.memref_squeeze %parallel_loop3A_619 : memref<1x128x128xf32, #tpu.memory_space<vmem>> -> memref<128x128xf32, #tpu.memory_space<vmem>>
      tpu.vector_store_idx %parallel_loop3A_620[%parallel_loop3A_566, %add3A_20], %parallel_loop3A_616 : memref<128x128xf32, #tpu.memory_space<vmem>>[vector<16xi32>, vector<16xi32>], vector<16xf32>,
      %parallel_loop3A_621 = arith.constant 0 : i32
      %parallel_loop3A_622 = arith.constant 0 : i32
      %parallel_loop3A_623 = tpu.memref_slice %arg9[%parallel_loop3A_338, %parallel_loop3A_621, %parallel_loop3A_622] : memref<2x128x128xf32, #tpu.memory_space<vmem>> -> memref<1x128x128xf32, #tpu.memory_space<vmem>>
      %parallel_loop3A_624 = tpu.memref_squeeze %parallel_loop3A_623 : memref<1x128x128xf32, #tpu.memory_space<vmem>> -> memref<128x128xf32, #tpu.memory_space<vmem>>
      %parallel_loop3A_625 = tpu.vector_load_idx %parallel_loop3A_624[%add3A_23, %parallel_loop3A_566] : memref<128x128xf32, #tpu.memory_space<vmem>>[vector<16xi32>, vector<16xi32>], vector<16xf32>,
      %parallel_loop3A_626 = arith.constant 0 : i32
      %parallel_loop3A_627 = arith.constant 0 : i32
      %parallel_loop3A_628 = tpu.memref_slice %arg11[%parallel_loop3A_339, %parallel_loop3A_626, %parallel_loop3A_627] : memref<2x128x128xf32, #tpu.memory_space<vmem>> -> memref<1x128x128xf32, #tpu.memory_space<vmem>>
      %parallel_loop3A_629 = tpu.memref_squeeze %parallel_loop3A_628 : memref<1x128x128xf32, #tpu.memory_space<vmem>> -> memref<128x128xf32, #tpu.memory_space<vmem>>
      tpu.vector_store_idx %parallel_loop3A_629[%parallel_loop3A_566, %add3A_23], %parallel_loop3A_625 : memref<128x128xf32, #tpu.memory_space<vmem>>[vector<16xi32>, vector<16xi32>], vector<16xf32>,
      %parallel_loop3A_630 = arith.constant 0 : i32
      %parallel_loop3A_631 = arith.constant 0 : i32
      %parallel_loop3A_632 = tpu.memref_slice %arg9[%parallel_loop3A_338, %parallel_loop3A_630, %parallel_loop3A_631] : memref<2x128x128xf32, #tpu.memory_space<vmem>> -> memref<1x128x128xf32, #tpu.memory_space<vmem>>
      %parallel_loop3A_633 = tpu.memref_squeeze %parallel_loop3A_632 : memref<1x128x128xf32, #tpu.memory_space<vmem>> -> memref<128x128xf32, #tpu.memory_space<vmem>>
      %parallel_loop3A_634 = tpu.vector_load_idx %parallel_loop3A_633[%add3A_26, %parallel_loop3A_566] : memref<128x128xf32, #tpu.memory_space<vmem>>[vector<16xi32>, vector<16xi32>], vector<16xf32>,
      %parallel_loop3A_635 = arith.constant 0 : i32
      %parallel_loop3A_636 = arith.constant 0 : i32
      %parallel_loop3A_637 = tpu.memref_slice %arg11[%parallel_loop3A_339, %parallel_loop3A_635, %parallel_loop3A_636] : memref<2x128x128xf32, #tpu.memory_space<vmem>> -> memref<1x128x128xf32, #tpu.memory_space<vmem>>
      %parallel_loop3A_638 = tpu.memref_squeeze %parallel_loop3A_637 : memref<1x128x128xf32, #tpu.memory_space<vmem>> -> memref<128x128xf32, #tpu.memory_space<vmem>>
      tpu.vector_store_idx %parallel_loop3A_638[%parallel_loop3A_566, %add3A_26], %parallel_loop3A_634 : memref<128x128xf32, #tpu.memory_space<vmem>>[vector<16xi32>, vector<16xi32>], vector<16xf32>,
    } {sc.loop_unroll_factor = 2 : i64, sc.parallel_access}
    %dma_start3A_340 = arith.constant 0 : i32
    %dma_start3A_341 = arith.constant 48 : i32
    %dma_start3A_342 = arith.constant 0 : i32
    %dma_start3A_343 = arith.constant 0 : i32
    %dma_start3A_344 = tpu.memref_slice %arg11[%dma_start3A_340, %dma_start3A_342, %dma_start3A_343] : memref<2x128x128xf32, #tpu.memory_space<vmem>> -> memref<1x128x128xf32, #tpu.memory_space<vmem>>
    %dma_start3A_345 = tpu.memref_squeeze %dma_start3A_344 : memref<1x128x128xf32, #tpu.memory_space<vmem>> -> memref<128x128xf32, #tpu.memory_space<vmem>>
    %dma_start3A_346 = arith.constant 0 : i32
    %dma_start3A_347 = tpu.memref_slice %arg6[%dma_start3A_341, %dma_start3A_346, %mul3A_2] : memref<50x192x4096xf32, #tpu.memory_space<hbm>> -> memref<1x128x128xf32, #tpu.memory_space<hbm>>
    %dma_start3A_348 = tpu.memref_squeeze %dma_start3A_347 : memref<1x128x128xf32, #tpu.memory_space<hbm>> -> memref<128x128xf32, #tpu.memory_space<hbm>>
    %dma_start3A_349 = arith.constant 0 : i32
    %dma_start3A_350 = tpu.memref_slice %arg6[%dma_start3A_341, %dma_start3A_349, %mul3A_2] : memref<50x192x4096xf32, #tpu.memory_space<hbm>> -> memref<1x128x128xf32, #tpu.memory_space<hbm>>
    %dma_start3A_351 = tpu.memref_squeeze %dma_start3A_350 : memref<1x128x128xf32, #tpu.memory_space<hbm>> -> memref<128x128xf32, #tpu.memory_space<hbm>>
    %dma_start3A_352 = arith.constant 0 : i32
    %dma_start3A_353 = arith.constant 0 : i32
    %dma_start3A_354 = tpu.memref_slice %arg11[%dma_start3A_340, %dma_start3A_352, %dma_start3A_353] : memref<2x128x128xf32, #tpu.memory_space<vmem>> -> memref<1x128x128xf32, #tpu.memory_space<vmem>>
    %dma_start3A_355 = tpu.memref_squeeze %dma_start3A_354 : memref<1x128x128xf32, #tpu.memory_space<vmem>> -> memref<128x128xf32, #tpu.memory_space<vmem>>
    tpu.enqueue_dma source(%dma_start3A_355 : memref<128x128xf32, #tpu.memory_space<vmem>>) target(%dma_start3A_351 : memref<128x128xf32, #tpu.memory_space<hbm>>) target_semaphore(%arg15 : memref<!tpu.dma_semaphore, #tpu.memory_space<semaphore_mem>>)
    %parallel_loop3A_356 = arith.constant 0 : i32
    %parallel_loop3A_357 = arith.constant 64 : i32
    %parallel_loop3A_358 = arith.constant 1 : i32
    %parallel_loop3A_359 = arith.constant 0 : i32
    %parallel_loop3A_360 = arith.constant 0 : i32
    scf.for %parallel_loop3A_557 = %parallel_loop3A_356 to %parallel_loop3A_357 step %parallel_loop3A_358  : i32 {
      %parallel_loop3A_558 = vector.broadcast %parallel_loop3A_557 : i32 to vector<16xi32>
      %parallel_loop3A_559 = arith.addi %iota3A, %parallel_loop3A_558 : vector<16xi32>
      %parallel_loop3A_560 = arith.constant 15 : i32
      %parallel_loop3A_561 = vector.broadcast %parallel_loop3A_560 : i32 to vector<16xi32>
      %parallel_loop3A_562 = arith.andi %parallel_loop3A_559, %parallel_loop3A_561 : vector<16xi32>
      %parallel_loop3A_563 = arith.constant -16 : i32
      %parallel_loop3A_564 = arith.andi %parallel_loop3A_557, %parallel_loop3A_563 : i32
      %parallel_loop3A_565 = vector.broadcast %parallel_loop3A_564 : i32 to vector<16xi32>
      %parallel_loop3A_566 = arith.addi %parallel_loop3A_562, %parallel_loop3A_565 : vector<16xi32>
      %parallel_loop3A_567 = arith.constant 0 : i32
      %parallel_loop3A_568 = arith.constant 0 : i32
      %parallel_loop3A_569 = tpu.memref_slice %arg10[%parallel_loop3A_359, %parallel_loop3A_567, %parallel_loop3A_568] : memref<2x128x128xf32, #tpu.memory_space<vmem>> -> memref<1x128x128xf32, #tpu.memory_space<vmem>>
      %parallel_loop3A_570 = tpu.memref_squeeze %parallel_loop3A_569 : memref<1x128x128xf32, #tpu.memory_space<vmem>> -> memref<128x128xf32, #tpu.memory_space<vmem>>
      %parallel_loop3A_571 = tpu.vector_load_idx %parallel_loop3A_570[%add3A_5, %parallel_loop3A_566] : memref<128x128xf32, #tpu.memory_space<vmem>>[vector<16xi32>, vector<16xi32>], vector<16xf32>,
      %parallel_loop3A_572 = arith.constant 0 : i32
      %parallel_loop3A_573 = arith.constant 0 : i32
      %parallel_loop3A_574 = tpu.memref_slice %arg12[%parallel_loop3A_360, %parallel_loop3A_572, %parallel_loop3A_573] : memref<2x64x128xf32, #tpu.memory_space<vmem>> -> memref<1x64x128xf32, #tpu.memory_space<vmem>>
      %parallel_loop3A_575 = tpu.memref_squeeze %parallel_loop3A_574 : memref<1x64x128xf32, #tpu.memory_space<vmem>> -> memref<64x128xf32, #tpu.memory_space<vmem>>
      tpu.vector_store_idx %parallel_loop3A_575[%parallel_loop3A_566, %add3A_5], %parallel_loop3A_571 : memref<64x128xf32, #tpu.memory_space<vmem>>[vector<16xi32>, vector<16xi32>], vector<16xf32>,
      %parallel_loop3A_576 = arith.constant 0 : i32
      %parallel_loop3A_577 = arith.constant 0 : i32
      %parallel_loop3A_578 = tpu.memref_slice %arg10[%parallel_loop3A_359, %parallel_loop3A_576, %parallel_loop3A_577] : memref<2x128x128xf32, #tpu.memory_space<vmem>> -> memref<1x128x128xf32, #tpu.memory_space<vmem>>
      %parallel_loop3A_579 = tpu.memref_squeeze %parallel_loop3A_578 : memref<1x128x128xf32, #tpu.memory_space<vmem>> -> memref<128x128xf32, #tpu.memory_space<vmem>>
      %parallel_loop3A_580 = tpu.vector_load_idx %parallel_loop3A_579[%add3A_8, %parallel_loop3A_566] : memref<128x128xf32, #tpu.memory_space<vmem>>[vector<16xi32>, vector<16xi32>], vector<16xf32>,
      %parallel_loop3A_581 = arith.constant 0 : i32
      %parallel_loop3A_582 = arith.constant 0 : i32
      %parallel_loop3A_583 = tpu.memref_slice %arg12[%parallel_loop3A_360, %parallel_loop3A_581, %parallel_loop3A_582] : memref<2x64x128xf32, #tpu.memory_space<vmem>> -> memref<1x64x128xf32, #tpu.memory_space<vmem>>
      %parallel_loop3A_584 = tpu.memref_squeeze %parallel_loop3A_583 : memref<1x64x128xf32, #tpu.memory_space<vmem>> -> memref<64x128xf32, #tpu.memory_space<vmem>>
      tpu.vector_store_idx %parallel_loop3A_584[%parallel_loop3A_566, %add3A_8], %parallel_loop3A_580 : memref<64x128xf32, #tpu.memory_space<vmem>>[vector<16xi32>, vector<16xi32>], vector<16xf32>,
      %parallel_loop3A_585 = arith.constant 0 : i32
      %parallel_loop3A_586 = arith.constant 0 : i32
      %parallel_loop3A_587 = tpu.memref_slice %arg10[%parallel_loop3A_359, %parallel_loop3A_585, %parallel_loop3A_586] : memref<2x128x128xf32, #tpu.memory_space<vmem>> -> memref<1x128x128xf32, #tpu.memory_space<vmem>>
      %parallel_loop3A_588 = tpu.memref_squeeze %parallel_loop3A_587 : memref<1x128x128xf32, #tpu.memory_space<vmem>> -> memref<128x128xf32, #tpu.memory_space<vmem>>
      %parallel_loop3A_589 = tpu.vector_load_idx %parallel_loop3A_588[%add3A_11, %parallel_loop3A_566] : memref<128x128xf32, #tpu.memory_space<vmem>>[vector<16xi32>, vector<16xi32>], vector<16xf32>,
      %parallel_loop3A_590 = arith.constant 0 : i32
      %parallel_loop3A_591 = arith.constant 0 : i32
      %parallel_loop3A_592 = tpu.memref_slice %arg12[%parallel_loop3A_360, %parallel_loop3A_590, %parallel_loop3A_591] : memref<2x64x128xf32, #tpu.memory_space<vmem>> -> memref<1x64x128xf32, #tpu.memory_space<vmem>>
      %parallel_loop3A_593 = tpu.memref_squeeze %parallel_loop3A_592 : memref<1x64x128xf32, #tpu.memory_space<vmem>> -> memref<64x128xf32, #tpu.memory_space<vmem>>
      tpu.vector_store_idx %parallel_loop3A_593[%parallel_loop3A_566, %add3A_11], %parallel_loop3A_589 : memref<64x128xf32, #tpu.memory_space<vmem>>[vector<16xi32>, vector<16xi32>], vector<16xf32>,
      %parallel_loop3A_594 = arith.constant 0 : i32
      %parallel_loop3A_595 = arith.constant 0 : i32
      %parallel_loop3A_596 = tpu.memref_slice %arg10[%parallel_loop3A_359, %parallel_loop3A_594, %parallel_loop3A_595] : memref<2x128x128xf32, #tpu.memory_space<vmem>> -> memref<1x128x128xf32, #tpu.memory_space<vmem>>
      %parallel_loop3A_597 = tpu.memref_squeeze %parallel_loop3A_596 : memref<1x128x128xf32, #tpu.memory_space<vmem>> -> memref<128x128xf32, #tpu.memory_space<vmem>>
      %parallel_loop3A_598 = tpu.vector_load_idx %parallel_loop3A_597[%add3A_14, %parallel_loop3A_566] : memref<128x128xf32, #tpu.memory_space<vmem>>[vector<16xi32>, vector<16xi32>], vector<16xf32>,
      %parallel_loop3A_599 = arith.constant 0 : i32
      %parallel_loop3A_600 = arith.constant 0 : i32
      %parallel_loop3A_601 = tpu.memref_slice %arg12[%parallel_loop3A_360, %parallel_loop3A_599, %parallel_loop3A_600] : memref<2x64x128xf32, #tpu.memory_space<vmem>> -> memref<1x64x128xf32, #tpu.memory_space<vmem>>
      %parallel_loop3A_602 = tpu.memref_squeeze %parallel_loop3A_601 : memref<1x64x128xf32, #tpu.memory_space<vmem>> -> memref<64x128xf32, #tpu.memory_space<vmem>>
      tpu.vector_store_idx %parallel_loop3A_602[%parallel_loop3A_566, %add3A_14], %parallel_loop3A_598 : memref<64x128xf32, #tpu.memory_space<vmem>>[vector<16xi32>, vector<16xi32>], vector<16xf32>,
      %parallel_loop3A_603 = arith.constant 0 : i32
      %parallel_loop3A_604 = arith.constant 0 : i32
      %parallel_loop3A_605 = tpu.memref_slice %arg10[%parallel_loop3A_359, %parallel_loop3A_603, %parallel_loop3A_604] : memref<2x128x128xf32, #tpu.memory_space<vmem>> -> memref<1x128x128xf32, #tpu.memory_space<vmem>>
      %parallel_loop3A_606 = tpu.memref_squeeze %parallel_loop3A_605 : memref<1x128x128xf32, #tpu.memory_space<vmem>> -> memref<128x128xf32, #tpu.memory_space<vmem>>
      %parallel_loop3A_607 = tpu.vector_load_idx %parallel_loop3A_606[%add3A_17, %parallel_loop3A_566] : memref<128x128xf32, #tpu.memory_space<vmem>>[vector<16xi32>, vector<16xi32>], vector<16xf32>,
      %parallel_loop3A_608 = arith.constant 0 : i32
      %parallel_loop3A_609 = arith.constant 0 : i32
      %parallel_loop3A_610 = tpu.memref_slice %arg12[%parallel_loop3A_360, %parallel_loop3A_608, %parallel_loop3A_609] : memref<2x64x128xf32, #tpu.memory_space<vmem>> -> memref<1x64x128xf32, #tpu.memory_space<vmem>>
      %parallel_loop3A_611 = tpu.memref_squeeze %parallel_loop3A_610 : memref<1x64x128xf32, #tpu.memory_space<vmem>> -> memref<64x128xf32, #tpu.memory_space<vmem>>
      tpu.vector_store_idx %parallel_loop3A_611[%parallel_loop3A_566, %add3A_17], %parallel_loop3A_607 : memref<64x128xf32, #tpu.memory_space<vmem>>[vector<16xi32>, vector<16xi32>], vector<16xf32>,
      %parallel_loop3A_612 = arith.constant 0 : i32
      %parallel_loop3A_613 = arith.constant 0 : i32
      %parallel_loop3A_614 = tpu.memref_slice %arg10[%parallel_loop3A_359, %parallel_loop3A_612, %parallel_loop3A_613] : memref<2x128x128xf32, #tpu.memory_space<vmem>> -> memref<1x128x128xf32, #tpu.memory_space<vmem>>
      %parallel_loop3A_615 = tpu.memref_squeeze %parallel_loop3A_614 : memref<1x128x128xf32, #tpu.memory_space<vmem>> -> memref<128x128xf32, #tpu.memory_space<vmem>>
      %parallel_loop3A_616 = tpu.vector_load_idx %parallel_loop3A_615[%add3A_20, %parallel_loop3A_566] : memref<128x128xf32, #tpu.memory_space<vmem>>[vector<16xi32>, vector<16xi32>], vector<16xf32>,
      %parallel_loop3A_617 = arith.constant 0 : i32
      %parallel_loop3A_618 = arith.constant 0 : i32
      %parallel_loop3A_619 = tpu.memref_slice %arg12[%parallel_loop3A_360, %parallel_loop3A_617, %parallel_loop3A_618] : memref<2x64x128xf32, #tpu.memory_space<vmem>> -> memref<1x64x128xf32, #tpu.memory_space<vmem>>
      %parallel_loop3A_620 = tpu.memref_squeeze %parallel_loop3A_619 : memref<1x64x128xf32, #tpu.memory_space<vmem>> -> memref<64x128xf32, #tpu.memory_space<vmem>>
      tpu.vector_store_idx %parallel_loop3A_620[%parallel_loop3A_566, %add3A_20], %parallel_loop3A_616 : memref<64x128xf32, #tpu.memory_space<vmem>>[vector<16xi32>, vector<16xi32>], vector<16xf32>,
      %parallel_loop3A_621 = arith.constant 0 : i32
      %parallel_loop3A_622 = arith.constant 0 : i32
      %parallel_loop3A_623 = tpu.memref_slice %arg10[%parallel_loop3A_359, %parallel_loop3A_621, %parallel_loop3A_622] : memref<2x128x128xf32, #tpu.memory_space<vmem>> -> memref<1x128x128xf32, #tpu.memory_space<vmem>>
      %parallel_loop3A_624 = tpu.memref_squeeze %parallel_loop3A_623 : memref<1x128x128xf32, #tpu.memory_space<vmem>> -> memref<128x128xf32, #tpu.memory_space<vmem>>
      %parallel_loop3A_625 = tpu.vector_load_idx %parallel_loop3A_624[%add3A_23, %parallel_loop3A_566] : memref<128x128xf32, #tpu.memory_space<vmem>>[vector<16xi32>, vector<16xi32>], vector<16xf32>,
      %parallel_loop3A_626 = arith.constant 0 : i32
      %parallel_loop3A_627 = arith.constant 0 : i32
      %parallel_loop3A_628 = tpu.memref_slice %arg12[%parallel_loop3A_360, %parallel_loop3A_626, %parallel_loop3A_627] : memref<2x64x128xf32, #tpu.memory_space<vmem>> -> memref<1x64x128xf32, #tpu.memory_space<vmem>>
      %parallel_loop3A_629 = tpu.memref_squeeze %parallel_loop3A_628 : memref<1x64x128xf32, #tpu.memory_space<vmem>> -> memref<64x128xf32, #tpu.memory_space<vmem>>
      tpu.vector_store_idx %parallel_loop3A_629[%parallel_loop3A_566, %add3A_23], %parallel_loop3A_625 : memref<64x128xf32, #tpu.memory_space<vmem>>[vector<16xi32>, vector<16xi32>], vector<16xf32>,
      %parallel_loop3A_630 = arith.constant 0 : i32
      %parallel_loop3A_631 = arith.constant 0 : i32
      %parallel_loop3A_632 = tpu.memref_slice %arg10[%parallel_loop3A_359, %parallel_loop3A_630, %parallel_loop3A_631] : memref<2x128x128xf32, #tpu.memory_space<vmem>> -> memref<1x128x128xf32, #tpu.memory_space<vmem>>
      %parallel_loop3A_633 = tpu.memref_squeeze %parallel_loop3A_632 : memref<1x128x128xf32, #tpu.memory_space<vmem>> -> memref<128x128xf32, #tpu.memory_space<vmem>>
      %parallel_loop3A_634 = tpu.vector_load_idx %parallel_loop3A_633[%add3A_26, %parallel_loop3A_566] : memref<128x128xf32, #tpu.memory_space<vmem>>[vector<16xi32>, vector<16xi32>], vector<16xf32>,
      %parallel_loop3A_635 = arith.constant 0 : i32
      %parallel_loop3A_636 = arith.constant 0 : i32
      %parallel_loop3A_637 = tpu.memref_slice %arg12[%parallel_loop3A_360, %parallel_loop3A_635, %parallel_loop3A_636] : memref<2x64x128xf32, #tpu.memory_space<vmem>> -> memref<1x64x128xf32, #tpu.memory_space<vmem>>
      %parallel_loop3A_638 = tpu.memref_squeeze %parallel_loop3A_637 : memref<1x64x128xf32, #tpu.memory_space<vmem>> -> memref<64x128xf32, #tpu.memory_space<vmem>>
      tpu.vector_store_idx %parallel_loop3A_638[%parallel_loop3A_566, %add3A_26], %parallel_loop3A_634 : memref<64x128xf32, #tpu.memory_space<vmem>>[vector<16xi32>, vector<16xi32>], vector<16xf32>,
    } {sc.loop_unroll_factor = 2 : i64, sc.parallel_access}
    %dma_start3A_361 = arith.constant 0 : i32
    %dma_start3A_362 = arith.constant 48 : i32
    %dma_start3A_363 = arith.constant 0 : i32
    %dma_start3A_364 = arith.constant 0 : i32
    %dma_start3A_365 = tpu.memref_slice %arg12[%dma_start3A_361, %dma_start3A_363, %dma_start3A_364] : memref<2x64x128xf32, #tpu.memory_space<vmem>> -> memref<1x64x128xf32, #tpu.memory_space<vmem>>
    %dma_start3A_366 = tpu.memref_squeeze %dma_start3A_365 : memref<1x64x128xf32, #tpu.memory_space<vmem>> -> memref<64x128xf32, #tpu.memory_space<vmem>>
    %dma_start3A_367 = arith.constant 128 : i32
    %dma_start3A_368 = tpu.memref_slice %arg6[%dma_start3A_362, %dma_start3A_367, %mul3A_2] : memref<50x192x4096xf32, #tpu.memory_space<hbm>> -> memref<1x64x128xf32, #tpu.memory_space<hbm>>
    %dma_start3A_369 = tpu.memref_squeeze %dma_start3A_368 : memref<1x64x128xf32, #tpu.memory_space<hbm>> -> memref<64x128xf32, #tpu.memory_space<hbm>>
    %dma_start3A_370 = arith.constant 128 : i32
    %dma_start3A_371 = tpu.memref_slice %arg6[%dma_start3A_362, %dma_start3A_370, %mul3A_2] : memref<50x192x4096xf32, #tpu.memory_space<hbm>> -> memref<1x64x128xf32, #tpu.memory_space<hbm>>
    %dma_start3A_372 = tpu.memref_squeeze %dma_start3A_371 : memref<1x64x128xf32, #tpu.memory_space<hbm>> -> memref<64x128xf32, #tpu.memory_space<hbm>>
    %dma_start3A_373 = arith.constant 0 : i32
    %dma_start3A_374 = arith.constant 0 : i32
    %dma_start3A_375 = tpu.memref_slice %arg12[%dma_start3A_361, %dma_start3A_373, %dma_start3A_374] : memref<2x64x128xf32, #tpu.memory_space<vmem>> -> memref<1x64x128xf32, #tpu.memory_space<vmem>>
    %dma_start3A_376 = tpu.memref_squeeze %dma_start3A_375 : memref<1x64x128xf32, #tpu.memory_space<vmem>> -> memref<64x128xf32, #tpu.memory_space<vmem>>
    tpu.enqueue_dma source(%dma_start3A_376 : memref<64x128xf32, #tpu.memory_space<vmem>>) target(%dma_start3A_372 : memref<64x128xf32, #tpu.memory_space<hbm>>) target_semaphore(%arg15 : memref<!tpu.dma_semaphore, #tpu.memory_space<semaphore_mem>>)
    %dma_wait3A_377 = arith.constant 1 : i32
    %dma_wait3A_378 = arith.constant 0 : i32
    %dma_wait3A_379 = arith.constant 0 : i32
    %dma_wait3A_380 = tpu.memref_slice %arg9[%dma_wait3A_377, %dma_wait3A_378, %dma_wait3A_379] : memref<2x128x128xf32, #tpu.memory_space<vmem>> -> memref<1x128x128xf32, #tpu.memory_space<vmem>>
    %dma_wait3A_381 = tpu.memref_squeeze %dma_wait3A_380 : memref<1x128x128xf32, #tpu.memory_space<vmem>> -> memref<128x128xf32, #tpu.memory_space<vmem>>
    %dma_wait3A_382 = arith.constant 0 : i32
    %dma_wait3A_383 = arith.constant 0 : i32
    %dma_wait3A_384 = tpu.memref_slice %arg4[%dma_wait3A_382, %dma_wait3A_383] : memref<100000x128xf32, #tpu.memory_space<hbm>> -> memref<128x128xf32, #tpu.memory_space<hbm>>
    %dma_wait3A_385 = arith.constant 0 : i32
    %dma_wait3A_386 = arith.constant 0 : i32
    %dma_wait3A_387 = tpu.memref_slice %arg9[%dma_wait3A_377, %dma_wait3A_385, %dma_wait3A_386] : memref<2x128x128xf32, #tpu.memory_space<vmem>> -> memref<1x128x128xf32, #tpu.memory_space<vmem>>
    %dma_wait3A_388 = tpu.memref_squeeze %dma_wait3A_387 : memref<1x128x128xf32, #tpu.memory_space<vmem>> -> memref<128x128xf32, #tpu.memory_space<vmem>>
    %dma_wait3A_389 = arith.constant 0 : i32
    %dma_wait3A_390 = arith.constant 0 : i32
    %dma_wait3A_391 = tpu.memref_slice %arg4[%dma_wait3A_389, %dma_wait3A_390] : memref<100000x128xf32, #tpu.memory_space<hbm>> -> memref<128x128xf32, #tpu.memory_space<hbm>>
    tpu.wait_dma2 semaphore(%arg14 : memref<!tpu.dma_semaphore, #tpu.memory_space<semaphore_mem>>) src(%dma_wait3A_391 : memref<128x128xf32, #tpu.memory_space<hbm>>) dst(%dma_wait3A_388 : memref<128x128xf32, #tpu.memory_space<vmem>>)
    %dma_wait3A_392 = arith.constant 1 : i32
    %dma_wait3A_393 = arith.constant 0 : i32
    %dma_wait3A_394 = arith.constant 0 : i32
    %dma_wait3A_395 = tpu.memref_slice %arg10[%dma_wait3A_392, %dma_wait3A_393, %dma_wait3A_394] : memref<2x128x128xf32, #tpu.memory_space<vmem>> -> memref<1x128x128xf32, #tpu.memory_space<vmem>>
    %dma_wait3A_396 = tpu.memref_squeeze %dma_wait3A_395 : memref<1x128x128xf32, #tpu.memory_space<vmem>> -> memref<128x128xf32, #tpu.memory_space<vmem>>
    %dma_wait3A_397 = arith.constant 0 : i32
    %dma_wait3A_398 = arith.constant 0 : i32
    %dma_wait3A_399 = tpu.memref_slice %arg5[%dma_wait3A_397, %dma_wait3A_398] : memref<1000x128xf32, #tpu.memory_space<hbm>> -> memref<128x128xf32, #tpu.memory_space<hbm>>
    %dma_wait3A_400 = arith.constant 0 : i32
    %dma_wait3A_401 = arith.constant 0 : i32
    %dma_wait3A_402 = tpu.memref_slice %arg10[%dma_wait3A_392, %dma_wait3A_400, %dma_wait3A_401] : memref<2x128x128xf32, #tpu.memory_space<vmem>> -> memref<1x128x128xf32, #tpu.memory_space<vmem>>
    %dma_wait3A_403 = tpu.memref_squeeze %dma_wait3A_402 : memref<1x128x128xf32, #tpu.memory_space<vmem>> -> memref<128x128xf32, #tpu.memory_space<vmem>>
    %dma_wait3A_404 = arith.constant 0 : i32
    %dma_wait3A_405 = arith.constant 0 : i32
    %dma_wait3A_406 = tpu.memref_slice %arg5[%dma_wait3A_404, %dma_wait3A_405] : memref<1000x128xf32, #tpu.memory_space<hbm>> -> memref<128x128xf32, #tpu.memory_space<hbm>>
    tpu.wait_dma2 semaphore(%arg14 : memref<!tpu.dma_semaphore, #tpu.memory_space<semaphore_mem>>) src(%dma_wait3A_406 : memref<128x128xf32, #tpu.memory_space<hbm>>) dst(%dma_wait3A_403 : memref<128x128xf32, #tpu.memory_space<vmem>>)
    %dma_wait3A_407 = arith.constant 1 : i32
    %dma_wait3A_408 = arith.constant 0 : i32
    %dma_wait3A_409 = arith.constant 0 : i32
    %dma_wait3A_410 = arith.constant 0 : i32
    %dma_wait3A_411 = tpu.memref_slice %arg11[%dma_wait3A_407, %dma_wait3A_409, %dma_wait3A_410] : memref<2x128x128xf32, #tpu.memory_space<vmem>> -> memref<1x128x128xf32, #tpu.memory_space<vmem>>
    %dma_wait3A_412 = tpu.memref_squeeze %dma_wait3A_411 : memref<1x128x128xf32, #tpu.memory_space<vmem>> -> memref<128x128xf32, #tpu.memory_space<vmem>>
    %dma_wait3A_413 = arith.constant 0 : i32
    %dma_wait3A_414 = arith.constant 0 : i32
    %dma_wait3A_415 = tpu.memref_slice %arg6[%dma_wait3A_408, %dma_wait3A_413, %dma_wait3A_414] : memref<50x192x4096xf32, #tpu.memory_space<hbm>> -> memref<1x128x128xf32, #tpu.memory_space<hbm>>
    %dma_wait3A_416 = tpu.memref_squeeze %dma_wait3A_415 : memref<1x128x128xf32, #tpu.memory_space<hbm>> -> memref<128x128xf32, #tpu.memory_space<hbm>>
    %dma_wait3A_417 = arith.constant 0 : i32
    %dma_wait3A_418 = arith.constant 0 : i32
    %dma_wait3A_419 = tpu.memref_slice %arg6[%dma_wait3A_408, %dma_wait3A_417, %dma_wait3A_418] : memref<50x192x4096xf32, #tpu.memory_space<hbm>> -> memref<1x128x128xf32, #tpu.memory_space<hbm>>
    %dma_wait3A_420 = tpu.memref_squeeze %dma_wait3A_419 : memref<1x128x128xf32, #tpu.memory_space<hbm>> -> memref<128x128xf32, #tpu.memory_space<hbm>>
    %dma_wait3A_421 = arith.constant 0 : i32
    %dma_wait3A_422 = arith.constant 0 : i32
    %dma_wait3A_423 = tpu.memref_slice %arg11[%dma_wait3A_407, %dma_wait3A_421, %dma_wait3A_422] : memref<2x128x128xf32, #tpu.memory_space<vmem>> -> memref<1x128x128xf32, #tpu.memory_space<vmem>>
    %dma_wait3A_424 = tpu.memref_squeeze %dma_wait3A_423 : memref<1x128x128xf32, #tpu.memory_space<vmem>> -> memref<128x128xf32, #tpu.memory_space<vmem>>
    tpu.wait_dma2 semaphore(%arg16 : memref<!tpu.dma_semaphore, #tpu.memory_space<semaphore_mem>>) src(%dma_wait3A_424 : memref<128x128xf32, #tpu.memory_space<vmem>>) dst(%dma_wait3A_420 : memref<128x128xf32, #tpu.memory_space<hbm>>)
    %dma_wait3A_425 = arith.constant 1 : i32
    %dma_wait3A_426 = arith.constant 0 : i32
    %dma_wait3A_427 = arith.constant 0 : i32
    %dma_wait3A_428 = arith.constant 0 : i32
    %dma_wait3A_429 = tpu.memref_slice %arg12[%dma_wait3A_425, %dma_wait3A_427, %dma_wait3A_428] : memref<2x64x128xf32, #tpu.memory_space<vmem>> -> memref<1x64x128xf32, #tpu.memory_space<vmem>>
    %dma_wait3A_430 = tpu.memref_squeeze %dma_wait3A_429 : memref<1x64x128xf32, #tpu.memory_space<vmem>> -> memref<64x128xf32, #tpu.memory_space<vmem>>
    %dma_wait3A_431 = arith.constant 128 : i32
    %dma_wait3A_432 = arith.constant 0 : i32
    %dma_wait3A_433 = tpu.memref_slice %arg6[%dma_wait3A_426, %dma_wait3A_431, %dma_wait3A_432] : memref<50x192x4096xf32, #tpu.memory_space<hbm>> -> memref<1x64x128xf32, #tpu.memory_space<hbm>>
    %dma_wait3A_434 = tpu.memref_squeeze %dma_wait3A_433 : memref<1x64x128xf32, #tpu.memory_space<hbm>> -> memref<64x128xf32, #tpu.memory_space<hbm>>
    %dma_wait3A_435 = arith.constant 128 : i32
    %dma_wait3A_436 = arith.constant 0 : i32
    %dma_wait3A_437 = tpu.memref_slice %arg6[%dma_wait3A_426, %dma_wait3A_435, %dma_wait3A_436] : memref<50x192x4096xf32, #tpu.memory_space<hbm>> -> memref<1x64x128xf32, #tpu.memory_space<hbm>>
    %dma_wait3A_438 = tpu.memref_squeeze %dma_wait3A_437 : memref<1x64x128xf32, #tpu.memory_space<hbm>> -> memref<64x128xf32, #tpu.memory_space<hbm>>
    %dma_wait3A_439 = arith.constant 0 : i32
    %dma_wait3A_440 = arith.constant 0 : i32
    %dma_wait3A_441 = tpu.memref_slice %arg12[%dma_wait3A_425, %dma_wait3A_439, %dma_wait3A_440] : memref<2x64x128xf32, #tpu.memory_space<vmem>> -> memref<1x64x128xf32, #tpu.memory_space<vmem>>
    %dma_wait3A_442 = tpu.memref_squeeze %dma_wait3A_441 : memref<1x64x128xf32, #tpu.memory_space<vmem>> -> memref<64x128xf32, #tpu.memory_space<vmem>>
    tpu.wait_dma2 semaphore(%arg16 : memref<!tpu.dma_semaphore, #tpu.memory_space<semaphore_mem>>) src(%dma_wait3A_442 : memref<64x128xf32, #tpu.memory_space<vmem>>) dst(%dma_wait3A_438 : memref<64x128xf32, #tpu.memory_space<hbm>>)
    %parallel_loop3A_443 = arith.constant 0 : i32
    %parallel_loop3A_444 = arith.constant 128 : i32
    %parallel_loop3A_445 = arith.constant 1 : i32
    %parallel_loop3A_446 = arith.constant 1 : i32
    %parallel_loop3A_447 = arith.constant 1 : i32
    scf.for %parallel_loop3A_557 = %parallel_loop3A_443 to %parallel_loop3A_444 step %parallel_loop3A_445  : i32 {
      %parallel_loop3A_558 = vector.broadcast %parallel_loop3A_557 : i32 to vector<16xi32>
      %parallel_loop3A_559 = arith.addi %iota3A, %parallel_loop3A_558 : vector<16xi32>
      %parallel_loop3A_560 = arith.constant 15 : i32
      %parallel_loop3A_561 = vector.broadcast %parallel_loop3A_560 : i32 to vector<16xi32>
      %parallel_loop3A_562 = arith.andi %parallel_loop3A_559, %parallel_loop3A_561 : vector<16xi32>
      %parallel_loop3A_563 = arith.constant -16 : i32
      %parallel_loop3A_564 = arith.andi %parallel_loop3A_557, %parallel_loop3A_563 : i32
      %parallel_loop3A_565 = vector.broadcast %parallel_loop3A_564 : i32 to vector<16xi32>
      %parallel_loop3A_566 = arith.addi %parallel_loop3A_562, %parallel_loop3A_565 : vector<16xi32>
      %parallel_loop3A_567 = arith.constant 0 : i32
      %parallel_loop3A_568 = arith.constant 0 : i32
      %parallel_loop3A_569 = tpu.memref_slice %arg9[%parallel_loop3A_446, %parallel_loop3A_567, %parallel_loop3A_568] : memref<2x128x128xf32, #tpu.memory_space<vmem>> -> memref<1x128x128xf32, #tpu.memory_space<vmem>>
      %parallel_loop3A_570 = tpu.memref_squeeze %parallel_loop3A_569 : memref<1x128x128xf32, #tpu.memory_space<vmem>> -> memref<128x128xf32, #tpu.memory_space<vmem>>
      %parallel_loop3A_571 = tpu.vector_load_idx %parallel_loop3A_570[%add3A_5, %parallel_loop3A_566] : memref<128x128xf32, #tpu.memory_space<vmem>>[vector<16xi32>, vector<16xi32>], vector<16xf32>,
      %parallel_loop3A_572 = arith.constant 0 : i32
      %parallel_loop3A_573 = arith.constant 0 : i32
      %parallel_loop3A_574 = tpu.memref_slice %arg11[%parallel_loop3A_447, %parallel_loop3A_572, %parallel_loop3A_573] : memref<2x128x128xf32, #tpu.memory_space<vmem>> -> memref<1x128x128xf32, #tpu.memory_space<vmem>>
      %parallel_loop3A_575 = tpu.memref_squeeze %parallel_loop3A_574 : memref<1x128x128xf32, #tpu.memory_space<vmem>> -> memref<128x128xf32, #tpu.memory_space<vmem>>
      tpu.vector_store_idx %parallel_loop3A_575[%parallel_loop3A_566, %add3A_5], %parallel_loop3A_571 : memref<128x128xf32, #tpu.memory_space<vmem>>[vector<16xi32>, vector<16xi32>], vector<16xf32>,
      %parallel_loop3A_576 = arith.constant 0 : i32
      %parallel_loop3A_577 = arith.constant 0 : i32
      %parallel_loop3A_578 = tpu.memref_slice %arg9[%parallel_loop3A_446, %parallel_loop3A_576, %parallel_loop3A_577] : memref<2x128x128xf32, #tpu.memory_space<vmem>> -> memref<1x128x128xf32, #tpu.memory_space<vmem>>
      %parallel_loop3A_579 = tpu.memref_squeeze %parallel_loop3A_578 : memref<1x128x128xf32, #tpu.memory_space<vmem>> -> memref<128x128xf32, #tpu.memory_space<vmem>>
      %parallel_loop3A_580 = tpu.vector_load_idx %parallel_loop3A_579[%add3A_8, %parallel_loop3A_566] : memref<128x128xf32, #tpu.memory_space<vmem>>[vector<16xi32>, vector<16xi32>], vector<16xf32>,
      %parallel_loop3A_581 = arith.constant 0 : i32
      %parallel_loop3A_582 = arith.constant 0 : i32
      %parallel_loop3A_583 = tpu.memref_slice %arg11[%parallel_loop3A_447, %parallel_loop3A_581, %parallel_loop3A_582] : memref<2x128x128xf32, #tpu.memory_space<vmem>> -> memref<1x128x128xf32, #tpu.memory_space<vmem>>
      %parallel_loop3A_584 = tpu.memref_squeeze %parallel_loop3A_583 : memref<1x128x128xf32, #tpu.memory_space<vmem>> -> memref<128x128xf32, #tpu.memory_space<vmem>>
      tpu.vector_store_idx %parallel_loop3A_584[%parallel_loop3A_566, %add3A_8], %parallel_loop3A_580 : memref<128x128xf32, #tpu.memory_space<vmem>>[vector<16xi32>, vector<16xi32>], vector<16xf32>,
      %parallel_loop3A_585 = arith.constant 0 : i32
      %parallel_loop3A_586 = arith.constant 0 : i32
      %parallel_loop3A_587 = tpu.memref_slice %arg9[%parallel_loop3A_446, %parallel_loop3A_585, %parallel_loop3A_586] : memref<2x128x128xf32, #tpu.memory_space<vmem>> -> memref<1x128x128xf32, #tpu.memory_space<vmem>>
      %parallel_loop3A_588 = tpu.memref_squeeze %parallel_loop3A_587 : memref<1x128x128xf32, #tpu.memory_space<vmem>> -> memref<128x128xf32, #tpu.memory_space<vmem>>
      %parallel_loop3A_589 = tpu.vector_load_idx %parallel_loop3A_588[%add3A_11, %parallel_loop3A_566] : memref<128x128xf32, #tpu.memory_space<vmem>>[vector<16xi32>, vector<16xi32>], vector<16xf32>,
      %parallel_loop3A_590 = arith.constant 0 : i32
      %parallel_loop3A_591 = arith.constant 0 : i32
      %parallel_loop3A_592 = tpu.memref_slice %arg11[%parallel_loop3A_447, %parallel_loop3A_590, %parallel_loop3A_591] : memref<2x128x128xf32, #tpu.memory_space<vmem>> -> memref<1x128x128xf32, #tpu.memory_space<vmem>>
      %parallel_loop3A_593 = tpu.memref_squeeze %parallel_loop3A_592 : memref<1x128x128xf32, #tpu.memory_space<vmem>> -> memref<128x128xf32, #tpu.memory_space<vmem>>
      tpu.vector_store_idx %parallel_loop3A_593[%parallel_loop3A_566, %add3A_11], %parallel_loop3A_589 : memref<128x128xf32, #tpu.memory_space<vmem>>[vector<16xi32>, vector<16xi32>], vector<16xf32>,
      %parallel_loop3A_594 = arith.constant 0 : i32
      %parallel_loop3A_595 = arith.constant 0 : i32
      %parallel_loop3A_596 = tpu.memref_slice %arg9[%parallel_loop3A_446, %parallel_loop3A_594, %parallel_loop3A_595] : memref<2x128x128xf32, #tpu.memory_space<vmem>> -> memref<1x128x128xf32, #tpu.memory_space<vmem>>
      %parallel_loop3A_597 = tpu.memref_squeeze %parallel_loop3A_596 : memref<1x128x128xf32, #tpu.memory_space<vmem>> -> memref<128x128xf32, #tpu.memory_space<vmem>>
      %parallel_loop3A_598 = tpu.vector_load_idx %parallel_loop3A_597[%add3A_14, %parallel_loop3A_566] : memref<128x128xf32, #tpu.memory_space<vmem>>[vector<16xi32>, vector<16xi32>], vector<16xf32>,
      %parallel_loop3A_599 = arith.constant 0 : i32
      %parallel_loop3A_600 = arith.constant 0 : i32
      %parallel_loop3A_601 = tpu.memref_slice %arg11[%parallel_loop3A_447, %parallel_loop3A_599, %parallel_loop3A_600] : memref<2x128x128xf32, #tpu.memory_space<vmem>> -> memref<1x128x128xf32, #tpu.memory_space<vmem>>
      %parallel_loop3A_602 = tpu.memref_squeeze %parallel_loop3A_601 : memref<1x128x128xf32, #tpu.memory_space<vmem>> -> memref<128x128xf32, #tpu.memory_space<vmem>>
      tpu.vector_store_idx %parallel_loop3A_602[%parallel_loop3A_566, %add3A_14], %parallel_loop3A_598 : memref<128x128xf32, #tpu.memory_space<vmem>>[vector<16xi32>, vector<16xi32>], vector<16xf32>,
      %parallel_loop3A_603 = arith.constant 0 : i32
      %parallel_loop3A_604 = arith.constant 0 : i32
      %parallel_loop3A_605 = tpu.memref_slice %arg9[%parallel_loop3A_446, %parallel_loop3A_603, %parallel_loop3A_604] : memref<2x128x128xf32, #tpu.memory_space<vmem>> -> memref<1x128x128xf32, #tpu.memory_space<vmem>>
      %parallel_loop3A_606 = tpu.memref_squeeze %parallel_loop3A_605 : memref<1x128x128xf32, #tpu.memory_space<vmem>> -> memref<128x128xf32, #tpu.memory_space<vmem>>
      %parallel_loop3A_607 = tpu.vector_load_idx %parallel_loop3A_606[%add3A_17, %parallel_loop3A_566] : memref<128x128xf32, #tpu.memory_space<vmem>>[vector<16xi32>, vector<16xi32>], vector<16xf32>,
      %parallel_loop3A_608 = arith.constant 0 : i32
      %parallel_loop3A_609 = arith.constant 0 : i32
      %parallel_loop3A_610 = tpu.memref_slice %arg11[%parallel_loop3A_447, %parallel_loop3A_608, %parallel_loop3A_609] : memref<2x128x128xf32, #tpu.memory_space<vmem>> -> memref<1x128x128xf32, #tpu.memory_space<vmem>>
      %parallel_loop3A_611 = tpu.memref_squeeze %parallel_loop3A_610 : memref<1x128x128xf32, #tpu.memory_space<vmem>> -> memref<128x128xf32, #tpu.memory_space<vmem>>
      tpu.vector_store_idx %parallel_loop3A_611[%parallel_loop3A_566, %add3A_17], %parallel_loop3A_607 : memref<128x128xf32, #tpu.memory_space<vmem>>[vector<16xi32>, vector<16xi32>], vector<16xf32>,
      %parallel_loop3A_612 = arith.constant 0 : i32
      %parallel_loop3A_613 = arith.constant 0 : i32
      %parallel_loop3A_614 = tpu.memref_slice %arg9[%parallel_loop3A_446, %parallel_loop3A_612, %parallel_loop3A_613] : memref<2x128x128xf32, #tpu.memory_space<vmem>> -> memref<1x128x128xf32, #tpu.memory_space<vmem>>
      %parallel_loop3A_615 = tpu.memref_squeeze %parallel_loop3A_614 : memref<1x128x128xf32, #tpu.memory_space<vmem>> -> memref<128x128xf32, #tpu.memory_space<vmem>>
      %parallel_loop3A_616 = tpu.vector_load_idx %parallel_loop3A_615[%add3A_20, %parallel_loop3A_566] : memref<128x128xf32, #tpu.memory_space<vmem>>[vector<16xi32>, vector<16xi32>], vector<16xf32>,
      %parallel_loop3A_617 = arith.constant 0 : i32
      %parallel_loop3A_618 = arith.constant 0 : i32
      %parallel_loop3A_619 = tpu.memref_slice %arg11[%parallel_loop3A_447, %parallel_loop3A_617, %parallel_loop3A_618] : memref<2x128x128xf32, #tpu.memory_space<vmem>> -> memref<1x128x128xf32, #tpu.memory_space<vmem>>
      %parallel_loop3A_620 = tpu.memref_squeeze %parallel_loop3A_619 : memref<1x128x128xf32, #tpu.memory_space<vmem>> -> memref<128x128xf32, #tpu.memory_space<vmem>>
      tpu.vector_store_idx %parallel_loop3A_620[%parallel_loop3A_566, %add3A_20], %parallel_loop3A_616 : memref<128x128xf32, #tpu.memory_space<vmem>>[vector<16xi32>, vector<16xi32>], vector<16xf32>,
      %parallel_loop3A_621 = arith.constant 0 : i32
      %parallel_loop3A_622 = arith.constant 0 : i32
      %parallel_loop3A_623 = tpu.memref_slice %arg9[%parallel_loop3A_446, %parallel_loop3A_621, %parallel_loop3A_622] : memref<2x128x128xf32, #tpu.memory_space<vmem>> -> memref<1x128x128xf32, #tpu.memory_space<vmem>>
      %parallel_loop3A_624 = tpu.memref_squeeze %parallel_loop3A_623 : memref<1x128x128xf32, #tpu.memory_space<vmem>> -> memref<128x128xf32, #tpu.memory_space<vmem>>
      %parallel_loop3A_625 = tpu.vector_load_idx %parallel_loop3A_624[%add3A_23, %parallel_loop3A_566] : memref<128x128xf32, #tpu.memory_space<vmem>>[vector<16xi32>, vector<16xi32>], vector<16xf32>,
      %parallel_loop3A_626 = arith.constant 0 : i32
      %parallel_loop3A_627 = arith.constant 0 : i32
      %parallel_loop3A_628 = tpu.memref_slice %arg11[%parallel_loop3A_447, %parallel_loop3A_626, %parallel_loop3A_627] : memref<2x128x128xf32, #tpu.memory_space<vmem>> -> memref<1x128x128xf32, #tpu.memory_space<vmem>>
      %parallel_loop3A_629 = tpu.memref_squeeze %parallel_loop3A_628 : memref<1x128x128xf32, #tpu.memory_space<vmem>> -> memref<128x128xf32, #tpu.memory_space<vmem>>
      tpu.vector_store_idx %parallel_loop3A_629[%parallel_loop3A_566, %add3A_23], %parallel_loop3A_625 : memref<128x128xf32, #tpu.memory_space<vmem>>[vector<16xi32>, vector<16xi32>], vector<16xf32>,
      %parallel_loop3A_630 = arith.constant 0 : i32
      %parallel_loop3A_631 = arith.constant 0 : i32
      %parallel_loop3A_632 = tpu.memref_slice %arg9[%parallel_loop3A_446, %parallel_loop3A_630, %parallel_loop3A_631] : memref<2x128x128xf32, #tpu.memory_space<vmem>> -> memref<1x128x128xf32, #tpu.memory_space<vmem>>
      %parallel_loop3A_633 = tpu.memref_squeeze %parallel_loop3A_632 : memref<1x128x128xf32, #tpu.memory_space<vmem>> -> memref<128x128xf32, #tpu.memory_space<vmem>>
      %parallel_loop3A_634 = tpu.vector_load_idx %parallel_loop3A_633[%add3A_26, %parallel_loop3A_566] : memref<128x128xf32, #tpu.memory_space<vmem>>[vector<16xi32>, vector<16xi32>], vector<16xf32>,
      %parallel_loop3A_635 = arith.constant 0 : i32
      %parallel_loop3A_636 = arith.constant 0 : i32
      %parallel_loop3A_637 = tpu.memref_slice %arg11[%parallel_loop3A_447, %parallel_loop3A_635, %parallel_loop3A_636] : memref<2x128x128xf32, #tpu.memory_space<vmem>> -> memref<1x128x128xf32, #tpu.memory_space<vmem>>
      %parallel_loop3A_638 = tpu.memref_squeeze %parallel_loop3A_637 : memref<1x128x128xf32, #tpu.memory_space<vmem>> -> memref<128x128xf32, #tpu.memory_space<vmem>>
      tpu.vector_store_idx %parallel_loop3A_638[%parallel_loop3A_566, %add3A_26], %parallel_loop3A_634 : memref<128x128xf32, #tpu.memory_space<vmem>>[vector<16xi32>, vector<16xi32>], vector<16xf32>,
    } {sc.loop_unroll_factor = 2 : i64, sc.parallel_access}
    %dma_start3A_448 = arith.constant 1 : i32
    %dma_start3A_449 = arith.constant 49 : i32
    %dma_start3A_450 = arith.constant 0 : i32
    %dma_start3A_451 = arith.constant 0 : i32
    %dma_start3A_452 = tpu.memref_slice %arg11[%dma_start3A_448, %dma_start3A_450, %dma_start3A_451] : memref<2x128x128xf32, #tpu.memory_space<vmem>> -> memref<1x128x128xf32, #tpu.memory_space<vmem>>
    %dma_start3A_453 = tpu.memref_squeeze %dma_start3A_452 : memref<1x128x128xf32, #tpu.memory_space<vmem>> -> memref<128x128xf32, #tpu.memory_space<vmem>>
    %dma_start3A_454 = arith.constant 0 : i32
    %dma_start3A_455 = tpu.memref_slice %arg6[%dma_start3A_449, %dma_start3A_454, %mul3A_2] : memref<50x192x4096xf32, #tpu.memory_space<hbm>> -> memref<1x128x128xf32, #tpu.memory_space<hbm>>
    %dma_start3A_456 = tpu.memref_squeeze %dma_start3A_455 : memref<1x128x128xf32, #tpu.memory_space<hbm>> -> memref<128x128xf32, #tpu.memory_space<hbm>>
    %dma_start3A_457 = arith.constant 0 : i32
    %dma_start3A_458 = tpu.memref_slice %arg6[%dma_start3A_449, %dma_start3A_457, %mul3A_2] : memref<50x192x4096xf32, #tpu.memory_space<hbm>> -> memref<1x128x128xf32, #tpu.memory_space<hbm>>
    %dma_start3A_459 = tpu.memref_squeeze %dma_start3A_458 : memref<1x128x128xf32, #tpu.memory_space<hbm>> -> memref<128x128xf32, #tpu.memory_space<hbm>>
    %dma_start3A_460 = arith.constant 0 : i32
    %dma_start3A_461 = arith.constant 0 : i32
    %dma_start3A_462 = tpu.memref_slice %arg11[%dma_start3A_448, %dma_start3A_460, %dma_start3A_461] : memref<2x128x128xf32, #tpu.memory_space<vmem>> -> memref<1x128x128xf32, #tpu.memory_space<vmem>>
    %dma_start3A_463 = tpu.memref_squeeze %dma_start3A_462 : memref<1x128x128xf32, #tpu.memory_space<vmem>> -> memref<128x128xf32, #tpu.memory_space<vmem>>
    tpu.enqueue_dma source(%dma_start3A_463 : memref<128x128xf32, #tpu.memory_space<vmem>>) target(%dma_start3A_459 : memref<128x128xf32, #tpu.memory_space<hbm>>) target_semaphore(%arg16 : memref<!tpu.dma_semaphore, #tpu.memory_space<semaphore_mem>>)
    %parallel_loop3A_464 = arith.constant 0 : i32
    %parallel_loop3A_465 = arith.constant 64 : i32
    %parallel_loop3A_466 = arith.constant 1 : i32
    %parallel_loop3A_467 = arith.constant 1 : i32
    %parallel_loop3A_468 = arith.constant 1 : i32
    scf.for %parallel_loop3A_557 = %parallel_loop3A_464 to %parallel_loop3A_465 step %parallel_loop3A_466  : i32 {
      %parallel_loop3A_558 = vector.broadcast %parallel_loop3A_557 : i32 to vector<16xi32>
      %parallel_loop3A_559 = arith.addi %iota3A, %parallel_loop3A_558 : vector<16xi32>
      %parallel_loop3A_560 = arith.constant 15 : i32
      %parallel_loop3A_561 = vector.broadcast %parallel_loop3A_560 : i32 to vector<16xi32>
      %parallel_loop3A_562 = arith.andi %parallel_loop3A_559, %parallel_loop3A_561 : vector<16xi32>
      %parallel_loop3A_563 = arith.constant -16 : i32
      %parallel_loop3A_564 = arith.andi %parallel_loop3A_557, %parallel_loop3A_563 : i32
      %parallel_loop3A_565 = vector.broadcast %parallel_loop3A_564 : i32 to vector<16xi32>
      %parallel_loop3A_566 = arith.addi %parallel_loop3A_562, %parallel_loop3A_565 : vector<16xi32>
      %parallel_loop3A_567 = arith.constant 0 : i32
      %parallel_loop3A_568 = arith.constant 0 : i32
      %parallel_loop3A_569 = tpu.memref_slice %arg10[%parallel_loop3A_467, %parallel_loop3A_567, %parallel_loop3A_568] : memref<2x128x128xf32, #tpu.memory_space<vmem>> -> memref<1x128x128xf32, #tpu.memory_space<vmem>>
      %parallel_loop3A_570 = tpu.memref_squeeze %parallel_loop3A_569 : memref<1x128x128xf32, #tpu.memory_space<vmem>> -> memref<128x128xf32, #tpu.memory_space<vmem>>
      %parallel_loop3A_571 = tpu.vector_load_idx %parallel_loop3A_570[%add3A_5, %parallel_loop3A_566] : memref<128x128xf32, #tpu.memory_space<vmem>>[vector<16xi32>, vector<16xi32>], vector<16xf32>,
      %parallel_loop3A_572 = arith.constant 0 : i32
      %parallel_loop3A_573 = arith.constant 0 : i32
      %parallel_loop3A_574 = tpu.memref_slice %arg12[%parallel_loop3A_468, %parallel_loop3A_572, %parallel_loop3A_573] : memref<2x64x128xf32, #tpu.memory_space<vmem>> -> memref<1x64x128xf32, #tpu.memory_space<vmem>>
      %parallel_loop3A_575 = tpu.memref_squeeze %parallel_loop3A_574 : memref<1x64x128xf32, #tpu.memory_space<vmem>> -> memref<64x128xf32, #tpu.memory_space<vmem>>
      tpu.vector_store_idx %parallel_loop3A_575[%parallel_loop3A_566, %add3A_5], %parallel_loop3A_571 : memref<64x128xf32, #tpu.memory_space<vmem>>[vector<16xi32>, vector<16xi32>], vector<16xf32>,
      %parallel_loop3A_576 = arith.constant 0 : i32
      %parallel_loop3A_577 = arith.constant 0 : i32
      %parallel_loop3A_578 = tpu.memref_slice %arg10[%parallel_loop3A_467, %parallel_loop3A_576, %parallel_loop3A_577] : memref<2x128x128xf32, #tpu.memory_space<vmem>> -> memref<1x128x128xf32, #tpu.memory_space<vmem>>
      %parallel_loop3A_579 = tpu.memref_squeeze %parallel_loop3A_578 : memref<1x128x128xf32, #tpu.memory_space<vmem>> -> memref<128x128xf32, #tpu.memory_space<vmem>>
      %parallel_loop3A_580 = tpu.vector_load_idx %parallel_loop3A_579[%add3A_8, %parallel_loop3A_566] : memref<128x128xf32, #tpu.memory_space<vmem>>[vector<16xi32>, vector<16xi32>], vector<16xf32>,
      %parallel_loop3A_581 = arith.constant 0 : i32
      %parallel_loop3A_582 = arith.constant 0 : i32
      %parallel_loop3A_583 = tpu.memref_slice %arg12[%parallel_loop3A_468, %parallel_loop3A_581, %parallel_loop3A_582] : memref<2x64x128xf32, #tpu.memory_space<vmem>> -> memref<1x64x128xf32, #tpu.memory_space<vmem>>
      %parallel_loop3A_584 = tpu.memref_squeeze %parallel_loop3A_583 : memref<1x64x128xf32, #tpu.memory_space<vmem>> -> memref<64x128xf32, #tpu.memory_space<vmem>>
      tpu.vector_store_idx %parallel_loop3A_584[%parallel_loop3A_566, %add3A_8], %parallel_loop3A_580 : memref<64x128xf32, #tpu.memory_space<vmem>>[vector<16xi32>, vector<16xi32>], vector<16xf32>,
      %parallel_loop3A_585 = arith.constant 0 : i32
      %parallel_loop3A_586 = arith.constant 0 : i32
      %parallel_loop3A_587 = tpu.memref_slice %arg10[%parallel_loop3A_467, %parallel_loop3A_585, %parallel_loop3A_586] : memref<2x128x128xf32, #tpu.memory_space<vmem>> -> memref<1x128x128xf32, #tpu.memory_space<vmem>>
      %parallel_loop3A_588 = tpu.memref_squeeze %parallel_loop3A_587 : memref<1x128x128xf32, #tpu.memory_space<vmem>> -> memref<128x128xf32, #tpu.memory_space<vmem>>
      %parallel_loop3A_589 = tpu.vector_load_idx %parallel_loop3A_588[%add3A_11, %parallel_loop3A_566] : memref<128x128xf32, #tpu.memory_space<vmem>>[vector<16xi32>, vector<16xi32>], vector<16xf32>,
      %parallel_loop3A_590 = arith.constant 0 : i32
      %parallel_loop3A_591 = arith.constant 0 : i32
      %parallel_loop3A_592 = tpu.memref_slice %arg12[%parallel_loop3A_468, %parallel_loop3A_590, %parallel_loop3A_591] : memref<2x64x128xf32, #tpu.memory_space<vmem>> -> memref<1x64x128xf32, #tpu.memory_space<vmem>>
      %parallel_loop3A_593 = tpu.memref_squeeze %parallel_loop3A_592 : memref<1x64x128xf32, #tpu.memory_space<vmem>> -> memref<64x128xf32, #tpu.memory_space<vmem>>
      tpu.vector_store_idx %parallel_loop3A_593[%parallel_loop3A_566, %add3A_11], %parallel_loop3A_589 : memref<64x128xf32, #tpu.memory_space<vmem>>[vector<16xi32>, vector<16xi32>], vector<16xf32>,
      %parallel_loop3A_594 = arith.constant 0 : i32
      %parallel_loop3A_595 = arith.constant 0 : i32
      %parallel_loop3A_596 = tpu.memref_slice %arg10[%parallel_loop3A_467, %parallel_loop3A_594, %parallel_loop3A_595] : memref<2x128x128xf32, #tpu.memory_space<vmem>> -> memref<1x128x128xf32, #tpu.memory_space<vmem>>
      %parallel_loop3A_597 = tpu.memref_squeeze %parallel_loop3A_596 : memref<1x128x128xf32, #tpu.memory_space<vmem>> -> memref<128x128xf32, #tpu.memory_space<vmem>>
      %parallel_loop3A_598 = tpu.vector_load_idx %parallel_loop3A_597[%add3A_14, %parallel_loop3A_566] : memref<128x128xf32, #tpu.memory_space<vmem>>[vector<16xi32>, vector<16xi32>], vector<16xf32>,
      %parallel_loop3A_599 = arith.constant 0 : i32
      %parallel_loop3A_600 = arith.constant 0 : i32
      %parallel_loop3A_601 = tpu.memref_slice %arg12[%parallel_loop3A_468, %parallel_loop3A_599, %parallel_loop3A_600] : memref<2x64x128xf32, #tpu.memory_space<vmem>> -> memref<1x64x128xf32, #tpu.memory_space<vmem>>
      %parallel_loop3A_602 = tpu.memref_squeeze %parallel_loop3A_601 : memref<1x64x128xf32, #tpu.memory_space<vmem>> -> memref<64x128xf32, #tpu.memory_space<vmem>>
      tpu.vector_store_idx %parallel_loop3A_602[%parallel_loop3A_566, %add3A_14], %parallel_loop3A_598 : memref<64x128xf32, #tpu.memory_space<vmem>>[vector<16xi32>, vector<16xi32>], vector<16xf32>,
      %parallel_loop3A_603 = arith.constant 0 : i32
      %parallel_loop3A_604 = arith.constant 0 : i32
      %parallel_loop3A_605 = tpu.memref_slice %arg10[%parallel_loop3A_467, %parallel_loop3A_603, %parallel_loop3A_604] : memref<2x128x128xf32, #tpu.memory_space<vmem>> -> memref<1x128x128xf32, #tpu.memory_space<vmem>>
      %parallel_loop3A_606 = tpu.memref_squeeze %parallel_loop3A_605 : memref<1x128x128xf32, #tpu.memory_space<vmem>> -> memref<128x128xf32, #tpu.memory_space<vmem>>
      %parallel_loop3A_607 = tpu.vector_load_idx %parallel_loop3A_606[%add3A_17, %parallel_loop3A_566] : memref<128x128xf32, #tpu.memory_space<vmem>>[vector<16xi32>, vector<16xi32>], vector<16xf32>,
      %parallel_loop3A_608 = arith.constant 0 : i32
      %parallel_loop3A_609 = arith.constant 0 : i32
      %parallel_loop3A_610 = tpu.memref_slice %arg12[%parallel_loop3A_468, %parallel_loop3A_608, %parallel_loop3A_609] : memref<2x64x128xf32, #tpu.memory_space<vmem>> -> memref<1x64x128xf32, #tpu.memory_space<vmem>>
      %parallel_loop3A_611 = tpu.memref_squeeze %parallel_loop3A_610 : memref<1x64x128xf32, #tpu.memory_space<vmem>> -> memref<64x128xf32, #tpu.memory_space<vmem>>
      tpu.vector_store_idx %parallel_loop3A_611[%parallel_loop3A_566, %add3A_17], %parallel_loop3A_607 : memref<64x128xf32, #tpu.memory_space<vmem>>[vector<16xi32>, vector<16xi32>], vector<16xf32>,
      %parallel_loop3A_612 = arith.constant 0 : i32
      %parallel_loop3A_613 = arith.constant 0 : i32
      %parallel_loop3A_614 = tpu.memref_slice %arg10[%parallel_loop3A_467, %parallel_loop3A_612, %parallel_loop3A_613] : memref<2x128x128xf32, #tpu.memory_space<vmem>> -> memref<1x128x128xf32, #tpu.memory_space<vmem>>
      %parallel_loop3A_615 = tpu.memref_squeeze %parallel_loop3A_614 : memref<1x128x128xf32, #tpu.memory_space<vmem>> -> memref<128x128xf32, #tpu.memory_space<vmem>>
      %parallel_loop3A_616 = tpu.vector_load_idx %parallel_loop3A_615[%add3A_20, %parallel_loop3A_566] : memref<128x128xf32, #tpu.memory_space<vmem>>[vector<16xi32>, vector<16xi32>], vector<16xf32>,
      %parallel_loop3A_617 = arith.constant 0 : i32
      %parallel_loop3A_618 = arith.constant 0 : i32
      %parallel_loop3A_619 = tpu.memref_slice %arg12[%parallel_loop3A_468, %parallel_loop3A_617, %parallel_loop3A_618] : memref<2x64x128xf32, #tpu.memory_space<vmem>> -> memref<1x64x128xf32, #tpu.memory_space<vmem>>
      %parallel_loop3A_620 = tpu.memref_squeeze %parallel_loop3A_619 : memref<1x64x128xf32, #tpu.memory_space<vmem>> -> memref<64x128xf32, #tpu.memory_space<vmem>>
      tpu.vector_store_idx %parallel_loop3A_620[%parallel_loop3A_566, %add3A_20], %parallel_loop3A_616 : memref<64x128xf32, #tpu.memory_space<vmem>>[vector<16xi32>, vector<16xi32>], vector<16xf32>,
      %parallel_loop3A_621 = arith.constant 0 : i32
      %parallel_loop3A_622 = arith.constant 0 : i32
      %parallel_loop3A_623 = tpu.memref_slice %arg10[%parallel_loop3A_467, %parallel_loop3A_621, %parallel_loop3A_622] : memref<2x128x128xf32, #tpu.memory_space<vmem>> -> memref<1x128x128xf32, #tpu.memory_space<vmem>>
      %parallel_loop3A_624 = tpu.memref_squeeze %parallel_loop3A_623 : memref<1x128x128xf32, #tpu.memory_space<vmem>> -> memref<128x128xf32, #tpu.memory_space<vmem>>
      %parallel_loop3A_625 = tpu.vector_load_idx %parallel_loop3A_624[%add3A_23, %parallel_loop3A_566] : memref<128x128xf32, #tpu.memory_space<vmem>>[vector<16xi32>, vector<16xi32>], vector<16xf32>,
      %parallel_loop3A_626 = arith.constant 0 : i32
      %parallel_loop3A_627 = arith.constant 0 : i32
      %parallel_loop3A_628 = tpu.memref_slice %arg12[%parallel_loop3A_468, %parallel_loop3A_626, %parallel_loop3A_627] : memref<2x64x128xf32, #tpu.memory_space<vmem>> -> memref<1x64x128xf32, #tpu.memory_space<vmem>>
      %parallel_loop3A_629 = tpu.memref_squeeze %parallel_loop3A_628 : memref<1x64x128xf32, #tpu.memory_space<vmem>> -> memref<64x128xf32, #tpu.memory_space<vmem>>
      tpu.vector_store_idx %parallel_loop3A_629[%parallel_loop3A_566, %add3A_23], %parallel_loop3A_625 : memref<64x128xf32, #tpu.memory_space<vmem>>[vector<16xi32>, vector<16xi32>], vector<16xf32>,
      %parallel_loop3A_630 = arith.constant 0 : i32
      %parallel_loop3A_631 = arith.constant 0 : i32
      %parallel_loop3A_632 = tpu.memref_slice %arg10[%parallel_loop3A_467, %parallel_loop3A_630, %parallel_loop3A_631] : memref<2x128x128xf32, #tpu.memory_space<vmem>> -> memref<1x128x128xf32, #tpu.memory_space<vmem>>
      %parallel_loop3A_633 = tpu.memref_squeeze %parallel_loop3A_632 : memref<1x128x128xf32, #tpu.memory_space<vmem>> -> memref<128x128xf32, #tpu.memory_space<vmem>>
      %parallel_loop3A_634 = tpu.vector_load_idx %parallel_loop3A_633[%add3A_26, %parallel_loop3A_566] : memref<128x128xf32, #tpu.memory_space<vmem>>[vector<16xi32>, vector<16xi32>], vector<16xf32>,
      %parallel_loop3A_635 = arith.constant 0 : i32
      %parallel_loop3A_636 = arith.constant 0 : i32
      %parallel_loop3A_637 = tpu.memref_slice %arg12[%parallel_loop3A_468, %parallel_loop3A_635, %parallel_loop3A_636] : memref<2x64x128xf32, #tpu.memory_space<vmem>> -> memref<1x64x128xf32, #tpu.memory_space<vmem>>
      %parallel_loop3A_638 = tpu.memref_squeeze %parallel_loop3A_637 : memref<1x64x128xf32, #tpu.memory_space<vmem>> -> memref<64x128xf32, #tpu.memory_space<vmem>>
      tpu.vector_store_idx %parallel_loop3A_638[%parallel_loop3A_566, %add3A_26], %parallel_loop3A_634 : memref<64x128xf32, #tpu.memory_space<vmem>>[vector<16xi32>, vector<16xi32>], vector<16xf32>,
    } {sc.loop_unroll_factor = 2 : i64, sc.parallel_access}
    %dma_start3A_469 = arith.constant 1 : i32
    %dma_start3A_470 = arith.constant 49 : i32
    %dma_start3A_471 = arith.constant 0 : i32
    %dma_start3A_472 = arith.constant 0 : i32
    %dma_start3A_473 = tpu.memref_slice %arg12[%dma_start3A_469, %dma_start3A_471, %dma_start3A_472] : memref<2x64x128xf32, #tpu.memory_space<vmem>> -> memref<1x64x128xf32, #tpu.memory_space<vmem>>
    %dma_start3A_474 = tpu.memref_squeeze %dma_start3A_473 : memref<1x64x128xf32, #tpu.memory_space<vmem>> -> memref<64x128xf32, #tpu.memory_space<vmem>>
    %dma_start3A_475 = arith.constant 128 : i32
    %dma_start3A_476 = tpu.memref_slice %arg6[%dma_start3A_470, %dma_start3A_475, %mul3A_2] : memref<50x192x4096xf32, #tpu.memory_space<hbm>> -> memref<1x64x128xf32, #tpu.memory_space<hbm>>
    %dma_start3A_477 = tpu.memref_squeeze %dma_start3A_476 : memref<1x64x128xf32, #tpu.memory_space<hbm>> -> memref<64x128xf32, #tpu.memory_space<hbm>>
    %dma_start3A_478 = arith.constant 128 : i32
    %dma_start3A_479 = tpu.memref_slice %arg6[%dma_start3A_470, %dma_start3A_478, %mul3A_2] : memref<50x192x4096xf32, #tpu.memory_space<hbm>> -> memref<1x64x128xf32, #tpu.memory_space<hbm>>
    %dma_start3A_480 = tpu.memref_squeeze %dma_start3A_479 : memref<1x64x128xf32, #tpu.memory_space<hbm>> -> memref<64x128xf32, #tpu.memory_space<hbm>>
    %dma_start3A_481 = arith.constant 0 : i32
    %dma_start3A_482 = arith.constant 0 : i32
    %dma_start3A_483 = tpu.memref_slice %arg12[%dma_start3A_469, %dma_start3A_481, %dma_start3A_482] : memref<2x64x128xf32, #tpu.memory_space<vmem>> -> memref<1x64x128xf32, #tpu.memory_space<vmem>>
    %dma_start3A_484 = tpu.memref_squeeze %dma_start3A_483 : memref<1x64x128xf32, #tpu.memory_space<vmem>> -> memref<64x128xf32, #tpu.memory_space<vmem>>
    tpu.enqueue_dma source(%dma_start3A_484 : memref<64x128xf32, #tpu.memory_space<vmem>>) target(%dma_start3A_480 : memref<64x128xf32, #tpu.memory_space<hbm>>) target_semaphore(%arg16 : memref<!tpu.dma_semaphore, #tpu.memory_space<semaphore_mem>>)
    %dma_wait3A_485 = arith.constant 0 : i32
    %dma_wait3A_486 = arith.constant 0 : i32
    %dma_wait3A_487 = arith.constant 0 : i32
    %dma_wait3A_488 = arith.constant 0 : i32
    %dma_wait3A_489 = tpu.memref_slice %arg11[%dma_wait3A_485, %dma_wait3A_487, %dma_wait3A_488] : memref<2x128x128xf32, #tpu.memory_space<vmem>> -> memref<1x128x128xf32, #tpu.memory_space<vmem>>
    %dma_wait3A_490 = tpu.memref_squeeze %dma_wait3A_489 : memref<1x128x128xf32, #tpu.memory_space<vmem>> -> memref<128x128xf32, #tpu.memory_space<vmem>>
    %dma_wait3A_491 = arith.constant 0 : i32
    %dma_wait3A_492 = arith.constant 0 : i32
    %dma_wait3A_493 = tpu.memref_slice %arg6[%dma_wait3A_486, %dma_wait3A_491, %dma_wait3A_492] : memref<50x192x4096xf32, #tpu.memory_space<hbm>> -> memref<1x128x128xf32, #tpu.memory_space<hbm>>
    %dma_wait3A_494 = tpu.memref_squeeze %dma_wait3A_493 : memref<1x128x128xf32, #tpu.memory_space<hbm>> -> memref<128x128xf32, #tpu.memory_space<hbm>>
    %dma_wait3A_495 = arith.constant 0 : i32
    %dma_wait3A_496 = arith.constant 0 : i32
    %dma_wait3A_497 = tpu.memref_slice %arg6[%dma_wait3A_486, %dma_wait3A_495, %dma_wait3A_496] : memref<50x192x4096xf32, #tpu.memory_space<hbm>> -> memref<1x128x128xf32, #tpu.memory_space<hbm>>
    %dma_wait3A_498 = tpu.memref_squeeze %dma_wait3A_497 : memref<1x128x128xf32, #tpu.memory_space<hbm>> -> memref<128x128xf32, #tpu.memory_space<hbm>>
    %dma_wait3A_499 = arith.constant 0 : i32
    %dma_wait3A_500 = arith.constant 0 : i32
    %dma_wait3A_501 = tpu.memref_slice %arg11[%dma_wait3A_485, %dma_wait3A_499, %dma_wait3A_500] : memref<2x128x128xf32, #tpu.memory_space<vmem>> -> memref<1x128x128xf32, #tpu.memory_space<vmem>>
    %dma_wait3A_502 = tpu.memref_squeeze %dma_wait3A_501 : memref<1x128x128xf32, #tpu.memory_space<vmem>> -> memref<128x128xf32, #tpu.memory_space<vmem>>
    tpu.wait_dma2 semaphore(%arg15 : memref<!tpu.dma_semaphore, #tpu.memory_space<semaphore_mem>>) src(%dma_wait3A_502 : memref<128x128xf32, #tpu.memory_space<vmem>>) dst(%dma_wait3A_498 : memref<128x128xf32, #tpu.memory_space<hbm>>)
    %dma_wait3A_503 = arith.constant 0 : i32
    %dma_wait3A_504 = arith.constant 0 : i32
    %dma_wait3A_505 = arith.constant 0 : i32
    %dma_wait3A_506 = arith.constant 0 : i32
    %dma_wait3A_507 = tpu.memref_slice %arg12[%dma_wait3A_503, %dma_wait3A_505, %dma_wait3A_506] : memref<2x64x128xf32, #tpu.memory_space<vmem>> -> memref<1x64x128xf32, #tpu.memory_space<vmem>>
    %dma_wait3A_508 = tpu.memref_squeeze %dma_wait3A_507 : memref<1x64x128xf32, #tpu.memory_space<vmem>> -> memref<64x128xf32, #tpu.memory_space<vmem>>
    %dma_wait3A_509 = arith.constant 128 : i32
    %dma_wait3A_510 = arith.constant 0 : i32
    %dma_wait3A_511 = tpu.memref_slice %arg6[%dma_wait3A_504, %dma_wait3A_509, %dma_wait3A_510] : memref<50x192x4096xf32, #tpu.memory_space<hbm>> -> memref<1x64x128xf32, #tpu.memory_space<hbm>>
    %dma_wait3A_512 = tpu.memref_squeeze %dma_wait3A_511 : memref<1x64x128xf32, #tpu.memory_space<hbm>> -> memref<64x128xf32, #tpu.memory_space<hbm>>
    %dma_wait3A_513 = arith.constant 128 : i32
    %dma_wait3A_514 = arith.constant 0 : i32
    %dma_wait3A_515 = tpu.memref_slice %arg6[%dma_wait3A_504, %dma_wait3A_513, %dma_wait3A_514] : memref<50x192x4096xf32, #tpu.memory_space<hbm>> -> memref<1x64x128xf32, #tpu.memory_space<hbm>>
    %dma_wait3A_516 = tpu.memref_squeeze %dma_wait3A_515 : memref<1x64x128xf32, #tpu.memory_space<hbm>> -> memref<64x128xf32, #tpu.memory_space<hbm>>
    %dma_wait3A_517 = arith.constant 0 : i32
    %dma_wait3A_518 = arith.constant 0 : i32
    %dma_wait3A_519 = tpu.memref_slice %arg12[%dma_wait3A_503, %dma_wait3A_517, %dma_wait3A_518] : memref<2x64x128xf32, #tpu.memory_space<vmem>> -> memref<1x64x128xf32, #tpu.memory_space<vmem>>
    %dma_wait3A_520 = tpu.memref_squeeze %dma_wait3A_519 : memref<1x64x128xf32, #tpu.memory_space<vmem>> -> memref<64x128xf32, #tpu.memory_space<vmem>>
    tpu.wait_dma2 semaphore(%arg15 : memref<!tpu.dma_semaphore, #tpu.memory_space<semaphore_mem>>) src(%dma_wait3A_520 : memref<64x128xf32, #tpu.memory_space<vmem>>) dst(%dma_wait3A_516 : memref<64x128xf32, #tpu.memory_space<hbm>>)
    %dma_wait3A_521 = arith.constant 1 : i32
    %dma_wait3A_522 = arith.constant 0 : i32
    %dma_wait3A_523 = arith.constant 0 : i32
    %dma_wait3A_524 = arith.constant 0 : i32
    %dma_wait3A_525 = tpu.memref_slice %arg11[%dma_wait3A_521, %dma_wait3A_523, %dma_wait3A_524] : memref<2x128x128xf32, #tpu.memory_space<vmem>> -> memref<1x128x128xf32, #tpu.memory_space<vmem>>
    %dma_wait3A_526 = tpu.memref_squeeze %dma_wait3A_525 : memref<1x128x128xf32, #tpu.memory_space<vmem>> -> memref<128x128xf32, #tpu.memory_space<vmem>>
    %dma_wait3A_527 = arith.constant 0 : i32
    %dma_wait3A_528 = arith.constant 0 : i32
    %dma_wait3A_529 = tpu.memref_slice %arg6[%dma_wait3A_522, %dma_wait3A_527, %dma_wait3A_528] : memref<50x192x4096xf32, #tpu.memory_space<hbm>> -> memref<1x128x128xf32, #tpu.memory_space<hbm>>
    %dma_wait3A_530 = tpu.memref_squeeze %dma_wait3A_529 : memref<1x128x128xf32, #tpu.memory_space<hbm>> -> memref<128x128xf32, #tpu.memory_space<hbm>>
    %dma_wait3A_531 = arith.constant 0 : i32
    %dma_wait3A_532 = arith.constant 0 : i32
    %dma_wait3A_533 = tpu.memref_slice %arg6[%dma_wait3A_522, %dma_wait3A_531, %dma_wait3A_532] : memref<50x192x4096xf32, #tpu.memory_space<hbm>> -> memref<1x128x128xf32, #tpu.memory_space<hbm>>
    %dma_wait3A_534 = tpu.memref_squeeze %dma_wait3A_533 : memref<1x128x128xf32, #tpu.memory_space<hbm>> -> memref<128x128xf32, #tpu.memory_space<hbm>>
    %dma_wait3A_535 = arith.constant 0 : i32
    %dma_wait3A_536 = arith.constant 0 : i32
    %dma_wait3A_537 = tpu.memref_slice %arg11[%dma_wait3A_521, %dma_wait3A_535, %dma_wait3A_536] : memref<2x128x128xf32, #tpu.memory_space<vmem>> -> memref<1x128x128xf32, #tpu.memory_space<vmem>>
    %dma_wait3A_538 = tpu.memref_squeeze %dma_wait3A_537 : memref<1x128x128xf32, #tpu.memory_space<vmem>> -> memref<128x128xf32, #tpu.memory_space<vmem>>
    tpu.wait_dma2 semaphore(%arg16 : memref<!tpu.dma_semaphore, #tpu.memory_space<semaphore_mem>>) src(%dma_wait3A_538 : memref<128x128xf32, #tpu.memory_space<vmem>>) dst(%dma_wait3A_534 : memref<128x128xf32, #tpu.memory_space<hbm>>)
    %dma_wait3A_539 = arith.constant 1 : i32
    %dma_wait3A_540 = arith.constant 0 : i32
    %dma_wait3A_541 = arith.constant 0 : i32
    %dma_wait3A_542 = arith.constant 0 : i32
    %dma_wait3A_543 = tpu.memref_slice %arg12[%dma_wait3A_539, %dma_wait3A_541, %dma_wait3A_542] : memref<2x64x128xf32, #tpu.memory_space<vmem>> -> memref<1x64x128xf32, #tpu.memory_space<vmem>>
    %dma_wait3A_544 = tpu.memref_squeeze %dma_wait3A_543 : memref<1x64x128xf32, #tpu.memory_space<vmem>> -> memref<64x128xf32, #tpu.memory_space<vmem>>
    %dma_wait3A_545 = arith.constant 128 : i32
    %dma_wait3A_546 = arith.constant 0 : i32
    %dma_wait3A_547 = tpu.memref_slice %arg6[%dma_wait3A_540, %dma_wait3A_545, %dma_wait3A_546] : memref<50x192x4096xf32, #tpu.memory_space<hbm>> -> memref<1x64x128xf32, #tpu.memory_space<hbm>>
    %dma_wait3A_548 = tpu.memref_squeeze %dma_wait3A_547 : memref<1x64x128xf32, #tpu.memory_space<hbm>> -> memref<64x128xf32, #tpu.memory_space<hbm>>
    %dma_wait3A_549 = arith.constant 128 : i32
    %dma_wait3A_550 = arith.constant 0 : i32
    %dma_wait3A_551 = tpu.memref_slice %arg6[%dma_wait3A_540, %dma_wait3A_549, %dma_wait3A_550] : memref<50x192x4096xf32, #tpu.memory_space<hbm>> -> memref<1x64x128xf32, #tpu.memory_space<hbm>>
    %dma_wait3A_552 = tpu.memref_squeeze %dma_wait3A_551 : memref<1x64x128xf32, #tpu.memory_space<hbm>> -> memref<64x128xf32, #tpu.memory_space<hbm>>
    %dma_wait3A_553 = arith.constant 0 : i32
    %dma_wait3A_554 = arith.constant 0 : i32
    %dma_wait3A_555 = tpu.memref_slice %arg12[%dma_wait3A_539, %dma_wait3A_553, %dma_wait3A_554] : memref<2x64x128xf32, #tpu.memory_space<vmem>> -> memref<1x64x128xf32, #tpu.memory_space<vmem>>
    %dma_wait3A_556 = tpu.memref_squeeze %dma_wait3A_555 : memref<1x64x128xf32, #tpu.memory_space<vmem>> -> memref<64x128xf32, #tpu.memory_space<vmem>>
    tpu.wait_dma2 semaphore(%arg16 : memref<!tpu.dma_semaphore, #tpu.memory_space<semaphore_mem>>) src(%dma_wait3A_556 : memref<64x128xf32, #tpu.memory_space<vmem>>) dst(%dma_wait3A_552 : memref<64x128xf32, #tpu.memory_space<hbm>>)
    return
  }
}

</mosaic_0001>

<sc_bundles>
// kernel: kernel.3.cloned.1.call-start
scs
__scs_entry_jumppad:
0x0: {  	(pc) =	sbr.rel $0x88, $3  }
0x1: {  	(tag) =	ssettag $0x0;
	lr =	simm.s32 $0x1  }
0x2: {  	[smem:$0x3F9D] =	sst lr;
	_ =	strace $0xD0000000  }
0x3: {  	_ = 	snop  }
0x4: {  	_ = 	snop  }
0x5: {  	_ = 	snop  }
0x6: {  	_ = 	snop  }
0x7: {  	_ = 	snop  }
__scs_overlays_trampoline_lowered:
0x8: {  	[smem:$0x3FAC] =	sst s0  }
0x9: {  	[smem:$0x3FAD] =	sst s1  }
0xa: {  	[smem:$0x3FAE] =	sst s2  }
0xb: {  	[smem:$0x3FAF] =	sst s3  }
0xc: {  	[smem:$0x3FB0] =	sst s4  }
0xd: {  	[smem:$0x3FB1] =	sst s5  }
0xe: {  	[smem:$0x3FB2] =	sst s6  }
0xf: {  	[smem:$0x3FB3] =	sst s7  }
0x10: {  	[smem:$0x3FB4] =	sst s8  }
0x11: {  	[smem:$0x3FB5] =	sst s9;
	s0 =	simm.s32 @!p0 $0x0  }
0x12: {  	s1 =	sld [smem:$0x3F9B];
	s0 =	simm.s32 @p0 $0x1  }
0x13: {  	[smem:$0x3FB6] =	sst s0;
	s0 =	simm.s32 @!p1 $0x0  }
0x14: {  	s2 =	sld [smem:$0x3F9A];
	s0 =	simm.s32 @p1 $0x1  }
0x15: {  	[smem:$0x3FB7] =	sst s0;
	s0 =	simm.s32 @!p2 $0x0  }
0x16: {  	s3 =	sld [smem:$0x3FDB];
	s0 =	simm.s32 @p2 $0x1  }
0x17: {  	s4 =	simm.s32 $0x1BF5;
	[smem:$0x3FB9] =	sst s0  }
0x18: {  	s0 =	sld [smem:$0x3F9C];
	_ =	swait.ge [sflag:s4], $0x0  }
0x19: {  	s7 =	sld [smem:$0x3F9D]  }
0x1a: {  	s8 =	sadd.s32 $0xFFFFE003, lr  }
0x1b: {  	s9 =	sadd.s32 $0xFFFFFEF7, lr;
	s5 =	simm.s32 $0xFFFFFFFF;
	p2 =	slt.u32 s8, $0xFFFFF086  }
0x1c: {  	p1 =	slt.u32 s9, $0xF7A;
	s5 =	simm.s32 @!p2 $0x0  }
0x1d: {  	s5 =	simm.s32 @p1 $0x1;
	p0 =	seq.s32 s7, s2  }
0x1e: {  	s7 =	smul.u32 @!p0 $0xF7A, s2;
	p2 =	seq.s32 @!p0 s5, $0x0  }
0x1f: {  	s9 =	smul.u32 $0xF7A, s1;
	s8 =	simm.s32 @!p0 $0x1BF5;
	p2 =	por !p2, p0  }
0x20: {  	[sflag:s8] =	ssyncset.s32 @!p0 $0xFFFFF086;
	s6 =	sadd.s32 @!p0 s3, s7;
	s7 =	simm.s32 @!p0 $0x108  }
0x21: {  	s3 =	sadd.s32 s3, s9;
	s6 =	sadd.s32 @!p0 $0x88, s6;
	s7 =	simm.s32 @p2 $0x1082  }
0x22: {  	[simem:s7], [sflag:s8] =	dma.local @!p0 [hbm:s6], $0xF7A  }
0x23: {  	s9 =	sor.u32 $0xD0000000, s2;
	s6 =	simm.s32 $0x108;
	_ =	swait.ge @!p0 [sflag:s8], $0x0  }
0x24: {  	s3 =	sadd.s32 $0x88, s3;
	s6 =	simm.s32 @!p1 $0x1082;
	[sflag:s4] =	ssyncset.s32 $0xFFFFF086  }
0x25: {  	[simem:s6], [sflag:s4] =	dma.local [hbm:s3], $0xF7A  }
0x26: {  	[smem:$0x3F9D] =	sst s1;
	(tag) =	ssettag s2;
	_ =	strace s9  }
0x27: {  	s1 =	sld [smem:$0x3FAD]  }
0x28: {  	s2 =	sld [smem:$0x3FAE]  }
0x29: {  	s4 =	sld [smem:$0x3FB0]  }
0x2a: {  	p0 =	seq.s32 s5, $0x0;
	s5 =	sld [smem:$0x3FB1]  }
0x2b: {  	s6 =	sld [smem:$0x3FB2]  }
0x2c: {  	s7 =	sld [smem:$0x3FB3]  }
0x2d: {  	s3 =	simm.s32 $0x108;
	s8 =	sld [smem:$0x3FB4]  }
0x2e: {  	s3 =	simm.s32 @!p0 $0x1082;
	s9 =	sld [smem:$0x3FB5]  }
0x2f: {  	lr =	sadd.s32 s0, s3;
	s0 =	sld [smem:$0x3FAC]  }
0x30: {  	s3 =	sld [smem:$0x3FAF]  }
0x31: {  	[smem:$0x3FB8] =	sst s10  }
0x32: {  	s10 =	sld [smem:$0x3FB6];
	_ =	sdelay $0x3  }
0x33: {  	p0 =	seq.s32 s10, $0x1;
	s10 =	sld [smem:$0x3FB8];
	_ =	sdelay $0x3  }
0x34: {  	[smem:$0x3FB8] =	sst s10  }
0x35: {  	s10 =	sld [smem:$0x3FB7];
	_ =	sdelay $0x3  }
0x36: {  	p1 =	seq.s32 s10, $0x1;
	s10 =	sld [smem:$0x3FB8];
	_ =	sdelay $0x3  }
0x37: {  	[smem:$0x3FB8] =	sst s10  }
0x38: {  	s10 =	sld [smem:$0x3FB9]  }
0x39: {  	_ = 	snop;
	(pc) =	sbr.ind lr, $3  }
0x3a: {  	_ = 	snop  }
0x3b: {  	_ = 	snop  }
0x3c: {  	p2 =	seq.s32 s10, $0x1;
	s10 =	sld [smem:$0x3FB8]  }
0x3d: {  	_ =	shalt  }
0x3e: {  	_ =	shalt  }
0x3f: {  	_ =	shalt  }
0x40: {  	_ =	shalt  }
0x41: {  	_ =	shalt  }
0x42: {  	_ =	shalt  }
0x43: {  	_ =	shalt  }
0x44: {  	_ =	shalt  }
0x45: {  	_ =	shalt  }
0x46: {  	_ =	shalt  }
0x47: {  	_ =	shalt  }
0x48: {  	_ =	shalt  }
0x49: {  	_ =	shalt  }
0x4a: {  	_ =	shalt  }
0x4b: {  	_ =	shalt  }
0x4c: {  	_ =	shalt  }
0x4d: {  	_ =	shalt  }
0x4e: {  	_ =	shalt  }
0x4f: {  	_ =	shalt  }
0x50: {  	_ =	shalt  }
0x51: {  	_ =	shalt  }
0x52: {  	_ =	shalt  }
0x53: {  	_ =	shalt  }
0x54: {  	_ =	shalt  }
0x55: {  	_ =	shalt  }
0x56: {  	_ =	shalt  }
0x57: {  	_ =	shalt  }
0x58: {  	_ =	shalt  }
0x59: {  	_ =	shalt  }
0x5a: {  	_ =	shalt  }
0x5b: {  	_ =	shalt  }
0x5c: {  	_ =	shalt  }
0x5d: {  	_ =	shalt  }
0x5e: {  	_ =	shalt  }
0x5f: {  	_ =	shalt  }
0x60: {  	_ =	shalt  }
0x61: {  	_ =	shalt  }
0x62: {  	_ =	shalt  }
0x63: {  	_ =	shalt  }
0x64: {  	_ =	shalt  }
0x65: {  	_ =	shalt  }
0x66: {  	_ =	shalt  }
0x67: {  	_ =	shalt  }
0x68: {  	_ =	shalt  }
0x69: {  	_ =	shalt  }
0x6a: {  	_ =	shalt  }
0x6b: {  	_ =	shalt  }
0x6c: {  	_ =	shalt  }
0x6d: {  	_ =	shalt  }
0x6e: {  	_ =	shalt  }
0x6f: {  	_ =	shalt  }
0x70: {  	_ =	shalt  }
0x71: {  	_ =	shalt  }
0x72: {  	_ =	shalt  }
0x73: {  	_ =	shalt  }
0x74: {  	_ =	shalt  }
0x75: {  	_ =	shalt  }
0x76: {  	_ =	shalt  }
0x77: {  	_ =	shalt  }
0x78: {  	_ =	shalt  }
0x79: {  	_ =	shalt  }
0x7a: {  	_ =	shalt  }
0x7b: {  	_ =	shalt  }
0x7c: {  	_ =	shalt  }
0x7d: {  	_ =	shalt  }
0x7e: {  	_ =	shalt  }
0x7f: {  	_ =	shalt  }
0x80: {  	_ =	shalt  }
0x81: {  	_ =	shalt  }
0x82: {  	_ =	shalt  }
0x83: {  	_ =	shalt  }
0x84: {  	_ =	shalt  }
0x85: {  	_ =	shalt  }
0x86: {  	_ =	shalt  }
0x87: {  	_ =	shalt  }
.Lfunc_end0:
.L_simem_size_0:
called_computation_lowered:
.L_overlay_start_0:
0x88: {  	s2 =	sld [smem:$0x3FD9]  }
0x89: {  	s3 =	sld [smem:$0x3FFE];
	_ =	sdelay $0x1  }
0x8a: {  	s1 =	srdreg.scid  }
0x8b: {  	s0 =	sand.u32 $0x1, s1  }
0x8c: {  	s17 =	sshll.u32 s0, $0xA;
	s2 =	sadd.s32 s3, s2  }
0x8d: {  	s2 =	sadd.s32 s2, s17  }
0x8e: {  	[smem:$0x3FC4] =	sst s2  }
0x8f: {  	_ = 	snop  }
0x90: {  	s2 =	sld [smem:$0x3FC9]  }
0x91: {  	s18 =	sld [smem:$0x3FC8]  }
0x92: {  	s4 =	sld [smem:$0x3FC7]  }
0x93: {  	s5 =	sld [smem:$0x3FD0];
	(tm) =	ssettm $0x1  }
0x94: {  	s6 =	sld [smem:$0x3FFB];
	_ =	sdelay $0x3  }
0x95: {  	_ =	strace s6  }
0x96: {  	s6 =	sld [smem:$0x3FFC];
	_ =	sdelay $0x3  }
0x97: {  	_ =	strace s6  }
0x98: {  	s6 =	sld [smem:$0x3FFD];
	_ =	sdelay $0x3  }
0x99: {  	_ =	strace s6  }
0x9a: {  	_ =	strace $0x8FFFFFFF  }
0x9b: {  	s19 =	sld [smem:$0x3FDB];
	_ =	sdelay $0x1  }
0x9c: {  	s7 =	simm.s32 $_scs_section_size  }
0x9d: {  	s8 =	simm.s32 $_size__tile_overlayer_lowered;
	s9 =	simm.s32 $_tile_overlayer_lowered  }
0x9e: {  	s22 =	simm.s32 $0x1BFF;
	s21 =	sshll.u32 s9, $0x1;
	s6 =	sadd.s32 s7, s19  }
0x9f: {  	s10 =	simm.s32 $0x0;
	s20 =	sshll.u32 s8, $0x1;
	s8 =	sadd.s32 s21, s6  }
0xa0: {  	[timem:s10], [sflag:s22] =	dma.local [hbm:s8], s20  }
0xa1: {  	_ =	swait.ge [sflag:s22], s20  }
0xa2: {  	s7 =	ssub.s32 $0x0, s20;
	[sflag:s22] =	ssyncset.done $0x0  }
0xa3: {  	[sflag:s22] =	ssyncadd.s32 s7;
	_ =	sdelay $0x1  }
0xa4: {  	s23 =	simm.s32 $0x1B8B  }
0xa5: {  	_ =	swait.ge [sflag:s23], $0x1  }
0xa6: {  	[sflag:s23] =	ssyncset.done $0x0  }
0xa7: {  	s25 =	simm.s32 $0x1B8E;
	s24 =	sld [smem:$0x3FFE];
	[sflag:s23] =	ssyncadd.s32 $0xFFFFFFFF  }
0xa8: {  	s26 =	simm.s32 $execute0_lowered;
	[smem:$0x3FD2] =	sst s25  }
0xa9: {  	s8 =	sshll.u32 s26, $0x1;
	_ =	strace $0x80000046;
	[dreg:$0x1] =	wrdreg $0xFFFFFFFF  }
0xaa: {  	s28 =	simm.s32 $_size_execute0_lowered;
	s6 =	sadd.s32 s6, s8;
	[dreg:$0x0] =	wrdreg $0x0  }
0xab: {  	s8 =	sshll.u32 s28, $0x1;
	[dreg:$0x2] =	wrdreg s6  }
0xac: {  	[dreg:$0x3] =	wrdreg s8  }
0xad: {  	[dreg:$0x4] =	wrdreg $0xC0  }
0xae: {  	_ =	task [dreg:s10], $0x5FFFF  }
0xaf: {  	[dreg:$0x1] =	wrdreg $0xFFFFFFFF  }
0xb0: {  	[dreg:$0x0] =	wrdreg $0x60  }
0xb1: {  	[dreg:$0x2] =	wrdreg s2  }
0xb2: {  	[dreg:$0x3] =	wrdreg s18  }
0xb3: {  	[dreg:$0x4] =	wrdreg s4  }
0xb4: {  	[dreg:$0x5] =	wrdreg s24  }
0xb5: {  	[dreg:$0x6] =	wrdreg s5  }
0xb6: {  	[dreg:$0x7] =	wrdreg $0x9  }
0xb7: {  	_ =	task.clear_ibuf [dreg:s10], $0x8FFFF;
	_ =	strace $0x90000046  }
0xb8: {  	s29 =	simm.s32 $0x9;
	_ =	strace $0x80000048  }
0xb9: {  	_ =	swait.ge [sflag:s29], $0x1  }
0xba: {  	[sflag:s29] =	ssyncadd.s32 $0xFFFFFFFF  }
0xbb: {  	_ =	strace $0x90000048  }
0xbc: {  	_ =	sfence  }
0xbd: {  	s30 =	sld [smem:$0x0];
	_ =	sdelay $0x2  }
0xbe: {  	s31 =	sshll.u32 s1, $0xD;
	s1 =	sshrl.u32 s1, $0x2  }
0xbf: {  	s3 =	sand.u32 $0x4000, s31;
	s1 =	sadd.s32 s1, s30  }
0xc0: {  	s0 =	sor.u32 s3, s0;
	s1 =	sshll.u32 s1, $0x11  }
0xc1: {  	s0 =	sor.u32 s1, s0  }
0xc2: {  	s0 =	sadd.s32 $0x8F2B, s0  }
0xc3: {  	[sflag:s0] =	ssyncadd.remote.s32 $0x1  }
0xc4: {  	_ =	sfence.sel $0xFFFF  }
0xc5: {  	[dreg:$0x0] =	wrdreg $0xFFFFFFFF;
	(pc) =	sbr.abs _section_cstart, $3  }
0xc6: {  	[dreg:$0x1] =	wrdreg $0xFFFFFFFF  }
0xc7: {  	_ =	task.clear_ibuf [dreg:s10], $0x2FFFF;
	_ =	strace $0x9FFFFFFF  }
0xc8: {  	(tm) =	ssettm $0x7FFFFFFF  }
0xc9: {  	_ =	shalt  }
tec
execute0_lowered:
.L_overlay_start_1:
0x0: {  	(tag) =	ssettag $0x1  }
0x1: {  	s0 =	rddreg [dreg:$0x0]  }
0x2: {  	s2 =	rddreg [dreg:$0x1]  }
0x3: {  	s1 =	rddreg [dreg:$0x2]  }
0x4: {  	s6 =	rddreg [dreg:$0x3]  }
0x5: {  	s3 =	rddreg [dreg:$0x4]  }
0x6: {  	s5 =	srdreg.scid;
	s4 =	simm.s32 $0x0;
	s7 =	stileid.u32  }
0x7: {  	s28 =	simm.s32 $0x3800;
	s29 =	simm.s32 $0xB800;
	s30 =	simm.s32 $0x7800  }
0x8: {  	s31 =	simm.s32 $0x2;
	s11 =	simm.s32 $0x3;
	s5 =	sand.u32 $0x1, s5  }
0x9: {  	s7 =	sshll.u32 s7, $0xB;
	s8 =	sshll.u32 s5, $0xA;
	s9 =	ssub.s32 $0x2, s5  }
0xa: {  	s12 =	simm.s32 $0x4;
	s5 =	sor.u32 s8, s7;
	s17 =	sshrl.u32 s9, $0x1  }
0xb: {  	[smem:$0x7FF] =	sst s4;
	s10 =	sshrl.u32 s5, $0x3;
	s9 =	ssub.s32 s9, s17  }
0xc: {  	_ =	strace $0x80000047;
	s7 =	sadd.s32 s0, s10;
	s25 =	smax.u32 s9, $0x1  }
0xd: {  	s8 =	sadd.s32 s3, s10;
	s0 =	sadd.s32 $0x6000, s7;
	[dreg:$0xe] =	wrdreg s25  }
0xe: {  	s13 =	simm.s32 $0x0;
	s18 =	sadd.s32 $0x10000, s8;
	[dreg:$0x6] =	wrdreg s0  }
0xf: {  	s6 =	sadd.s32 $0x400, s6;
	s19 =	sadd.s32 $0x18000, s8;
	[dreg:$0x7] =	wrdreg s18  }
0x10: {  	s10 =	sadd.s32 s2, s10;
	s20 =	sadd.s32 $0x28000, s8;
	[dreg:$0x8] =	wrdreg s19  }
0x11: {  	s2 =	simm.s32 $0x1;
	s21 =	sadd.s32 $0x480000, s8;
	[dreg:$0x9] =	wrdreg s20  }
0x12: {  	v0 =	vlaneseq.u32;
	s9 =	simm.s32 $0x1D800;
	s22 =	sadd.s32 $0x490000, s8;
	[dreg:$0xa] =	wrdreg s21  }
0x13: {  	v1 =	vmul.u32 $0x80, v0;
	v3 =	vor.u32 $0x10, v0;
	v5 =	vor.u32 $0x20, v0;
	s23 =	sadd.s32 $0x498000, s8;
	s24 =	sadd.s32 $0x4A8000, s8;
	[dreg:$0xb] =	wrdreg s22  }
0x14: {  	v7 =	vor.u32 $0x30, v0;
	v9 =	vor.u32 $0x40, v0;
	v11 =	vor.u32 $0x50, v0;
	s26 =	sadd.s32 $0x6000, s10;
	s25 =	simm.s32 $0x1B800;
	[dreg:$0xc] =	wrdreg s23  }
0x15: {  	v13 =	vor.u32 $0x60, v0;
	v15 =	vor.u32 $0x70, v0;
	v2 =	vor.u32 $0x800, v1;
	[dreg:$0xd] =	wrdreg s24;
	s19 =	simm.s32 $0x400;
	s20 =	simm.s32 $0x8000  }
0x16: {  	v4 =	vor.u32 $0x1000, v1;
	v6 =	vor.u32 $0x1800, v1;
	v8 =	vor.u32 $0x2000, v1;
	s22 =	simm.s32 $0x5;
	[dreg:$0xf] =	wrdreg s26;
	s26 =	simm.s32 $0x80  }
0x17: {  	v10 =	vor.u32 $0x2800, v1;
	v12 =	vor.u32 $0x3000, v1;
	v14 =	vor.u32 $0x3800, v1;
	s0 =	simm.s32 $0xF800;
	s21 =	simm.s32 $0x13800;
	s23 =	simm.s32 $0x17800  }
.LBB2_1:
0x18: {  	[tilespmem:s4], [sflag:$0x5] =	stream.strided.gather [hbm4b:s7+s19], $0x1800, s20, s19, $0x38;
	[tilespmem:$0x1F800] =	vst v63  }
0x19: {  	s14 =	rddreg [dreg:$0x6];
	s15 =	simm.s32 $0x1800  }
0x1a: {  	[tilespmem:s15], [sflag:$0x5] =	stream.linear.gather [hbm4b:s14+s4], $0x100, $0x38;
	[tilespmem:$0x1F800] =	vst v63  }
0x1b: {  	_ =	swait.ge [sflag:s22], $0x1900  }
0x1c: {  	[sflag:s22] =	ssyncset.done $0x0  }
0x1d: {  	s17 =	simm.s32 $0x1C00;
	[sflag:s22] =	ssyncadd.s32 $0xFFFFE700  }
0x1e: {  	[tilespmem:s17], [sflag:$0x5] =	stream.strided.gather [hbm4b:s10+s19], $0x1800, s20, s19, $0x38;
	[tilespmem:$0x1F800] =	vst v63  }
0x1f: {  	s16 =	simm.s32 $0x3400;
	s18 =	rddreg [dreg:$0xf]  }
0x20: {  	[tilespmem:s16], [sflag:$0x5] =	stream.linear.gather [hbm4b:s18+s4], $0x100, $0x38;
	[tilespmem:$0x1F800] =	vst v63  }
0x21: {  	_ =	swait.ge [sflag:s22], $0x1900  }
0x22: {  	[sflag:s22] =	ssyncset.done $0x0  }
0x23: {  	[sflag:s22] =	ssyncadd.s32 $0xFFFFE700  }
0x24: {  	[tilespmem:s28], [sflag:$0x1] =	stream.indirect.gather [hbm4b:s1+s26], $0x80, s4, s26, $0xb8;
	[tilespmem:$0x1F800] =	vst v63  }
0x25: {  	_ = 	snop  }
0x26: {  	[tilespmem:s29], [sflag:$0x1] =	stream.indirect.gather [hbm4b:s6+s26], $0x80, s17, s26, $0xb8;
	[tilespmem:$0x1F800] =	vst v63  }
0x27: {  	s24 =	simm.s32 $0x1  }
0x28: {  	[tilespmem:s30], [sflag:$0x2] =	stream.indirect.gather [hbm4b:s1+s26], $0x80, s26, s26, $0xb8;
	[tilespmem:$0x1F800] =	vst v63  }
0x29: {  	v16 =	vadd.s32 s24, v0;
	s16 =	simm.s32 $0x1C80;
	s17 =	sand.u32 $0x70, s4  }
0x2a: {  	v16 =	vand.u32 $0xF, v16;
	[tilespmem:s0], [sflag:$0x2] =	stream.indirect.gather [hbm4b:s6+s26], $0x80, s16, s26, $0xb8;
	[tilespmem:$0x1F800] =	vst v63  }
0x2b: {  	v17 =	vadd.s32 s4, v0;
	v25 =	vor.u32 s17, v16;
	_ =	swait.ge [sflag:s2], $0x4000  }
0x2c: {  	v16 =	vand.u32 $0xF, v17;
	v17 =	vor.u32 v1, v25;
	[sflag:s2] =	ssyncset.done $0x0  }
0x2d: {  	v29 =	vor.u32 s17, v16;
	[sflag:s2] =	ssyncadd.s32 $0xFFFFC000  }
0x2e: {  	v16 =	vor.u32 v1, v29;
	_ =	swait.ge [sflag:s2], $0x4000  }
0x2f: {  	[sflag:s2] =	ssyncset.done $0x0  }
0x30: {  	v30 =	vshll.u32 v25, $0x7;
	[sflag:s2] =	ssyncadd.s32 $0xFFFFC000  }
0x31: {  	v18 =	vor.u32 v0, v30;
	v17 =	vld.idx.msk [tilespmem:v17+s28+$0x0], $0xffff  }
0x32: {  	v19 =	vor.u32 v2, v25;
	v32 =	vshll.u32 v29, $0x7  }
0x33: {  	v20 =	vor.u32 v0, v32;
	v16 =	vld.idx.msk [tilespmem:v16+s28+$0x0], $0xffff  }
0x34: {  	v21 =	vor.u32 v2, v29;
	_ =	sdelay $0x1  }
0x35: {  	[tilespmem:v18+s21+$0x0] =	vst.idx.msk $0xffff, v17  }
0x36: {  	v22 =	vor.u32 v3, v30;
	v17 =	vld.idx.msk [tilespmem:v19+s28+$0x0], $0xffff  }
0x37: {  	s24 =	simm.s32 $0x3;
	[tilespmem:v20+s21+$0x0] =	vst.idx.msk $0xffff, v16;
	v16 =	vor.u32 v4, v25  }
0x38: {  	s18 =	simm.s32 $0x2;
	v20 =	vld.idx.msk [tilespmem:v21+s28+$0x0], $0xffff;
	v21 =	vor.u32 v3, v32;
	v19 =	vadd.s32 s24, v0  }
0x39: {  	s14 =	sand.u32 $0x70, s18;
	v23 =	vor.u32 v4, v29;
	v18 =	vadd.s32 s18, v0;
	v19 =	vand.u32 $0xF, v19  }
0x3a: {  	v18 =	vand.u32 $0xF, v18;
	v19 =	vor.u32 s14, v19  }
0x3b: {  	v18 =	vor.u32 s14, v18;
	v26 =	vor.u32 v1, v19;
	[tilespmem:v22+s21+$0x0] =	vst.idx.msk $0xffff, v17  }
0x3c: {  	v27 =	vor.u32 v5, v30;
	v24 =	vor.u32 v1, v18;
	v22 =	vld.idx.msk [tilespmem:v16+s28+$0x0], $0xffff  }
0x3d: {  	v28 =	vor.u32 v6, v25;
	[tilespmem:v21+s21+$0x0] =	vst.idx.msk $0xffff, v20  }
0x3e: {  	v20 =	vor.u32 v5, v32;
	v21 =	vld.idx.msk [tilespmem:v23+s28+$0x0], $0xffff  }
0x3f: {  	v17 =	vshll.u32 v19, $0x7;
	v23 =	vor.u32 v6, v29  }
0x40: {  	v38 =	vor.u32 v10, v25;
	v16 =	vshll.u32 v18, $0x7;
	v33 =	vor.u32 v0, v17;
	v26 =	vld.idx.msk [tilespmem:v26+s28+$0x0], $0xffff  }
0x41: {  	v24 =	vld.idx.msk [tilespmem:v24+s28+$0x0], $0xffff;
	v31 =	vor.u32 v0, v16;
	[tilespmem:v27+s21+$0x0] =	vst.idx.msk $0xffff, v22;
	v22 =	vor.u32 v2, v19  }
0x42: {  	v45 =	vor.u32 v12, v25;
	v34 =	vor.u32 v2, v18;
	v27 =	vld.idx.msk [tilespmem:v28+s28+$0x0], $0xffff;
	v28 =	vor.u32 v7, v30  }
0x43: {  	v54 =	vor.u32 v10, v29;
	[tilespmem:v20+s21+$0x0] =	vst.idx.msk $0xffff, v21;
	v20 =	vor.u32 v8, v25  }
0x44: {  	v44 =	vor.u32 v11, v30;
	v42 =	vor.u32 v9, v32;
	v21 =	vld.idx.msk [tilespmem:v23+s28+$0x0], $0xffff;
	v23 =	vor.u32 v7, v32  }
0x45: {  	v60 =	vor.u32 v11, v32;
	[tilespmem:v33+s21+$0x0] =	vst.idx.msk $0xffff, v26;
	v26 =	vor.u32 v8, v29  }
0x46: {  	s16 =	simm.s32 $0x4;
	v35 =	vor.u32 v3, v17;
	v52 =	vor.u32 v3, v16;
	[tilespmem:v31+s21+$0x0] =	vst.idx.msk $0xffff, v24;
	v53 =	vld.idx.msk [tilespmem:v22+s28+$0x0], $0xffff  }
0x47: {  	v24 =	vld.idx.msk [tilespmem:v34+s28+$0x0], $0xffff;
	v22 =	vadd.s32 s16, v0;
	[tilespmem:v28+s21+$0x0] =	vst.idx.msk $0xffff, v27;
	v27 =	vor.u32 v4, v19  }
0x48: {  	s17 =	simm.s32 $0x5;
	v37 =	vor.u32 v4, v18;
	s14 =	sand.u32 $0x70, s16;
	v28 =	vor.u32 v9, v30;
	v22 =	vand.u32 $0xF, v22;
	v36 =	vld.idx.msk [tilespmem:v20+s28+$0x0], $0xffff  }
0x49: {  	v57 =	vor.u32 v6, v18;
	[tilespmem:v23+s21+$0x0] =	vst.idx.msk $0xffff, v21;
	v20 =	vadd.s32 s17, v0;
	v22 =	vor.u32 s14, v22  }
0x4a: {  	v56 =	vor.u32 v5, v17;
	v41 =	vld.idx.msk [tilespmem:v26+s28+$0x0], $0xffff;
	v20 =	vand.u32 $0xF, v20;
	v40 =	vor.u32 v1, v22  }
0x4b: {  	v62 =	vor.u32 v7, v17;
	v49 =	vor.u32 v9, v17;
	v23 =	vor.u32 s14, v20;
	[tilespmem:v35+s21+$0x0] =	vst.idx.msk $0xffff, v53  }
0x4c: {  	v39 =	vor.u32 v5, v16;
	[tilespmem:v52+s21+$0x0] =	vst.idx.msk $0xffff, v24;
	v43 =	vor.u32 v1, v23;
	v55 =	vld.idx.msk [tilespmem:v27+s28+$0x0], $0xffff  }
0x4d: {  	v48 =	vor.u32 v7, v16;
	v31 =	vor.u32 v6, v19;
	v37 =	vld.idx.msk [tilespmem:v37+s28+$0x0], $0xffff;
	[tilespmem:v28+s21+$0x0] =	vst.idx.msk $0xffff, v36  }
0x4e: {  	v24 =	vor.u32 v15, v32;
	v52 =	vor.u32 v12, v29;
	v20 =	vshll.u32 v22, $0x7;
	v38 =	vld.idx.msk [tilespmem:v38+s28+$0x0], $0xffff  }
0x4f: {  	v58 =	vor.u32 v2, v22;
	v46 =	vor.u32 v0, v20;
	[tilespmem:v42+s21+$0x0] =	vst.idx.msk $0xffff, v41;
	v40 =	vld.idx.msk [tilespmem:v40+s28+$0x0], $0xffff  }
0x50: {  	v50 =	vor.u32 v4, v22;
	v21 =	vshll.u32 v23, $0x7;
	v26 =	vor.u32 v6, v23;
	v59 =	vld.idx.msk [tilespmem:v54+s28+$0x0], $0xffff  }
0x51: {  	v61 =	vor.u32 v2, v23;
	v47 =	vor.u32 v0, v21;
	v43 =	vld.idx.msk [tilespmem:v43+s28+$0x0], $0xffff;
	[tilespmem:v56+s21+$0x0] =	vst.idx.msk $0xffff, v55  }
0x52: {  	v53 =	vor.u32 v8, v19;
	v35 =	vor.u32 v9, v16;
	[tilespmem:v39+s21+$0x0] =	vst.idx.msk $0xffff, v37;
	v63 =	vld.idx.msk [tilespmem:v31+s28+$0x0], $0xffff  }
0x53: {  	v27 =	vor.u32 v5, v20;
	v28 =	vor.u32 v15, v30;
	v36 =	vld.idx.msk [tilespmem:v57+s28+$0x0], $0xffff;
	[tilespmem:v44+s21+$0x0] =	vst.idx.msk $0xffff, v38  }
0x54: {  	v30 =	vor.u32 v13, v30;
	v42 =	vor.u32 v5, v21;
	[tilespmem:v46+s21+$0x0] =	vst.idx.msk $0xffff, v40;
	v44 =	vld.idx.msk [tilespmem:v45+s28+$0x0], $0xffff  }
0x55: {  	v54 =	vor.u32 v8, v18;
	v56 =	vor.u32 v3, v20;
	[tilespmem:v60+s21+$0x0] =	vst.idx.msk $0xffff, v59;
	v41 =	vld.idx.msk [tilespmem:v58+s28+$0x0], $0xffff  }
0x56: {  	v55 =	vor.u32 v13, v32;
	v58 =	vor.u32 v14, v25;
	v60 =	vld.idx.msk [tilespmem:v52+s28+$0x0], $0xffff;
	[tilespmem:v47+s21+$0x0] =	vst.idx.msk $0xffff, v43  }
0x57: {  	s18 =	simm.s32 $0x6;
	v31 =	vor.u32 v14, v29;
	v59 =	vor.u32 v3, v21;
	v57 =	vld.idx.msk [tilespmem:v61+s28+$0x0], $0xffff;
	[tilespmem:v62+s21+$0x0] =	vst.idx.msk $0xffff, v63  }
0x58: {  	s24 =	simm.s32 $0x7;
	[tilespmem:v48+s21+$0x0] =	vst.idx.msk $0xffff, v36;
	v25 =	vadd.s32 s18, v0;
	v61 =	vor.u32 v4, v23;
	v62 =	vld.idx.msk [tilespmem:v53+s28+$0x0], $0xffff  }
0x59: {  	s14 =	sand.u32 $0x70, s18;
	v29 =	vor.u32 v10, v18;
	v25 =	vand.u32 $0xF, v25;
	v63 =	vadd.s32 s24, v0;
	[tilespmem:v30+s21+$0x0] =	vst.idx.msk $0xffff, v44  }
0x5a: {  	v36 =	vor.u32 v10, v19;
	v34 =	vld.idx.msk [tilespmem:v54+s28+$0x0], $0xffff;
	v25 =	vor.u32 s14, v25;
	v33 =	vand.u32 $0xF, v63;
	[tilespmem:v56+s21+$0x0] =	vst.idx.msk $0xffff, v41  }
0x5b: {  	v33 =	vor.u32 s14, v33;
	v44 =	vor.u32 v1, v25;
	[tilespmem:v55+s21+$0x0] =	vst.idx.msk $0xffff, v60;
	v37 =	vld.idx.msk [tilespmem:v58+s28+$0x0], $0xffff  }
0x5c: {  	v30 =	vshll.u32 v25, $0x7;
	v43 =	vor.u32 v1, v33;
	v32 =	vshll.u32 v33, $0x7;
	v39 =	vld.idx.msk [tilespmem:v50+s28+$0x0], $0xffff;
	[tilespmem:v59+s21+$0x0] =	vst.idx.msk $0xffff, v57  }
0x5d: {  	s14 =	simm.s32 $0x8;
	v40 =	vor.u32 v6, v33;
	v41 =	vor.u32 v5, v30;
	v38 =	vld.idx.msk [tilespmem:v61+s28+$0x0], $0xffff;
	[tilespmem:v49+s21+$0x0] =	vst.idx.msk $0xffff, v62  }
.LBB2_2:
0x5e: {  	v45 =	vmovc v33;
	v33 =	vmovc v17;
	v17 =	vmov v21;
	v21 =	vmov v32;
	v32 =	vmov v16  }
0x5f: {  	p0 =	slt.u32 s14, $0x7E;
	v31 =	vld.idx.msk [tilespmem:v31+s28+$0x0], $0xffff;
	v16 =	vmovc v20;
	v20 =	vmovc v30;
	v30 =	vmov v26;
	v26 =	vmov v40;
	v40 =	vmov v27;
	s15 =	smov.u32 s14;
	s14 =	sadd.s32 $0x2, s14  }
0x60: {  	v46 =	vor.u32 v6, v22;
	v27 =	vmov v41;
	v47 =	vor.u32 v15, v32;
	v36 =	vld.idx.msk [tilespmem:v36+s28+$0x0], $0xffff  }
0x61: {  	v48 =	vor.u32 v12, v19;
	v41 =	vld.idx.msk [tilespmem:v44+s28+$0x0], $0xffff;
	v44 =	vor.u32 v11, v33;
	[tilespmem:v28+s21+$0x0] =	vst.idx.msk $0xffff, v37  }
0x62: {  	v49 =	vor.u32 v0, v21;
	v37 =	vor.u32 v0, v20;
	v43 =	vld.idx.msk [tilespmem:v43+s28+$0x0], $0xffff;
	[tilespmem:v35+s21+$0x0] =	vst.idx.msk $0xffff, v34  }
0x63: {  	v28 =	vor.u32 v15, v33;
	v34 =	vor.u32 v2, v25;
	[tilespmem:v42+s21+$0x0] =	vst.idx.msk $0xffff, v38;
	v29 =	vld.idx.msk [tilespmem:v29+s28+$0x0], $0xffff  }
0x64: {  	v35 =	vor.u32 v2, v45;
	v38 =	vor.u32 v11, v32;
	[tilespmem:v40+s21+$0x0] =	vst.idx.msk $0xffff, v39;
	v30 =	vld.idx.msk [tilespmem:v30+s28+$0x0], $0xffff  }
0x65: {  	v42 =	vor.u32 v12, v18;
	v40 =	vor.u32 v7, v17;
	v39 =	vld.idx.msk [tilespmem:v46+s28+$0x0], $0xffff;
	[tilespmem:v24+s21+$0x0] =	vst.idx.msk $0xffff, v31  }
0x66: {  	v50 =	vor.u32 v8, v23;
	v46 =	vor.u32 v7, v16;
	v24 =	vmov v47;
	[tilespmem:v44+s21+$0x0] =	vst.idx.msk $0xffff, v36  }
0x67: {  	v31 =	vor.u32 v14, v18;
	v36 =	vor.u32 v8, v22;
	[tilespmem:v37+s21+$0x0] =	vst.idx.msk $0xffff, v41;
	v37 =	vld.idx.msk [tilespmem:v48+s28+$0x0], $0xffff  }
0x68: {  	v47 =	vor.u32 v13, v32;
	v32 =	vor.u32 v13, v33;
	v41 =	vld.idx.msk [tilespmem:v34+s28+$0x0], $0xffff;
	[tilespmem:v49+s21+$0x0] =	vst.idx.msk $0xffff, v43  }
0x69: {  	v43 =	vor.u32 v3, v20;
	v48 =	vld.idx.msk [tilespmem:v35+s28+$0x0], $0xffff;
	[tilespmem:v38+s21+$0x0] =	vst.idx.msk $0xffff, v29;
	v38 =	vor.u32 v14, v19  }
0x6a: {  	v49 =	vor.u32 v3, v21;
	v29 =	vor.u32 v10, v22;
	[tilespmem:v40+s21+$0x0] =	vst.idx.msk $0xffff, v30;
	v42 =	vld.idx.msk [tilespmem:v42+s28+$0x0], $0xffff  }
0x6b: {  	s16 =	sadd.s32 $0x1, s15;
	v51 =	vor.u32 v4, v45;
	[tilespmem:v46+s21+$0x0] =	vst.idx.msk $0xffff, v39;
	v46 =	vld.idx.msk [tilespmem:v50+s28+$0x0], $0xffff;
	v50 =	vor.u32 v9, v17  }
0x6c: {  	v33 =	vadd.s32 s15, v0;
	v18 =	vmovc v22;
	v22 =	vmovc v25;
	v30 =	vadd.s32 s16, v0;
	v39 =	vor.u32 v4, v25;
	v34 =	vld.idx.msk [tilespmem:v36+s28+$0x0], $0xffff  }
.Ltmp0:
0x6d: {  	s15 =	sand.u32 $0x70, s15;
	v35 =	vor.u32 v9, v16;
	v19 =	vmovc v23;
	v25 =	vand.u32 $0xF, v33;
	v30 =	vand.u32 $0xF, v30;
	[tilespmem:v32+s21+$0x0] =	vst.idx.msk $0xffff, v37;
	(pc) =	sbr.rel @p0 .LBB2_2-.Ltmp0, $4  }
0x6e: {  	v25 =	vor.u32 s15, v25;
	v33 =	vor.u32 s15, v30;
	v36 =	vor.u32 v10, v19;
	[tilespmem:v43+s21+$0x0] =	vst.idx.msk $0xffff, v41;
	v37 =	vld.idx.msk [tilespmem:v38+s28+$0x0], $0xffff  }
0x6f: {  	v44 =	vor.u32 v1, v25;
	v32 =	vshll.u32 v33, $0x7;
	v43 =	vor.u32 v1, v33;
	[tilespmem:v49+s21+$0x0] =	vst.idx.msk $0xffff, v48  }
0x70: {  	v23 =	vmov v45;
	v30 =	vshll.u32 v25, $0x7;
	v40 =	vor.u32 v6, v33;
	v38 =	vld.idx.msk [tilespmem:v51+s28+$0x0], $0xffff;
	[tilespmem:v47+s21+$0x0] =	vst.idx.msk $0xffff, v42  }
0x71: {  	v41 =	vor.u32 v5, v30;
	v42 =	vor.u32 v5, v21;
	v39 =	vld.idx.msk [tilespmem:v39+s28+$0x0], $0xffff;
	[tilespmem:v50+s21+$0x0] =	vst.idx.msk $0xffff, v46  }
0x72: {  	_ =	sdelay $0x3  }
0x73: {  	v43 =	vld.idx.msk [tilespmem:v43+s28+$0x0], $0xffff;
	v45 =	vor.u32 v0, v32  }
0x74: {  	v44 =	vld.idx.msk [tilespmem:v44+s28+$0x0], $0xffff;
	v46 =	vor.u32 v0, v30;
	v47 =	vor.u32 v2, v33  }
0x75: {  	v48 =	vor.u32 v2, v25;
	_ =	sdelay $0x2  }
0x76: {  	[tilespmem:v45+s21+$0x0] =	vst.idx.msk $0xffff, v43  }
0x77: {  	v52 =	vor.u32 v3, v32;
	[tilespmem:v46+s21+$0x0] =	vst.idx.msk $0xffff, v44;
	v43 =	vld.idx.msk [tilespmem:v47+s28+$0x0], $0xffff  }
0x78: {  	v54 =	vor.u32 v3, v30;
	v55 =	vor.u32 v4, v33;
	v53 =	vld.idx.msk [tilespmem:v48+s28+$0x0], $0xffff  }
0x79: {  	v56 =	vor.u32 v4, v25;
	_ =	sdelay $0x2  }
0x7a: {  	[tilespmem:v52+s21+$0x0] =	vst.idx.msk $0xffff, v43  }
0x7b: {  	v57 =	vor.u32 v6, v22;
	v58 =	vor.u32 v5, v32;
	[tilespmem:v54+s21+$0x0] =	vst.idx.msk $0xffff, v53;
	v44 =	vld.idx.msk [tilespmem:v55+s28+$0x0], $0xffff  }
0x7c: {  	v46 =	vld.idx.msk [tilespmem:v56+s28+$0x0], $0xffff  }
0x7d: {  	v59 =	vor.u32 v6, v25  }
0x7e: {  	[tilespmem:v42+s21+$0x0] =	vst.idx.msk $0xffff, v38  }
0x7f: {  	[tilespmem:v27+s21+$0x0] =	vst.idx.msk $0xffff, v39;
	v26 =	vld.idx.msk [tilespmem:v26+s28+$0x0], $0xffff;
	v27 =	vor.u32 v7, v21  }
0x80: {  	v61 =	vor.u32 v7, v20;
	v62 =	vor.u32 v8, v23;
	v60 =	vld.idx.msk [tilespmem:v57+s28+$0x0], $0xffff;
	[tilespmem:v58+s21+$0x0] =	vst.idx.msk $0xffff, v44  }
0x81: {  	v63 =	vor.u32 v8, v22;
	v48 =	vor.u32 v7, v32;
	[tilespmem:v41+s21+$0x0] =	vst.idx.msk $0xffff, v46;
	v40 =	vld.idx.msk [tilespmem:v40+s28+$0x0], $0xffff  }
0x82: {  	v50 =	vor.u32 v7, v30;
	v51 =	vor.u32 v8, v33;
	v49 =	vld.idx.msk [tilespmem:v59+s28+$0x0], $0xffff  }
0x83: {  	[tilespmem:v28+s21+$0x0] =	vst.idx.msk $0xffff, v37;
	v28 =	vor.u32 v8, v25  }
0x84: {  	v31 =	vld.idx.msk [tilespmem:v31+s28+$0x0], $0xffff;
	[tilespmem:v27+s21+$0x0] =	vst.idx.msk $0xffff, v26  }
0x85: {  	v27 =	vor.u32 v9, v21;
	[tilespmem:v61+s21+$0x0] =	vst.idx.msk $0xffff, v60;
	v26 =	vld.idx.msk [tilespmem:v62+s28+$0x0], $0xffff  }
0x86: {  	v52 =	vld.idx.msk [tilespmem:v63+s28+$0x0], $0xffff;
	v53 =	vor.u32 v9, v20;
	v54 =	vor.u32 v10, v23;
	[tilespmem:v48+s21+$0x0] =	vst.idx.msk $0xffff, v40  }
0x87: {  	v55 =	vor.u32 v10, v22;
	v56 =	vor.u32 v9, v32;
	[tilespmem:v50+s21+$0x0] =	vst.idx.msk $0xffff, v49;
	v41 =	vld.idx.msk [tilespmem:v51+s28+$0x0], $0xffff  }
0x88: {  	[tilespmem:v35+s21+$0x0] =	vst.idx.msk $0xffff, v34;
	v57 =	vor.u32 v9, v30;
	v58 =	vor.u32 v10, v33;
	v28 =	vld.idx.msk [tilespmem:v28+s28+$0x0], $0xffff  }
0x89: {  	v36 =	vld.idx.msk [tilespmem:v36+s28+$0x0], $0xffff;
	[tilespmem:v24+s21+$0x0] =	vst.idx.msk $0xffff, v31;
	v24 =	vor.u32 v10, v25;
	v59 =	vor.u32 v11, v17  }
0x8a: {  	v29 =	vld.idx.msk [tilespmem:v29+s28+$0x0], $0xffff;
	v31 =	vor.u32 v12, v19;
	v60 =	vor.u32 v11, v16;
	[tilespmem:v27+s21+$0x0] =	vst.idx.msk $0xffff, v26  }
0x8b: {  	v61 =	vor.u32 v11, v21;
	v26 =	vor.u32 v12, v18;
	v27 =	vld.idx.msk [tilespmem:v54+s28+$0x0], $0xffff;
	[tilespmem:v53+s21+$0x0] =	vst.idx.msk $0xffff, v52  }
0x8c: {  	v62 =	vor.u32 v12, v23;
	v63 =	vor.u32 v11, v20;
	v38 =	vld.idx.msk [tilespmem:v55+s28+$0x0], $0xffff;
	[tilespmem:v56+s21+$0x0] =	vst.idx.msk $0xffff, v41  }
0x8d: {  	v45 =	vor.u32 v12, v22;
	v46 =	vor.u32 v11, v32;
	[tilespmem:v57+s21+$0x0] =	vst.idx.msk $0xffff, v28;
	v35 =	vld.idx.msk [tilespmem:v58+s28+$0x0], $0xffff  }
0x8e: {  	v47 =	vor.u32 v11, v30;
	[tilespmem:v59+s21+$0x0] =	vst.idx.msk $0xffff, v36;
	v28 =	vor.u32 v12, v33;
	v24 =	vld.idx.msk [tilespmem:v24+s28+$0x0], $0xffff  }
0x8f: {  	[tilespmem:v60+s21+$0x0] =	vst.idx.msk $0xffff, v29;
	v29 =	vor.u32 v12, v25;
	v48 =	vor.u32 v13, v17;
	v31 =	vld.idx.msk [tilespmem:v31+s28+$0x0], $0xffff  }
0x90: {  	v19 =	vor.u32 v14, v19;
	v26 =	vld.idx.msk [tilespmem:v26+s28+$0x0], $0xffff;
	[tilespmem:v61+s21+$0x0] =	vst.idx.msk $0xffff, v27;
	v49 =	vor.u32 v13, v16  }
0x91: {  	v18 =	vor.u32 v14, v18;
	v27 =	vld.idx.msk [tilespmem:v62+s28+$0x0], $0xffff;
	[tilespmem:v63+s21+$0x0] =	vst.idx.msk $0xffff, v38;
	v50 =	vor.u32 v13, v21  }
0x92: {  	v23 =	vor.u32 v14, v23;
	v52 =	vld.idx.msk [tilespmem:v45+s28+$0x0], $0xffff;
	v51 =	vor.u32 v13, v20;
	[tilespmem:v46+s21+$0x0] =	vst.idx.msk $0xffff, v35  }
0x93: {  	v22 =	vor.u32 v14, v22;
	v53 =	vor.u32 v13, v32;
	[tilespmem:v47+s21+$0x0] =	vst.idx.msk $0xffff, v24;
	v28 =	vld.idx.msk [tilespmem:v28+s28+$0x0], $0xffff  }
0x94: {  	[tilespmem:v48+s21+$0x0] =	vst.idx.msk $0xffff, v31;
	v31 =	vor.u32 v14, v33;
	v24 =	vor.u32 v13, v30;
	v29 =	vld.idx.msk [tilespmem:v29+s28+$0x0], $0xffff  }
0x95: {  	v25 =	vor.u32 v14, v25;
	v17 =	vor.u32 v15, v17;
	[tilespmem:v49+s21+$0x0] =	vst.idx.msk $0xffff, v26;
	v19 =	vld.idx.msk [tilespmem:v19+s28+$0x0], $0xffff  }
0x96: {  	v16 =	vor.u32 v15, v16;
	[tilespmem:v50+s21+$0x0] =	vst.idx.msk $0xffff, v27;
	v18 =	vld.idx.msk [tilespmem:v18+s28+$0x0], $0xffff  }
0x97: {  	v21 =	vor.u32 v15, v21;
	v23 =	vld.idx.msk [tilespmem:v23+s28+$0x0], $0xffff;
	[tilespmem:v51+s21+$0x0] =	vst.idx.msk $0xffff, v52  }
0x98: {  	s14 =	simm.s32 $0x1;
	v20 =	vor.u32 v15, v20;
	v22 =	vld.idx.msk [tilespmem:v22+s28+$0x0], $0xffff;
	[tilespmem:v53+s21+$0x0] =	vst.idx.msk $0xffff, v28  }
0x99: {  	s15 =	simm.s32 $0x0;
	v26 =	vor.u32 v15, v32;
	[tilespmem:v24+s21+$0x0] =	vst.idx.msk $0xffff, v29;
	v24 =	vadd.s32 s14, v0;
	v27 =	vld.idx.msk [tilespmem:v31+s28+$0x0], $0xffff  }
0x9a: {  	s17 =	sand.u32 $0x30, s15;
	[tilespmem:v17+s21+$0x0] =	vst.idx.msk $0xffff, v19;
	v17 =	vor.u32 v15, v30;
	v19 =	vld.idx.msk [tilespmem:v25+s28+$0x0], $0xffff;
	v24 =	vand.u32 $0xF, v24  }
0x9b: {  	[tilespmem:v16+s21+$0x0] =	vst.idx.msk $0xffff, v18;
	v16 =	vadd.s32 s15, v0;
	v25 =	vor.u32 s17, v24  }
0x9c: {  	[tilespmem:v21+s21+$0x0] =	vst.idx.msk $0xffff, v23;
	v16 =	vand.u32 $0xF, v16;
	v18 =	vor.u32 v1, v25  }
0x9d: {  	[tilespmem:v20+s21+$0x0] =	vst.idx.msk $0xffff, v22;
	v29 =	vor.u32 s17, v16  }
0x9e: {  	v16 =	vor.u32 v1, v29;
	[tilespmem:v26+s21+$0x0] =	vst.idx.msk $0xffff, v27  }
0x9f: {  	[tilespmem:v17+s21+$0x0] =	vst.idx.msk $0xffff, v19  }
0xa0: {  	v30 =	vshll.u32 v25, $0x7;
	[hbm4b:s8+s19] =	stream.strided.scatter [tilespmem:s21], [sflag:$0x3], $0x4000, s20, s19, $0x38;
	[tilespmem:$0x1F800] =	vst v63  }
0xa1: {  	v17 =	vld.idx.msk [tilespmem:v18+s29+$0x0], $0xffff;
	v18 =	vor.u32 v0, v30  }
0xa2: {  	v32 =	vshll.u32 v29, $0x7;
	v19 =	vor.u32 v2, v25  }
0xa3: {  	v20 =	vor.u32 v0, v32;
	v16 =	vld.idx.msk [tilespmem:v16+s29+$0x0], $0xffff  }
0xa4: {  	v21 =	vor.u32 v2, v29;
	_ =	sdelay $0x1  }
0xa5: {  	[tilespmem:v18+s25+$0x0] =	vst.idx.msk $0xffff, v17  }
0xa6: {  	v22 =	vor.u32 v3, v30;
	v17 =	vld.idx.msk [tilespmem:v19+s29+$0x0], $0xffff  }
0xa7: {  	s24 =	simm.s32 $0x3;
	[tilespmem:v20+s25+$0x0] =	vst.idx.msk $0xffff, v16;
	v16 =	vor.u32 v4, v25  }
0xa8: {  	s18 =	simm.s32 $0x2;
	v20 =	vld.idx.msk [tilespmem:v21+s29+$0x0], $0xffff;
	v21 =	vor.u32 v3, v32;
	v19 =	vadd.s32 s24, v0  }
0xa9: {  	s14 =	sand.u32 $0x30, s18;
	v23 =	vor.u32 v4, v29;
	v18 =	vadd.s32 s18, v0;
	v19 =	vand.u32 $0xF, v19  }
0xaa: {  	v18 =	vand.u32 $0xF, v18;
	v19 =	vor.u32 s14, v19  }
0xab: {  	v18 =	vor.u32 s14, v18;
	v26 =	vor.u32 v1, v19;
	[tilespmem:v22+s25+$0x0] =	vst.idx.msk $0xffff, v17  }
0xac: {  	v27 =	vor.u32 v5, v30;
	v24 =	vor.u32 v1, v18;
	v22 =	vld.idx.msk [tilespmem:v16+s29+$0x0], $0xffff  }
0xad: {  	v28 =	vor.u32 v6, v25;
	[tilespmem:v21+s25+$0x0] =	vst.idx.msk $0xffff, v20  }
0xae: {  	v20 =	vor.u32 v5, v32;
	v21 =	vld.idx.msk [tilespmem:v23+s29+$0x0], $0xffff  }
0xaf: {  	v50 =	vor.u32 v10, v29;
	v48 =	vor.u32 v9, v32;
	v17 =	vshll.u32 v19, $0x7  }
0xb0: {  	v16 =	vshll.u32 v18, $0x7;
	v23 =	vor.u32 v6, v29;
	v54 =	vor.u32 v0, v17;
	v26 =	vld.idx.msk [tilespmem:v26+s29+$0x0], $0xffff  }
0xb1: {  	v24 =	vld.idx.msk [tilespmem:v24+s29+$0x0], $0xffff;
	v31 =	vor.u32 v0, v16;
	[tilespmem:v27+s25+$0x0] =	vst.idx.msk $0xffff, v22;
	v22 =	vor.u32 v2, v19  }
0xb2: {  	v60 =	vor.u32 v10, v25;
	v55 =	vor.u32 v2, v18;
	v27 =	vld.idx.msk [tilespmem:v28+s29+$0x0], $0xffff;
	v28 =	vor.u32 v7, v30  }
0xb3: {  	v45 =	vor.u32 v12, v25;
	[tilespmem:v20+s25+$0x0] =	vst.idx.msk $0xffff, v21;
	v20 =	vor.u32 v8, v25  }
0xb4: {  	v59 =	vor.u32 v4, v18;
	v53 =	vor.u32 v6, v18;
	v58 =	vor.u32 v3, v17  }
0xb5: {  	v52 =	vor.u32 v5, v17;
	v21 =	vld.idx.msk [tilespmem:v23+s29+$0x0], $0xffff;
	v23 =	vor.u32 v7, v32;
	[tilespmem:v54+s25+$0x0] =	vst.idx.msk $0xffff, v26  }
0xb6: {  	s16 =	simm.s32 $0x4;
	v56 =	vor.u32 v3, v16;
	[tilespmem:v31+s25+$0x0] =	vst.idx.msk $0xffff, v24;
	v26 =	vor.u32 v8, v29;
	v57 =	vld.idx.msk [tilespmem:v22+s29+$0x0], $0xffff  }
0xb7: {  	s17 =	simm.s32 $0x5;
	v24 =	vld.idx.msk [tilespmem:v55+s29+$0x0], $0xffff;
	v22 =	vadd.s32 s16, v0;
	[tilespmem:v28+s25+$0x0] =	vst.idx.msk $0xffff, v27;
	v27 =	vor.u32 v4, v19  }
0xb8: {  	s14 =	sand.u32 $0x30, s16;
	v28 =	vor.u32 v9, v30;
	v22 =	vand.u32 $0xF, v22;
	v36 =	vld.idx.msk [tilespmem:v20+s29+$0x0], $0xffff;
	v20 =	vadd.s32 s17, v0  }
0xb9: {  	v61 =	vor.u32 v5, v16;
	v22 =	vor.u32 s14, v22;
	v20 =	vand.u32 $0xF, v20  }
0xba: {  	v35 =	vor.u32 v9, v16;
	[tilespmem:v23+s25+$0x0] =	vst.idx.msk $0xffff, v21;
	v62 =	vor.u32 v1, v22;
	v23 =	vor.u32 s14, v20  }
0xbb: {  	v31 =	vor.u32 v6, v19;
	v63 =	vld.idx.msk [tilespmem:v26+s29+$0x0], $0xffff;
	v49 =	vor.u32 v1, v23;
	[tilespmem:v58+s25+$0x0] =	vst.idx.msk $0xffff, v57  }
0xbc: {  	v54 =	vor.u32 v11, v30;
	[tilespmem:v56+s25+$0x0] =	vst.idx.msk $0xffff, v24;
	v24 =	vor.u32 v15, v32;
	v51 =	vld.idx.msk [tilespmem:v27+s29+$0x0], $0xffff  }
0xbd: {  	v37 =	vld.idx.msk [tilespmem:v59+s29+$0x0], $0xffff;
	v59 =	vor.u32 v11, v32;
	v20 =	vshll.u32 v22, $0x7;
	[tilespmem:v28+s25+$0x0] =	vst.idx.msk $0xffff, v36  }
0xbe: {  	v21 =	vshll.u32 v23, $0x7;
	v26 =	vor.u32 v6, v23;
	v55 =	vor.u32 v0, v20;
	v38 =	vld.idx.msk [tilespmem:v60+s29+$0x0], $0xffff  }
0xbf: {  	v57 =	vor.u32 v2, v22;
	v27 =	vor.u32 v5, v20;
	v56 =	vor.u32 v0, v21;
	v40 =	vld.idx.msk [tilespmem:v62+s29+$0x0], $0xffff  }
0xc0: {  	v42 =	vor.u32 v5, v21;
	[tilespmem:v48+s25+$0x0] =	vst.idx.msk $0xffff, v63;
	v28 =	vor.u32 v15, v30;
	v43 =	vld.idx.msk [tilespmem:v49+s29+$0x0], $0xffff  }
0xc1: {  	v63 =	vor.u32 v12, v29;
	v58 =	vld.idx.msk [tilespmem:v50+s29+$0x0], $0xffff;
	v60 =	vor.u32 v2, v23;
	[tilespmem:v52+s25+$0x0] =	vst.idx.msk $0xffff, v51  }
0xc2: {  	v30 =	vor.u32 v13, v30;
	[tilespmem:v61+s25+$0x0] =	vst.idx.msk $0xffff, v37;
	v61 =	vor.u32 v7, v17;
	v62 =	vld.idx.msk [tilespmem:v31+s29+$0x0], $0xffff  }
0xc3: {  	v36 =	vld.idx.msk [tilespmem:v53+s29+$0x0], $0xffff;
	v53 =	vor.u32 v8, v19;
	v52 =	vor.u32 v7, v16;
	[tilespmem:v54+s25+$0x0] =	vst.idx.msk $0xffff, v38  }
0xc4: {  	v50 =	vor.u32 v4, v22;
	v49 =	vor.u32 v9, v17;
	[tilespmem:v55+s25+$0x0] =	vst.idx.msk $0xffff, v40;
	v44 =	vld.idx.msk [tilespmem:v45+s29+$0x0], $0xffff  }
0xc5: {  	v54 =	vor.u32 v8, v18;
	v41 =	vld.idx.msk [tilespmem:v57+s29+$0x0], $0xffff;
	[tilespmem:v56+s25+$0x0] =	vst.idx.msk $0xffff, v43;
	v56 =	vor.u32 v3, v20  }
0xc6: {  	[tilespmem:v59+s25+$0x0] =	vst.idx.msk $0xffff, v58;
	v58 =	vor.u32 v14, v25;
	v59 =	vor.u32 v3, v21;
	v57 =	vld.idx.msk [tilespmem:v60+s29+$0x0], $0xffff  }
0xc7: {  	s18 =	simm.s32 $0x6;
	v31 =	vor.u32 v14, v29;
	v55 =	vor.u32 v13, v32;
	v60 =	vld.idx.msk [tilespmem:v63+s29+$0x0], $0xffff;
	[tilespmem:v61+s25+$0x0] =	vst.idx.msk $0xffff, v62  }
0xc8: {  	s24 =	simm.s32 $0x7;
	v25 =	vadd.s32 s18, v0;
	[tilespmem:v52+s25+$0x0] =	vst.idx.msk $0xffff, v36;
	v61 =	vor.u32 v4, v23;
	v62 =	vld.idx.msk [tilespmem:v53+s29+$0x0], $0xffff  }
0xc9: {  	s14 =	sand.u32 $0x30, s18;
	v29 =	vor.u32 v10, v18;
	v25 =	vand.u32 $0xF, v25;
	v63 =	vadd.s32 s24, v0;
	[tilespmem:v30+s25+$0x0] =	vst.idx.msk $0xffff, v44  }
0xca: {  	v25 =	vor.u32 s14, v25;
	v36 =	vor.u32 v10, v19;
	v33 =	vand.u32 $0xF, v63;
	v34 =	vld.idx.msk [tilespmem:v54+s29+$0x0], $0xffff;
	[tilespmem:v56+s25+$0x0] =	vst.idx.msk $0xffff, v41  }
0xcb: {  	v33 =	vor.u32 s14, v33;
	v44 =	vor.u32 v1, v25;
	v37 =	vld.idx.msk [tilespmem:v58+s29+$0x0], $0xffff;
	[tilespmem:v59+s25+$0x0] =	vst.idx.msk $0xffff, v57  }
0xcc: {  	v43 =	vor.u32 v1, v33;
	v32 =	vshll.u32 v33, $0x7;
	v30 =	vshll.u32 v25, $0x7;
	[tilespmem:v55+s25+$0x0] =	vst.idx.msk $0xffff, v60;
	v39 =	vld.idx.msk [tilespmem:v50+s29+$0x0], $0xffff  }
0xcd: {  	s14 =	simm.s32 $0x8;
	v40 =	vor.u32 v6, v33;
	v41 =	vor.u32 v5, v30;
	v38 =	vld.idx.msk [tilespmem:v61+s29+$0x0], $0xffff;
	[tilespmem:v49+s25+$0x0] =	vst.idx.msk $0xffff, v62  }
.LBB2_4:
0xce: {  	v45 =	vmovc v33;
	v33 =	vmovc v17;
	v17 =	vmov v21;
	v21 =	vmov v32;
	v32 =	vmov v16  }
0xcf: {  	p0 =	slt.u32 s14, $0x3E;
	v31 =	vld.idx.msk [tilespmem:v31+s29+$0x0], $0xffff;
	v16 =	vmovc v20;
	v20 =	vmovc v30;
	v30 =	vmov v26;
	v26 =	vmov v40;
	v40 =	vmov v27;
	s15 =	smov.u32 s14;
	s14 =	sadd.s32 $0x2, s14  }
0xd0: {  	v46 =	vor.u32 v6, v22;
	v27 =	vmov v41;
	v47 =	vor.u32 v15, v32;
	v36 =	vld.idx.msk [tilespmem:v36+s29+$0x0], $0xffff  }
0xd1: {  	v48 =	vor.u32 v12, v19;
	v41 =	vld.idx.msk [tilespmem:v44+s29+$0x0], $0xffff;
	v44 =	vor.u32 v11, v33;
	[tilespmem:v28+s25+$0x0] =	vst.idx.msk $0xffff, v37  }
0xd2: {  	v49 =	vor.u32 v0, v21;
	v37 =	vor.u32 v0, v20;
	v43 =	vld.idx.msk [tilespmem:v43+s29+$0x0], $0xffff;
	[tilespmem:v35+s25+$0x0] =	vst.idx.msk $0xffff, v34  }
0xd3: {  	v28 =	vor.u32 v15, v33;
	v34 =	vor.u32 v2, v25;
	[tilespmem:v42+s25+$0x0] =	vst.idx.msk $0xffff, v38;
	v29 =	vld.idx.msk [tilespmem:v29+s29+$0x0], $0xffff  }
0xd4: {  	v35 =	vor.u32 v2, v45;
	v38 =	vor.u32 v11, v32;
	[tilespmem:v40+s25+$0x0] =	vst.idx.msk $0xffff, v39;
	v30 =	vld.idx.msk [tilespmem:v30+s29+$0x0], $0xffff  }
0xd5: {  	v42 =	vor.u32 v12, v18;
	v40 =	vor.u32 v7, v17;
	v39 =	vld.idx.msk [tilespmem:v46+s29+$0x0], $0xffff;
	[tilespmem:v24+s25+$0x0] =	vst.idx.msk $0xffff, v31  }
0xd6: {  	v50 =	vor.u32 v8, v23;
	v46 =	vor.u32 v7, v16;
	v24 =	vmov v47;
	[tilespmem:v44+s25+$0x0] =	vst.idx.msk $0xffff, v36  }
0xd7: {  	v31 =	vor.u32 v14, v18;
	v36 =	vor.u32 v8, v22;
	[tilespmem:v37+s25+$0x0] =	vst.idx.msk $0xffff, v41;
	v37 =	vld.idx.msk [tilespmem:v48+s29+$0x0], $0xffff  }
0xd8: {  	v47 =	vor.u32 v13, v32;
	v32 =	vor.u32 v13, v33;
	v41 =	vld.idx.msk [tilespmem:v34+s29+$0x0], $0xffff;
	[tilespmem:v49+s25+$0x0] =	vst.idx.msk $0xffff, v43  }
0xd9: {  	v43 =	vor.u32 v3, v20;
	v48 =	vld.idx.msk [tilespmem:v35+s29+$0x0], $0xffff;
	[tilespmem:v38+s25+$0x0] =	vst.idx.msk $0xffff, v29;
	v38 =	vor.u32 v14, v19  }
0xda: {  	v49 =	vor.u32 v3, v21;
	v29 =	vor.u32 v10, v22;
	[tilespmem:v40+s25+$0x0] =	vst.idx.msk $0xffff, v30;
	v42 =	vld.idx.msk [tilespmem:v42+s29+$0x0], $0xffff  }
0xdb: {  	s16 =	sadd.s32 $0x1, s15;
	v51 =	vor.u32 v4, v45;
	[tilespmem:v46+s25+$0x0] =	vst.idx.msk $0xffff, v39;
	v46 =	vld.idx.msk [tilespmem:v50+s29+$0x0], $0xffff;
	v50 =	vor.u32 v9, v17  }
0xdc: {  	v33 =	vadd.s32 s15, v0;
	v18 =	vmovc v22;
	v22 =	vmovc v25;
	v30 =	vadd.s32 s16, v0;
	v39 =	vor.u32 v4, v25;
	v34 =	vld.idx.msk [tilespmem:v36+s29+$0x0], $0xffff  }
.Ltmp1:
0xdd: {  	s15 =	sand.u32 $0x30, s15;
	v35 =	vor.u32 v9, v16;
	v19 =	vmovc v23;
	v25 =	vand.u32 $0xF, v33;
	v30 =	vand.u32 $0xF, v30;
	[tilespmem:v32+s25+$0x0] =	vst.idx.msk $0xffff, v37;
	(pc) =	sbr.rel @p0 .LBB2_4-.Ltmp1, $4  }
0xde: {  	v25 =	vor.u32 s15, v25;
	v33 =	vor.u32 s15, v30;
	v36 =	vor.u32 v10, v19;
	[tilespmem:v43+s25+$0x0] =	vst.idx.msk $0xffff, v41;
	v37 =	vld.idx.msk [tilespmem:v38+s29+$0x0], $0xffff  }
0xdf: {  	v44 =	vor.u32 v1, v25;
	v32 =	vshll.u32 v33, $0x7;
	v43 =	vor.u32 v1, v33;
	[tilespmem:v49+s25+$0x0] =	vst.idx.msk $0xffff, v48  }
0xe0: {  	v23 =	vmov v45;
	v30 =	vshll.u32 v25, $0x7;
	v40 =	vor.u32 v6, v33;
	v38 =	vld.idx.msk [tilespmem:v51+s29+$0x0], $0xffff;
	[tilespmem:v47+s25+$0x0] =	vst.idx.msk $0xffff, v42  }
0xe1: {  	v41 =	vor.u32 v5, v30;
	v42 =	vor.u32 v5, v21;
	v39 =	vld.idx.msk [tilespmem:v39+s29+$0x0], $0xffff;
	[tilespmem:v50+s25+$0x0] =	vst.idx.msk $0xffff, v46  }
0xe2: {  	_ =	sdelay $0x3  }
0xe3: {  	v43 =	vld.idx.msk [tilespmem:v43+s29+$0x0], $0xffff;
	v45 =	vor.u32 v0, v32  }
0xe4: {  	v44 =	vld.idx.msk [tilespmem:v44+s29+$0x0], $0xffff;
	v46 =	vor.u32 v0, v30;
	v47 =	vor.u32 v2, v33  }
0xe5: {  	v48 =	vor.u32 v2, v25;
	_ =	sdelay $0x2  }
0xe6: {  	[tilespmem:v45+s25+$0x0] =	vst.idx.msk $0xffff, v43  }
0xe7: {  	v63 =	vor.u32 v3, v32;
	[tilespmem:v46+s25+$0x0] =	vst.idx.msk $0xffff, v44;
	v43 =	vld.idx.msk [tilespmem:v47+s29+$0x0], $0xffff  }
0xe8: {  	v53 =	vor.u32 v3, v30;
	v54 =	vor.u32 v4, v33;
	v52 =	vld.idx.msk [tilespmem:v48+s29+$0x0], $0xffff  }
0xe9: {  	v55 =	vor.u32 v4, v25;
	_ =	sdelay $0x2  }
0xea: {  	[tilespmem:v63+s25+$0x0] =	vst.idx.msk $0xffff, v43  }
0xeb: {  	v56 =	vor.u32 v6, v22;
	v57 =	vor.u32 v5, v32;
	[tilespmem:v53+s25+$0x0] =	vst.idx.msk $0xffff, v52;
	v44 =	vld.idx.msk [tilespmem:v54+s29+$0x0], $0xffff  }
0xec: {  	v46 =	vld.idx.msk [tilespmem:v55+s29+$0x0], $0xffff  }
0xed: {  	v58 =	vor.u32 v6, v25  }
0xee: {  	[tilespmem:v42+s25+$0x0] =	vst.idx.msk $0xffff, v38  }
0xef: {  	[tilespmem:v27+s25+$0x0] =	vst.idx.msk $0xffff, v39;
	v26 =	vld.idx.msk [tilespmem:v26+s29+$0x0], $0xffff;
	v27 =	vor.u32 v7, v21  }
0xf0: {  	v60 =	vor.u32 v7, v20;
	v61 =	vor.u32 v8, v23;
	v59 =	vld.idx.msk [tilespmem:v56+s29+$0x0], $0xffff;
	[tilespmem:v57+s25+$0x0] =	vst.idx.msk $0xffff, v44  }
0xf1: {  	v62 =	vor.u32 v8, v22;
	v63 =	vor.u32 v7, v32;
	[tilespmem:v41+s25+$0x0] =	vst.idx.msk $0xffff, v46;
	v40 =	vld.idx.msk [tilespmem:v40+s29+$0x0], $0xffff  }
0xf2: {  	v49 =	vor.u32 v7, v30;
	v50 =	vor.u32 v8, v33;
	v48 =	vld.idx.msk [tilespmem:v58+s29+$0x0], $0xffff  }
0xf3: {  	[tilespmem:v28+s25+$0x0] =	vst.idx.msk $0xffff, v37;
	v28 =	vor.u32 v8, v25  }
0xf4: {  	v31 =	vld.idx.msk [tilespmem:v31+s29+$0x0], $0xffff;
	[tilespmem:v27+s25+$0x0] =	vst.idx.msk $0xffff, v26  }
0xf5: {  	v27 =	vor.u32 v9, v21;
	[tilespmem:v60+s25+$0x0] =	vst.idx.msk $0xffff, v59;
	v26 =	vld.idx.msk [tilespmem:v61+s29+$0x0], $0xffff  }
0xf6: {  	v51 =	vld.idx.msk [tilespmem:v62+s29+$0x0], $0xffff;
	v52 =	vor.u32 v9, v20;
	v53 =	vor.u32 v10, v23;
	[tilespmem:v63+s25+$0x0] =	vst.idx.msk $0xffff, v40  }
0xf7: {  	v54 =	vor.u32 v10, v22;
	v55 =	vor.u32 v9, v32;
	[tilespmem:v49+s25+$0x0] =	vst.idx.msk $0xffff, v48;
	v41 =	vld.idx.msk [tilespmem:v50+s29+$0x0], $0xffff  }
0xf8: {  	[tilespmem:v35+s25+$0x0] =	vst.idx.msk $0xffff, v34;
	v56 =	vor.u32 v9, v30;
	v57 =	vor.u32 v10, v33;
	v28 =	vld.idx.msk [tilespmem:v28+s29+$0x0], $0xffff  }
0xf9: {  	v36 =	vld.idx.msk [tilespmem:v36+s29+$0x0], $0xffff;
	[tilespmem:v24+s25+$0x0] =	vst.idx.msk $0xffff, v31;
	v24 =	vor.u32 v10, v25;
	v58 =	vor.u32 v11, v17  }
0xfa: {  	v29 =	vld.idx.msk [tilespmem:v29+s29+$0x0], $0xffff;
	v31 =	vor.u32 v12, v19;
	v59 =	vor.u32 v11, v16;
	[tilespmem:v27+s25+$0x0] =	vst.idx.msk $0xffff, v26  }
0xfb: {  	v60 =	vor.u32 v11, v21;
	v26 =	vor.u32 v12, v18;
	v27 =	vld.idx.msk [tilespmem:v53+s29+$0x0], $0xffff;
	[tilespmem:v52+s25+$0x0] =	vst.idx.msk $0xffff, v51  }
0xfc: {  	v61 =	vor.u32 v12, v23;
	v62 =	vor.u32 v11, v20;
	v38 =	vld.idx.msk [tilespmem:v54+s29+$0x0], $0xffff;
	[tilespmem:v55+s25+$0x0] =	vst.idx.msk $0xffff, v41  }
0xfd: {  	v45 =	vor.u32 v11, v32;
	v63 =	vor.u32 v12, v22;
	[tilespmem:v56+s25+$0x0] =	vst.idx.msk $0xffff, v28;
	v35 =	vld.idx.msk [tilespmem:v57+s29+$0x0], $0xffff  }
0xfe: {  	v46 =	vor.u32 v11, v30;
	[tilespmem:v58+s25+$0x0] =	vst.idx.msk $0xffff, v36;
	v28 =	vor.u32 v12, v33;
	v24 =	vld.idx.msk [tilespmem:v24+s29+$0x0], $0xffff  }
0xff: {  	v47 =	vor.u32 v13, v17;
	[tilespmem:v59+s25+$0x0] =	vst.idx.msk $0xffff, v29;
	v29 =	vor.u32 v12, v25;
	v31 =	vld.idx.msk [tilespmem:v31+s29+$0x0], $0xffff  }
0x100: {  	v19 =	vor.u32 v14, v19;
	v26 =	vld.idx.msk [tilespmem:v26+s29+$0x0], $0xffff;
	[tilespmem:v60+s25+$0x0] =	vst.idx.msk $0xffff, v27;
	v48 =	vor.u32 v13, v16  }
0x101: {  	v18 =	vor.u32 v14, v18;
	v27 =	vld.idx.msk [tilespmem:v61+s29+$0x0], $0xffff;
	[tilespmem:v62+s25+$0x0] =	vst.idx.msk $0xffff, v38;
	v49 =	vor.u32 v13, v21  }
0x102: {  	v23 =	vor.u32 v14, v23;
	v50 =	vor.u32 v13, v20;
	v51 =	vld.idx.msk [tilespmem:v63+s29+$0x0], $0xffff;
	[tilespmem:v45+s25+$0x0] =	vst.idx.msk $0xffff, v35  }
0x103: {  	v52 =	vor.u32 v13, v32;
	v22 =	vor.u32 v14, v22;
	[tilespmem:v46+s25+$0x0] =	vst.idx.msk $0xffff, v24;
	v28 =	vld.idx.msk [tilespmem:v28+s29+$0x0], $0xffff  }
0x104: {  	[tilespmem:v47+s25+$0x0] =	vst.idx.msk $0xffff, v31;
	v31 =	vor.u32 v14, v33;
	v24 =	vor.u32 v13, v30;
	v29 =	vld.idx.msk [tilespmem:v29+s29+$0x0], $0xffff  }
0x105: {  	v25 =	vor.u32 v14, v25;
	v17 =	vor.u32 v15, v17;
	[tilespmem:v48+s25+$0x0] =	vst.idx.msk $0xffff, v26;
	v19 =	vld.idx.msk [tilespmem:v19+s29+$0x0], $0xffff  }
0x106: {  	v16 =	vor.u32 v15, v16;
	[tilespmem:v49+s25+$0x0] =	vst.idx.msk $0xffff, v27;
	v18 =	vld.idx.msk [tilespmem:v18+s29+$0x0], $0xffff  }
0x107: {  	v21 =	vor.u32 v15, v21;
	v23 =	vld.idx.msk [tilespmem:v23+s29+$0x0], $0xffff;
	[tilespmem:v50+s25+$0x0] =	vst.idx.msk $0xffff, v51  }
0x108: {  	v20 =	vor.u32 v15, v20;
	v22 =	vld.idx.msk [tilespmem:v22+s29+$0x0], $0xffff;
	[tilespmem:v52+s25+$0x0] =	vst.idx.msk $0xffff, v28  }
0x109: {  	v26 =	vor.u32 v15, v32;
	[tilespmem:v24+s25+$0x0] =	vst.idx.msk $0xffff, v29;
	v27 =	vld.idx.msk [tilespmem:v31+s29+$0x0], $0xffff  }
0x10a: {  	[tilespmem:v17+s25+$0x0] =	vst.idx.msk $0xffff, v19;
	v17 =	vor.u32 v15, v30;
	v19 =	vld.idx.msk [tilespmem:v25+s29+$0x0], $0xffff  }
0x10b: {  	[tilespmem:v16+s25+$0x0] =	vst.idx.msk $0xffff, v18  }
0x10c: {  	[tilespmem:v21+s25+$0x0] =	vst.idx.msk $0xffff, v23  }
0x10d: {  	[tilespmem:v20+s25+$0x0] =	vst.idx.msk $0xffff, v22  }
0x10e: {  	[tilespmem:v26+s25+$0x0] =	vst.idx.msk $0xffff, v27  }
0x10f: {  	[tilespmem:v17+s25+$0x0] =	vst.idx.msk $0xffff, v19  }
0x110: {  	s14 =	rddreg [dreg:$0x7]  }
0x111: {  	[hbm4b:s14+s19] =	stream.strided.scatter [tilespmem:s25], [sflag:$0x3], $0x2000, s20, s19, $0x38;
	[tilespmem:$0x1F800] =	vst v63  }
0x112: {  	s24 =	simm.s32 $0x100  }
0x113: {  	[tilespmem:s28], [sflag:$0x1] =	stream.indirect.gather [hbm4b:s1+s26], $0x80, s24, s26, $0xb8;
	[tilespmem:$0x1F800] =	vst v63  }
0x114: {  	s15 =	simm.s32 $0x1D00;
	s16 =	simm.s32 $0x1  }
0x115: {  	[tilespmem:s29], [sflag:$0x1] =	stream.indirect.gather [hbm4b:s6+s26], $0x80, s15, s26, $0xb8;
	[tilespmem:$0x1F800] =	vst v63  }
0x116: {  	v16 =	vadd.s32 s16, v0;
	s15 =	simm.s32 $0x0  }
0x117: {  	v16 =	vand.u32 $0xF, v16;
	s17 =	sand.u32 $0x70, s15  }
0x118: {  	_ =	swait.ge [sflag:s31], $0x4000;
	v17 =	vadd.s32 s15, v0;
	v25 =	vor.u32 s17, v16  }
0x119: {  	[sflag:s31] =	ssyncset.done $0x0;
	v16 =	vand.u32 $0xF, v17;
	v17 =	vor.u32 v1, v25  }
0x11a: {  	[sflag:s31] =	ssyncadd.s32 $0xFFFFC000;
	v29 =	vor.u32 s17, v16  }
0x11b: {  	_ =	swait.ge [sflag:s31], $0x4000;
	v16 =	vor.u32 v1, v29  }
0x11c: {  	[sflag:s31] =	ssyncset.done $0x0  }
0x11d: {  	v30 =	vshll.u32 v25, $0x7;
	[sflag:s31] =	ssyncadd.s32 $0xFFFFC000  }
0x11e: {  	v18 =	vor.u32 v0, v30;
	v17 =	vld.idx.msk [tilespmem:v17+s30+$0x0], $0xffff  }
0x11f: {  	v19 =	vor.u32 v2, v25;
	v32 =	vshll.u32 v29, $0x7  }
0x120: {  	v20 =	vor.u32 v0, v32;
	v16 =	vld.idx.msk [tilespmem:v16+s30+$0x0], $0xffff  }
0x121: {  	v21 =	vor.u32 v2, v29;
	_ =	sdelay $0x1  }
0x122: {  	[tilespmem:v18+s23+$0x0] =	vst.idx.msk $0xffff, v17  }
0x123: {  	v22 =	vor.u32 v3, v30;
	v17 =	vld.idx.msk [tilespmem:v19+s30+$0x0], $0xffff  }
0x124: {  	s24 =	simm.s32 $0x3;
	[tilespmem:v20+s23+$0x0] =	vst.idx.msk $0xffff, v16;
	v16 =	vor.u32 v4, v25  }
0x125: {  	s18 =	simm.s32 $0x2;
	v19 =	vadd.s32 s24, v0;
	v20 =	vld.idx.msk [tilespmem:v21+s30+$0x0], $0xffff;
	v21 =	vor.u32 v3, v32  }
0x126: {  	s14 =	sand.u32 $0x70, s18;
	v23 =	vor.u32 v4, v29;
	v18 =	vadd.s32 s18, v0;
	v19 =	vand.u32 $0xF, v19  }
0x127: {  	v18 =	vand.u32 $0xF, v18;
	v19 =	vor.u32 s14, v19  }
0x128: {  	v18 =	vor.u32 s14, v18;
	v26 =	vor.u32 v1, v19;
	[tilespmem:v22+s23+$0x0] =	vst.idx.msk $0xffff, v17  }
0x129: {  	v27 =	vor.u32 v5, v30;
	v24 =	vor.u32 v1, v18;
	v22 =	vld.idx.msk [tilespmem:v16+s30+$0x0], $0xffff  }
0x12a: {  	v28 =	vor.u32 v6, v25;
	[tilespmem:v21+s23+$0x0] =	vst.idx.msk $0xffff, v20  }
0x12b: {  	v20 =	vor.u32 v5, v32;
	v21 =	vld.idx.msk [tilespmem:v23+s30+$0x0], $0xffff  }
0x12c: {  	v60 =	vor.u32 v10, v25;
	v45 =	vor.u32 v12, v25;
	v17 =	vshll.u32 v19, $0x7  }
0x12d: {  	v16 =	vshll.u32 v18, $0x7;
	v53 =	vor.u32 v0, v17;
	v23 =	vor.u32 v6, v29;
	v26 =	vld.idx.msk [tilespmem:v26+s30+$0x0], $0xffff  }
0x12e: {  	v24 =	vld.idx.msk [tilespmem:v24+s30+$0x0], $0xffff;
	v31 =	vor.u32 v0, v16;
	[tilespmem:v27+s23+$0x0] =	vst.idx.msk $0xffff, v22;
	v22 =	vor.u32 v2, v19  }
0x12f: {  	v50 =	vor.u32 v10, v29;
	v54 =	vor.u32 v2, v18;
	v27 =	vld.idx.msk [tilespmem:v28+s30+$0x0], $0xffff;
	v28 =	vor.u32 v7, v30  }
0x130: {  	v48 =	vor.u32 v9, v32;
	[tilespmem:v20+s23+$0x0] =	vst.idx.msk $0xffff, v21;
	v20 =	vor.u32 v8, v25  }
0x131: {  	v59 =	vor.u32 v4, v18;
	v57 =	vor.u32 v3, v17;
	v52 =	vor.u32 v5, v17  }
0x132: {  	v55 =	vor.u32 v3, v16;
	v21 =	vld.idx.msk [tilespmem:v23+s30+$0x0], $0xffff;
	v23 =	vor.u32 v7, v32;
	[tilespmem:v53+s23+$0x0] =	vst.idx.msk $0xffff, v26  }
0x133: {  	s16 =	simm.s32 $0x4;
	v61 =	vor.u32 v5, v16;
	[tilespmem:v31+s23+$0x0] =	vst.idx.msk $0xffff, v24;
	v26 =	vor.u32 v8, v29;
	v56 =	vld.idx.msk [tilespmem:v22+s30+$0x0], $0xffff  }
0x134: {  	s17 =	simm.s32 $0x5;
	v24 =	vld.idx.msk [tilespmem:v54+s30+$0x0], $0xffff;
	v22 =	vadd.s32 s16, v0;
	[tilespmem:v28+s23+$0x0] =	vst.idx.msk $0xffff, v27;
	v27 =	vor.u32 v4, v19  }
0x135: {  	s14 =	sand.u32 $0x70, s16;
	v28 =	vor.u32 v9, v30;
	v22 =	vand.u32 $0xF, v22;
	v58 =	vld.idx.msk [tilespmem:v20+s30+$0x0], $0xffff;
	v20 =	vadd.s32 s17, v0  }
0x136: {  	v35 =	vor.u32 v9, v16;
	v22 =	vor.u32 s14, v22;
	v20 =	vand.u32 $0xF, v20  }
0x137: {  	v31 =	vor.u32 v6, v19;
	[tilespmem:v23+s23+$0x0] =	vst.idx.msk $0xffff, v21;
	v62 =	vor.u32 v1, v22;
	v23 =	vor.u32 s14, v20  }
0x138: {  	v53 =	vor.u32 v6, v18;
	v63 =	vld.idx.msk [tilespmem:v26+s30+$0x0], $0xffff;
	v49 =	vor.u32 v1, v23;
	[tilespmem:v57+s23+$0x0] =	vst.idx.msk $0xffff, v56  }
0x139: {  	v54 =	vor.u32 v11, v30;
	[tilespmem:v55+s23+$0x0] =	vst.idx.msk $0xffff, v24;
	v24 =	vor.u32 v15, v32;
	v51 =	vld.idx.msk [tilespmem:v27+s30+$0x0], $0xffff  }
0x13a: {  	v37 =	vld.idx.msk [tilespmem:v59+s30+$0x0], $0xffff;
	v59 =	vor.u32 v11, v32;
	v20 =	vshll.u32 v22, $0x7;
	[tilespmem:v28+s23+$0x0] =	vst.idx.msk $0xffff, v58  }
0x13b: {  	v21 =	vshll.u32 v23, $0x7;
	v26 =	vor.u32 v6, v23;
	v55 =	vor.u32 v0, v20;
	v38 =	vld.idx.msk [tilespmem:v60+s30+$0x0], $0xffff  }
0x13c: {  	v57 =	vor.u32 v2, v22;
	v27 =	vor.u32 v5, v20;
	v56 =	vor.u32 v0, v21;
	v40 =	vld.idx.msk [tilespmem:v62+s30+$0x0], $0xffff  }
0x13d: {  	v42 =	vor.u32 v5, v21;
	v28 =	vor.u32 v15, v30;
	[tilespmem:v48+s23+$0x0] =	vst.idx.msk $0xffff, v63;
	v43 =	vld.idx.msk [tilespmem:v49+s30+$0x0], $0xffff  }
0x13e: {  	v30 =	vor.u32 v13, v30;
	v60 =	vor.u32 v2, v23;
	v58 =	vld.idx.msk [tilespmem:v50+s30+$0x0], $0xffff;
	[tilespmem:v52+s23+$0x0] =	vst.idx.msk $0xffff, v51  }
0x13f: {  	[tilespmem:v61+s23+$0x0] =	vst.idx.msk $0xffff, v37;
	v61 =	vor.u32 v7, v17;
	v63 =	vor.u32 v12, v29;
	v62 =	vld.idx.msk [tilespmem:v31+s30+$0x0], $0xffff  }
0x140: {  	v36 =	vld.idx.msk [tilespmem:v53+s30+$0x0], $0xffff;
	v53 =	vor.u32 v8, v19;
	v52 =	vor.u32 v7, v16;
	[tilespmem:v54+s23+$0x0] =	vst.idx.msk $0xffff, v38  }
0x141: {  	v50 =	vor.u32 v4, v22;
	v49 =	vor.u32 v9, v17;
	[tilespmem:v55+s23+$0x0] =	vst.idx.msk $0xffff, v40;
	v44 =	vld.idx.msk [tilespmem:v45+s30+$0x0], $0xffff  }
0x142: {  	v54 =	vor.u32 v8, v18;
	v41 =	vld.idx.msk [tilespmem:v57+s30+$0x0], $0xffff;
	[tilespmem:v56+s23+$0x0] =	vst.idx.msk $0xffff, v43;
	v56 =	vor.u32 v3, v20  }
0x143: {  	[tilespmem:v59+s23+$0x0] =	vst.idx.msk $0xffff, v58;
	v58 =	vor.u32 v14, v25;
	v59 =	vor.u32 v3, v21;
	v57 =	vld.idx.msk [tilespmem:v60+s30+$0x0], $0xffff  }
0x144: {  	s18 =	simm.s32 $0x6;
	v31 =	vor.u32 v14, v29;
	v55 =	vor.u32 v13, v32;
	v60 =	vld.idx.msk [tilespmem:v63+s30+$0x0], $0xffff;
	[tilespmem:v61+s23+$0x0] =	vst.idx.msk $0xffff, v62  }
0x145: {  	s24 =	simm.s32 $0x7;
	v25 =	vadd.s32 s18, v0;
	[tilespmem:v52+s23+$0x0] =	vst.idx.msk $0xffff, v36;
	v61 =	vor.u32 v4, v23;
	v62 =	vld.idx.msk [tilespmem:v53+s30+$0x0], $0xffff  }
0x146: {  	s14 =	sand.u32 $0x70, s18;
	v29 =	vor.u32 v10, v18;
	v25 =	vand.u32 $0xF, v25;
	v63 =	vadd.s32 s24, v0;
	[tilespmem:v30+s23+$0x0] =	vst.idx.msk $0xffff, v44  }
0x147: {  	v25 =	vor.u32 s14, v25;
	v36 =	vor.u32 v10, v19;
	v33 =	vand.u32 $0xF, v63;
	v34 =	vld.idx.msk [tilespmem:v54+s30+$0x0], $0xffff;
	[tilespmem:v56+s23+$0x0] =	vst.idx.msk $0xffff, v41  }
0x148: {  	v33 =	vor.u32 s14, v33;
	v44 =	vor.u32 v1, v25;
	v37 =	vld.idx.msk [tilespmem:v58+s30+$0x0], $0xffff;
	[tilespmem:v59+s23+$0x0] =	vst.idx.msk $0xffff, v57  }
0x149: {  	v43 =	vor.u32 v1, v33;
	v32 =	vshll.u32 v33, $0x7;
	v30 =	vshll.u32 v25, $0x7;
	[tilespmem:v55+s23+$0x0] =	vst.idx.msk $0xffff, v60;
	v39 =	vld.idx.msk [tilespmem:v50+s30+$0x0], $0xffff  }
0x14a: {  	s14 =	simm.s32 $0x8;
	v40 =	vor.u32 v6, v33;
	v41 =	vor.u32 v5, v30;
	v38 =	vld.idx.msk [tilespmem:v61+s30+$0x0], $0xffff;
	[tilespmem:v49+s23+$0x0] =	vst.idx.msk $0xffff, v62  }
.LBB2_6:
0x14b: {  	v45 =	vmovc v33;
	v33 =	vmovc v17;
	v17 =	vmov v21;
	v21 =	vmov v32;
	v32 =	vmov v16  }
0x14c: {  	p0 =	slt.u32 s14, $0x7E;
	v31 =	vld.idx.msk [tilespmem:v31+s30+$0x0], $0xffff;
	v16 =	vmovc v20;
	v20 =	vmovc v30;
	v30 =	vmov v26;
	v26 =	vmov v40;
	v40 =	vmov v27;
	s15 =	smov.u32 s14;
	s14 =	sadd.s32 $0x2, s14  }
0x14d: {  	v46 =	vor.u32 v6, v22;
	v27 =	vmov v41;
	v47 =	vor.u32 v15, v32;
	v36 =	vld.idx.msk [tilespmem:v36+s30+$0x0], $0xffff  }
0x14e: {  	v48 =	vor.u32 v12, v19;
	v41 =	vld.idx.msk [tilespmem:v44+s30+$0x0], $0xffff;
	v44 =	vor.u32 v11, v33;
	[tilespmem:v28+s23+$0x0] =	vst.idx.msk $0xffff, v37  }
0x14f: {  	v49 =	vor.u32 v0, v21;
	v37 =	vor.u32 v0, v20;
	v43 =	vld.idx.msk [tilespmem:v43+s30+$0x0], $0xffff;
	[tilespmem:v35+s23+$0x0] =	vst.idx.msk $0xffff, v34  }
0x150: {  	v28 =	vor.u32 v15, v33;
	v34 =	vor.u32 v2, v25;
	[tilespmem:v42+s23+$0x0] =	vst.idx.msk $0xffff, v38;
	v29 =	vld.idx.msk [tilespmem:v29+s30+$0x0], $0xffff  }
0x151: {  	v35 =	vor.u32 v2, v45;
	v38 =	vor.u32 v11, v32;
	[tilespmem:v40+s23+$0x0] =	vst.idx.msk $0xffff, v39;
	v30 =	vld.idx.msk [tilespmem:v30+s30+$0x0], $0xffff  }
0x152: {  	v42 =	vor.u32 v12, v18;
	v40 =	vor.u32 v7, v17;
	v39 =	vld.idx.msk [tilespmem:v46+s30+$0x0], $0xffff;
	[tilespmem:v24+s23+$0x0] =	vst.idx.msk $0xffff, v31  }
0x153: {  	v50 =	vor.u32 v8, v23;
	v46 =	vor.u32 v7, v16;
	v24 =	vmov v47;
	[tilespmem:v44+s23+$0x0] =	vst.idx.msk $0xffff, v36  }
0x154: {  	v31 =	vor.u32 v14, v18;
	v36 =	vor.u32 v8, v22;
	[tilespmem:v37+s23+$0x0] =	vst.idx.msk $0xffff, v41;
	v37 =	vld.idx.msk [tilespmem:v48+s30+$0x0], $0xffff  }
0x155: {  	v47 =	vor.u32 v13, v32;
	v32 =	vor.u32 v13, v33;
	v41 =	vld.idx.msk [tilespmem:v34+s30+$0x0], $0xffff;
	[tilespmem:v49+s23+$0x0] =	vst.idx.msk $0xffff, v43  }
0x156: {  	v43 =	vor.u32 v3, v20;
	v48 =	vld.idx.msk [tilespmem:v35+s30+$0x0], $0xffff;
	[tilespmem:v38+s23+$0x0] =	vst.idx.msk $0xffff, v29;
	v38 =	vor.u32 v14, v19  }
0x157: {  	v49 =	vor.u32 v3, v21;
	v29 =	vor.u32 v10, v22;
	[tilespmem:v40+s23+$0x0] =	vst.idx.msk $0xffff, v30;
	v42 =	vld.idx.msk [tilespmem:v42+s30+$0x0], $0xffff  }
0x158: {  	s16 =	sadd.s32 $0x1, s15;
	v51 =	vor.u32 v4, v45;
	[tilespmem:v46+s23+$0x0] =	vst.idx.msk $0xffff, v39;
	v46 =	vld.idx.msk [tilespmem:v50+s30+$0x0], $0xffff;
	v50 =	vor.u32 v9, v17  }
0x159: {  	v33 =	vadd.s32 s15, v0;
	v18 =	vmovc v22;
	v22 =	vmovc v25;
	v30 =	vadd.s32 s16, v0;
	v39 =	vor.u32 v4, v25;
	v34 =	vld.idx.msk [tilespmem:v36+s30+$0x0], $0xffff  }
.Ltmp2:
0x15a: {  	s15 =	sand.u32 $0x70, s15;
	v35 =	vor.u32 v9, v16;
	v19 =	vmovc v23;
	v25 =	vand.u32 $0xF, v33;
	v30 =	vand.u32 $0xF, v30;
	[tilespmem:v32+s23+$0x0] =	vst.idx.msk $0xffff, v37;
	(pc) =	sbr.rel @p0 .LBB2_6-.Ltmp2, $4  }
0x15b: {  	v25 =	vor.u32 s15, v25;
	v33 =	vor.u32 s15, v30;
	v36 =	vor.u32 v10, v19;
	[tilespmem:v43+s23+$0x0] =	vst.idx.msk $0xffff, v41;
	v37 =	vld.idx.msk [tilespmem:v38+s30+$0x0], $0xffff  }
0x15c: {  	v44 =	vor.u32 v1, v25;
	v32 =	vshll.u32 v33, $0x7;
	v43 =	vor.u32 v1, v33;
	[tilespmem:v49+s23+$0x0] =	vst.idx.msk $0xffff, v48  }
0x15d: {  	v23 =	vmov v45;
	v30 =	vshll.u32 v25, $0x7;
	v40 =	vor.u32 v6, v33;
	v38 =	vld.idx.msk [tilespmem:v51+s30+$0x0], $0xffff;
	[tilespmem:v47+s23+$0x0] =	vst.idx.msk $0xffff, v42  }
0x15e: {  	v41 =	vor.u32 v5, v30;
	v42 =	vor.u32 v5, v21;
	v39 =	vld.idx.msk [tilespmem:v39+s30+$0x0], $0xffff;
	[tilespmem:v50+s23+$0x0] =	vst.idx.msk $0xffff, v46  }
0x15f: {  	_ =	sdelay $0x3  }
0x160: {  	v43 =	vld.idx.msk [tilespmem:v43+s30+$0x0], $0xffff;
	v45 =	vor.u32 v0, v32  }
0x161: {  	v44 =	vld.idx.msk [tilespmem:v44+s30+$0x0], $0xffff;
	v46 =	vor.u32 v0, v30;
	v47 =	vor.u32 v2, v33  }
0x162: {  	v48 =	vor.u32 v2, v25;
	_ =	sdelay $0x2  }
0x163: {  	[tilespmem:v45+s23+$0x0] =	vst.idx.msk $0xffff, v43  }
0x164: {  	v52 =	vor.u32 v3, v32;
	[tilespmem:v46+s23+$0x0] =	vst.idx.msk $0xffff, v44;
	v43 =	vld.idx.msk [tilespmem:v47+s30+$0x0], $0xffff  }
0x165: {  	v54 =	vor.u32 v3, v30;
	v55 =	vor.u32 v4, v33;
	v53 =	vld.idx.msk [tilespmem:v48+s30+$0x0], $0xffff  }
0x166: {  	v56 =	vor.u32 v4, v25;
	_ =	sdelay $0x2  }
0x167: {  	[tilespmem:v52+s23+$0x0] =	vst.idx.msk $0xffff, v43  }
0x168: {  	v57 =	vor.u32 v6, v22;
	v58 =	vor.u32 v5, v32;
	[tilespmem:v54+s23+$0x0] =	vst.idx.msk $0xffff, v53;
	v44 =	vld.idx.msk [tilespmem:v55+s30+$0x0], $0xffff  }
0x169: {  	v46 =	vld.idx.msk [tilespmem:v56+s30+$0x0], $0xffff  }
0x16a: {  	v59 =	vor.u32 v6, v25  }
0x16b: {  	[tilespmem:v42+s23+$0x0] =	vst.idx.msk $0xffff, v38  }
0x16c: {  	[tilespmem:v27+s23+$0x0] =	vst.idx.msk $0xffff, v39;
	v26 =	vld.idx.msk [tilespmem:v26+s30+$0x0], $0xffff;
	v27 =	vor.u32 v7, v21  }
0x16d: {  	v61 =	vor.u32 v7, v20;
	v62 =	vor.u32 v8, v23;
	v60 =	vld.idx.msk [tilespmem:v57+s30+$0x0], $0xffff;
	[tilespmem:v58+s23+$0x0] =	vst.idx.msk $0xffff, v44  }
0x16e: {  	v63 =	vor.u32 v8, v22;
	v48 =	vor.u32 v7, v32;
	[tilespmem:v41+s23+$0x0] =	vst.idx.msk $0xffff, v46;
	v40 =	vld.idx.msk [tilespmem:v40+s30+$0x0], $0xffff  }
0x16f: {  	v50 =	vor.u32 v7, v30;
	v51 =	vor.u32 v8, v33;
	v49 =	vld.idx.msk [tilespmem:v59+s30+$0x0], $0xffff  }
0x170: {  	[tilespmem:v28+s23+$0x0] =	vst.idx.msk $0xffff, v37;
	v28 =	vor.u32 v8, v25  }
0x171: {  	v31 =	vld.idx.msk [tilespmem:v31+s30+$0x0], $0xffff;
	[tilespmem:v27+s23+$0x0] =	vst.idx.msk $0xffff, v26  }
0x172: {  	v27 =	vor.u32 v9, v21;
	[tilespmem:v61+s23+$0x0] =	vst.idx.msk $0xffff, v60;
	v26 =	vld.idx.msk [tilespmem:v62+s30+$0x0], $0xffff  }
0x173: {  	v52 =	vld.idx.msk [tilespmem:v63+s30+$0x0], $0xffff;
	v53 =	vor.u32 v9, v20;
	v54 =	vor.u32 v10, v23;
	[tilespmem:v48+s23+$0x0] =	vst.idx.msk $0xffff, v40  }
0x174: {  	v55 =	vor.u32 v10, v22;
	v56 =	vor.u32 v9, v32;
	[tilespmem:v50+s23+$0x0] =	vst.idx.msk $0xffff, v49;
	v41 =	vld.idx.msk [tilespmem:v51+s30+$0x0], $0xffff  }
0x175: {  	[tilespmem:v35+s23+$0x0] =	vst.idx.msk $0xffff, v34;
	v57 =	vor.u32 v9, v30;
	v58 =	vor.u32 v10, v33;
	v28 =	vld.idx.msk [tilespmem:v28+s30+$0x0], $0xffff  }
0x176: {  	v36 =	vld.idx.msk [tilespmem:v36+s30+$0x0], $0xffff;
	[tilespmem:v24+s23+$0x0] =	vst.idx.msk $0xffff, v31;
	v24 =	vor.u32 v10, v25;
	v59 =	vor.u32 v11, v17  }
0x177: {  	v29 =	vld.idx.msk [tilespmem:v29+s30+$0x0], $0xffff;
	v31 =	vor.u32 v12, v19;
	v60 =	vor.u32 v11, v16;
	[tilespmem:v27+s23+$0x0] =	vst.idx.msk $0xffff, v26  }
0x178: {  	v61 =	vor.u32 v11, v21;
	v26 =	vor.u32 v12, v18;
	v27 =	vld.idx.msk [tilespmem:v54+s30+$0x0], $0xffff;
	[tilespmem:v53+s23+$0x0] =	vst.idx.msk $0xffff, v52  }
0x179: {  	v62 =	vor.u32 v12, v23;
	v63 =	vor.u32 v11, v20;
	v38 =	vld.idx.msk [tilespmem:v55+s30+$0x0], $0xffff;
	[tilespmem:v56+s23+$0x0] =	vst.idx.msk $0xffff, v41  }
0x17a: {  	v45 =	vor.u32 v12, v22;
	v46 =	vor.u32 v11, v32;
	[tilespmem:v57+s23+$0x0] =	vst.idx.msk $0xffff, v28;
	v35 =	vld.idx.msk [tilespmem:v58+s30+$0x0], $0xffff  }
0x17b: {  	v47 =	vor.u32 v11, v30;
	[tilespmem:v59+s23+$0x0] =	vst.idx.msk $0xffff, v36;
	v28 =	vor.u32 v12, v33;
	v24 =	vld.idx.msk [tilespmem:v24+s30+$0x0], $0xffff  }
0x17c: {  	[tilespmem:v60+s23+$0x0] =	vst.idx.msk $0xffff, v29;
	v29 =	vor.u32 v12, v25;
	v48 =	vor.u32 v13, v17;
	v31 =	vld.idx.msk [tilespmem:v31+s30+$0x0], $0xffff  }
0x17d: {  	v19 =	vor.u32 v14, v19;
	v26 =	vld.idx.msk [tilespmem:v26+s30+$0x0], $0xffff;
	[tilespmem:v61+s23+$0x0] =	vst.idx.msk $0xffff, v27;
	v49 =	vor.u32 v13, v16  }
0x17e: {  	v18 =	vor.u32 v14, v18;
	v27 =	vld.idx.msk [tilespmem:v62+s30+$0x0], $0xffff;
	[tilespmem:v63+s23+$0x0] =	vst.idx.msk $0xffff, v38;
	v50 =	vor.u32 v13, v21  }
0x17f: {  	v23 =	vor.u32 v14, v23;
	v52 =	vld.idx.msk [tilespmem:v45+s30+$0x0], $0xffff;
	v51 =	vor.u32 v13, v20;
	[tilespmem:v46+s23+$0x0] =	vst.idx.msk $0xffff, v35  }
0x180: {  	v22 =	vor.u32 v14, v22;
	v53 =	vor.u32 v13, v32;
	[tilespmem:v47+s23+$0x0] =	vst.idx.msk $0xffff, v24;
	v28 =	vld.idx.msk [tilespmem:v28+s30+$0x0], $0xffff  }
0x181: {  	[tilespmem:v48+s23+$0x0] =	vst.idx.msk $0xffff, v31;
	v31 =	vor.u32 v14, v33;
	v24 =	vor.u32 v13, v30;
	v29 =	vld.idx.msk [tilespmem:v29+s30+$0x0], $0xffff  }
0x182: {  	v25 =	vor.u32 v14, v25;
	v17 =	vor.u32 v15, v17;
	[tilespmem:v49+s23+$0x0] =	vst.idx.msk $0xffff, v26;
	v19 =	vld.idx.msk [tilespmem:v19+s30+$0x0], $0xffff  }
0x183: {  	v16 =	vor.u32 v15, v16;
	[tilespmem:v50+s23+$0x0] =	vst.idx.msk $0xffff, v27;
	v18 =	vld.idx.msk [tilespmem:v18+s30+$0x0], $0xffff  }
0x184: {  	v21 =	vor.u32 v15, v21;
	v23 =	vld.idx.msk [tilespmem:v23+s30+$0x0], $0xffff;
	[tilespmem:v51+s23+$0x0] =	vst.idx.msk $0xffff, v52  }
0x185: {  	v20 =	vor.u32 v15, v20;
	v22 =	vld.idx.msk [tilespmem:v22+s30+$0x0], $0xffff;
	[tilespmem:v53+s23+$0x0] =	vst.idx.msk $0xffff, v28  }
0x186: {  	s14 =	simm.s32 $0x1;
	v26 =	vor.u32 v15, v32;
	[tilespmem:v24+s23+$0x0] =	vst.idx.msk $0xffff, v29;
	v27 =	vld.idx.msk [tilespmem:v31+s30+$0x0], $0xffff  }
0x187: {  	s15 =	simm.s32 $0x0;
	[tilespmem:v17+s23+$0x0] =	vst.idx.msk $0xffff, v19;
	v17 =	vor.u32 v15, v30;
	v24 =	vadd.s32 s14, v0;
	v19 =	vld.idx.msk [tilespmem:v25+s30+$0x0], $0xffff  }
0x188: {  	s16 =	sand.u32 $0x30, s15;
	[tilespmem:v16+s23+$0x0] =	vst.idx.msk $0xffff, v18;
	v24 =	vand.u32 $0xF, v24  }
0x189: {  	v16 =	vadd.s32 s15, v0;
	[tilespmem:v21+s23+$0x0] =	vst.idx.msk $0xffff, v23;
	v25 =	vor.u32 s16, v24  }
0x18a: {  	v16 =	vand.u32 $0xF, v16;
	[tilespmem:v20+s23+$0x0] =	vst.idx.msk $0xffff, v22;
	v18 =	vor.u32 v1, v25  }
0x18b: {  	v29 =	vor.u32 s16, v16;
	[tilespmem:v26+s23+$0x0] =	vst.idx.msk $0xffff, v27  }
0x18c: {  	v16 =	vor.u32 v1, v29;
	[tilespmem:v17+s23+$0x0] =	vst.idx.msk $0xffff, v19  }
0x18d: {  	s17 =	rddreg [dreg:$0x8]  }
0x18e: {  	v30 =	vshll.u32 v25, $0x7;
	[hbm4b:s17+s19] =	stream.strided.scatter [tilespmem:s23], [sflag:$0x4], $0x4000, s20, s19, $0x38;
	[tilespmem:$0x1F800] =	vst v63  }
0x18f: {  	v17 =	vld.idx.msk [tilespmem:v18+s0+$0x0], $0xffff;
	v18 =	vor.u32 v0, v30  }
0x190: {  	v32 =	vshll.u32 v29, $0x7;
	v19 =	vor.u32 v2, v25  }
0x191: {  	v20 =	vor.u32 v0, v32;
	v16 =	vld.idx.msk [tilespmem:v16+s0+$0x0], $0xffff  }
0x192: {  	v21 =	vor.u32 v2, v29;
	_ =	sdelay $0x1  }
0x193: {  	[tilespmem:v18+s9+$0x0] =	vst.idx.msk $0xffff, v17  }
0x194: {  	v22 =	vor.u32 v3, v30;
	v17 =	vld.idx.msk [tilespmem:v19+s0+$0x0], $0xffff  }
0x195: {  	s24 =	simm.s32 $0x3;
	[tilespmem:v20+s9+$0x0] =	vst.idx.msk $0xffff, v16;
	v16 =	vor.u32 v4, v25  }
0x196: {  	s18 =	simm.s32 $0x2;
	v20 =	vld.idx.msk [tilespmem:v21+s0+$0x0], $0xffff;
	v21 =	vor.u32 v3, v32;
	v19 =	vadd.s32 s24, v0  }
0x197: {  	s14 =	sand.u32 $0x30, s18;
	v23 =	vor.u32 v4, v29;
	v18 =	vadd.s32 s18, v0;
	v19 =	vand.u32 $0xF, v19  }
0x198: {  	v18 =	vand.u32 $0xF, v18;
	v19 =	vor.u32 s14, v19  }
0x199: {  	v18 =	vor.u32 s14, v18;
	v26 =	vor.u32 v1, v19;
	[tilespmem:v22+s9+$0x0] =	vst.idx.msk $0xffff, v17  }
0x19a: {  	v27 =	vor.u32 v5, v30;
	v24 =	vor.u32 v1, v18;
	v22 =	vld.idx.msk [tilespmem:v16+s0+$0x0], $0xffff  }
0x19b: {  	v28 =	vor.u32 v6, v25;
	[tilespmem:v21+s9+$0x0] =	vst.idx.msk $0xffff, v20  }
0x19c: {  	v20 =	vor.u32 v5, v32;
	v21 =	vld.idx.msk [tilespmem:v23+s0+$0x0], $0xffff  }
0x19d: {  	v50 =	vor.u32 v10, v29;
	v48 =	vor.u32 v9, v32;
	v17 =	vshll.u32 v19, $0x7  }
0x19e: {  	v16 =	vshll.u32 v18, $0x7;
	v23 =	vor.u32 v6, v29;
	v54 =	vor.u32 v0, v17;
	v26 =	vld.idx.msk [tilespmem:v26+s0+$0x0], $0xffff  }
0x19f: {  	v24 =	vld.idx.msk [tilespmem:v24+s0+$0x0], $0xffff;
	v31 =	vor.u32 v0, v16;
	[tilespmem:v27+s9+$0x0] =	vst.idx.msk $0xffff, v22;
	v22 =	vor.u32 v2, v19  }
0x1a0: {  	v60 =	vor.u32 v10, v25;
	v55 =	vor.u32 v2, v18;
	v27 =	vld.idx.msk [tilespmem:v28+s0+$0x0], $0xffff;
	v28 =	vor.u32 v7, v30  }
0x1a1: {  	v45 =	vor.u32 v12, v25;
	[tilespmem:v20+s9+$0x0] =	vst.idx.msk $0xffff, v21;
	v20 =	vor.u32 v8, v25  }
0x1a2: {  	v59 =	vor.u32 v4, v18;
	v53 =	vor.u32 v6, v18;
	v58 =	vor.u32 v3, v17  }
0x1a3: {  	v52 =	vor.u32 v5, v17;
	v21 =	vld.idx.msk [tilespmem:v23+s0+$0x0], $0xffff;
	v23 =	vor.u32 v7, v32;
	[tilespmem:v54+s9+$0x0] =	vst.idx.msk $0xffff, v26  }
0x1a4: {  	s16 =	simm.s32 $0x4;
	v56 =	vor.u32 v3, v16;
	[tilespmem:v31+s9+$0x0] =	vst.idx.msk $0xffff, v24;
	v26 =	vor.u32 v8, v29;
	v57 =	vld.idx.msk [tilespmem:v22+s0+$0x0], $0xffff  }
0x1a5: {  	s17 =	simm.s32 $0x5;
	v24 =	vld.idx.msk [tilespmem:v55+s0+$0x0], $0xffff;
	v22 =	vadd.s32 s16, v0;
	[tilespmem:v28+s9+$0x0] =	vst.idx.msk $0xffff, v27;
	v27 =	vor.u32 v4, v19  }
0x1a6: {  	s14 =	sand.u32 $0x30, s16;
	v28 =	vor.u32 v9, v30;
	v22 =	vand.u32 $0xF, v22;
	v36 =	vld.idx.msk [tilespmem:v20+s0+$0x0], $0xffff;
	v20 =	vadd.s32 s17, v0  }
0x1a7: {  	v61 =	vor.u32 v5, v16;
	v22 =	vor.u32 s14, v22;
	v20 =	vand.u32 $0xF, v20  }
0x1a8: {  	v35 =	vor.u32 v9, v16;
	[tilespmem:v23+s9+$0x0] =	vst.idx.msk $0xffff, v21;
	v62 =	vor.u32 v1, v22;
	v23 =	vor.u32 s14, v20  }
0x1a9: {  	v31 =	vor.u32 v6, v19;
	v63 =	vld.idx.msk [tilespmem:v26+s0+$0x0], $0xffff;
	v49 =	vor.u32 v1, v23;
	[tilespmem:v58+s9+$0x0] =	vst.idx.msk $0xffff, v57  }
0x1aa: {  	v54 =	vor.u32 v11, v30;
	[tilespmem:v56+s9+$0x0] =	vst.idx.msk $0xffff, v24;
	v24 =	vor.u32 v15, v32;
	v51 =	vld.idx.msk [tilespmem:v27+s0+$0x0], $0xffff  }
0x1ab: {  	v37 =	vld.idx.msk [tilespmem:v59+s0+$0x0], $0xffff;
	v59 =	vor.u32 v11, v32;
	v20 =	vshll.u32 v22, $0x7;
	[tilespmem:v28+s9+$0x0] =	vst.idx.msk $0xffff, v36  }
0x1ac: {  	v21 =	vshll.u32 v23, $0x7;
	v26 =	vor.u32 v6, v23;
	v55 =	vor.u32 v0, v20;
	v38 =	vld.idx.msk [tilespmem:v60+s0+$0x0], $0xffff  }
0x1ad: {  	v57 =	vor.u32 v2, v22;
	v27 =	vor.u32 v5, v20;
	v56 =	vor.u32 v0, v21;
	v40 =	vld.idx.msk [tilespmem:v62+s0+$0x0], $0xffff  }
0x1ae: {  	v42 =	vor.u32 v5, v21;
	[tilespmem:v48+s9+$0x0] =	vst.idx.msk $0xffff, v63;
	v28 =	vor.u32 v15, v30;
	v43 =	vld.idx.msk [tilespmem:v49+s0+$0x0], $0xffff  }
0x1af: {  	v63 =	vor.u32 v12, v29;
	v58 =	vld.idx.msk [tilespmem:v50+s0+$0x0], $0xffff;
	v60 =	vor.u32 v2, v23;
	[tilespmem:v52+s9+$0x0] =	vst.idx.msk $0xffff, v51  }
0x1b0: {  	v30 =	vor.u32 v13, v30;
	[tilespmem:v61+s9+$0x0] =	vst.idx.msk $0xffff, v37;
	v61 =	vor.u32 v7, v17;
	v62 =	vld.idx.msk [tilespmem:v31+s0+$0x0], $0xffff  }
0x1b1: {  	v36 =	vld.idx.msk [tilespmem:v53+s0+$0x0], $0xffff;
	v53 =	vor.u32 v8, v19;
	v52 =	vor.u32 v7, v16;
	[tilespmem:v54+s9+$0x0] =	vst.idx.msk $0xffff, v38  }
0x1b2: {  	v50 =	vor.u32 v4, v22;
	v49 =	vor.u32 v9, v17;
	[tilespmem:v55+s9+$0x0] =	vst.idx.msk $0xffff, v40;
	v44 =	vld.idx.msk [tilespmem:v45+s0+$0x0], $0xffff  }
0x1b3: {  	v54 =	vor.u32 v8, v18;
	v41 =	vld.idx.msk [tilespmem:v57+s0+$0x0], $0xffff;
	[tilespmem:v56+s9+$0x0] =	vst.idx.msk $0xffff, v43;
	v56 =	vor.u32 v3, v20  }
0x1b4: {  	[tilespmem:v59+s9+$0x0] =	vst.idx.msk $0xffff, v58;
	v58 =	vor.u32 v14, v25;
	v59 =	vor.u32 v3, v21;
	v57 =	vld.idx.msk [tilespmem:v60+s0+$0x0], $0xffff  }
0x1b5: {  	s18 =	simm.s32 $0x6;
	v31 =	vor.u32 v14, v29;
	v55 =	vor.u32 v13, v32;
	v60 =	vld.idx.msk [tilespmem:v63+s0+$0x0], $0xffff;
	[tilespmem:v61+s9+$0x0] =	vst.idx.msk $0xffff, v62  }
0x1b6: {  	s24 =	simm.s32 $0x7;
	v25 =	vadd.s32 s18, v0;
	[tilespmem:v52+s9+$0x0] =	vst.idx.msk $0xffff, v36;
	v61 =	vor.u32 v4, v23;
	v62 =	vld.idx.msk [tilespmem:v53+s0+$0x0], $0xffff  }
0x1b7: {  	s14 =	sand.u32 $0x30, s18;
	v29 =	vor.u32 v10, v18;
	v25 =	vand.u32 $0xF, v25;
	v63 =	vadd.s32 s24, v0;
	[tilespmem:v30+s9+$0x0] =	vst.idx.msk $0xffff, v44  }
0x1b8: {  	v25 =	vor.u32 s14, v25;
	v36 =	vor.u32 v10, v19;
	v33 =	vand.u32 $0xF, v63;
	v34 =	vld.idx.msk [tilespmem:v54+s0+$0x0], $0xffff;
	[tilespmem:v56+s9+$0x0] =	vst.idx.msk $0xffff, v41  }
0x1b9: {  	v33 =	vor.u32 s14, v33;
	v44 =	vor.u32 v1, v25;
	v37 =	vld.idx.msk [tilespmem:v58+s0+$0x0], $0xffff;
	[tilespmem:v59+s9+$0x0] =	vst.idx.msk $0xffff, v57  }
0x1ba: {  	v43 =	vor.u32 v1, v33;
	v32 =	vshll.u32 v33, $0x7;
	v30 =	vshll.u32 v25, $0x7;
	[tilespmem:v55+s9+$0x0] =	vst.idx.msk $0xffff, v60;
	v39 =	vld.idx.msk [tilespmem:v50+s0+$0x0], $0xffff  }
0x1bb: {  	s14 =	simm.s32 $0x8;
	v40 =	vor.u32 v6, v33;
	v41 =	vor.u32 v5, v30;
	v38 =	vld.idx.msk [tilespmem:v61+s0+$0x0], $0xffff;
	[tilespmem:v49+s9+$0x0] =	vst.idx.msk $0xffff, v62  }
.LBB2_8:
0x1bc: {  	v45 =	vmovc v33;
	v33 =	vmovc v17;
	v17 =	vmov v21;
	v21 =	vmov v32;
	v32 =	vmov v16  }
0x1bd: {  	p0 =	slt.u32 s14, $0x3E;
	v31 =	vld.idx.msk [tilespmem:v31+s0+$0x0], $0xffff;
	v16 =	vmovc v20;
	v20 =	vmovc v30;
	v30 =	vmov v26;
	v26 =	vmov v40;
	v40 =	vmov v27;
	s15 =	smov.u32 s14;
	s14 =	sadd.s32 $0x2, s14  }
0x1be: {  	v46 =	vor.u32 v6, v22;
	v27 =	vmov v41;
	v47 =	vor.u32 v15, v32;
	v36 =	vld.idx.msk [tilespmem:v36+s0+$0x0], $0xffff  }
0x1bf: {  	v48 =	vor.u32 v12, v19;
	v41 =	vld.idx.msk [tilespmem:v44+s0+$0x0], $0xffff;
	v44 =	vor.u32 v11, v33;
	[tilespmem:v28+s9+$0x0] =	vst.idx.msk $0xffff, v37  }
0x1c0: {  	v49 =	vor.u32 v0, v21;
	v37 =	vor.u32 v0, v20;
	v43 =	vld.idx.msk [tilespmem:v43+s0+$0x0], $0xffff;
	[tilespmem:v35+s9+$0x0] =	vst.idx.msk $0xffff, v34  }
0x1c1: {  	v28 =	vor.u32 v15, v33;
	v34 =	vor.u32 v2, v25;
	[tilespmem:v42+s9+$0x0] =	vst.idx.msk $0xffff, v38;
	v29 =	vld.idx.msk [tilespmem:v29+s0+$0x0], $0xffff  }
0x1c2: {  	v35 =	vor.u32 v2, v45;
	v38 =	vor.u32 v11, v32;
	[tilespmem:v40+s9+$0x0] =	vst.idx.msk $0xffff, v39;
	v30 =	vld.idx.msk [tilespmem:v30+s0+$0x0], $0xffff  }
0x1c3: {  	v42 =	vor.u32 v12, v18;
	v40 =	vor.u32 v7, v17;
	v39 =	vld.idx.msk [tilespmem:v46+s0+$0x0], $0xffff;
	[tilespmem:v24+s9+$0x0] =	vst.idx.msk $0xffff, v31  }
0x1c4: {  	v50 =	vor.u32 v8, v23;
	v46 =	vor.u32 v7, v16;
	v24 =	vmov v47;
	[tilespmem:v44+s9+$0x0] =	vst.idx.msk $0xffff, v36  }
0x1c5: {  	v31 =	vor.u32 v14, v18;
	v36 =	vor.u32 v8, v22;
	[tilespmem:v37+s9+$0x0] =	vst.idx.msk $0xffff, v41;
	v37 =	vld.idx.msk [tilespmem:v48+s0+$0x0], $0xffff  }
0x1c6: {  	v47 =	vor.u32 v13, v32;
	v32 =	vor.u32 v13, v33;
	v41 =	vld.idx.msk [tilespmem:v34+s0+$0x0], $0xffff;
	[tilespmem:v49+s9+$0x0] =	vst.idx.msk $0xffff, v43  }
0x1c7: {  	v43 =	vor.u32 v3, v20;
	v48 =	vld.idx.msk [tilespmem:v35+s0+$0x0], $0xffff;
	[tilespmem:v38+s9+$0x0] =	vst.idx.msk $0xffff, v29;
	v38 =	vor.u32 v14, v19  }
0x1c8: {  	v49 =	vor.u32 v3, v21;
	v29 =	vor.u32 v10, v22;
	[tilespmem:v40+s9+$0x0] =	vst.idx.msk $0xffff, v30;
	v42 =	vld.idx.msk [tilespmem:v42+s0+$0x0], $0xffff  }
0x1c9: {  	s16 =	sadd.s32 $0x1, s15;
	v51 =	vor.u32 v4, v45;
	[tilespmem:v46+s9+$0x0] =	vst.idx.msk $0xffff, v39;
	v46 =	vld.idx.msk [tilespmem:v50+s0+$0x0], $0xffff;
	v50 =	vor.u32 v9, v17  }
0x1ca: {  	v33 =	vadd.s32 s15, v0;
	v18 =	vmovc v22;
	v22 =	vmovc v25;
	v30 =	vadd.s32 s16, v0;
	v39 =	vor.u32 v4, v25;
	v34 =	vld.idx.msk [tilespmem:v36+s0+$0x0], $0xffff  }
.Ltmp3:
0x1cb: {  	s15 =	sand.u32 $0x30, s15;
	v35 =	vor.u32 v9, v16;
	v19 =	vmovc v23;
	v25 =	vand.u32 $0xF, v33;
	v30 =	vand.u32 $0xF, v30;
	[tilespmem:v32+s9+$0x0] =	vst.idx.msk $0xffff, v37;
	(pc) =	sbr.rel @p0 .LBB2_8-.Ltmp3, $4  }
0x1cc: {  	v25 =	vor.u32 s15, v25;
	v33 =	vor.u32 s15, v30;
	v36 =	vor.u32 v10, v19;
	[tilespmem:v43+s9+$0x0] =	vst.idx.msk $0xffff, v41;
	v37 =	vld.idx.msk [tilespmem:v38+s0+$0x0], $0xffff  }
0x1cd: {  	v44 =	vor.u32 v1, v25;
	v32 =	vshll.u32 v33, $0x7;
	v43 =	vor.u32 v1, v33;
	[tilespmem:v49+s9+$0x0] =	vst.idx.msk $0xffff, v48  }
0x1ce: {  	v23 =	vmov v45;
	v30 =	vshll.u32 v25, $0x7;
	v40 =	vor.u32 v6, v33;
	v38 =	vld.idx.msk [tilespmem:v51+s0+$0x0], $0xffff;
	[tilespmem:v47+s9+$0x0] =	vst.idx.msk $0xffff, v42  }
0x1cf: {  	v41 =	vor.u32 v5, v30;
	v42 =	vor.u32 v5, v21;
	v39 =	vld.idx.msk [tilespmem:v39+s0+$0x0], $0xffff;
	[tilespmem:v50+s9+$0x0] =	vst.idx.msk $0xffff, v46  }
0x1d0: {  	_ =	sdelay $0x3  }
0x1d1: {  	v43 =	vld.idx.msk [tilespmem:v43+s0+$0x0], $0xffff;
	v45 =	vor.u32 v0, v32  }
0x1d2: {  	v44 =	vld.idx.msk [tilespmem:v44+s0+$0x0], $0xffff;
	v46 =	vor.u32 v0, v30;
	v47 =	vor.u32 v2, v33  }
0x1d3: {  	v48 =	vor.u32 v2, v25;
	_ =	sdelay $0x2  }
0x1d4: {  	[tilespmem:v45+s9+$0x0] =	vst.idx.msk $0xffff, v43  }
0x1d5: {  	v57 =	vor.u32 v3, v32;
	[tilespmem:v46+s9+$0x0] =	vst.idx.msk $0xffff, v44;
	v43 =	vld.idx.msk [tilespmem:v47+s0+$0x0], $0xffff  }
0x1d6: {  	v59 =	vor.u32 v3, v30;
	v60 =	vor.u32 v4, v33;
	v58 =	vld.idx.msk [tilespmem:v48+s0+$0x0], $0xffff  }
0x1d7: {  	v61 =	vor.u32 v4, v25;
	_ =	sdelay $0x2  }
0x1d8: {  	[tilespmem:v57+s9+$0x0] =	vst.idx.msk $0xffff, v43  }
0x1d9: {  	v62 =	vor.u32 v6, v22;
	v63 =	vor.u32 v5, v32;
	[tilespmem:v59+s9+$0x0] =	vst.idx.msk $0xffff, v58;
	v44 =	vld.idx.msk [tilespmem:v60+s0+$0x0], $0xffff  }
0x1da: {  	v46 =	vld.idx.msk [tilespmem:v61+s0+$0x0], $0xffff  }
0x1db: {  	v49 =	vor.u32 v6, v25  }
0x1dc: {  	[tilespmem:v42+s9+$0x0] =	vst.idx.msk $0xffff, v38  }
0x1dd: {  	v50 =	vor.u32 v7, v21;
	[tilespmem:v27+s9+$0x0] =	vst.idx.msk $0xffff, v39;
	v26 =	vld.idx.msk [tilespmem:v26+s0+$0x0], $0xffff  }
0x1de: {  	v52 =	vor.u32 v7, v20;
	v53 =	vor.u32 v8, v23;
	v51 =	vld.idx.msk [tilespmem:v62+s0+$0x0], $0xffff;
	[tilespmem:v63+s9+$0x0] =	vst.idx.msk $0xffff, v44  }
0x1df: {  	v54 =	vor.u32 v8, v22;
	v55 =	vor.u32 v7, v32;
	[tilespmem:v41+s9+$0x0] =	vst.idx.msk $0xffff, v46;
	v40 =	vld.idx.msk [tilespmem:v40+s0+$0x0], $0xffff  }
0x1e0: {  	v57 =	vor.u32 v7, v30;
	v58 =	vor.u32 v8, v33;
	v56 =	vld.idx.msk [tilespmem:v49+s0+$0x0], $0xffff  }
0x1e1: {  	[tilespmem:v35+s9+$0x0] =	vst.idx.msk $0xffff, v34;
	v59 =	vor.u32 v8, v25  }
0x1e2: {  	v31 =	vld.idx.msk [tilespmem:v31+s0+$0x0], $0xffff;
	[tilespmem:v50+s9+$0x0] =	vst.idx.msk $0xffff, v26  }
0x1e3: {  	[tilespmem:v52+s9+$0x0] =	vst.idx.msk $0xffff, v51;
	v26 =	vld.idx.msk [tilespmem:v53+s0+$0x0], $0xffff;
	v60 =	vor.u32 v9, v21  }
0x1e4: {  	v62 =	vor.u32 v9, v20;
	v61 =	vld.idx.msk [tilespmem:v54+s0+$0x0], $0xffff;
	v63 =	vor.u32 v10, v23;
	[tilespmem:v55+s9+$0x0] =	vst.idx.msk $0xffff, v40  }
0x1e5: {  	v48 =	vor.u32 v10, v22;
	v49 =	vor.u32 v9, v32;
	[tilespmem:v57+s9+$0x0] =	vst.idx.msk $0xffff, v56;
	v41 =	vld.idx.msk [tilespmem:v58+s0+$0x0], $0xffff  }
0x1e6: {  	[tilespmem:v28+s9+$0x0] =	vst.idx.msk $0xffff, v37;
	v50 =	vor.u32 v9, v30;
	v51 =	vor.u32 v10, v33;
	v28 =	vld.idx.msk [tilespmem:v59+s0+$0x0], $0xffff  }
0x1e7: {  	v36 =	vld.idx.msk [tilespmem:v36+s0+$0x0], $0xffff;
	[tilespmem:v24+s9+$0x0] =	vst.idx.msk $0xffff, v31;
	v52 =	vor.u32 v11, v17;
	v53 =	vor.u32 v10, v25  }
0x1e8: {  	v29 =	vld.idx.msk [tilespmem:v29+s0+$0x0], $0xffff;
	v54 =	vor.u32 v12, v19;
	[tilespmem:v60+s9+$0x0] =	vst.idx.msk $0xffff, v26;
	v55 =	vor.u32 v11, v16  }
0x1e9: {  	[tilespmem:v62+s9+$0x0] =	vst.idx.msk $0xffff, v61;
	v27 =	vld.idx.msk [tilespmem:v63+s0+$0x0], $0xffff;
	v56 =	vor.u32 v12, v18;
	v57 =	vor.u32 v11, v21  }
0x1ea: {  	v38 =	vld.idx.msk [tilespmem:v48+s0+$0x0], $0xffff;
	v58 =	vor.u32 v12, v23;
	v59 =	vor.u32 v11, v20;
	[tilespmem:v49+s9+$0x0] =	vst.idx.msk $0xffff, v41  }
0x1eb: {  	v60 =	vor.u32 v12, v22;
	v61 =	vor.u32 v11, v32;
	[tilespmem:v50+s9+$0x0] =	vst.idx.msk $0xffff, v28;
	v35 =	vld.idx.msk [tilespmem:v51+s0+$0x0], $0xffff  }
0x1ec: {  	[tilespmem:v52+s9+$0x0] =	vst.idx.msk $0xffff, v36;
	v62 =	vor.u32 v12, v33;
	v63 =	vor.u32 v11, v30;
	v24 =	vld.idx.msk [tilespmem:v53+s0+$0x0], $0xffff  }
0x1ed: {  	v45 =	vor.u32 v13, v17;
	v31 =	vld.idx.msk [tilespmem:v54+s0+$0x0], $0xffff;
	v46 =	vor.u32 v12, v25;
	[tilespmem:v55+s9+$0x0] =	vst.idx.msk $0xffff, v29  }
0x1ee: {  	v47 =	vor.u32 v13, v16;
	v48 =	vor.u32 v14, v19;
	[tilespmem:v57+s9+$0x0] =	vst.idx.msk $0xffff, v27;
	v26 =	vld.idx.msk [tilespmem:v56+s0+$0x0], $0xffff  }
0x1ef: {  	v49 =	vor.u32 v14, v18;
	v27 =	vld.idx.msk [tilespmem:v58+s0+$0x0], $0xffff;
	v50 =	vor.u32 v13, v21;
	[tilespmem:v59+s9+$0x0] =	vst.idx.msk $0xffff, v38  }
0x1f0: {  	v52 =	vor.u32 v14, v23;
	v51 =	vor.u32 v13, v20;
	v53 =	vld.idx.msk [tilespmem:v60+s0+$0x0], $0xffff;
	[tilespmem:v61+s9+$0x0] =	vst.idx.msk $0xffff, v35  }
0x1f1: {  	v54 =	vor.u32 v14, v22;
	v55 =	vor.u32 v13, v32;
	[tilespmem:v63+s9+$0x0] =	vst.idx.msk $0xffff, v24;
	v28 =	vld.idx.msk [tilespmem:v62+s0+$0x0], $0xffff  }
0x1f2: {  	[tilespmem:v45+s9+$0x0] =	vst.idx.msk $0xffff, v31;
	v57 =	vor.u32 v14, v33;
	v56 =	vor.u32 v13, v30;
	v29 =	vld.idx.msk [tilespmem:v46+s0+$0x0], $0xffff  }
0x1f3: {  	v17 =	vor.u32 v15, v17;
	v19 =	vld.idx.msk [tilespmem:v48+s0+$0x0], $0xffff;
	v58 =	vor.u32 v14, v25;
	[tilespmem:v47+s9+$0x0] =	vst.idx.msk $0xffff, v26  }
0x1f4: {  	v16 =	vor.u32 v15, v16;
	[tilespmem:v50+s9+$0x0] =	vst.idx.msk $0xffff, v27;
	v18 =	vld.idx.msk [tilespmem:v49+s0+$0x0], $0xffff  }
0x1f5: {  	v59 =	vor.u32 v15, v21;
	v23 =	vld.idx.msk [tilespmem:v52+s0+$0x0], $0xffff;
	[tilespmem:v51+s9+$0x0] =	vst.idx.msk $0xffff, v53  }
0x1f6: {  	v60 =	vor.u32 v15, v20;
	v22 =	vld.idx.msk [tilespmem:v54+s0+$0x0], $0xffff;
	[tilespmem:v55+s9+$0x0] =	vst.idx.msk $0xffff, v28  }
0x1f7: {  	v61 =	vor.u32 v15, v32;
	[tilespmem:v56+s9+$0x0] =	vst.idx.msk $0xffff, v29;
	v62 =	vld.idx.msk [tilespmem:v57+s0+$0x0], $0xffff  }
0x1f8: {  	[tilespmem:v17+s9+$0x0] =	vst.idx.msk $0xffff, v19;
	v17 =	vor.u32 v15, v30;
	v63 =	vld.idx.msk [tilespmem:v58+s0+$0x0], $0xffff  }
0x1f9: {  	[tilespmem:v16+s9+$0x0] =	vst.idx.msk $0xffff, v18  }
0x1fa: {  	[tilespmem:v59+s9+$0x0] =	vst.idx.msk $0xffff, v23  }
0x1fb: {  	[tilespmem:v60+s9+$0x0] =	vst.idx.msk $0xffff, v22  }
0x1fc: {  	[tilespmem:v61+s9+$0x0] =	vst.idx.msk $0xffff, v62  }
0x1fd: {  	[tilespmem:v17+s9+$0x0] =	vst.idx.msk $0xffff, v63  }
0x1fe: {  	s14 =	rddreg [dreg:$0x9]  }
0x1ff: {  	[hbm4b:s14+s19] =	stream.strided.scatter [tilespmem:s9], [sflag:$0x4], $0x2000, s20, s19, $0x38;
	[tilespmem:$0x1F800] =	vst v63  }
0x200: {  	s14 =	simm.s32 $0x1  }
.LBB2_10:
0x201: {  	s15 =	sshllo.u32 s14, $0x1  }
0x202: {  	s16 =	sshll.u32 s15, $0x7  }
0x203: {  	[tilespmem:s30], [sflag:$0x2] =	stream.indirect.gather [hbm4b:s1+s26], $0x80, s16, s26, $0xb8;
	[tilespmem:$0x1F800] =	vst v63  }
0x204: {  	s16 =	sadd.s32 $0x1C00, s16  }
0x205: {  	[tilespmem:s0], [sflag:$0x2] =	stream.indirect.gather [hbm4b:s6+s26], $0x80, s16, s26, $0xb8;
	[tilespmem:$0x1F800] =	vst v63  }
0x206: {  	_ =	swait.ge [sflag:s2], $0x4000  }
0x207: {  	[sflag:s2] =	ssyncset.done $0x0  }
0x208: {  	[sflag:s2] =	ssyncadd.s32 $0xFFFFC000  }
0x209: {  	s18 =	simm.s32 $0x1;
	_ =	swait.ge [sflag:s2], $0x4000  }
0x20a: {  	s17 =	simm.s32 $0x0;
	v16 =	vadd.s32 s18, v0;
	[sflag:s2] =	ssyncset.done $0x0  }
0x20b: {  	s24 =	sand.u32 $0x70, s17;
	v16 =	vand.u32 $0xF, v16;
	[sflag:s2] =	ssyncadd.s32 $0xFFFFC000  }
0x20c: {  	v17 =	vadd.s32 s17, v0;
	v25 =	vor.u32 s24, v16;
	_ =	swait.ge [sflag:s11], $0x4000  }
0x20d: {  	v16 =	vand.u32 $0xF, v17;
	v17 =	vor.u32 v1, v25;
	[sflag:s11] =	ssyncset.done $0x0  }
0x20e: {  	v29 =	vor.u32 s24, v16;
	[sflag:s11] =	ssyncadd.s32 $0xFFFFC000  }
0x20f: {  	v16 =	vor.u32 v1, v29;
	_ =	swait.ge [sflag:s11], $0x2000  }
0x210: {  	[sflag:s11] =	ssyncset.done $0x0  }
0x211: {  	v30 =	vshll.u32 v25, $0x7;
	[sflag:s11] =	ssyncadd.s32 $0xFFFFE000  }
0x212: {  	v18 =	vor.u32 v0, v30;
	v17 =	vld.idx.msk [tilespmem:v17+s28+$0x0], $0xffff  }
0x213: {  	v19 =	vor.u32 v2, v25;
	v32 =	vshll.u32 v29, $0x7  }
0x214: {  	v20 =	vor.u32 v0, v32;
	v16 =	vld.idx.msk [tilespmem:v16+s28+$0x0], $0xffff  }
0x215: {  	v21 =	vor.u32 v2, v29;
	_ =	sdelay $0x1  }
0x216: {  	[tilespmem:v18+s21+$0x0] =	vst.idx.msk $0xffff, v17  }
0x217: {  	v22 =	vor.u32 v3, v30;
	v17 =	vld.idx.msk [tilespmem:v19+s28+$0x0], $0xffff  }
0x218: {  	s24 =	simm.s32 $0x3;
	[tilespmem:v20+s21+$0x0] =	vst.idx.msk $0xffff, v16;
	v16 =	vor.u32 v4, v25  }
0x219: {  	s18 =	simm.s32 $0x2;
	v20 =	vld.idx.msk [tilespmem:v21+s28+$0x0], $0xffff;
	v21 =	vor.u32 v3, v32;
	v19 =	vadd.s32 s24, v0  }
0x21a: {  	s16 =	sand.u32 $0x70, s18;
	v23 =	vor.u32 v4, v29;
	v18 =	vadd.s32 s18, v0;
	v19 =	vand.u32 $0xF, v19  }
0x21b: {  	v18 =	vand.u32 $0xF, v18;
	v19 =	vor.u32 s16, v19  }
0x21c: {  	v18 =	vor.u32 s16, v18;
	v26 =	vor.u32 v1, v19;
	[tilespmem:v22+s21+$0x0] =	vst.idx.msk $0xffff, v17  }
0x21d: {  	v27 =	vor.u32 v5, v30;
	v24 =	vor.u32 v1, v18;
	v22 =	vld.idx.msk [tilespmem:v16+s28+$0x0], $0xffff  }
0x21e: {  	v28 =	vor.u32 v6, v25;
	[tilespmem:v21+s21+$0x0] =	vst.idx.msk $0xffff, v20  }
0x21f: {  	v20 =	vor.u32 v5, v32;
	v21 =	vld.idx.msk [tilespmem:v23+s28+$0x0], $0xffff  }
0x220: {  	v17 =	vshll.u32 v19, $0x7;
	v23 =	vor.u32 v6, v29  }
0x221: {  	v38 =	vor.u32 v10, v25;
	v16 =	vshll.u32 v18, $0x7;
	v33 =	vor.u32 v0, v17;
	v26 =	vld.idx.msk [tilespmem:v26+s28+$0x0], $0xffff  }
0x222: {  	v24 =	vld.idx.msk [tilespmem:v24+s28+$0x0], $0xffff;
	v31 =	vor.u32 v0, v16;
	[tilespmem:v27+s21+$0x0] =	vst.idx.msk $0xffff, v22;
	v22 =	vor.u32 v2, v19  }
0x223: {  	v45 =	vor.u32 v12, v25;
	v34 =	vor.u32 v2, v18;
	v27 =	vld.idx.msk [tilespmem:v28+s28+$0x0], $0xffff;
	v28 =	vor.u32 v7, v30  }
0x224: {  	v54 =	vor.u32 v10, v29;
	[tilespmem:v20+s21+$0x0] =	vst.idx.msk $0xffff, v21;
	v20 =	vor.u32 v8, v25  }
0x225: {  	v44 =	vor.u32 v11, v30;
	v42 =	vor.u32 v9, v32;
	v21 =	vld.idx.msk [tilespmem:v23+s28+$0x0], $0xffff;
	v23 =	vor.u32 v7, v32  }
0x226: {  	v60 =	vor.u32 v11, v32;
	[tilespmem:v33+s21+$0x0] =	vst.idx.msk $0xffff, v26;
	v26 =	vor.u32 v8, v29  }
0x227: {  	s18 =	simm.s32 $0x4;
	v35 =	vor.u32 v3, v17;
	v52 =	vor.u32 v3, v16;
	[tilespmem:v31+s21+$0x0] =	vst.idx.msk $0xffff, v24;
	v53 =	vld.idx.msk [tilespmem:v22+s28+$0x0], $0xffff  }
0x228: {  	v24 =	vld.idx.msk [tilespmem:v34+s28+$0x0], $0xffff;
	v22 =	vadd.s32 s18, v0;
	[tilespmem:v28+s21+$0x0] =	vst.idx.msk $0xffff, v27;
	v27 =	vor.u32 v4, v19  }
0x229: {  	s24 =	simm.s32 $0x5;
	v37 =	vor.u32 v4, v18;
	s16 =	sand.u32 $0x70, s18;
	v28 =	vor.u32 v9, v30;
	v22 =	vand.u32 $0xF, v22;
	v36 =	vld.idx.msk [tilespmem:v20+s28+$0x0], $0xffff  }
0x22a: {  	v57 =	vor.u32 v6, v18;
	[tilespmem:v23+s21+$0x0] =	vst.idx.msk $0xffff, v21;
	v20 =	vadd.s32 s24, v0;
	v22 =	vor.u32 s16, v22  }
0x22b: {  	v56 =	vor.u32 v5, v17;
	v41 =	vld.idx.msk [tilespmem:v26+s28+$0x0], $0xffff;
	v20 =	vand.u32 $0xF, v20;
	v40 =	vor.u32 v1, v22  }
0x22c: {  	v62 =	vor.u32 v7, v17;
	v49 =	vor.u32 v9, v17;
	v23 =	vor.u32 s16, v20;
	[tilespmem:v35+s21+$0x0] =	vst.idx.msk $0xffff, v53  }
0x22d: {  	v39 =	vor.u32 v5, v16;
	[tilespmem:v52+s21+$0x0] =	vst.idx.msk $0xffff, v24;
	v43 =	vor.u32 v1, v23;
	v55 =	vld.idx.msk [tilespmem:v27+s28+$0x0], $0xffff  }
0x22e: {  	v48 =	vor.u32 v7, v16;
	v31 =	vor.u32 v6, v19;
	v37 =	vld.idx.msk [tilespmem:v37+s28+$0x0], $0xffff;
	[tilespmem:v28+s21+$0x0] =	vst.idx.msk $0xffff, v36  }
0x22f: {  	v24 =	vor.u32 v15, v32;
	v52 =	vor.u32 v12, v29;
	v20 =	vshll.u32 v22, $0x7;
	v38 =	vld.idx.msk [tilespmem:v38+s28+$0x0], $0xffff  }
0x230: {  	v58 =	vor.u32 v2, v22;
	v46 =	vor.u32 v0, v20;
	[tilespmem:v42+s21+$0x0] =	vst.idx.msk $0xffff, v41;
	v40 =	vld.idx.msk [tilespmem:v40+s28+$0x0], $0xffff  }
0x231: {  	v50 =	vor.u32 v4, v22;
	v21 =	vshll.u32 v23, $0x7;
	v26 =	vor.u32 v6, v23;
	v59 =	vld.idx.msk [tilespmem:v54+s28+$0x0], $0xffff  }
0x232: {  	v61 =	vor.u32 v2, v23;
	v47 =	vor.u32 v0, v21;
	v43 =	vld.idx.msk [tilespmem:v43+s28+$0x0], $0xffff;
	[tilespmem:v56+s21+$0x0] =	vst.idx.msk $0xffff, v55  }
0x233: {  	v53 =	vor.u32 v8, v19;
	v35 =	vor.u32 v9, v16;
	[tilespmem:v39+s21+$0x0] =	vst.idx.msk $0xffff, v37;
	v63 =	vld.idx.msk [tilespmem:v31+s28+$0x0], $0xffff  }
0x234: {  	v27 =	vor.u32 v5, v20;
	v28 =	vor.u32 v15, v30;
	v36 =	vld.idx.msk [tilespmem:v57+s28+$0x0], $0xffff;
	[tilespmem:v44+s21+$0x0] =	vst.idx.msk $0xffff, v38  }
0x235: {  	v30 =	vor.u32 v13, v30;
	v42 =	vor.u32 v5, v21;
	[tilespmem:v46+s21+$0x0] =	vst.idx.msk $0xffff, v40;
	v44 =	vld.idx.msk [tilespmem:v45+s28+$0x0], $0xffff  }
0x236: {  	v54 =	vor.u32 v8, v18;
	v56 =	vor.u32 v3, v20;
	[tilespmem:v60+s21+$0x0] =	vst.idx.msk $0xffff, v59;
	v41 =	vld.idx.msk [tilespmem:v58+s28+$0x0], $0xffff  }
0x237: {  	v55 =	vor.u32 v13, v32;
	v58 =	vor.u32 v14, v25;
	v60 =	vld.idx.msk [tilespmem:v52+s28+$0x0], $0xffff;
	[tilespmem:v47+s21+$0x0] =	vst.idx.msk $0xffff, v43  }
0x238: {  	s18 =	simm.s32 $0x6;
	v31 =	vor.u32 v14, v29;
	v59 =	vor.u32 v3, v21;
	v57 =	vld.idx.msk [tilespmem:v61+s28+$0x0], $0xffff;
	[tilespmem:v62+s21+$0x0] =	vst.idx.msk $0xffff, v63  }
0x239: {  	s24 =	simm.s32 $0x7;
	[tilespmem:v48+s21+$0x0] =	vst.idx.msk $0xffff, v36;
	v25 =	vadd.s32 s18, v0;
	v61 =	vor.u32 v4, v23;
	v62 =	vld.idx.msk [tilespmem:v53+s28+$0x0], $0xffff  }
0x23a: {  	s16 =	sand.u32 $0x70, s18;
	v29 =	vor.u32 v10, v18;
	v25 =	vand.u32 $0xF, v25;
	v63 =	vadd.s32 s24, v0;
	[tilespmem:v30+s21+$0x0] =	vst.idx.msk $0xffff, v44  }
0x23b: {  	v36 =	vor.u32 v10, v19;
	v34 =	vld.idx.msk [tilespmem:v54+s28+$0x0], $0xffff;
	v25 =	vor.u32 s16, v25;
	v33 =	vand.u32 $0xF, v63;
	[tilespmem:v56+s21+$0x0] =	vst.idx.msk $0xffff, v41  }
0x23c: {  	v33 =	vor.u32 s16, v33;
	v44 =	vor.u32 v1, v25;
	[tilespmem:v55+s21+$0x0] =	vst.idx.msk $0xffff, v60;
	v37 =	vld.idx.msk [tilespmem:v58+s28+$0x0], $0xffff  }
0x23d: {  	v30 =	vshll.u32 v25, $0x7;
	v43 =	vor.u32 v1, v33;
	v32 =	vshll.u32 v33, $0x7;
	v39 =	vld.idx.msk [tilespmem:v50+s28+$0x0], $0xffff;
	[tilespmem:v59+s21+$0x0] =	vst.idx.msk $0xffff, v57  }
0x23e: {  	s16 =	simm.s32 $0x8;
	v40 =	vor.u32 v6, v33;
	v41 =	vor.u32 v5, v30;
	v38 =	vld.idx.msk [tilespmem:v61+s28+$0x0], $0xffff;
	[tilespmem:v49+s21+$0x0] =	vst.idx.msk $0xffff, v62  }
.LBB2_11:
0x23f: {  	v45 =	vmovc v33;
	v33 =	vmovc v17;
	v17 =	vmov v21;
	v21 =	vmov v32;
	v32 =	vmov v16  }
0x240: {  	p0 =	slt.u32 s16, $0x7E;
	v31 =	vld.idx.msk [tilespmem:v31+s28+$0x0], $0xffff;
	v16 =	vmovc v20;
	v20 =	vmovc v30;
	v30 =	vmov v26;
	v26 =	vmov v40;
	v40 =	vmov v27;
	s17 =	smov.u32 s16;
	s16 =	sadd.s32 $0x2, s16  }
0x241: {  	v46 =	vor.u32 v6, v22;
	v27 =	vmov v41;
	v47 =	vor.u32 v15, v32;
	v36 =	vld.idx.msk [tilespmem:v36+s28+$0x0], $0xffff  }
0x242: {  	v48 =	vor.u32 v12, v19;
	v41 =	vld.idx.msk [tilespmem:v44+s28+$0x0], $0xffff;
	v44 =	vor.u32 v11, v33;
	[tilespmem:v28+s21+$0x0] =	vst.idx.msk $0xffff, v37  }
0x243: {  	v49 =	vor.u32 v0, v21;
	v37 =	vor.u32 v0, v20;
	v43 =	vld.idx.msk [tilespmem:v43+s28+$0x0], $0xffff;
	[tilespmem:v35+s21+$0x0] =	vst.idx.msk $0xffff, v34  }
0x244: {  	v28 =	vor.u32 v15, v33;
	v34 =	vor.u32 v2, v25;
	[tilespmem:v42+s21+$0x0] =	vst.idx.msk $0xffff, v38;
	v29 =	vld.idx.msk [tilespmem:v29+s28+$0x0], $0xffff  }
0x245: {  	v35 =	vor.u32 v2, v45;
	v38 =	vor.u32 v11, v32;
	[tilespmem:v40+s21+$0x0] =	vst.idx.msk $0xffff, v39;
	v30 =	vld.idx.msk [tilespmem:v30+s28+$0x0], $0xffff  }
0x246: {  	v42 =	vor.u32 v12, v18;
	v40 =	vor.u32 v7, v17;
	v39 =	vld.idx.msk [tilespmem:v46+s28+$0x0], $0xffff;
	[tilespmem:v24+s21+$0x0] =	vst.idx.msk $0xffff, v31  }
0x247: {  	v50 =	vor.u32 v8, v23;
	v46 =	vor.u32 v7, v16;
	v24 =	vmov v47;
	[tilespmem:v44+s21+$0x0] =	vst.idx.msk $0xffff, v36  }
0x248: {  	v31 =	vor.u32 v14, v18;
	v36 =	vor.u32 v8, v22;
	[tilespmem:v37+s21+$0x0] =	vst.idx.msk $0xffff, v41;
	v37 =	vld.idx.msk [tilespmem:v48+s28+$0x0], $0xffff  }
0x249: {  	v47 =	vor.u32 v13, v32;
	v32 =	vor.u32 v13, v33;
	v41 =	vld.idx.msk [tilespmem:v34+s28+$0x0], $0xffff;
	[tilespmem:v49+s21+$0x0] =	vst.idx.msk $0xffff, v43  }
0x24a: {  	v43 =	vor.u32 v3, v20;
	v48 =	vld.idx.msk [tilespmem:v35+s28+$0x0], $0xffff;
	[tilespmem:v38+s21+$0x0] =	vst.idx.msk $0xffff, v29;
	v38 =	vor.u32 v14, v19  }
0x24b: {  	v49 =	vor.u32 v3, v21;
	v29 =	vor.u32 v10, v22;
	[tilespmem:v40+s21+$0x0] =	vst.idx.msk $0xffff, v30;
	v42 =	vld.idx.msk [tilespmem:v42+s28+$0x0], $0xffff  }
0x24c: {  	s18 =	sadd.s32 $0x1, s17;
	v51 =	vor.u32 v4, v45;
	[tilespmem:v46+s21+$0x0] =	vst.idx.msk $0xffff, v39;
	v46 =	vld.idx.msk [tilespmem:v50+s28+$0x0], $0xffff;
	v50 =	vor.u32 v9, v17  }
0x24d: {  	v33 =	vadd.s32 s17, v0;
	v18 =	vmovc v22;
	v22 =	vmovc v25;
	v30 =	vadd.s32 s18, v0;
	v39 =	vor.u32 v4, v25;
	v34 =	vld.idx.msk [tilespmem:v36+s28+$0x0], $0xffff  }
.Ltmp4:
0x24e: {  	s17 =	sand.u32 $0x70, s17;
	v35 =	vor.u32 v9, v16;
	v19 =	vmovc v23;
	v25 =	vand.u32 $0xF, v33;
	v30 =	vand.u32 $0xF, v30;
	[tilespmem:v32+s21+$0x0] =	vst.idx.msk $0xffff, v37;
	(pc) =	sbr.rel @p0 .LBB2_11-.Ltmp4, $4  }
0x24f: {  	v25 =	vor.u32 s17, v25;
	v33 =	vor.u32 s17, v30;
	v36 =	vor.u32 v10, v19;
	[tilespmem:v43+s21+$0x0] =	vst.idx.msk $0xffff, v41;
	v37 =	vld.idx.msk [tilespmem:v38+s28+$0x0], $0xffff  }
0x250: {  	v44 =	vor.u32 v1, v25;
	v32 =	vshll.u32 v33, $0x7;
	v43 =	vor.u32 v1, v33;
	[tilespmem:v49+s21+$0x0] =	vst.idx.msk $0xffff, v48  }
0x251: {  	v23 =	vmov v45;
	v30 =	vshll.u32 v25, $0x7;
	v40 =	vor.u32 v6, v33;
	v38 =	vld.idx.msk [tilespmem:v51+s28+$0x0], $0xffff;
	[tilespmem:v47+s21+$0x0] =	vst.idx.msk $0xffff, v42  }
0x252: {  	v41 =	vor.u32 v5, v30;
	v42 =	vor.u32 v5, v21;
	v39 =	vld.idx.msk [tilespmem:v39+s28+$0x0], $0xffff;
	[tilespmem:v50+s21+$0x0] =	vst.idx.msk $0xffff, v46  }
0x253: {  	_ =	sdelay $0x3  }
0x254: {  	v43 =	vld.idx.msk [tilespmem:v43+s28+$0x0], $0xffff;
	v45 =	vor.u32 v0, v32  }
0x255: {  	v44 =	vld.idx.msk [tilespmem:v44+s28+$0x0], $0xffff;
	v46 =	vor.u32 v0, v30;
	v47 =	vor.u32 v2, v33  }
0x256: {  	v48 =	vor.u32 v2, v25;
	_ =	sdelay $0x2  }
0x257: {  	[tilespmem:v45+s21+$0x0] =	vst.idx.msk $0xffff, v43  }
0x258: {  	v52 =	vor.u32 v3, v32;
	[tilespmem:v46+s21+$0x0] =	vst.idx.msk $0xffff, v44;
	v43 =	vld.idx.msk [tilespmem:v47+s28+$0x0], $0xffff  }
0x259: {  	v54 =	vor.u32 v3, v30;
	v55 =	vor.u32 v4, v33;
	v53 =	vld.idx.msk [tilespmem:v48+s28+$0x0], $0xffff  }
0x25a: {  	v56 =	vor.u32 v4, v25;
	_ =	sdelay $0x2  }
0x25b: {  	[tilespmem:v52+s21+$0x0] =	vst.idx.msk $0xffff, v43  }
0x25c: {  	v57 =	vor.u32 v6, v22;
	v58 =	vor.u32 v5, v32;
	[tilespmem:v54+s21+$0x0] =	vst.idx.msk $0xffff, v53;
	v44 =	vld.idx.msk [tilespmem:v55+s28+$0x0], $0xffff  }
0x25d: {  	v46 =	vld.idx.msk [tilespmem:v56+s28+$0x0], $0xffff  }
0x25e: {  	v59 =	vor.u32 v6, v25  }
0x25f: {  	[tilespmem:v42+s21+$0x0] =	vst.idx.msk $0xffff, v38  }
0x260: {  	[tilespmem:v27+s21+$0x0] =	vst.idx.msk $0xffff, v39;
	v26 =	vld.idx.msk [tilespmem:v26+s28+$0x0], $0xffff;
	v27 =	vor.u32 v7, v21  }
0x261: {  	v61 =	vor.u32 v7, v20;
	v62 =	vor.u32 v8, v23;
	v60 =	vld.idx.msk [tilespmem:v57+s28+$0x0], $0xffff;
	[tilespmem:v58+s21+$0x0] =	vst.idx.msk $0xffff, v44  }
0x262: {  	v63 =	vor.u32 v8, v22;
	v48 =	vor.u32 v7, v32;
	[tilespmem:v41+s21+$0x0] =	vst.idx.msk $0xffff, v46;
	v40 =	vld.idx.msk [tilespmem:v40+s28+$0x0], $0xffff  }
0x263: {  	v50 =	vor.u32 v7, v30;
	v51 =	vor.u32 v8, v33;
	v49 =	vld.idx.msk [tilespmem:v59+s28+$0x0], $0xffff  }
0x264: {  	[tilespmem:v28+s21+$0x0] =	vst.idx.msk $0xffff, v37;
	v28 =	vor.u32 v8, v25  }
0x265: {  	v31 =	vld.idx.msk [tilespmem:v31+s28+$0x0], $0xffff;
	[tilespmem:v27+s21+$0x0] =	vst.idx.msk $0xffff, v26  }
0x266: {  	v27 =	vor.u32 v9, v21;
	[tilespmem:v61+s21+$0x0] =	vst.idx.msk $0xffff, v60;
	v26 =	vld.idx.msk [tilespmem:v62+s28+$0x0], $0xffff  }
0x267: {  	v52 =	vld.idx.msk [tilespmem:v63+s28+$0x0], $0xffff;
	v53 =	vor.u32 v9, v20;
	v54 =	vor.u32 v10, v23;
	[tilespmem:v48+s21+$0x0] =	vst.idx.msk $0xffff, v40  }
0x268: {  	v55 =	vor.u32 v10, v22;
	v56 =	vor.u32 v9, v32;
	[tilespmem:v50+s21+$0x0] =	vst.idx.msk $0xffff, v49;
	v41 =	vld.idx.msk [tilespmem:v51+s28+$0x0], $0xffff  }
0x269: {  	[tilespmem:v35+s21+$0x0] =	vst.idx.msk $0xffff, v34;
	v57 =	vor.u32 v9, v30;
	v58 =	vor.u32 v10, v33;
	v28 =	vld.idx.msk [tilespmem:v28+s28+$0x0], $0xffff  }
0x26a: {  	v36 =	vld.idx.msk [tilespmem:v36+s28+$0x0], $0xffff;
	[tilespmem:v24+s21+$0x0] =	vst.idx.msk $0xffff, v31;
	v24 =	vor.u32 v10, v25;
	v59 =	vor.u32 v11, v17  }
0x26b: {  	v29 =	vld.idx.msk [tilespmem:v29+s28+$0x0], $0xffff;
	v31 =	vor.u32 v12, v19;
	v60 =	vor.u32 v11, v16;
	[tilespmem:v27+s21+$0x0] =	vst.idx.msk $0xffff, v26  }
0x26c: {  	v61 =	vor.u32 v11, v21;
	v26 =	vor.u32 v12, v18;
	v27 =	vld.idx.msk [tilespmem:v54+s28+$0x0], $0xffff;
	[tilespmem:v53+s21+$0x0] =	vst.idx.msk $0xffff, v52  }
0x26d: {  	v62 =	vor.u32 v12, v23;
	v63 =	vor.u32 v11, v20;
	v38 =	vld.idx.msk [tilespmem:v55+s28+$0x0], $0xffff;
	[tilespmem:v56+s21+$0x0] =	vst.idx.msk $0xffff, v41  }
0x26e: {  	v45 =	vor.u32 v12, v22;
	v46 =	vor.u32 v11, v32;
	[tilespmem:v57+s21+$0x0] =	vst.idx.msk $0xffff, v28;
	v35 =	vld.idx.msk [tilespmem:v58+s28+$0x0], $0xffff  }
0x26f: {  	v47 =	vor.u32 v11, v30;
	[tilespmem:v59+s21+$0x0] =	vst.idx.msk $0xffff, v36;
	v28 =	vor.u32 v12, v33;
	v24 =	vld.idx.msk [tilespmem:v24+s28+$0x0], $0xffff  }
0x270: {  	[tilespmem:v60+s21+$0x0] =	vst.idx.msk $0xffff, v29;
	v29 =	vor.u32 v12, v25;
	v48 =	vor.u32 v13, v17;
	v31 =	vld.idx.msk [tilespmem:v31+s28+$0x0], $0xffff  }
0x271: {  	v19 =	vor.u32 v14, v19;
	v26 =	vld.idx.msk [tilespmem:v26+s28+$0x0], $0xffff;
	[tilespmem:v61+s21+$0x0] =	vst.idx.msk $0xffff, v27;
	v49 =	vor.u32 v13, v16  }
0x272: {  	v18 =	vor.u32 v14, v18;
	v27 =	vld.idx.msk [tilespmem:v62+s28+$0x0], $0xffff;
	[tilespmem:v63+s21+$0x0] =	vst.idx.msk $0xffff, v38;
	v50 =	vor.u32 v13, v21  }
0x273: {  	v23 =	vor.u32 v14, v23;
	v52 =	vld.idx.msk [tilespmem:v45+s28+$0x0], $0xffff;
	v51 =	vor.u32 v13, v20;
	[tilespmem:v46+s21+$0x0] =	vst.idx.msk $0xffff, v35  }
0x274: {  	v22 =	vor.u32 v14, v22;
	v53 =	vor.u32 v13, v32;
	[tilespmem:v47+s21+$0x0] =	vst.idx.msk $0xffff, v24;
	v28 =	vld.idx.msk [tilespmem:v28+s28+$0x0], $0xffff  }
0x275: {  	[tilespmem:v48+s21+$0x0] =	vst.idx.msk $0xffff, v31;
	v31 =	vor.u32 v14, v33;
	v24 =	vor.u32 v13, v30;
	v29 =	vld.idx.msk [tilespmem:v29+s28+$0x0], $0xffff  }
0x276: {  	v25 =	vor.u32 v14, v25;
	v17 =	vor.u32 v15, v17;
	[tilespmem:v49+s21+$0x0] =	vst.idx.msk $0xffff, v26;
	v19 =	vld.idx.msk [tilespmem:v19+s28+$0x0], $0xffff  }
0x277: {  	v16 =	vor.u32 v15, v16;
	[tilespmem:v50+s21+$0x0] =	vst.idx.msk $0xffff, v27;
	v18 =	vld.idx.msk [tilespmem:v18+s28+$0x0], $0xffff  }
0x278: {  	v21 =	vor.u32 v15, v21;
	v23 =	vld.idx.msk [tilespmem:v23+s28+$0x0], $0xffff;
	[tilespmem:v51+s21+$0x0] =	vst.idx.msk $0xffff, v52  }
0x279: {  	s16 =	simm.s32 $0x1;
	v20 =	vor.u32 v15, v20;
	v22 =	vld.idx.msk [tilespmem:v22+s28+$0x0], $0xffff;
	[tilespmem:v53+s21+$0x0] =	vst.idx.msk $0xffff, v28  }
0x27a: {  	s17 =	simm.s32 $0x0;
	v26 =	vor.u32 v15, v32;
	[tilespmem:v24+s21+$0x0] =	vst.idx.msk $0xffff, v29;
	v24 =	vadd.s32 s16, v0;
	v27 =	vld.idx.msk [tilespmem:v31+s28+$0x0], $0xffff  }
0x27b: {  	[tilespmem:v17+s21+$0x0] =	vst.idx.msk $0xffff, v19;
	v17 =	vor.u32 v15, v30;
	s16 =	sand.u32 $0x30, s17;
	v19 =	vld.idx.msk [tilespmem:v25+s28+$0x0], $0xffff;
	v24 =	vand.u32 $0xF, v24  }
0x27c: {  	s18 =	smul.u32 $0x180000, s14;
	[tilespmem:v16+s21+$0x0] =	vst.idx.msk $0xffff, v18;
	v16 =	vadd.s32 s17, v0;
	v25 =	vor.u32 s16, v24  }
0x27d: {  	[tilespmem:v21+s21+$0x0] =	vst.idx.msk $0xffff, v23;
	v16 =	vand.u32 $0xF, v16;
	v18 =	vor.u32 v1, v25  }
0x27e: {  	s24 =	sor.u32 s5, s18;
	[tilespmem:v20+s21+$0x0] =	vst.idx.msk $0xffff, v22;
	v29 =	vor.u32 s16, v16  }
0x27f: {  	s18 =	sshrl.u32 s24, $0x3;
	v16 =	vor.u32 v1, v29;
	[tilespmem:v26+s21+$0x0] =	vst.idx.msk $0xffff, v27  }
0x280: {  	s16 =	sadd.s32 s3, s18;
	[tilespmem:v17+s21+$0x0] =	vst.idx.msk $0xffff, v19  }
0x281: {  	v30 =	vshll.u32 v25, $0x7;
	[hbm4b:s16+s19] =	stream.strided.scatter [tilespmem:s21], [sflag:$0x3], $0x4000, s20, s19, $0x38;
	[tilespmem:$0x1F800] =	vst v63  }
0x282: {  	v17 =	vld.idx.msk [tilespmem:v18+s29+$0x0], $0xffff;
	v18 =	vor.u32 v0, v30  }
0x283: {  	v32 =	vshll.u32 v29, $0x7;
	v19 =	vor.u32 v2, v25  }
0x284: {  	v20 =	vor.u32 v0, v32;
	v16 =	vld.idx.msk [tilespmem:v16+s29+$0x0], $0xffff  }
0x285: {  	v21 =	vor.u32 v2, v29;
	_ =	sdelay $0x1  }
0x286: {  	[tilespmem:v18+s25+$0x0] =	vst.idx.msk $0xffff, v17  }
0x287: {  	v22 =	vor.u32 v3, v30;
	v17 =	vld.idx.msk [tilespmem:v19+s29+$0x0], $0xffff  }
0x288: {  	s24 =	simm.s32 $0x3;
	[tilespmem:v20+s25+$0x0] =	vst.idx.msk $0xffff, v16;
	v16 =	vor.u32 v4, v25  }
0x289: {  	s17 =	simm.s32 $0x2;
	v20 =	vld.idx.msk [tilespmem:v21+s29+$0x0], $0xffff;
	v21 =	vor.u32 v3, v32;
	v19 =	vadd.s32 s24, v0  }
0x28a: {  	v23 =	vor.u32 v4, v29;
	v18 =	vadd.s32 s17, v0;
	s17 =	sand.u32 $0x30, s17;
	v19 =	vand.u32 $0xF, v19  }
0x28b: {  	v18 =	vand.u32 $0xF, v18;
	v19 =	vor.u32 s17, v19  }
0x28c: {  	v18 =	vor.u32 s17, v18;
	v26 =	vor.u32 v1, v19;
	[tilespmem:v22+s25+$0x0] =	vst.idx.msk $0xffff, v17  }
0x28d: {  	v27 =	vor.u32 v5, v30;
	v24 =	vor.u32 v1, v18;
	v22 =	vld.idx.msk [tilespmem:v16+s29+$0x0], $0xffff  }
0x28e: {  	v28 =	vor.u32 v6, v25;
	[tilespmem:v21+s25+$0x0] =	vst.idx.msk $0xffff, v20  }
0x28f: {  	v20 =	vor.u32 v5, v32;
	v21 =	vld.idx.msk [tilespmem:v23+s29+$0x0], $0xffff  }
0x290: {  	v50 =	vor.u32 v10, v29;
	v60 =	vor.u32 v10, v25;
	v17 =	vshll.u32 v19, $0x7  }
0x291: {  	v16 =	vshll.u32 v18, $0x7;
	v23 =	vor.u32 v6, v29;
	v54 =	vor.u32 v0, v17;
	v26 =	vld.idx.msk [tilespmem:v26+s29+$0x0], $0xffff  }
0x292: {  	v24 =	vld.idx.msk [tilespmem:v24+s29+$0x0], $0xffff;
	v31 =	vor.u32 v0, v16;
	[tilespmem:v27+s25+$0x0] =	vst.idx.msk $0xffff, v22;
	v22 =	vor.u32 v2, v19  }
0x293: {  	v48 =	vor.u32 v9, v32;
	v55 =	vor.u32 v2, v18;
	v27 =	vld.idx.msk [tilespmem:v28+s29+$0x0], $0xffff;
	v28 =	vor.u32 v7, v30  }
0x294: {  	v45 =	vor.u32 v12, v25;
	[tilespmem:v20+s25+$0x0] =	vst.idx.msk $0xffff, v21;
	v20 =	vor.u32 v8, v25  }
0x295: {  	v59 =	vor.u32 v4, v18;
	v53 =	vor.u32 v6, v18;
	v58 =	vor.u32 v3, v17  }
0x296: {  	v52 =	vor.u32 v5, v17;
	v21 =	vld.idx.msk [tilespmem:v23+s29+$0x0], $0xffff;
	v23 =	vor.u32 v7, v32;
	[tilespmem:v54+s25+$0x0] =	vst.idx.msk $0xffff, v26  }
0x297: {  	s17 =	simm.s32 $0x4;
	v56 =	vor.u32 v3, v16;
	[tilespmem:v31+s25+$0x0] =	vst.idx.msk $0xffff, v24;
	v26 =	vor.u32 v8, v29;
	v57 =	vld.idx.msk [tilespmem:v22+s29+$0x0], $0xffff  }
0x298: {  	s24 =	simm.s32 $0x5;
	v24 =	vld.idx.msk [tilespmem:v55+s29+$0x0], $0xffff;
	v22 =	vadd.s32 s17, v0;
	[tilespmem:v28+s25+$0x0] =	vst.idx.msk $0xffff, v27;
	v27 =	vor.u32 v4, v19  }
0x299: {  	s17 =	sand.u32 $0x30, s17;
	v28 =	vor.u32 v9, v30;
	v22 =	vand.u32 $0xF, v22;
	v36 =	vld.idx.msk [tilespmem:v20+s29+$0x0], $0xffff;
	v20 =	vadd.s32 s24, v0  }
0x29a: {  	v61 =	vor.u32 v5, v16;
	v22 =	vor.u32 s17, v22;
	v20 =	vand.u32 $0xF, v20  }
0x29b: {  	v35 =	vor.u32 v9, v16;
	[tilespmem:v23+s25+$0x0] =	vst.idx.msk $0xffff, v21;
	v62 =	vor.u32 v1, v22;
	v23 =	vor.u32 s17, v20  }
0x29c: {  	v31 =	vor.u32 v6, v19;
	v63 =	vld.idx.msk [tilespmem:v26+s29+$0x0], $0xffff;
	v49 =	vor.u32 v1, v23;
	[tilespmem:v58+s25+$0x0] =	vst.idx.msk $0xffff, v57  }
0x29d: {  	v54 =	vor.u32 v11, v30;
	[tilespmem:v56+s25+$0x0] =	vst.idx.msk $0xffff, v24;
	v24 =	vor.u32 v15, v32;
	v51 =	vld.idx.msk [tilespmem:v27+s29+$0x0], $0xffff  }
0x29e: {  	v37 =	vld.idx.msk [tilespmem:v59+s29+$0x0], $0xffff;
	v59 =	vor.u32 v11, v32;
	v20 =	vshll.u32 v22, $0x7;
	[tilespmem:v28+s25+$0x0] =	vst.idx.msk $0xffff, v36  }
0x29f: {  	v21 =	vshll.u32 v23, $0x7;
	v26 =	vor.u32 v6, v23;
	v55 =	vor.u32 v0, v20;
	v38 =	vld.idx.msk [tilespmem:v60+s29+$0x0], $0xffff  }
0x2a0: {  	v57 =	vor.u32 v2, v22;
	v27 =	vor.u32 v5, v20;
	v56 =	vor.u32 v0, v21;
	v40 =	vld.idx.msk [tilespmem:v62+s29+$0x0], $0xffff  }
0x2a1: {  	v42 =	vor.u32 v5, v21;
	[tilespmem:v48+s25+$0x0] =	vst.idx.msk $0xffff, v63;
	v28 =	vor.u32 v15, v30;
	v43 =	vld.idx.msk [tilespmem:v49+s29+$0x0], $0xffff  }
0x2a2: {  	v63 =	vor.u32 v12, v29;
	v58 =	vld.idx.msk [tilespmem:v50+s29+$0x0], $0xffff;
	v60 =	vor.u32 v2, v23;
	[tilespmem:v52+s25+$0x0] =	vst.idx.msk $0xffff, v51  }
0x2a3: {  	v30 =	vor.u32 v13, v30;
	[tilespmem:v61+s25+$0x0] =	vst.idx.msk $0xffff, v37;
	v61 =	vor.u32 v7, v17;
	v62 =	vld.idx.msk [tilespmem:v31+s29+$0x0], $0xffff  }
0x2a4: {  	v36 =	vld.idx.msk [tilespmem:v53+s29+$0x0], $0xffff;
	v53 =	vor.u32 v8, v19;
	v52 =	vor.u32 v7, v16;
	[tilespmem:v54+s25+$0x0] =	vst.idx.msk $0xffff, v38  }
0x2a5: {  	v50 =	vor.u32 v4, v22;
	v49 =	vor.u32 v9, v17;
	[tilespmem:v55+s25+$0x0] =	vst.idx.msk $0xffff, v40;
	v44 =	vld.idx.msk [tilespmem:v45+s29+$0x0], $0xffff  }
0x2a6: {  	v54 =	vor.u32 v8, v18;
	v41 =	vld.idx.msk [tilespmem:v57+s29+$0x0], $0xffff;
	[tilespmem:v56+s25+$0x0] =	vst.idx.msk $0xffff, v43;
	v56 =	vor.u32 v3, v20  }
0x2a7: {  	[tilespmem:v59+s25+$0x0] =	vst.idx.msk $0xffff, v58;
	v58 =	vor.u32 v14, v25;
	v59 =	vor.u32 v3, v21;
	v57 =	vld.idx.msk [tilespmem:v60+s29+$0x0], $0xffff  }
0x2a8: {  	s17 =	simm.s32 $0x6;
	v31 =	vor.u32 v14, v29;
	v55 =	vor.u32 v13, v32;
	v60 =	vld.idx.msk [tilespmem:v63+s29+$0x0], $0xffff;
	[tilespmem:v61+s25+$0x0] =	vst.idx.msk $0xffff, v62  }
0x2a9: {  	s24 =	simm.s32 $0x7;
	v25 =	vadd.s32 s17, v0;
	[tilespmem:v52+s25+$0x0] =	vst.idx.msk $0xffff, v36;
	v61 =	vor.u32 v4, v23;
	v62 =	vld.idx.msk [tilespmem:v53+s29+$0x0], $0xffff  }
0x2aa: {  	v29 =	vor.u32 v10, v18;
	s17 =	sand.u32 $0x30, s17;
	v25 =	vand.u32 $0xF, v25;
	v63 =	vadd.s32 s24, v0;
	[tilespmem:v30+s25+$0x0] =	vst.idx.msk $0xffff, v44  }
0x2ab: {  	v25 =	vor.u32 s17, v25;
	v36 =	vor.u32 v10, v19;
	v33 =	vand.u32 $0xF, v63;
	v34 =	vld.idx.msk [tilespmem:v54+s29+$0x0], $0xffff;
	[tilespmem:v56+s25+$0x0] =	vst.idx.msk $0xffff, v41  }
0x2ac: {  	v33 =	vor.u32 s17, v33;
	v44 =	vor.u32 v1, v25;
	v37 =	vld.idx.msk [tilespmem:v58+s29+$0x0], $0xffff;
	[tilespmem:v59+s25+$0x0] =	vst.idx.msk $0xffff, v57  }
0x2ad: {  	v43 =	vor.u32 v1, v33;
	v32 =	vshll.u32 v33, $0x7;
	v30 =	vshll.u32 v25, $0x7;
	[tilespmem:v55+s25+$0x0] =	vst.idx.msk $0xffff, v60;
	v39 =	vld.idx.msk [tilespmem:v50+s29+$0x0], $0xffff  }
0x2ae: {  	s17 =	simm.s32 $0x8;
	v40 =	vor.u32 v6, v33;
	v41 =	vor.u32 v5, v30;
	v38 =	vld.idx.msk [tilespmem:v61+s29+$0x0], $0xffff;
	[tilespmem:v49+s25+$0x0] =	vst.idx.msk $0xffff, v62  }
.LBB2_13:
0x2af: {  	v45 =	vmovc v33;
	v33 =	vmovc v17;
	v17 =	vmov v21;
	v21 =	vmov v32;
	v32 =	vmov v16  }
0x2b0: {  	p0 =	slt.u32 s17, $0x3E;
	v31 =	vld.idx.msk [tilespmem:v31+s29+$0x0], $0xffff;
	v16 =	vmovc v20;
	v20 =	vmovc v30;
	v30 =	vmov v26;
	v26 =	vmov v40;
	v40 =	vmov v27;
	s18 =	smov.u32 s17;
	s17 =	sadd.s32 $0x2, s17  }
0x2b1: {  	v46 =	vor.u32 v6, v22;
	v27 =	vmov v41;
	v47 =	vor.u32 v15, v32;
	v36 =	vld.idx.msk [tilespmem:v36+s29+$0x0], $0xffff  }
0x2b2: {  	v48 =	vor.u32 v12, v19;
	v41 =	vld.idx.msk [tilespmem:v44+s29+$0x0], $0xffff;
	v44 =	vor.u32 v11, v33;
	[tilespmem:v28+s25+$0x0] =	vst.idx.msk $0xffff, v37  }
0x2b3: {  	v49 =	vor.u32 v0, v21;
	v37 =	vor.u32 v0, v20;
	v43 =	vld.idx.msk [tilespmem:v43+s29+$0x0], $0xffff;
	[tilespmem:v35+s25+$0x0] =	vst.idx.msk $0xffff, v34  }
0x2b4: {  	v28 =	vor.u32 v15, v33;
	v34 =	vor.u32 v2, v25;
	[tilespmem:v42+s25+$0x0] =	vst.idx.msk $0xffff, v38;
	v29 =	vld.idx.msk [tilespmem:v29+s29+$0x0], $0xffff  }
0x2b5: {  	v35 =	vor.u32 v2, v45;
	v38 =	vor.u32 v11, v32;
	[tilespmem:v40+s25+$0x0] =	vst.idx.msk $0xffff, v39;
	v30 =	vld.idx.msk [tilespmem:v30+s29+$0x0], $0xffff  }
0x2b6: {  	v42 =	vor.u32 v12, v18;
	v40 =	vor.u32 v7, v17;
	v39 =	vld.idx.msk [tilespmem:v46+s29+$0x0], $0xffff;
	[tilespmem:v24+s25+$0x0] =	vst.idx.msk $0xffff, v31  }
0x2b7: {  	v50 =	vor.u32 v8, v23;
	v46 =	vor.u32 v7, v16;
	v24 =	vmov v47;
	[tilespmem:v44+s25+$0x0] =	vst.idx.msk $0xffff, v36  }
0x2b8: {  	v31 =	vor.u32 v14, v18;
	v36 =	vor.u32 v8, v22;
	[tilespmem:v37+s25+$0x0] =	vst.idx.msk $0xffff, v41;
	v37 =	vld.idx.msk [tilespmem:v48+s29+$0x0], $0xffff  }
0x2b9: {  	v47 =	vor.u32 v13, v32;
	v32 =	vor.u32 v13, v33;
	v41 =	vld.idx.msk [tilespmem:v34+s29+$0x0], $0xffff;
	[tilespmem:v49+s25+$0x0] =	vst.idx.msk $0xffff, v43  }
0x2ba: {  	v43 =	vor.u32 v3, v20;
	v48 =	vld.idx.msk [tilespmem:v35+s29+$0x0], $0xffff;
	[tilespmem:v38+s25+$0x0] =	vst.idx.msk $0xffff, v29;
	v38 =	vor.u32 v14, v19  }
0x2bb: {  	v49 =	vor.u32 v3, v21;
	v29 =	vor.u32 v10, v22;
	[tilespmem:v40+s25+$0x0] =	vst.idx.msk $0xffff, v30;
	v42 =	vld.idx.msk [tilespmem:v42+s29+$0x0], $0xffff  }
0x2bc: {  	s24 =	sadd.s32 $0x1, s18;
	v51 =	vor.u32 v4, v45;
	[tilespmem:v46+s25+$0x0] =	vst.idx.msk $0xffff, v39;
	v46 =	vld.idx.msk [tilespmem:v50+s29+$0x0], $0xffff;
	v50 =	vor.u32 v9, v17  }
0x2bd: {  	v33 =	vadd.s32 s18, v0;
	v18 =	vmovc v22;
	v22 =	vmovc v25;
	v30 =	vadd.s32 s24, v0;
	v39 =	vor.u32 v4, v25;
	v34 =	vld.idx.msk [tilespmem:v36+s29+$0x0], $0xffff  }
.Ltmp5:
0x2be: {  	s18 =	sand.u32 $0x30, s18;
	v35 =	vor.u32 v9, v16;
	v19 =	vmovc v23;
	v25 =	vand.u32 $0xF, v33;
	v30 =	vand.u32 $0xF, v30;
	[tilespmem:v32+s25+$0x0] =	vst.idx.msk $0xffff, v37;
	(pc) =	sbr.rel @p0 .LBB2_13-.Ltmp5, $4  }
0x2bf: {  	v25 =	vor.u32 s18, v25;
	v33 =	vor.u32 s18, v30;
	v36 =	vor.u32 v10, v19;
	[tilespmem:v43+s25+$0x0] =	vst.idx.msk $0xffff, v41;
	v37 =	vld.idx.msk [tilespmem:v38+s29+$0x0], $0xffff  }
0x2c0: {  	v44 =	vor.u32 v1, v25;
	v32 =	vshll.u32 v33, $0x7;
	v43 =	vor.u32 v1, v33;
	[tilespmem:v49+s25+$0x0] =	vst.idx.msk $0xffff, v48  }
0x2c1: {  	v23 =	vmov v45;
	v30 =	vshll.u32 v25, $0x7;
	v40 =	vor.u32 v6, v33;
	v38 =	vld.idx.msk [tilespmem:v51+s29+$0x0], $0xffff;
	[tilespmem:v47+s25+$0x0] =	vst.idx.msk $0xffff, v42  }
0x2c2: {  	v41 =	vor.u32 v5, v30;
	v42 =	vor.u32 v5, v21;
	v39 =	vld.idx.msk [tilespmem:v39+s29+$0x0], $0xffff;
	[tilespmem:v50+s25+$0x0] =	vst.idx.msk $0xffff, v46  }
0x2c3: {  	_ =	sdelay $0x3  }
0x2c4: {  	v43 =	vld.idx.msk [tilespmem:v43+s29+$0x0], $0xffff;
	v45 =	vor.u32 v0, v32  }
0x2c5: {  	v44 =	vld.idx.msk [tilespmem:v44+s29+$0x0], $0xffff;
	v46 =	vor.u32 v0, v30;
	v47 =	vor.u32 v2, v33  }
0x2c6: {  	v48 =	vor.u32 v2, v25;
	_ =	sdelay $0x2  }
0x2c7: {  	[tilespmem:v45+s25+$0x0] =	vst.idx.msk $0xffff, v43  }
0x2c8: {  	v63 =	vor.u32 v3, v32;
	[tilespmem:v46+s25+$0x0] =	vst.idx.msk $0xffff, v44;
	v43 =	vld.idx.msk [tilespmem:v47+s29+$0x0], $0xffff  }
0x2c9: {  	v53 =	vor.u32 v3, v30;
	v54 =	vor.u32 v4, v33;
	v52 =	vld.idx.msk [tilespmem:v48+s29+$0x0], $0xffff  }
0x2ca: {  	v55 =	vor.u32 v4, v25;
	_ =	sdelay $0x2  }
0x2cb: {  	[tilespmem:v63+s25+$0x0] =	vst.idx.msk $0xffff, v43  }
0x2cc: {  	v56 =	vor.u32 v6, v22;
	v57 =	vor.u32 v5, v32;
	[tilespmem:v53+s25+$0x0] =	vst.idx.msk $0xffff, v52;
	v44 =	vld.idx.msk [tilespmem:v54+s29+$0x0], $0xffff  }
0x2cd: {  	v46 =	vld.idx.msk [tilespmem:v55+s29+$0x0], $0xffff  }
0x2ce: {  	v58 =	vor.u32 v6, v25  }
0x2cf: {  	[tilespmem:v42+s25+$0x0] =	vst.idx.msk $0xffff, v38  }
0x2d0: {  	[tilespmem:v27+s25+$0x0] =	vst.idx.msk $0xffff, v39;
	v26 =	vld.idx.msk [tilespmem:v26+s29+$0x0], $0xffff;
	v27 =	vor.u32 v7, v21  }
0x2d1: {  	v60 =	vor.u32 v7, v20;
	v61 =	vor.u32 v8, v23;
	v59 =	vld.idx.msk [tilespmem:v56+s29+$0x0], $0xffff;
	[tilespmem:v57+s25+$0x0] =	vst.idx.msk $0xffff, v44  }
0x2d2: {  	v62 =	vor.u32 v8, v22;
	v63 =	vor.u32 v7, v32;
	[tilespmem:v41+s25+$0x0] =	vst.idx.msk $0xffff, v46;
	v40 =	vld.idx.msk [tilespmem:v40+s29+$0x0], $0xffff  }
0x2d3: {  	v49 =	vor.u32 v7, v30;
	v50 =	vor.u32 v8, v33;
	v48 =	vld.idx.msk [tilespmem:v58+s29+$0x0], $0xffff  }
0x2d4: {  	[tilespmem:v28+s25+$0x0] =	vst.idx.msk $0xffff, v37;
	v28 =	vor.u32 v8, v25  }
0x2d5: {  	v31 =	vld.idx.msk [tilespmem:v31+s29+$0x0], $0xffff;
	[tilespmem:v27+s25+$0x0] =	vst.idx.msk $0xffff, v26  }
0x2d6: {  	v27 =	vor.u32 v9, v21;
	[tilespmem:v60+s25+$0x0] =	vst.idx.msk $0xffff, v59;
	v26 =	vld.idx.msk [tilespmem:v61+s29+$0x0], $0xffff  }
0x2d7: {  	v51 =	vld.idx.msk [tilespmem:v62+s29+$0x0], $0xffff;
	v52 =	vor.u32 v9, v20;
	v53 =	vor.u32 v10, v23;
	[tilespmem:v63+s25+$0x0] =	vst.idx.msk $0xffff, v40  }
0x2d8: {  	v54 =	vor.u32 v10, v22;
	v55 =	vor.u32 v9, v32;
	[tilespmem:v49+s25+$0x0] =	vst.idx.msk $0xffff, v48;
	v41 =	vld.idx.msk [tilespmem:v50+s29+$0x0], $0xffff  }
0x2d9: {  	[tilespmem:v35+s25+$0x0] =	vst.idx.msk $0xffff, v34;
	v56 =	vor.u32 v9, v30;
	v57 =	vor.u32 v10, v33;
	v28 =	vld.idx.msk [tilespmem:v28+s29+$0x0], $0xffff  }
0x2da: {  	v36 =	vld.idx.msk [tilespmem:v36+s29+$0x0], $0xffff;
	[tilespmem:v24+s25+$0x0] =	vst.idx.msk $0xffff, v31;
	v24 =	vor.u32 v10, v25;
	v58 =	vor.u32 v11, v17  }
0x2db: {  	v29 =	vld.idx.msk [tilespmem:v29+s29+$0x0], $0xffff;
	v31 =	vor.u32 v12, v19;
	v59 =	vor.u32 v11, v16;
	[tilespmem:v27+s25+$0x0] =	vst.idx.msk $0xffff, v26  }
0x2dc: {  	v60 =	vor.u32 v11, v21;
	v26 =	vor.u32 v12, v18;
	v27 =	vld.idx.msk [tilespmem:v53+s29+$0x0], $0xffff;
	[tilespmem:v52+s25+$0x0] =	vst.idx.msk $0xffff, v51  }
0x2dd: {  	v61 =	vor.u32 v12, v23;
	v62 =	vor.u32 v11, v20;
	v38 =	vld.idx.msk [tilespmem:v54+s29+$0x0], $0xffff;
	[tilespmem:v55+s25+$0x0] =	vst.idx.msk $0xffff, v41  }
0x2de: {  	v45 =	vor.u32 v11, v32;
	v63 =	vor.u32 v12, v22;
	[tilespmem:v56+s25+$0x0] =	vst.idx.msk $0xffff, v28;
	v35 =	vld.idx.msk [tilespmem:v57+s29+$0x0], $0xffff  }
0x2df: {  	v46 =	vor.u32 v11, v30;
	[tilespmem:v58+s25+$0x0] =	vst.idx.msk $0xffff, v36;
	v28 =	vor.u32 v12, v33;
	v24 =	vld.idx.msk [tilespmem:v24+s29+$0x0], $0xffff  }
0x2e0: {  	v47 =	vor.u32 v13, v17;
	[tilespmem:v59+s25+$0x0] =	vst.idx.msk $0xffff, v29;
	v29 =	vor.u32 v12, v25;
	v31 =	vld.idx.msk [tilespmem:v31+s29+$0x0], $0xffff  }
0x2e1: {  	v19 =	vor.u32 v14, v19;
	v26 =	vld.idx.msk [tilespmem:v26+s29+$0x0], $0xffff;
	[tilespmem:v60+s25+$0x0] =	vst.idx.msk $0xffff, v27;
	v48 =	vor.u32 v13, v16  }
0x2e2: {  	v18 =	vor.u32 v14, v18;
	v27 =	vld.idx.msk [tilespmem:v61+s29+$0x0], $0xffff;
	[tilespmem:v62+s25+$0x0] =	vst.idx.msk $0xffff, v38;
	v49 =	vor.u32 v13, v21  }
0x2e3: {  	v23 =	vor.u32 v14, v23;
	v50 =	vor.u32 v13, v20;
	v51 =	vld.idx.msk [tilespmem:v63+s29+$0x0], $0xffff;
	[tilespmem:v45+s25+$0x0] =	vst.idx.msk $0xffff, v35  }
0x2e4: {  	v52 =	vor.u32 v13, v32;
	v22 =	vor.u32 v14, v22;
	[tilespmem:v46+s25+$0x0] =	vst.idx.msk $0xffff, v24;
	v28 =	vld.idx.msk [tilespmem:v28+s29+$0x0], $0xffff  }
0x2e5: {  	[tilespmem:v47+s25+$0x0] =	vst.idx.msk $0xffff, v31;
	v31 =	vor.u32 v14, v33;
	v24 =	vor.u32 v13, v30;
	v29 =	vld.idx.msk [tilespmem:v29+s29+$0x0], $0xffff  }
0x2e6: {  	v25 =	vor.u32 v14, v25;
	v17 =	vor.u32 v15, v17;
	[tilespmem:v48+s25+$0x0] =	vst.idx.msk $0xffff, v26;
	v19 =	vld.idx.msk [tilespmem:v19+s29+$0x0], $0xffff  }
0x2e7: {  	v16 =	vor.u32 v15, v16;
	[tilespmem:v49+s25+$0x0] =	vst.idx.msk $0xffff, v27;
	v18 =	vld.idx.msk [tilespmem:v18+s29+$0x0], $0xffff  }
0x2e8: {  	v21 =	vor.u32 v15, v21;
	v23 =	vld.idx.msk [tilespmem:v23+s29+$0x0], $0xffff;
	[tilespmem:v50+s25+$0x0] =	vst.idx.msk $0xffff, v51  }
0x2e9: {  	v20 =	vor.u32 v15, v20;
	v22 =	vld.idx.msk [tilespmem:v22+s29+$0x0], $0xffff;
	[tilespmem:v52+s25+$0x0] =	vst.idx.msk $0xffff, v28  }
0x2ea: {  	v26 =	vor.u32 v15, v32;
	[tilespmem:v24+s25+$0x0] =	vst.idx.msk $0xffff, v29;
	v27 =	vld.idx.msk [tilespmem:v31+s29+$0x0], $0xffff  }
0x2eb: {  	[tilespmem:v17+s25+$0x0] =	vst.idx.msk $0xffff, v19;
	v17 =	vor.u32 v15, v30;
	v19 =	vld.idx.msk [tilespmem:v25+s29+$0x0], $0xffff  }
0x2ec: {  	[tilespmem:v16+s25+$0x0] =	vst.idx.msk $0xffff, v18  }
0x2ed: {  	[tilespmem:v21+s25+$0x0] =	vst.idx.msk $0xffff, v23  }
0x2ee: {  	[tilespmem:v20+s25+$0x0] =	vst.idx.msk $0xffff, v22  }
0x2ef: {  	[tilespmem:v26+s25+$0x0] =	vst.idx.msk $0xffff, v27  }
0x2f0: {  	s16 =	sadd.s32 $0x10000, s16;
	s24 =	sshll.u32 s14, $0x8;
	[tilespmem:v17+s25+$0x0] =	vst.idx.msk $0xffff, v19  }
0x2f1: {  	[hbm4b:s16+s19] =	stream.strided.scatter [tilespmem:s25], [sflag:$0x3], $0x2000, s20, s19, $0x38;
	[tilespmem:$0x1F800] =	vst v63  }
0x2f2: {  	s17 =	sadd.s32 $0x100, s24  }
0x2f3: {  	[tilespmem:s28], [sflag:$0x1] =	stream.indirect.gather [hbm4b:s1+s26], $0x80, s17, s26, $0xb8;
	[tilespmem:$0x1F800] =	vst v63  }
0x2f4: {  	s16 =	sadd.s32 $0x1D00, s24  }
0x2f5: {  	[tilespmem:s29], [sflag:$0x1] =	stream.indirect.gather [hbm4b:s6+s26], $0x80, s16, s26, $0xb8;
	[tilespmem:$0x1F800] =	vst v63  }
0x2f6: {  	_ =	swait.ge [sflag:s31], $0x4000  }
0x2f7: {  	[sflag:s31] =	ssyncset.done $0x0  }
0x2f8: {  	[sflag:s31] =	ssyncadd.s32 $0xFFFFC000  }
0x2f9: {  	s17 =	simm.s32 $0x1;
	_ =	swait.ge [sflag:s31], $0x4000  }
0x2fa: {  	s18 =	simm.s32 $0x0;
	v16 =	vadd.s32 s17, v0;
	[sflag:s31] =	ssyncset.done $0x0  }
0x2fb: {  	s24 =	sand.u32 $0x70, s18;
	v16 =	vand.u32 $0xF, v16;
	[sflag:s31] =	ssyncadd.s32 $0xFFFFC000  }
0x2fc: {  	v17 =	vadd.s32 s18, v0;
	v25 =	vor.u32 s24, v16;
	_ =	swait.ge [sflag:s12], $0x4000  }
0x2fd: {  	v16 =	vand.u32 $0xF, v17;
	v17 =	vor.u32 v1, v25;
	[sflag:s12] =	ssyncset.done $0x0  }
0x2fe: {  	v29 =	vor.u32 s24, v16;
	[sflag:s12] =	ssyncadd.s32 $0xFFFFC000  }
0x2ff: {  	v16 =	vor.u32 v1, v29;
	_ =	swait.ge [sflag:s12], $0x2000  }
0x300: {  	[sflag:s12] =	ssyncset.done $0x0  }
0x301: {  	v30 =	vshll.u32 v25, $0x7;
	[sflag:s12] =	ssyncadd.s32 $0xFFFFE000  }
0x302: {  	v18 =	vor.u32 v0, v30;
	v17 =	vld.idx.msk [tilespmem:v17+s30+$0x0], $0xffff  }
0x303: {  	v19 =	vor.u32 v2, v25;
	v32 =	vshll.u32 v29, $0x7  }
0x304: {  	v20 =	vor.u32 v0, v32;
	v16 =	vld.idx.msk [tilespmem:v16+s30+$0x0], $0xffff  }
0x305: {  	v21 =	vor.u32 v2, v29;
	_ =	sdelay $0x1  }
0x306: {  	[tilespmem:v18+s23+$0x0] =	vst.idx.msk $0xffff, v17  }
0x307: {  	v22 =	vor.u32 v3, v30;
	v17 =	vld.idx.msk [tilespmem:v19+s30+$0x0], $0xffff  }
0x308: {  	s24 =	simm.s32 $0x3;
	[tilespmem:v20+s23+$0x0] =	vst.idx.msk $0xffff, v16;
	v16 =	vor.u32 v4, v25  }
0x309: {  	s18 =	simm.s32 $0x2;
	v20 =	vld.idx.msk [tilespmem:v21+s30+$0x0], $0xffff;
	v21 =	vor.u32 v3, v32;
	v19 =	vadd.s32 s24, v0  }
0x30a: {  	s16 =	sand.u32 $0x70, s18;
	v23 =	vor.u32 v4, v29;
	v18 =	vadd.s32 s18, v0;
	v19 =	vand.u32 $0xF, v19  }
0x30b: {  	v18 =	vand.u32 $0xF, v18;
	v19 =	vor.u32 s16, v19  }
0x30c: {  	v18 =	vor.u32 s16, v18;
	v26 =	vor.u32 v1, v19;
	[tilespmem:v22+s23+$0x0] =	vst.idx.msk $0xffff, v17  }
0x30d: {  	v27 =	vor.u32 v5, v30;
	v24 =	vor.u32 v1, v18;
	v22 =	vld.idx.msk [tilespmem:v16+s30+$0x0], $0xffff  }
0x30e: {  	v28 =	vor.u32 v6, v25;
	[tilespmem:v21+s23+$0x0] =	vst.idx.msk $0xffff, v20  }
0x30f: {  	v20 =	vor.u32 v5, v32;
	v21 =	vld.idx.msk [tilespmem:v23+s30+$0x0], $0xffff  }
0x310: {  	v60 =	vor.u32 v10, v25;
	v45 =	vor.u32 v12, v25;
	v17 =	vshll.u32 v19, $0x7  }
0x311: {  	v16 =	vshll.u32 v18, $0x7;
	v23 =	vor.u32 v6, v29;
	v53 =	vor.u32 v0, v17;
	v26 =	vld.idx.msk [tilespmem:v26+s30+$0x0], $0xffff  }
0x312: {  	v24 =	vld.idx.msk [tilespmem:v24+s30+$0x0], $0xffff;
	v31 =	vor.u32 v0, v16;
	[tilespmem:v27+s23+$0x0] =	vst.idx.msk $0xffff, v22;
	v22 =	vor.u32 v2, v19  }
0x313: {  	v50 =	vor.u32 v10, v29;
	v54 =	vor.u32 v2, v18;
	v27 =	vld.idx.msk [tilespmem:v28+s30+$0x0], $0xffff;
	v28 =	vor.u32 v7, v30  }
0x314: {  	v48 =	vor.u32 v9, v32;
	[tilespmem:v20+s23+$0x0] =	vst.idx.msk $0xffff, v21;
	v20 =	vor.u32 v8, v25  }
0x315: {  	v59 =	vor.u32 v4, v18;
	v57 =	vor.u32 v3, v17;
	v52 =	vor.u32 v5, v17  }
0x316: {  	v55 =	vor.u32 v3, v16;
	v21 =	vld.idx.msk [tilespmem:v23+s30+$0x0], $0xffff;
	v23 =	vor.u32 v7, v32;
	[tilespmem:v53+s23+$0x0] =	vst.idx.msk $0xffff, v26  }
0x317: {  	s18 =	simm.s32 $0x4;
	v61 =	vor.u32 v5, v16;
	[tilespmem:v31+s23+$0x0] =	vst.idx.msk $0xffff, v24;
	v26 =	vor.u32 v8, v29;
	v56 =	vld.idx.msk [tilespmem:v22+s30+$0x0], $0xffff  }
0x318: {  	s24 =	simm.s32 $0x5;
	v24 =	vld.idx.msk [tilespmem:v54+s30+$0x0], $0xffff;
	v22 =	vadd.s32 s18, v0;
	[tilespmem:v28+s23+$0x0] =	vst.idx.msk $0xffff, v27;
	v27 =	vor.u32 v4, v19  }
0x319: {  	s16 =	sand.u32 $0x70, s18;
	v28 =	vor.u32 v9, v30;
	v22 =	vand.u32 $0xF, v22;
	v58 =	vld.idx.msk [tilespmem:v20+s30+$0x0], $0xffff;
	v20 =	vadd.s32 s24, v0  }
0x31a: {  	v35 =	vor.u32 v9, v16;
	v22 =	vor.u32 s16, v22;
	v20 =	vand.u32 $0xF, v20  }
0x31b: {  	v31 =	vor.u32 v6, v19;
	[tilespmem:v23+s23+$0x0] =	vst.idx.msk $0xffff, v21;
	v62 =	vor.u32 v1, v22;
	v23 =	vor.u32 s16, v20  }
0x31c: {  	v53 =	vor.u32 v6, v18;
	v63 =	vld.idx.msk [tilespmem:v26+s30+$0x0], $0xffff;
	v49 =	vor.u32 v1, v23;
	[tilespmem:v57+s23+$0x0] =	vst.idx.msk $0xffff, v56  }
0x31d: {  	v54 =	vor.u32 v11, v30;
	[tilespmem:v55+s23+$0x0] =	vst.idx.msk $0xffff, v24;
	v24 =	vor.u32 v15, v32;
	v51 =	vld.idx.msk [tilespmem:v27+s30+$0x0], $0xffff  }
0x31e: {  	v37 =	vld.idx.msk [tilespmem:v59+s30+$0x0], $0xffff;
	v59 =	vor.u32 v11, v32;
	v20 =	vshll.u32 v22, $0x7;
	[tilespmem:v28+s23+$0x0] =	vst.idx.msk $0xffff, v58  }
0x31f: {  	v21 =	vshll.u32 v23, $0x7;
	v26 =	vor.u32 v6, v23;
	v55 =	vor.u32 v0, v20;
	v38 =	vld.idx.msk [tilespmem:v60+s30+$0x0], $0xffff  }
0x320: {  	v57 =	vor.u32 v2, v22;
	v27 =	vor.u32 v5, v20;
	v56 =	vor.u32 v0, v21;
	v40 =	vld.idx.msk [tilespmem:v62+s30+$0x0], $0xffff  }
0x321: {  	v42 =	vor.u32 v5, v21;
	[tilespmem:v48+s23+$0x0] =	vst.idx.msk $0xffff, v63;
	v28 =	vor.u32 v15, v30;
	v43 =	vld.idx.msk [tilespmem:v49+s30+$0x0], $0xffff  }
0x322: {  	v63 =	vor.u32 v12, v29;
	v58 =	vld.idx.msk [tilespmem:v50+s30+$0x0], $0xffff;
	v60 =	vor.u32 v2, v23;
	[tilespmem:v52+s23+$0x0] =	vst.idx.msk $0xffff, v51  }
0x323: {  	v30 =	vor.u32 v13, v30;
	[tilespmem:v61+s23+$0x0] =	vst.idx.msk $0xffff, v37;
	v61 =	vor.u32 v7, v17;
	v62 =	vld.idx.msk [tilespmem:v31+s30+$0x0], $0xffff  }
0x324: {  	v36 =	vld.idx.msk [tilespmem:v53+s30+$0x0], $0xffff;
	v53 =	vor.u32 v8, v19;
	v52 =	vor.u32 v7, v16;
	[tilespmem:v54+s23+$0x0] =	vst.idx.msk $0xffff, v38  }
0x325: {  	v50 =	vor.u32 v4, v22;
	v49 =	vor.u32 v9, v17;
	[tilespmem:v55+s23+$0x0] =	vst.idx.msk $0xffff, v40;
	v44 =	vld.idx.msk [tilespmem:v45+s30+$0x0], $0xffff  }
0x326: {  	v54 =	vor.u32 v8, v18;
	v41 =	vld.idx.msk [tilespmem:v57+s30+$0x0], $0xffff;
	[tilespmem:v56+s23+$0x0] =	vst.idx.msk $0xffff, v43;
	v56 =	vor.u32 v3, v20  }
0x327: {  	[tilespmem:v59+s23+$0x0] =	vst.idx.msk $0xffff, v58;
	v58 =	vor.u32 v14, v25;
	v59 =	vor.u32 v3, v21;
	v57 =	vld.idx.msk [tilespmem:v60+s30+$0x0], $0xffff  }
0x328: {  	s18 =	simm.s32 $0x6;
	v31 =	vor.u32 v14, v29;
	v55 =	vor.u32 v13, v32;
	v60 =	vld.idx.msk [tilespmem:v63+s30+$0x0], $0xffff;
	[tilespmem:v61+s23+$0x0] =	vst.idx.msk $0xffff, v62  }
0x329: {  	s24 =	simm.s32 $0x7;
	v25 =	vadd.s32 s18, v0;
	[tilespmem:v52+s23+$0x0] =	vst.idx.msk $0xffff, v36;
	v61 =	vor.u32 v4, v23;
	v62 =	vld.idx.msk [tilespmem:v53+s30+$0x0], $0xffff  }
0x32a: {  	s16 =	sand.u32 $0x70, s18;
	v29 =	vor.u32 v10, v18;
	v25 =	vand.u32 $0xF, v25;
	v63 =	vadd.s32 s24, v0;
	[tilespmem:v30+s23+$0x0] =	vst.idx.msk $0xffff, v44  }
0x32b: {  	v25 =	vor.u32 s16, v25;
	v36 =	vor.u32 v10, v19;
	v33 =	vand.u32 $0xF, v63;
	v34 =	vld.idx.msk [tilespmem:v54+s30+$0x0], $0xffff;
	[tilespmem:v56+s23+$0x0] =	vst.idx.msk $0xffff, v41  }
0x32c: {  	v33 =	vor.u32 s16, v33;
	v44 =	vor.u32 v1, v25;
	v37 =	vld.idx.msk [tilespmem:v58+s30+$0x0], $0xffff;
	[tilespmem:v59+s23+$0x0] =	vst.idx.msk $0xffff, v57  }
0x32d: {  	v43 =	vor.u32 v1, v33;
	v32 =	vshll.u32 v33, $0x7;
	v30 =	vshll.u32 v25, $0x7;
	[tilespmem:v55+s23+$0x0] =	vst.idx.msk $0xffff, v60;
	v39 =	vld.idx.msk [tilespmem:v50+s30+$0x0], $0xffff  }
0x32e: {  	s16 =	simm.s32 $0x8;
	v40 =	vor.u32 v6, v33;
	v41 =	vor.u32 v5, v30;
	v38 =	vld.idx.msk [tilespmem:v61+s30+$0x0], $0xffff;
	[tilespmem:v49+s23+$0x0] =	vst.idx.msk $0xffff, v62  }
.LBB2_15:
0x32f: {  	v45 =	vmovc v33;
	v33 =	vmovc v17;
	v17 =	vmov v21;
	v21 =	vmov v32;
	v32 =	vmov v16  }
0x330: {  	p0 =	slt.u32 s16, $0x7E;
	v31 =	vld.idx.msk [tilespmem:v31+s30+$0x0], $0xffff;
	v16 =	vmovc v20;
	v20 =	vmovc v30;
	v30 =	vmov v26;
	v26 =	vmov v40;
	v40 =	vmov v27;
	s17 =	smov.u32 s16;
	s16 =	sadd.s32 $0x2, s16  }
0x331: {  	v46 =	vor.u32 v6, v22;
	v27 =	vmov v41;
	v47 =	vor.u32 v15, v32;
	v36 =	vld.idx.msk [tilespmem:v36+s30+$0x0], $0xffff  }
0x332: {  	v48 =	vor.u32 v12, v19;
	v41 =	vld.idx.msk [tilespmem:v44+s30+$0x0], $0xffff;
	v44 =	vor.u32 v11, v33;
	[tilespmem:v28+s23+$0x0] =	vst.idx.msk $0xffff, v37  }
0x333: {  	v49 =	vor.u32 v0, v21;
	v37 =	vor.u32 v0, v20;
	v43 =	vld.idx.msk [tilespmem:v43+s30+$0x0], $0xffff;
	[tilespmem:v35+s23+$0x0] =	vst.idx.msk $0xffff, v34  }
0x334: {  	v28 =	vor.u32 v15, v33;
	v34 =	vor.u32 v2, v25;
	[tilespmem:v42+s23+$0x0] =	vst.idx.msk $0xffff, v38;
	v29 =	vld.idx.msk [tilespmem:v29+s30+$0x0], $0xffff  }
0x335: {  	v35 =	vor.u32 v2, v45;
	v38 =	vor.u32 v11, v32;
	[tilespmem:v40+s23+$0x0] =	vst.idx.msk $0xffff, v39;
	v30 =	vld.idx.msk [tilespmem:v30+s30+$0x0], $0xffff  }
0x336: {  	v42 =	vor.u32 v12, v18;
	v40 =	vor.u32 v7, v17;
	v39 =	vld.idx.msk [tilespmem:v46+s30+$0x0], $0xffff;
	[tilespmem:v24+s23+$0x0] =	vst.idx.msk $0xffff, v31  }
0x337: {  	v50 =	vor.u32 v8, v23;
	v46 =	vor.u32 v7, v16;
	v24 =	vmov v47;
	[tilespmem:v44+s23+$0x0] =	vst.idx.msk $0xffff, v36  }
0x338: {  	v31 =	vor.u32 v14, v18;
	v36 =	vor.u32 v8, v22;
	[tilespmem:v37+s23+$0x0] =	vst.idx.msk $0xffff, v41;
	v37 =	vld.idx.msk [tilespmem:v48+s30+$0x0], $0xffff  }
0x339: {  	v47 =	vor.u32 v13, v32;
	v32 =	vor.u32 v13, v33;
	v41 =	vld.idx.msk [tilespmem:v34+s30+$0x0], $0xffff;
	[tilespmem:v49+s23+$0x0] =	vst.idx.msk $0xffff, v43  }
0x33a: {  	v43 =	vor.u32 v3, v20;
	v48 =	vld.idx.msk [tilespmem:v35+s30+$0x0], $0xffff;
	[tilespmem:v38+s23+$0x0] =	vst.idx.msk $0xffff, v29;
	v38 =	vor.u32 v14, v19  }
0x33b: {  	v49 =	vor.u32 v3, v21;
	v29 =	vor.u32 v10, v22;
	[tilespmem:v40+s23+$0x0] =	vst.idx.msk $0xffff, v30;
	v42 =	vld.idx.msk [tilespmem:v42+s30+$0x0], $0xffff  }
0x33c: {  	s18 =	sadd.s32 $0x1, s17;
	v51 =	vor.u32 v4, v45;
	[tilespmem:v46+s23+$0x0] =	vst.idx.msk $0xffff, v39;
	v46 =	vld.idx.msk [tilespmem:v50+s30+$0x0], $0xffff;
	v50 =	vor.u32 v9, v17  }
0x33d: {  	v33 =	vadd.s32 s17, v0;
	v18 =	vmovc v22;
	v22 =	vmovc v25;
	v30 =	vadd.s32 s18, v0;
	v39 =	vor.u32 v4, v25;
	v34 =	vld.idx.msk [tilespmem:v36+s30+$0x0], $0xffff  }
.Ltmp6:
0x33e: {  	s17 =	sand.u32 $0x70, s17;
	v35 =	vor.u32 v9, v16;
	v19 =	vmovc v23;
	v25 =	vand.u32 $0xF, v33;
	v30 =	vand.u32 $0xF, v30;
	[tilespmem:v32+s23+$0x0] =	vst.idx.msk $0xffff, v37;
	(pc) =	sbr.rel @p0 .LBB2_15-.Ltmp6, $4  }
0x33f: {  	v25 =	vor.u32 s17, v25;
	v33 =	vor.u32 s17, v30;
	v36 =	vor.u32 v10, v19;
	[tilespmem:v43+s23+$0x0] =	vst.idx.msk $0xffff, v41;
	v37 =	vld.idx.msk [tilespmem:v38+s30+$0x0], $0xffff  }
0x340: {  	v44 =	vor.u32 v1, v25;
	v32 =	vshll.u32 v33, $0x7;
	v43 =	vor.u32 v1, v33;
	[tilespmem:v49+s23+$0x0] =	vst.idx.msk $0xffff, v48  }
0x341: {  	v23 =	vmov v45;
	v30 =	vshll.u32 v25, $0x7;
	v40 =	vor.u32 v6, v33;
	v38 =	vld.idx.msk [tilespmem:v51+s30+$0x0], $0xffff;
	[tilespmem:v47+s23+$0x0] =	vst.idx.msk $0xffff, v42  }
0x342: {  	v41 =	vor.u32 v5, v30;
	v42 =	vor.u32 v5, v21;
	v39 =	vld.idx.msk [tilespmem:v39+s30+$0x0], $0xffff;
	[tilespmem:v50+s23+$0x0] =	vst.idx.msk $0xffff, v46  }
0x343: {  	_ =	sdelay $0x3  }
0x344: {  	v43 =	vld.idx.msk [tilespmem:v43+s30+$0x0], $0xffff;
	v45 =	vor.u32 v0, v32  }
0x345: {  	v44 =	vld.idx.msk [tilespmem:v44+s30+$0x0], $0xffff;
	v46 =	vor.u32 v0, v30;
	v47 =	vor.u32 v2, v33  }
0x346: {  	v48 =	vor.u32 v2, v25;
	_ =	sdelay $0x2  }
0x347: {  	[tilespmem:v45+s23+$0x0] =	vst.idx.msk $0xffff, v43  }
0x348: {  	v52 =	vor.u32 v3, v32;
	[tilespmem:v46+s23+$0x0] =	vst.idx.msk $0xffff, v44;
	v43 =	vld.idx.msk [tilespmem:v47+s30+$0x0], $0xffff  }
0x349: {  	v54 =	vor.u32 v3, v30;
	v55 =	vor.u32 v4, v33;
	v53 =	vld.idx.msk [tilespmem:v48+s30+$0x0], $0xffff  }
0x34a: {  	v56 =	vor.u32 v4, v25;
	_ =	sdelay $0x2  }
0x34b: {  	[tilespmem:v52+s23+$0x0] =	vst.idx.msk $0xffff, v43  }
0x34c: {  	v57 =	vor.u32 v6, v22;
	v58 =	vor.u32 v5, v32;
	[tilespmem:v54+s23+$0x0] =	vst.idx.msk $0xffff, v53;
	v44 =	vld.idx.msk [tilespmem:v55+s30+$0x0], $0xffff  }
0x34d: {  	v46 =	vld.idx.msk [tilespmem:v56+s30+$0x0], $0xffff  }
0x34e: {  	v59 =	vor.u32 v6, v25  }
0x34f: {  	[tilespmem:v42+s23+$0x0] =	vst.idx.msk $0xffff, v38  }
0x350: {  	[tilespmem:v27+s23+$0x0] =	vst.idx.msk $0xffff, v39;
	v26 =	vld.idx.msk [tilespmem:v26+s30+$0x0], $0xffff;
	v27 =	vor.u32 v7, v21  }
0x351: {  	v61 =	vor.u32 v7, v20;
	v62 =	vor.u32 v8, v23;
	v60 =	vld.idx.msk [tilespmem:v57+s30+$0x0], $0xffff;
	[tilespmem:v58+s23+$0x0] =	vst.idx.msk $0xffff, v44  }
0x352: {  	v63 =	vor.u32 v8, v22;
	v48 =	vor.u32 v7, v32;
	[tilespmem:v41+s23+$0x0] =	vst.idx.msk $0xffff, v46;
	v40 =	vld.idx.msk [tilespmem:v40+s30+$0x0], $0xffff  }
0x353: {  	v50 =	vor.u32 v7, v30;
	v51 =	vor.u32 v8, v33;
	v49 =	vld.idx.msk [tilespmem:v59+s30+$0x0], $0xffff  }
0x354: {  	[tilespmem:v28+s23+$0x0] =	vst.idx.msk $0xffff, v37;
	v28 =	vor.u32 v8, v25  }
0x355: {  	v31 =	vld.idx.msk [tilespmem:v31+s30+$0x0], $0xffff;
	[tilespmem:v27+s23+$0x0] =	vst.idx.msk $0xffff, v26  }
0x356: {  	v27 =	vor.u32 v9, v21;
	[tilespmem:v61+s23+$0x0] =	vst.idx.msk $0xffff, v60;
	v26 =	vld.idx.msk [tilespmem:v62+s30+$0x0], $0xffff  }
0x357: {  	v52 =	vld.idx.msk [tilespmem:v63+s30+$0x0], $0xffff;
	v53 =	vor.u32 v9, v20;
	v54 =	vor.u32 v10, v23;
	[tilespmem:v48+s23+$0x0] =	vst.idx.msk $0xffff, v40  }
0x358: {  	v55 =	vor.u32 v10, v22;
	v56 =	vor.u32 v9, v32;
	[tilespmem:v50+s23+$0x0] =	vst.idx.msk $0xffff, v49;
	v41 =	vld.idx.msk [tilespmem:v51+s30+$0x0], $0xffff  }
0x359: {  	[tilespmem:v35+s23+$0x0] =	vst.idx.msk $0xffff, v34;
	v57 =	vor.u32 v9, v30;
	v58 =	vor.u32 v10, v33;
	v28 =	vld.idx.msk [tilespmem:v28+s30+$0x0], $0xffff  }
0x35a: {  	v36 =	vld.idx.msk [tilespmem:v36+s30+$0x0], $0xffff;
	[tilespmem:v24+s23+$0x0] =	vst.idx.msk $0xffff, v31;
	v24 =	vor.u32 v10, v25;
	v59 =	vor.u32 v11, v17  }
0x35b: {  	v29 =	vld.idx.msk [tilespmem:v29+s30+$0x0], $0xffff;
	v31 =	vor.u32 v12, v19;
	v60 =	vor.u32 v11, v16;
	[tilespmem:v27+s23+$0x0] =	vst.idx.msk $0xffff, v26  }
0x35c: {  	v61 =	vor.u32 v11, v21;
	v26 =	vor.u32 v12, v18;
	v27 =	vld.idx.msk [tilespmem:v54+s30+$0x0], $0xffff;
	[tilespmem:v53+s23+$0x0] =	vst.idx.msk $0xffff, v52  }
0x35d: {  	v62 =	vor.u32 v12, v23;
	v63 =	vor.u32 v11, v20;
	v38 =	vld.idx.msk [tilespmem:v55+s30+$0x0], $0xffff;
	[tilespmem:v56+s23+$0x0] =	vst.idx.msk $0xffff, v41  }
0x35e: {  	v45 =	vor.u32 v12, v22;
	v46 =	vor.u32 v11, v32;
	[tilespmem:v57+s23+$0x0] =	vst.idx.msk $0xffff, v28;
	v35 =	vld.idx.msk [tilespmem:v58+s30+$0x0], $0xffff  }
0x35f: {  	v47 =	vor.u32 v11, v30;
	[tilespmem:v59+s23+$0x0] =	vst.idx.msk $0xffff, v36;
	v28 =	vor.u32 v12, v33;
	v24 =	vld.idx.msk [tilespmem:v24+s30+$0x0], $0xffff  }
0x360: {  	[tilespmem:v60+s23+$0x0] =	vst.idx.msk $0xffff, v29;
	v29 =	vor.u32 v12, v25;
	v48 =	vor.u32 v13, v17;
	v31 =	vld.idx.msk [tilespmem:v31+s30+$0x0], $0xffff  }
0x361: {  	v19 =	vor.u32 v14, v19;
	v26 =	vld.idx.msk [tilespmem:v26+s30+$0x0], $0xffff;
	[tilespmem:v61+s23+$0x0] =	vst.idx.msk $0xffff, v27;
	v49 =	vor.u32 v13, v16  }
0x362: {  	v18 =	vor.u32 v14, v18;
	v27 =	vld.idx.msk [tilespmem:v62+s30+$0x0], $0xffff;
	[tilespmem:v63+s23+$0x0] =	vst.idx.msk $0xffff, v38;
	v50 =	vor.u32 v13, v21  }
0x363: {  	v23 =	vor.u32 v14, v23;
	v52 =	vld.idx.msk [tilespmem:v45+s30+$0x0], $0xffff;
	v51 =	vor.u32 v13, v20;
	[tilespmem:v46+s23+$0x0] =	vst.idx.msk $0xffff, v35  }
0x364: {  	v22 =	vor.u32 v14, v22;
	v53 =	vor.u32 v13, v32;
	[tilespmem:v47+s23+$0x0] =	vst.idx.msk $0xffff, v24;
	v28 =	vld.idx.msk [tilespmem:v28+s30+$0x0], $0xffff  }
0x365: {  	[tilespmem:v48+s23+$0x0] =	vst.idx.msk $0xffff, v31;
	v31 =	vor.u32 v14, v33;
	v24 =	vor.u32 v13, v30;
	v29 =	vld.idx.msk [tilespmem:v29+s30+$0x0], $0xffff  }
0x366: {  	v25 =	vor.u32 v14, v25;
	v17 =	vor.u32 v15, v17;
	[tilespmem:v49+s23+$0x0] =	vst.idx.msk $0xffff, v26;
	v19 =	vld.idx.msk [tilespmem:v19+s30+$0x0], $0xffff  }
0x367: {  	v16 =	vor.u32 v15, v16;
	[tilespmem:v50+s23+$0x0] =	vst.idx.msk $0xffff, v27;
	v18 =	vld.idx.msk [tilespmem:v18+s30+$0x0], $0xffff  }
0x368: {  	v21 =	vor.u32 v15, v21;
	v23 =	vld.idx.msk [tilespmem:v23+s30+$0x0], $0xffff;
	[tilespmem:v51+s23+$0x0] =	vst.idx.msk $0xffff, v52  }
0x369: {  	s16 =	simm.s32 $0x1;
	v20 =	vor.u32 v15, v20;
	v22 =	vld.idx.msk [tilespmem:v22+s30+$0x0], $0xffff;
	[tilespmem:v53+s23+$0x0] =	vst.idx.msk $0xffff, v28  }
0x36a: {  	s17 =	simm.s32 $0x0;
	v26 =	vor.u32 v15, v32;
	[tilespmem:v24+s23+$0x0] =	vst.idx.msk $0xffff, v29;
	v24 =	vadd.s32 s16, v0;
	v27 =	vld.idx.msk [tilespmem:v31+s30+$0x0], $0xffff  }
0x36b: {  	s24 =	sand.u32 $0x30, s17;
	[tilespmem:v17+s23+$0x0] =	vst.idx.msk $0xffff, v19;
	v17 =	vor.u32 v15, v30;
	v19 =	vld.idx.msk [tilespmem:v25+s30+$0x0], $0xffff;
	v24 =	vand.u32 $0xF, v24  }
0x36c: {  	s15 =	smul.u32 $0xC0000, s15;
	[tilespmem:v16+s23+$0x0] =	vst.idx.msk $0xffff, v18;
	v16 =	vadd.s32 s17, v0;
	v25 =	vor.u32 s24, v24  }
0x36d: {  	[tilespmem:v21+s23+$0x0] =	vst.idx.msk $0xffff, v23;
	v16 =	vand.u32 $0xF, v16;
	v18 =	vor.u32 v1, v25  }
0x36e: {  	s15 =	sor.u32 s5, s15;
	[tilespmem:v20+s23+$0x0] =	vst.idx.msk $0xffff, v22;
	v29 =	vor.u32 s24, v16  }
0x36f: {  	s15 =	sshrl.u32 s15, $0x3;
	v16 =	vor.u32 v1, v29;
	[tilespmem:v26+s23+$0x0] =	vst.idx.msk $0xffff, v27  }
0x370: {  	s15 =	sadd.s32 s3, s15;
	[tilespmem:v17+s23+$0x0] =	vst.idx.msk $0xffff, v19  }
0x371: {  	v30 =	vshll.u32 v25, $0x7;
	[hbm4b:s15+s19] =	stream.strided.scatter [tilespmem:s23], [sflag:$0x4], $0x4000, s20, s19, $0x38;
	[tilespmem:$0x1F800] =	vst v63  }
0x372: {  	v17 =	vld.idx.msk [tilespmem:v18+s0+$0x0], $0xffff;
	v18 =	vor.u32 v0, v30  }
0x373: {  	v32 =	vshll.u32 v29, $0x7;
	v19 =	vor.u32 v2, v25  }
0x374: {  	v20 =	vor.u32 v0, v32;
	v16 =	vld.idx.msk [tilespmem:v16+s0+$0x0], $0xffff  }
0x375: {  	v21 =	vor.u32 v2, v29;
	_ =	sdelay $0x1  }
0x376: {  	[tilespmem:v18+s9+$0x0] =	vst.idx.msk $0xffff, v17  }
0x377: {  	v22 =	vor.u32 v3, v30;
	v17 =	vld.idx.msk [tilespmem:v19+s0+$0x0], $0xffff  }
0x378: {  	s24 =	simm.s32 $0x3;
	[tilespmem:v20+s9+$0x0] =	vst.idx.msk $0xffff, v16;
	v16 =	vor.u32 v4, v25  }
0x379: {  	s18 =	simm.s32 $0x2;
	v20 =	vld.idx.msk [tilespmem:v21+s0+$0x0], $0xffff;
	v21 =	vor.u32 v3, v32;
	v19 =	vadd.s32 s24, v0  }
0x37a: {  	s16 =	sand.u32 $0x30, s18;
	v23 =	vor.u32 v4, v29;
	v18 =	vadd.s32 s18, v0;
	v19 =	vand.u32 $0xF, v19  }
0x37b: {  	v18 =	vand.u32 $0xF, v18;
	v19 =	vor.u32 s16, v19  }
0x37c: {  	v18 =	vor.u32 s16, v18;
	v26 =	vor.u32 v1, v19;
	[tilespmem:v22+s9+$0x0] =	vst.idx.msk $0xffff, v17  }
0x37d: {  	v27 =	vor.u32 v5, v30;
	v24 =	vor.u32 v1, v18;
	v22 =	vld.idx.msk [tilespmem:v16+s0+$0x0], $0xffff  }
0x37e: {  	v28 =	vor.u32 v6, v25;
	[tilespmem:v21+s9+$0x0] =	vst.idx.msk $0xffff, v20  }
0x37f: {  	v20 =	vor.u32 v5, v32;
	v21 =	vld.idx.msk [tilespmem:v23+s0+$0x0], $0xffff  }
0x380: {  	v50 =	vor.u32 v10, v29;
	v48 =	vor.u32 v9, v32;
	v17 =	vshll.u32 v19, $0x7  }
0x381: {  	v16 =	vshll.u32 v18, $0x7;
	v23 =	vor.u32 v6, v29;
	v54 =	vor.u32 v0, v17;
	v26 =	vld.idx.msk [tilespmem:v26+s0+$0x0], $0xffff  }
0x382: {  	v24 =	vld.idx.msk [tilespmem:v24+s0+$0x0], $0xffff;
	v31 =	vor.u32 v0, v16;
	[tilespmem:v27+s9+$0x0] =	vst.idx.msk $0xffff, v22;
	v22 =	vor.u32 v2, v19  }
0x383: {  	v60 =	vor.u32 v10, v25;
	v55 =	vor.u32 v2, v18;
	v27 =	vld.idx.msk [tilespmem:v28+s0+$0x0], $0xffff;
	v28 =	vor.u32 v7, v30  }
0x384: {  	v45 =	vor.u32 v12, v25;
	[tilespmem:v20+s9+$0x0] =	vst.idx.msk $0xffff, v21;
	v20 =	vor.u32 v8, v25  }
0x385: {  	v59 =	vor.u32 v4, v18;
	v53 =	vor.u32 v6, v18;
	v58 =	vor.u32 v3, v17  }
0x386: {  	v52 =	vor.u32 v5, v17;
	v21 =	vld.idx.msk [tilespmem:v23+s0+$0x0], $0xffff;
	v23 =	vor.u32 v7, v32;
	[tilespmem:v54+s9+$0x0] =	vst.idx.msk $0xffff, v26  }
0x387: {  	s18 =	simm.s32 $0x4;
	v56 =	vor.u32 v3, v16;
	[tilespmem:v31+s9+$0x0] =	vst.idx.msk $0xffff, v24;
	v26 =	vor.u32 v8, v29;
	v57 =	vld.idx.msk [tilespmem:v22+s0+$0x0], $0xffff  }
0x388: {  	s24 =	simm.s32 $0x5;
	v24 =	vld.idx.msk [tilespmem:v55+s0+$0x0], $0xffff;
	v22 =	vadd.s32 s18, v0;
	[tilespmem:v28+s9+$0x0] =	vst.idx.msk $0xffff, v27;
	v27 =	vor.u32 v4, v19  }
0x389: {  	s16 =	sand.u32 $0x30, s18;
	v28 =	vor.u32 v9, v30;
	v22 =	vand.u32 $0xF, v22;
	v36 =	vld.idx.msk [tilespmem:v20+s0+$0x0], $0xffff;
	v20 =	vadd.s32 s24, v0  }
0x38a: {  	v61 =	vor.u32 v5, v16;
	v22 =	vor.u32 s16, v22;
	v20 =	vand.u32 $0xF, v20  }
0x38b: {  	v35 =	vor.u32 v9, v16;
	[tilespmem:v23+s9+$0x0] =	vst.idx.msk $0xffff, v21;
	v62 =	vor.u32 v1, v22;
	v23 =	vor.u32 s16, v20  }
0x38c: {  	v31 =	vor.u32 v6, v19;
	v63 =	vld.idx.msk [tilespmem:v26+s0+$0x0], $0xffff;
	v49 =	vor.u32 v1, v23;
	[tilespmem:v58+s9+$0x0] =	vst.idx.msk $0xffff, v57  }
0x38d: {  	v54 =	vor.u32 v11, v30;
	[tilespmem:v56+s9+$0x0] =	vst.idx.msk $0xffff, v24;
	v24 =	vor.u32 v15, v32;
	v51 =	vld.idx.msk [tilespmem:v27+s0+$0x0], $0xffff  }
0x38e: {  	v37 =	vld.idx.msk [tilespmem:v59+s0+$0x0], $0xffff;
	v59 =	vor.u32 v11, v32;
	v20 =	vshll.u32 v22, $0x7;
	[tilespmem:v28+s9+$0x0] =	vst.idx.msk $0xffff, v36  }
0x38f: {  	v21 =	vshll.u32 v23, $0x7;
	v26 =	vor.u32 v6, v23;
	v55 =	vor.u32 v0, v20;
	v38 =	vld.idx.msk [tilespmem:v60+s0+$0x0], $0xffff  }
0x390: {  	v57 =	vor.u32 v2, v22;
	v27 =	vor.u32 v5, v20;
	v56 =	vor.u32 v0, v21;
	v40 =	vld.idx.msk [tilespmem:v62+s0+$0x0], $0xffff  }
0x391: {  	v42 =	vor.u32 v5, v21;
	[tilespmem:v48+s9+$0x0] =	vst.idx.msk $0xffff, v63;
	v28 =	vor.u32 v15, v30;
	v43 =	vld.idx.msk [tilespmem:v49+s0+$0x0], $0xffff  }
0x392: {  	v63 =	vor.u32 v12, v29;
	v58 =	vld.idx.msk [tilespmem:v50+s0+$0x0], $0xffff;
	v60 =	vor.u32 v2, v23;
	[tilespmem:v52+s9+$0x0] =	vst.idx.msk $0xffff, v51  }
0x393: {  	v30 =	vor.u32 v13, v30;
	[tilespmem:v61+s9+$0x0] =	vst.idx.msk $0xffff, v37;
	v61 =	vor.u32 v7, v17;
	v62 =	vld.idx.msk [tilespmem:v31+s0+$0x0], $0xffff  }
0x394: {  	v36 =	vld.idx.msk [tilespmem:v53+s0+$0x0], $0xffff;
	v53 =	vor.u32 v8, v19;
	v52 =	vor.u32 v7, v16;
	[tilespmem:v54+s9+$0x0] =	vst.idx.msk $0xffff, v38  }
0x395: {  	v50 =	vor.u32 v4, v22;
	v49 =	vor.u32 v9, v17;
	[tilespmem:v55+s9+$0x0] =	vst.idx.msk $0xffff, v40;
	v44 =	vld.idx.msk [tilespmem:v45+s0+$0x0], $0xffff  }
0x396: {  	v54 =	vor.u32 v8, v18;
	v41 =	vld.idx.msk [tilespmem:v57+s0+$0x0], $0xffff;
	[tilespmem:v56+s9+$0x0] =	vst.idx.msk $0xffff, v43;
	v56 =	vor.u32 v3, v20  }
0x397: {  	[tilespmem:v59+s9+$0x0] =	vst.idx.msk $0xffff, v58;
	v58 =	vor.u32 v14, v25;
	v59 =	vor.u32 v3, v21;
	v57 =	vld.idx.msk [tilespmem:v60+s0+$0x0], $0xffff  }
0x398: {  	s18 =	simm.s32 $0x6;
	v31 =	vor.u32 v14, v29;
	v55 =	vor.u32 v13, v32;
	v60 =	vld.idx.msk [tilespmem:v63+s0+$0x0], $0xffff;
	[tilespmem:v61+s9+$0x0] =	vst.idx.msk $0xffff, v62  }
0x399: {  	s24 =	simm.s32 $0x7;
	v25 =	vadd.s32 s18, v0;
	[tilespmem:v52+s9+$0x0] =	vst.idx.msk $0xffff, v36;
	v61 =	vor.u32 v4, v23;
	v62 =	vld.idx.msk [tilespmem:v53+s0+$0x0], $0xffff  }
0x39a: {  	s16 =	sand.u32 $0x30, s18;
	v29 =	vor.u32 v10, v18;
	v25 =	vand.u32 $0xF, v25;
	v63 =	vadd.s32 s24, v0;
	[tilespmem:v30+s9+$0x0] =	vst.idx.msk $0xffff, v44  }
0x39b: {  	v25 =	vor.u32 s16, v25;
	v36 =	vor.u32 v10, v19;
	v33 =	vand.u32 $0xF, v63;
	v34 =	vld.idx.msk [tilespmem:v54+s0+$0x0], $0xffff;
	[tilespmem:v56+s9+$0x0] =	vst.idx.msk $0xffff, v41  }
0x39c: {  	v33 =	vor.u32 s16, v33;
	v44 =	vor.u32 v1, v25;
	v37 =	vld.idx.msk [tilespmem:v58+s0+$0x0], $0xffff;
	[tilespmem:v59+s9+$0x0] =	vst.idx.msk $0xffff, v57  }
0x39d: {  	v43 =	vor.u32 v1, v33;
	v32 =	vshll.u32 v33, $0x7;
	v30 =	vshll.u32 v25, $0x7;
	[tilespmem:v55+s9+$0x0] =	vst.idx.msk $0xffff, v60;
	v39 =	vld.idx.msk [tilespmem:v50+s0+$0x0], $0xffff  }
0x39e: {  	s16 =	simm.s32 $0x8;
	v40 =	vor.u32 v6, v33;
	v41 =	vor.u32 v5, v30;
	v38 =	vld.idx.msk [tilespmem:v61+s0+$0x0], $0xffff;
	[tilespmem:v49+s9+$0x0] =	vst.idx.msk $0xffff, v62  }
.LBB2_17:
0x39f: {  	v45 =	vmovc v33;
	v33 =	vmovc v17;
	v17 =	vmov v21;
	v21 =	vmov v32;
	v32 =	vmov v16  }
0x3a0: {  	p0 =	slt.u32 s16, $0x3E;
	v31 =	vld.idx.msk [tilespmem:v31+s0+$0x0], $0xffff;
	v16 =	vmovc v20;
	v20 =	vmovc v30;
	v30 =	vmov v26;
	v26 =	vmov v40;
	v40 =	vmov v27;
	s17 =	smov.u32 s16;
	s16 =	sadd.s32 $0x2, s16  }
0x3a1: {  	v46 =	vor.u32 v6, v22;
	v27 =	vmov v41;
	v47 =	vor.u32 v15, v32;
	v36 =	vld.idx.msk [tilespmem:v36+s0+$0x0], $0xffff  }
0x3a2: {  	v48 =	vor.u32 v12, v19;
	v41 =	vld.idx.msk [tilespmem:v44+s0+$0x0], $0xffff;
	v44 =	vor.u32 v11, v33;
	[tilespmem:v28+s9+$0x0] =	vst.idx.msk $0xffff, v37  }
0x3a3: {  	v49 =	vor.u32 v0, v21;
	v37 =	vor.u32 v0, v20;
	v43 =	vld.idx.msk [tilespmem:v43+s0+$0x0], $0xffff;
	[tilespmem:v35+s9+$0x0] =	vst.idx.msk $0xffff, v34  }
0x3a4: {  	v28 =	vor.u32 v15, v33;
	v34 =	vor.u32 v2, v25;
	[tilespmem:v42+s9+$0x0] =	vst.idx.msk $0xffff, v38;
	v29 =	vld.idx.msk [tilespmem:v29+s0+$0x0], $0xffff  }
0x3a5: {  	v35 =	vor.u32 v2, v45;
	v38 =	vor.u32 v11, v32;
	[tilespmem:v40+s9+$0x0] =	vst.idx.msk $0xffff, v39;
	v30 =	vld.idx.msk [tilespmem:v30+s0+$0x0], $0xffff  }
0x3a6: {  	v42 =	vor.u32 v12, v18;
	v40 =	vor.u32 v7, v17;
	v39 =	vld.idx.msk [tilespmem:v46+s0+$0x0], $0xffff;
	[tilespmem:v24+s9+$0x0] =	vst.idx.msk $0xffff, v31  }
0x3a7: {  	v50 =	vor.u32 v8, v23;
	v46 =	vor.u32 v7, v16;
	v24 =	vmov v47;
	[tilespmem:v44+s9+$0x0] =	vst.idx.msk $0xffff, v36  }
0x3a8: {  	v31 =	vor.u32 v14, v18;
	v36 =	vor.u32 v8, v22;
	[tilespmem:v37+s9+$0x0] =	vst.idx.msk $0xffff, v41;
	v37 =	vld.idx.msk [tilespmem:v48+s0+$0x0], $0xffff  }
0x3a9: {  	v47 =	vor.u32 v13, v32;
	v32 =	vor.u32 v13, v33;
	v41 =	vld.idx.msk [tilespmem:v34+s0+$0x0], $0xffff;
	[tilespmem:v49+s9+$0x0] =	vst.idx.msk $0xffff, v43  }
0x3aa: {  	v43 =	vor.u32 v3, v20;
	v48 =	vld.idx.msk [tilespmem:v35+s0+$0x0], $0xffff;
	[tilespmem:v38+s9+$0x0] =	vst.idx.msk $0xffff, v29;
	v38 =	vor.u32 v14, v19  }
0x3ab: {  	v49 =	vor.u32 v3, v21;
	v29 =	vor.u32 v10, v22;
	[tilespmem:v40+s9+$0x0] =	vst.idx.msk $0xffff, v30;
	v42 =	vld.idx.msk [tilespmem:v42+s0+$0x0], $0xffff  }
0x3ac: {  	s18 =	sadd.s32 $0x1, s17;
	v51 =	vor.u32 v4, v45;
	[tilespmem:v46+s9+$0x0] =	vst.idx.msk $0xffff, v39;
	v46 =	vld.idx.msk [tilespmem:v50+s0+$0x0], $0xffff;
	v50 =	vor.u32 v9, v17  }
0x3ad: {  	v33 =	vadd.s32 s17, v0;
	v18 =	vmovc v22;
	v22 =	vmovc v25;
	v30 =	vadd.s32 s18, v0;
	v39 =	vor.u32 v4, v25;
	v34 =	vld.idx.msk [tilespmem:v36+s0+$0x0], $0xffff  }
.Ltmp7:
0x3ae: {  	s17 =	sand.u32 $0x30, s17;
	v35 =	vor.u32 v9, v16;
	v19 =	vmovc v23;
	v25 =	vand.u32 $0xF, v33;
	v30 =	vand.u32 $0xF, v30;
	[tilespmem:v32+s9+$0x0] =	vst.idx.msk $0xffff, v37;
	(pc) =	sbr.rel @p0 .LBB2_17-.Ltmp7, $4  }
0x3af: {  	v25 =	vor.u32 s17, v25;
	v33 =	vor.u32 s17, v30;
	v36 =	vor.u32 v10, v19;
	[tilespmem:v43+s9+$0x0] =	vst.idx.msk $0xffff, v41;
	v37 =	vld.idx.msk [tilespmem:v38+s0+$0x0], $0xffff  }
0x3b0: {  	v44 =	vor.u32 v1, v25;
	v32 =	vshll.u32 v33, $0x7;
	v43 =	vor.u32 v1, v33;
	[tilespmem:v49+s9+$0x0] =	vst.idx.msk $0xffff, v48  }
0x3b1: {  	v23 =	vmov v45;
	v30 =	vshll.u32 v25, $0x7;
	v40 =	vor.u32 v6, v33;
	v38 =	vld.idx.msk [tilespmem:v51+s0+$0x0], $0xffff;
	[tilespmem:v47+s9+$0x0] =	vst.idx.msk $0xffff, v42  }
0x3b2: {  	v41 =	vor.u32 v5, v30;
	v42 =	vor.u32 v5, v21;
	v39 =	vld.idx.msk [tilespmem:v39+s0+$0x0], $0xffff;
	[tilespmem:v50+s9+$0x0] =	vst.idx.msk $0xffff, v46  }
0x3b3: {  	_ =	sdelay $0x3  }
0x3b4: {  	v43 =	vld.idx.msk [tilespmem:v43+s0+$0x0], $0xffff;
	v45 =	vor.u32 v0, v32  }
0x3b5: {  	v44 =	vld.idx.msk [tilespmem:v44+s0+$0x0], $0xffff;
	v46 =	vor.u32 v0, v30;
	v47 =	vor.u32 v2, v33  }
0x3b6: {  	v48 =	vor.u32 v2, v25;
	_ =	sdelay $0x2  }
0x3b7: {  	[tilespmem:v45+s9+$0x0] =	vst.idx.msk $0xffff, v43  }
0x3b8: {  	v57 =	vor.u32 v3, v32;
	[tilespmem:v46+s9+$0x0] =	vst.idx.msk $0xffff, v44;
	v43 =	vld.idx.msk [tilespmem:v47+s0+$0x0], $0xffff  }
0x3b9: {  	v59 =	vor.u32 v3, v30;
	v60 =	vor.u32 v4, v33;
	v58 =	vld.idx.msk [tilespmem:v48+s0+$0x0], $0xffff  }
0x3ba: {  	v61 =	vor.u32 v4, v25;
	_ =	sdelay $0x2  }
0x3bb: {  	[tilespmem:v57+s9+$0x0] =	vst.idx.msk $0xffff, v43  }
0x3bc: {  	v62 =	vor.u32 v6, v22;
	v63 =	vor.u32 v5, v32;
	[tilespmem:v59+s9+$0x0] =	vst.idx.msk $0xffff, v58;
	v44 =	vld.idx.msk [tilespmem:v60+s0+$0x0], $0xffff  }
0x3bd: {  	v46 =	vld.idx.msk [tilespmem:v61+s0+$0x0], $0xffff  }
0x3be: {  	v49 =	vor.u32 v6, v25  }
0x3bf: {  	[tilespmem:v42+s9+$0x0] =	vst.idx.msk $0xffff, v38  }
0x3c0: {  	v50 =	vor.u32 v7, v21;
	[tilespmem:v27+s9+$0x0] =	vst.idx.msk $0xffff, v39;
	v26 =	vld.idx.msk [tilespmem:v26+s0+$0x0], $0xffff  }
0x3c1: {  	v52 =	vor.u32 v7, v20;
	v53 =	vor.u32 v8, v23;
	v51 =	vld.idx.msk [tilespmem:v62+s0+$0x0], $0xffff;
	[tilespmem:v63+s9+$0x0] =	vst.idx.msk $0xffff, v44  }
0x3c2: {  	v54 =	vor.u32 v8, v22;
	v55 =	vor.u32 v7, v32;
	[tilespmem:v41+s9+$0x0] =	vst.idx.msk $0xffff, v46;
	v40 =	vld.idx.msk [tilespmem:v40+s0+$0x0], $0xffff  }
0x3c3: {  	v57 =	vor.u32 v7, v30;
	v58 =	vor.u32 v8, v33;
	v56 =	vld.idx.msk [tilespmem:v49+s0+$0x0], $0xffff  }
0x3c4: {  	[tilespmem:v35+s9+$0x0] =	vst.idx.msk $0xffff, v34;
	v59 =	vor.u32 v8, v25  }
0x3c5: {  	v31 =	vld.idx.msk [tilespmem:v31+s0+$0x0], $0xffff;
	[tilespmem:v50+s9+$0x0] =	vst.idx.msk $0xffff, v26  }
0x3c6: {  	[tilespmem:v52+s9+$0x0] =	vst.idx.msk $0xffff, v51;
	v26 =	vld.idx.msk [tilespmem:v53+s0+$0x0], $0xffff;
	v60 =	vor.u32 v9, v21  }
0x3c7: {  	v62 =	vor.u32 v9, v20;
	v61 =	vld.idx.msk [tilespmem:v54+s0+$0x0], $0xffff;
	v63 =	vor.u32 v10, v23;
	[tilespmem:v55+s9+$0x0] =	vst.idx.msk $0xffff, v40  }
0x3c8: {  	v48 =	vor.u32 v10, v22;
	v49 =	vor.u32 v9, v32;
	[tilespmem:v57+s9+$0x0] =	vst.idx.msk $0xffff, v56;
	v41 =	vld.idx.msk [tilespmem:v58+s0+$0x0], $0xffff  }
0x3c9: {  	[tilespmem:v28+s9+$0x0] =	vst.idx.msk $0xffff, v37;
	v50 =	vor.u32 v9, v30;
	v51 =	vor.u32 v10, v33;
	v28 =	vld.idx.msk [tilespmem:v59+s0+$0x0], $0xffff  }
0x3ca: {  	v36 =	vld.idx.msk [tilespmem:v36+s0+$0x0], $0xffff;
	[tilespmem:v24+s9+$0x0] =	vst.idx.msk $0xffff, v31;
	v52 =	vor.u32 v11, v17;
	v53 =	vor.u32 v10, v25  }
0x3cb: {  	v29 =	vld.idx.msk [tilespmem:v29+s0+$0x0], $0xffff;
	v54 =	vor.u32 v12, v19;
	[tilespmem:v60+s9+$0x0] =	vst.idx.msk $0xffff, v26;
	v55 =	vor.u32 v11, v16  }
0x3cc: {  	[tilespmem:v62+s9+$0x0] =	vst.idx.msk $0xffff, v61;
	v27 =	vld.idx.msk [tilespmem:v63+s0+$0x0], $0xffff;
	v56 =	vor.u32 v12, v18;
	v57 =	vor.u32 v11, v21  }
0x3cd: {  	v38 =	vld.idx.msk [tilespmem:v48+s0+$0x0], $0xffff;
	v58 =	vor.u32 v12, v23;
	v59 =	vor.u32 v11, v20;
	[tilespmem:v49+s9+$0x0] =	vst.idx.msk $0xffff, v41  }
0x3ce: {  	v60 =	vor.u32 v12, v22;
	v61 =	vor.u32 v11, v32;
	[tilespmem:v50+s9+$0x0] =	vst.idx.msk $0xffff, v28;
	v35 =	vld.idx.msk [tilespmem:v51+s0+$0x0], $0xffff  }
0x3cf: {  	[tilespmem:v52+s9+$0x0] =	vst.idx.msk $0xffff, v36;
	v62 =	vor.u32 v12, v33;
	v63 =	vor.u32 v11, v30;
	v24 =	vld.idx.msk [tilespmem:v53+s0+$0x0], $0xffff  }
0x3d0: {  	v45 =	vor.u32 v13, v17;
	v31 =	vld.idx.msk [tilespmem:v54+s0+$0x0], $0xffff;
	v46 =	vor.u32 v12, v25;
	[tilespmem:v55+s9+$0x0] =	vst.idx.msk $0xffff, v29  }
0x3d1: {  	v47 =	vor.u32 v13, v16;
	v48 =	vor.u32 v14, v19;
	[tilespmem:v57+s9+$0x0] =	vst.idx.msk $0xffff, v27;
	v26 =	vld.idx.msk [tilespmem:v56+s0+$0x0], $0xffff  }
0x3d2: {  	v49 =	vor.u32 v14, v18;
	v27 =	vld.idx.msk [tilespmem:v58+s0+$0x0], $0xffff;
	v50 =	vor.u32 v13, v21;
	[tilespmem:v59+s9+$0x0] =	vst.idx.msk $0xffff, v38  }
0x3d3: {  	v52 =	vor.u32 v14, v23;
	v51 =	vor.u32 v13, v20;
	v53 =	vld.idx.msk [tilespmem:v60+s0+$0x0], $0xffff;
	[tilespmem:v61+s9+$0x0] =	vst.idx.msk $0xffff, v35  }
0x3d4: {  	v54 =	vor.u32 v14, v22;
	v55 =	vor.u32 v13, v32;
	[tilespmem:v63+s9+$0x0] =	vst.idx.msk $0xffff, v24;
	v28 =	vld.idx.msk [tilespmem:v62+s0+$0x0], $0xffff  }
0x3d5: {  	[tilespmem:v45+s9+$0x0] =	vst.idx.msk $0xffff, v31;
	v57 =	vor.u32 v14, v33;
	v56 =	vor.u32 v13, v30;
	v29 =	vld.idx.msk [tilespmem:v46+s0+$0x0], $0xffff  }
0x3d6: {  	v17 =	vor.u32 v15, v17;
	v19 =	vld.idx.msk [tilespmem:v48+s0+$0x0], $0xffff;
	v58 =	vor.u32 v14, v25;
	[tilespmem:v47+s9+$0x0] =	vst.idx.msk $0xffff, v26  }
0x3d7: {  	v16 =	vor.u32 v15, v16;
	[tilespmem:v50+s9+$0x0] =	vst.idx.msk $0xffff, v27;
	v18 =	vld.idx.msk [tilespmem:v49+s0+$0x0], $0xffff  }
0x3d8: {  	v59 =	vor.u32 v15, v21;
	v23 =	vld.idx.msk [tilespmem:v52+s0+$0x0], $0xffff;
	[tilespmem:v51+s9+$0x0] =	vst.idx.msk $0xffff, v53  }
0x3d9: {  	v60 =	vor.u32 v15, v20;
	v22 =	vld.idx.msk [tilespmem:v54+s0+$0x0], $0xffff;
	[tilespmem:v55+s9+$0x0] =	vst.idx.msk $0xffff, v28  }
0x3da: {  	v61 =	vor.u32 v15, v32;
	[tilespmem:v56+s9+$0x0] =	vst.idx.msk $0xffff, v29;
	v62 =	vld.idx.msk [tilespmem:v57+s0+$0x0], $0xffff  }
0x3db: {  	s14 =	sadd.s32 $0x1, s14;
	[tilespmem:v17+s9+$0x0] =	vst.idx.msk $0xffff, v19;
	v17 =	vor.u32 v15, v30;
	v63 =	vld.idx.msk [tilespmem:v58+s0+$0x0], $0xffff  }
0x3dc: {  	p0 =	sne.s32 s14, $0x18;
	[tilespmem:v16+s9+$0x0] =	vst.idx.msk $0xffff, v18  }
.Ltmp8:
0x3dd: {  	[tilespmem:v59+s9+$0x0] =	vst.idx.msk $0xffff, v23;
	(pc) =	sbr.rel @p0 .LBB2_10-.Ltmp8, $4  }
0x3de: {  	[tilespmem:v60+s9+$0x0] =	vst.idx.msk $0xffff, v22  }
0x3df: {  	[tilespmem:v61+s9+$0x0] =	vst.idx.msk $0xffff, v62  }
0x3e0: {  	s15 =	sadd.s32 $0x10000, s15;
	[tilespmem:v17+s9+$0x0] =	vst.idx.msk $0xffff, v63  }
0x3e1: {  	[hbm4b:s15+s19] =	stream.strided.scatter [tilespmem:s9], [sflag:$0x4], $0x2000, s20, s19, $0x38;
	[tilespmem:$0x1F800] =	vst v63  }
0x3e2: {  	s14 =	simm.s32 $0x1880  }
0x3e3: {  	[tilespmem:s30], [sflag:$0x2] =	stream.indirect.gather [hbm4b:s1+s26], $0x80, s14, s26, $0xb8;
	[tilespmem:$0x1F800] =	vst v63  }
0x3e4: {  	s15 =	simm.s32 $0x3480  }
0x3e5: {  	[tilespmem:s0], [sflag:$0x2] =	stream.indirect.gather [hbm4b:s6+s26], $0x80, s15, s26, $0xb8;
	[tilespmem:$0x1F800] =	vst v63  }
0x3e6: {  	_ =	swait.ge [sflag:s2], $0x4000  }
0x3e7: {  	[sflag:s2] =	ssyncset.done $0x0  }
0x3e8: {  	[sflag:s2] =	ssyncadd.s32 $0xFFFFC000  }
0x3e9: {  	s16 =	simm.s32 $0x1;
	_ =	swait.ge [sflag:s2], $0x4000  }
0x3ea: {  	v16 =	vadd.s32 s16, v0;
	s15 =	simm.s32 $0x0;
	[sflag:s2] =	ssyncset.done $0x0  }
0x3eb: {  	v16 =	vand.u32 $0xF, v16;
	s17 =	sand.u32 $0x70, s15;
	[sflag:s2] =	ssyncadd.s32 $0xFFFFC000  }
0x3ec: {  	v17 =	vadd.s32 s15, v0;
	v25 =	vor.u32 s17, v16;
	_ =	swait.ge [sflag:s11], $0x4000  }
0x3ed: {  	v16 =	vand.u32 $0xF, v17;
	v17 =	vor.u32 v1, v25;
	[sflag:s11] =	ssyncset.done $0x0  }
0x3ee: {  	v29 =	vor.u32 s17, v16;
	[sflag:s11] =	ssyncadd.s32 $0xFFFFC000  }
0x3ef: {  	v16 =	vor.u32 v1, v29;
	_ =	swait.ge [sflag:s11], $0x2000  }
0x3f0: {  	[sflag:s11] =	ssyncset.done $0x0  }
0x3f1: {  	v30 =	vshll.u32 v25, $0x7;
	[sflag:s11] =	ssyncadd.s32 $0xFFFFE000  }
0x3f2: {  	v18 =	vor.u32 v0, v30;
	v17 =	vld.idx.msk [tilespmem:v17+s28+$0x0], $0xffff  }
0x3f3: {  	v19 =	vor.u32 v2, v25;
	v32 =	vshll.u32 v29, $0x7  }
0x3f4: {  	v20 =	vor.u32 v0, v32;
	v16 =	vld.idx.msk [tilespmem:v16+s28+$0x0], $0xffff  }
0x3f5: {  	v21 =	vor.u32 v2, v29;
	_ =	sdelay $0x1  }
0x3f6: {  	[tilespmem:v18+s21+$0x0] =	vst.idx.msk $0xffff, v17  }
0x3f7: {  	v22 =	vor.u32 v3, v30;
	v17 =	vld.idx.msk [tilespmem:v19+s28+$0x0], $0xffff  }
0x3f8: {  	s24 =	simm.s32 $0x3;
	[tilespmem:v20+s21+$0x0] =	vst.idx.msk $0xffff, v16;
	v16 =	vor.u32 v4, v25  }
0x3f9: {  	s18 =	simm.s32 $0x2;
	v20 =	vld.idx.msk [tilespmem:v21+s28+$0x0], $0xffff;
	v21 =	vor.u32 v3, v32;
	v19 =	vadd.s32 s24, v0  }
0x3fa: {  	s14 =	sand.u32 $0x70, s18;
	v23 =	vor.u32 v4, v29;
	v18 =	vadd.s32 s18, v0;
	v19 =	vand.u32 $0xF, v19  }
0x3fb: {  	v18 =	vand.u32 $0xF, v18;
	v19 =	vor.u32 s14, v19  }
0x3fc: {  	v18 =	vor.u32 s14, v18;
	v26 =	vor.u32 v1, v19;
	[tilespmem:v22+s21+$0x0] =	vst.idx.msk $0xffff, v17  }
0x3fd: {  	v27 =	vor.u32 v5, v30;
	v24 =	vor.u32 v1, v18;
	v22 =	vld.idx.msk [tilespmem:v16+s28+$0x0], $0xffff  }
0x3fe: {  	v28 =	vor.u32 v6, v25;
	[tilespmem:v21+s21+$0x0] =	vst.idx.msk $0xffff, v20  }
0x3ff: {  	v20 =	vor.u32 v5, v32;
	v21 =	vld.idx.msk [tilespmem:v23+s28+$0x0], $0xffff  }
0x400: {  	v17 =	vshll.u32 v19, $0x7;
	v23 =	vor.u32 v6, v29  }
0x401: {  	v38 =	vor.u32 v10, v25;
	v16 =	vshll.u32 v18, $0x7;
	v33 =	vor.u32 v0, v17;
	v26 =	vld.idx.msk [tilespmem:v26+s28+$0x0], $0xffff  }
0x402: {  	v24 =	vld.idx.msk [tilespmem:v24+s28+$0x0], $0xffff;
	v31 =	vor.u32 v0, v16;
	[tilespmem:v27+s21+$0x0] =	vst.idx.msk $0xffff, v22;
	v22 =	vor.u32 v2, v19  }
0x403: {  	v45 =	vor.u32 v12, v25;
	v34 =	vor.u32 v2, v18;
	v27 =	vld.idx.msk [tilespmem:v28+s28+$0x0], $0xffff;
	v28 =	vor.u32 v7, v30  }
0x404: {  	v54 =	vor.u32 v10, v29;
	[tilespmem:v20+s21+$0x0] =	vst.idx.msk $0xffff, v21;
	v20 =	vor.u32 v8, v25  }
0x405: {  	v44 =	vor.u32 v11, v30;
	v42 =	vor.u32 v9, v32;
	v21 =	vld.idx.msk [tilespmem:v23+s28+$0x0], $0xffff;
	v23 =	vor.u32 v7, v32  }
0x406: {  	v60 =	vor.u32 v11, v32;
	[tilespmem:v33+s21+$0x0] =	vst.idx.msk $0xffff, v26;
	v26 =	vor.u32 v8, v29  }
0x407: {  	s16 =	simm.s32 $0x4;
	v35 =	vor.u32 v3, v17;
	v52 =	vor.u32 v3, v16;
	[tilespmem:v31+s21+$0x0] =	vst.idx.msk $0xffff, v24;
	v53 =	vld.idx.msk [tilespmem:v22+s28+$0x0], $0xffff  }
0x408: {  	v24 =	vld.idx.msk [tilespmem:v34+s28+$0x0], $0xffff;
	v22 =	vadd.s32 s16, v0;
	[tilespmem:v28+s21+$0x0] =	vst.idx.msk $0xffff, v27;
	v27 =	vor.u32 v4, v19  }
0x409: {  	s17 =	simm.s32 $0x5;
	v37 =	vor.u32 v4, v18;
	s14 =	sand.u32 $0x70, s16;
	v28 =	vor.u32 v9, v30;
	v22 =	vand.u32 $0xF, v22;
	v36 =	vld.idx.msk [tilespmem:v20+s28+$0x0], $0xffff  }
0x40a: {  	v57 =	vor.u32 v6, v18;
	[tilespmem:v23+s21+$0x0] =	vst.idx.msk $0xffff, v21;
	v20 =	vadd.s32 s17, v0;
	v22 =	vor.u32 s14, v22  }
0x40b: {  	v56 =	vor.u32 v5, v17;
	v41 =	vld.idx.msk [tilespmem:v26+s28+$0x0], $0xffff;
	v20 =	vand.u32 $0xF, v20;
	v40 =	vor.u32 v1, v22  }
0x40c: {  	v62 =	vor.u32 v7, v17;
	v49 =	vor.u32 v9, v17;
	v23 =	vor.u32 s14, v20;
	[tilespmem:v35+s21+$0x0] =	vst.idx.msk $0xffff, v53  }
0x40d: {  	v39 =	vor.u32 v5, v16;
	[tilespmem:v52+s21+$0x0] =	vst.idx.msk $0xffff, v24;
	v43 =	vor.u32 v1, v23;
	v55 =	vld.idx.msk [tilespmem:v27+s28+$0x0], $0xffff  }
0x40e: {  	v48 =	vor.u32 v7, v16;
	v31 =	vor.u32 v6, v19;
	v37 =	vld.idx.msk [tilespmem:v37+s28+$0x0], $0xffff;
	[tilespmem:v28+s21+$0x0] =	vst.idx.msk $0xffff, v36  }
0x40f: {  	v24 =	vor.u32 v15, v32;
	v52 =	vor.u32 v12, v29;
	v20 =	vshll.u32 v22, $0x7;
	v38 =	vld.idx.msk [tilespmem:v38+s28+$0x0], $0xffff  }
0x410: {  	v58 =	vor.u32 v2, v22;
	v46 =	vor.u32 v0, v20;
	[tilespmem:v42+s21+$0x0] =	vst.idx.msk $0xffff, v41;
	v40 =	vld.idx.msk [tilespmem:v40+s28+$0x0], $0xffff  }
0x411: {  	v50 =	vor.u32 v4, v22;
	v21 =	vshll.u32 v23, $0x7;
	v26 =	vor.u32 v6, v23;
	v59 =	vld.idx.msk [tilespmem:v54+s28+$0x0], $0xffff  }
0x412: {  	v61 =	vor.u32 v2, v23;
	v47 =	vor.u32 v0, v21;
	v43 =	vld.idx.msk [tilespmem:v43+s28+$0x0], $0xffff;
	[tilespmem:v56+s21+$0x0] =	vst.idx.msk $0xffff, v55  }
0x413: {  	v53 =	vor.u32 v8, v19;
	v35 =	vor.u32 v9, v16;
	[tilespmem:v39+s21+$0x0] =	vst.idx.msk $0xffff, v37;
	v63 =	vld.idx.msk [tilespmem:v31+s28+$0x0], $0xffff  }
0x414: {  	v27 =	vor.u32 v5, v20;
	v28 =	vor.u32 v15, v30;
	v36 =	vld.idx.msk [tilespmem:v57+s28+$0x0], $0xffff;
	[tilespmem:v44+s21+$0x0] =	vst.idx.msk $0xffff, v38  }
0x415: {  	v30 =	vor.u32 v13, v30;
	v42 =	vor.u32 v5, v21;
	[tilespmem:v46+s21+$0x0] =	vst.idx.msk $0xffff, v40;
	v44 =	vld.idx.msk [tilespmem:v45+s28+$0x0], $0xffff  }
0x416: {  	v54 =	vor.u32 v8, v18;
	v56 =	vor.u32 v3, v20;
	[tilespmem:v60+s21+$0x0] =	vst.idx.msk $0xffff, v59;
	v41 =	vld.idx.msk [tilespmem:v58+s28+$0x0], $0xffff  }
0x417: {  	v55 =	vor.u32 v13, v32;
	v58 =	vor.u32 v14, v25;
	v60 =	vld.idx.msk [tilespmem:v52+s28+$0x0], $0xffff;
	[tilespmem:v47+s21+$0x0] =	vst.idx.msk $0xffff, v43  }
0x418: {  	s18 =	simm.s32 $0x6;
	v31 =	vor.u32 v14, v29;
	v59 =	vor.u32 v3, v21;
	v57 =	vld.idx.msk [tilespmem:v61+s28+$0x0], $0xffff;
	[tilespmem:v62+s21+$0x0] =	vst.idx.msk $0xffff, v63  }
0x419: {  	s24 =	simm.s32 $0x7;
	[tilespmem:v48+s21+$0x0] =	vst.idx.msk $0xffff, v36;
	v25 =	vadd.s32 s18, v0;
	v61 =	vor.u32 v4, v23;
	v62 =	vld.idx.msk [tilespmem:v53+s28+$0x0], $0xffff  }
0x41a: {  	s14 =	sand.u32 $0x70, s18;
	v29 =	vor.u32 v10, v18;
	v25 =	vand.u32 $0xF, v25;
	v63 =	vadd.s32 s24, v0;
	[tilespmem:v30+s21+$0x0] =	vst.idx.msk $0xffff, v44  }
0x41b: {  	v36 =	vor.u32 v10, v19;
	v34 =	vld.idx.msk [tilespmem:v54+s28+$0x0], $0xffff;
	v25 =	vor.u32 s14, v25;
	v33 =	vand.u32 $0xF, v63;
	[tilespmem:v56+s21+$0x0] =	vst.idx.msk $0xffff, v41  }
0x41c: {  	v33 =	vor.u32 s14, v33;
	v44 =	vor.u32 v1, v25;
	[tilespmem:v55+s21+$0x0] =	vst.idx.msk $0xffff, v60;
	v37 =	vld.idx.msk [tilespmem:v58+s28+$0x0], $0xffff  }
0x41d: {  	v30 =	vshll.u32 v25, $0x7;
	v43 =	vor.u32 v1, v33;
	v32 =	vshll.u32 v33, $0x7;
	v39 =	vld.idx.msk [tilespmem:v50+s28+$0x0], $0xffff;
	[tilespmem:v59+s21+$0x0] =	vst.idx.msk $0xffff, v57  }
0x41e: {  	s14 =	simm.s32 $0x8;
	v40 =	vor.u32 v6, v33;
	v41 =	vor.u32 v5, v30;
	v38 =	vld.idx.msk [tilespmem:v61+s28+$0x0], $0xffff;
	[tilespmem:v49+s21+$0x0] =	vst.idx.msk $0xffff, v62  }
.LBB2_20:
0x41f: {  	v45 =	vmovc v33;
	v33 =	vmovc v17;
	v17 =	vmov v21;
	v21 =	vmov v32;
	v32 =	vmov v16  }
0x420: {  	p0 =	slt.u32 s14, $0x7E;
	v31 =	vld.idx.msk [tilespmem:v31+s28+$0x0], $0xffff;
	v16 =	vmovc v20;
	v20 =	vmovc v30;
	v30 =	vmov v26;
	v26 =	vmov v40;
	v40 =	vmov v27;
	s15 =	smov.u32 s14;
	s14 =	sadd.s32 $0x2, s14  }
0x421: {  	v46 =	vor.u32 v6, v22;
	v27 =	vmov v41;
	v47 =	vor.u32 v15, v32;
	v36 =	vld.idx.msk [tilespmem:v36+s28+$0x0], $0xffff  }
0x422: {  	v48 =	vor.u32 v12, v19;
	v41 =	vld.idx.msk [tilespmem:v44+s28+$0x0], $0xffff;
	v44 =	vor.u32 v11, v33;
	[tilespmem:v28+s21+$0x0] =	vst.idx.msk $0xffff, v37  }
0x423: {  	v49 =	vor.u32 v0, v21;
	v37 =	vor.u32 v0, v20;
	v43 =	vld.idx.msk [tilespmem:v43+s28+$0x0], $0xffff;
	[tilespmem:v35+s21+$0x0] =	vst.idx.msk $0xffff, v34  }
0x424: {  	v28 =	vor.u32 v15, v33;
	v34 =	vor.u32 v2, v25;
	[tilespmem:v42+s21+$0x0] =	vst.idx.msk $0xffff, v38;
	v29 =	vld.idx.msk [tilespmem:v29+s28+$0x0], $0xffff  }
0x425: {  	v35 =	vor.u32 v2, v45;
	v38 =	vor.u32 v11, v32;
	[tilespmem:v40+s21+$0x0] =	vst.idx.msk $0xffff, v39;
	v30 =	vld.idx.msk [tilespmem:v30+s28+$0x0], $0xffff  }
0x426: {  	v42 =	vor.u32 v12, v18;
	v40 =	vor.u32 v7, v17;
	v39 =	vld.idx.msk [tilespmem:v46+s28+$0x0], $0xffff;
	[tilespmem:v24+s21+$0x0] =	vst.idx.msk $0xffff, v31  }
0x427: {  	v50 =	vor.u32 v8, v23;
	v46 =	vor.u32 v7, v16;
	v24 =	vmov v47;
	[tilespmem:v44+s21+$0x0] =	vst.idx.msk $0xffff, v36  }
0x428: {  	v31 =	vor.u32 v14, v18;
	v36 =	vor.u32 v8, v22;
	[tilespmem:v37+s21+$0x0] =	vst.idx.msk $0xffff, v41;
	v37 =	vld.idx.msk [tilespmem:v48+s28+$0x0], $0xffff  }
0x429: {  	v47 =	vor.u32 v13, v32;
	v32 =	vor.u32 v13, v33;
	v41 =	vld.idx.msk [tilespmem:v34+s28+$0x0], $0xffff;
	[tilespmem:v49+s21+$0x0] =	vst.idx.msk $0xffff, v43  }
0x42a: {  	v43 =	vor.u32 v3, v20;
	v48 =	vld.idx.msk [tilespmem:v35+s28+$0x0], $0xffff;
	[tilespmem:v38+s21+$0x0] =	vst.idx.msk $0xffff, v29;
	v38 =	vor.u32 v14, v19  }
0x42b: {  	v49 =	vor.u32 v3, v21;
	v29 =	vor.u32 v10, v22;
	[tilespmem:v40+s21+$0x0] =	vst.idx.msk $0xffff, v30;
	v42 =	vld.idx.msk [tilespmem:v42+s28+$0x0], $0xffff  }
0x42c: {  	s16 =	sadd.s32 $0x1, s15;
	v51 =	vor.u32 v4, v45;
	[tilespmem:v46+s21+$0x0] =	vst.idx.msk $0xffff, v39;
	v46 =	vld.idx.msk [tilespmem:v50+s28+$0x0], $0xffff;
	v50 =	vor.u32 v9, v17  }
0x42d: {  	v33 =	vadd.s32 s15, v0;
	v18 =	vmovc v22;
	v22 =	vmovc v25;
	v30 =	vadd.s32 s16, v0;
	v39 =	vor.u32 v4, v25;
	v34 =	vld.idx.msk [tilespmem:v36+s28+$0x0], $0xffff  }
.Ltmp9:
0x42e: {  	s15 =	sand.u32 $0x70, s15;
	v35 =	vor.u32 v9, v16;
	v19 =	vmovc v23;
	v25 =	vand.u32 $0xF, v33;
	v30 =	vand.u32 $0xF, v30;
	[tilespmem:v32+s21+$0x0] =	vst.idx.msk $0xffff, v37;
	(pc) =	sbr.rel @p0 .LBB2_20-.Ltmp9, $4  }
0x42f: {  	v25 =	vor.u32 s15, v25;
	v33 =	vor.u32 s15, v30;
	v36 =	vor.u32 v10, v19;
	[tilespmem:v43+s21+$0x0] =	vst.idx.msk $0xffff, v41;
	v37 =	vld.idx.msk [tilespmem:v38+s28+$0x0], $0xffff  }
0x430: {  	v44 =	vor.u32 v1, v25;
	v32 =	vshll.u32 v33, $0x7;
	v43 =	vor.u32 v1, v33;
	[tilespmem:v49+s21+$0x0] =	vst.idx.msk $0xffff, v48  }
0x431: {  	v23 =	vmov v45;
	v30 =	vshll.u32 v25, $0x7;
	v40 =	vor.u32 v6, v33;
	v38 =	vld.idx.msk [tilespmem:v51+s28+$0x0], $0xffff;
	[tilespmem:v47+s21+$0x0] =	vst.idx.msk $0xffff, v42  }
0x432: {  	v41 =	vor.u32 v5, v30;
	v42 =	vor.u32 v5, v21;
	v39 =	vld.idx.msk [tilespmem:v39+s28+$0x0], $0xffff;
	[tilespmem:v50+s21+$0x0] =	vst.idx.msk $0xffff, v46  }
0x433: {  	_ =	sdelay $0x3  }
0x434: {  	v43 =	vld.idx.msk [tilespmem:v43+s28+$0x0], $0xffff;
	v45 =	vor.u32 v0, v32  }
0x435: {  	v44 =	vld.idx.msk [tilespmem:v44+s28+$0x0], $0xffff;
	v46 =	vor.u32 v0, v30;
	v47 =	vor.u32 v2, v33  }
0x436: {  	v48 =	vor.u32 v2, v25;
	_ =	sdelay $0x2  }
0x437: {  	[tilespmem:v45+s21+$0x0] =	vst.idx.msk $0xffff, v43  }
0x438: {  	v52 =	vor.u32 v3, v32;
	[tilespmem:v46+s21+$0x0] =	vst.idx.msk $0xffff, v44;
	v43 =	vld.idx.msk [tilespmem:v47+s28+$0x0], $0xffff  }
0x439: {  	v54 =	vor.u32 v3, v30;
	v55 =	vor.u32 v4, v33;
	v53 =	vld.idx.msk [tilespmem:v48+s28+$0x0], $0xffff  }
0x43a: {  	v56 =	vor.u32 v4, v25;
	_ =	sdelay $0x2  }
0x43b: {  	[tilespmem:v52+s21+$0x0] =	vst.idx.msk $0xffff, v43  }
0x43c: {  	v57 =	vor.u32 v6, v22;
	v58 =	vor.u32 v5, v32;
	[tilespmem:v54+s21+$0x0] =	vst.idx.msk $0xffff, v53;
	v44 =	vld.idx.msk [tilespmem:v55+s28+$0x0], $0xffff  }
0x43d: {  	v46 =	vld.idx.msk [tilespmem:v56+s28+$0x0], $0xffff  }
0x43e: {  	v59 =	vor.u32 v6, v25  }
0x43f: {  	[tilespmem:v42+s21+$0x0] =	vst.idx.msk $0xffff, v38  }
0x440: {  	[tilespmem:v27+s21+$0x0] =	vst.idx.msk $0xffff, v39;
	v26 =	vld.idx.msk [tilespmem:v26+s28+$0x0], $0xffff;
	v27 =	vor.u32 v7, v21  }
0x441: {  	v61 =	vor.u32 v7, v20;
	v62 =	vor.u32 v8, v23;
	v60 =	vld.idx.msk [tilespmem:v57+s28+$0x0], $0xffff;
	[tilespmem:v58+s21+$0x0] =	vst.idx.msk $0xffff, v44  }
0x442: {  	v63 =	vor.u32 v8, v22;
	v48 =	vor.u32 v7, v32;
	[tilespmem:v41+s21+$0x0] =	vst.idx.msk $0xffff, v46;
	v40 =	vld.idx.msk [tilespmem:v40+s28+$0x0], $0xffff  }
0x443: {  	v50 =	vor.u32 v7, v30;
	v51 =	vor.u32 v8, v33;
	v49 =	vld.idx.msk [tilespmem:v59+s28+$0x0], $0xffff  }
0x444: {  	[tilespmem:v28+s21+$0x0] =	vst.idx.msk $0xffff, v37;
	v28 =	vor.u32 v8, v25  }
0x445: {  	v31 =	vld.idx.msk [tilespmem:v31+s28+$0x0], $0xffff;
	[tilespmem:v27+s21+$0x0] =	vst.idx.msk $0xffff, v26  }
0x446: {  	v27 =	vor.u32 v9, v21;
	[tilespmem:v61+s21+$0x0] =	vst.idx.msk $0xffff, v60;
	v26 =	vld.idx.msk [tilespmem:v62+s28+$0x0], $0xffff  }
0x447: {  	v52 =	vld.idx.msk [tilespmem:v63+s28+$0x0], $0xffff;
	v53 =	vor.u32 v9, v20;
	v54 =	vor.u32 v10, v23;
	[tilespmem:v48+s21+$0x0] =	vst.idx.msk $0xffff, v40  }
0x448: {  	v55 =	vor.u32 v10, v22;
	v56 =	vor.u32 v9, v32;
	[tilespmem:v50+s21+$0x0] =	vst.idx.msk $0xffff, v49;
	v41 =	vld.idx.msk [tilespmem:v51+s28+$0x0], $0xffff  }
0x449: {  	[tilespmem:v35+s21+$0x0] =	vst.idx.msk $0xffff, v34;
	v57 =	vor.u32 v9, v30;
	v58 =	vor.u32 v10, v33;
	v28 =	vld.idx.msk [tilespmem:v28+s28+$0x0], $0xffff  }
0x44a: {  	v36 =	vld.idx.msk [tilespmem:v36+s28+$0x0], $0xffff;
	[tilespmem:v24+s21+$0x0] =	vst.idx.msk $0xffff, v31;
	v24 =	vor.u32 v10, v25;
	v59 =	vor.u32 v11, v17  }
0x44b: {  	v29 =	vld.idx.msk [tilespmem:v29+s28+$0x0], $0xffff;
	v31 =	vor.u32 v12, v19;
	v60 =	vor.u32 v11, v16;
	[tilespmem:v27+s21+$0x0] =	vst.idx.msk $0xffff, v26  }
0x44c: {  	v61 =	vor.u32 v11, v21;
	v26 =	vor.u32 v12, v18;
	v27 =	vld.idx.msk [tilespmem:v54+s28+$0x0], $0xffff;
	[tilespmem:v53+s21+$0x0] =	vst.idx.msk $0xffff, v52  }
0x44d: {  	v62 =	vor.u32 v12, v23;
	v63 =	vor.u32 v11, v20;
	v38 =	vld.idx.msk [tilespmem:v55+s28+$0x0], $0xffff;
	[tilespmem:v56+s21+$0x0] =	vst.idx.msk $0xffff, v41  }
0x44e: {  	v45 =	vor.u32 v12, v22;
	v46 =	vor.u32 v11, v32;
	[tilespmem:v57+s21+$0x0] =	vst.idx.msk $0xffff, v28;
	v35 =	vld.idx.msk [tilespmem:v58+s28+$0x0], $0xffff  }
0x44f: {  	v47 =	vor.u32 v11, v30;
	[tilespmem:v59+s21+$0x0] =	vst.idx.msk $0xffff, v36;
	v28 =	vor.u32 v12, v33;
	v24 =	vld.idx.msk [tilespmem:v24+s28+$0x0], $0xffff  }
0x450: {  	[tilespmem:v60+s21+$0x0] =	vst.idx.msk $0xffff, v29;
	v29 =	vor.u32 v12, v25;
	v48 =	vor.u32 v13, v17;
	v31 =	vld.idx.msk [tilespmem:v31+s28+$0x0], $0xffff  }
0x451: {  	v19 =	vor.u32 v14, v19;
	v26 =	vld.idx.msk [tilespmem:v26+s28+$0x0], $0xffff;
	[tilespmem:v61+s21+$0x0] =	vst.idx.msk $0xffff, v27;
	v49 =	vor.u32 v13, v16  }
0x452: {  	v18 =	vor.u32 v14, v18;
	v27 =	vld.idx.msk [tilespmem:v62+s28+$0x0], $0xffff;
	[tilespmem:v63+s21+$0x0] =	vst.idx.msk $0xffff, v38;
	v50 =	vor.u32 v13, v21  }
0x453: {  	v23 =	vor.u32 v14, v23;
	v52 =	vld.idx.msk [tilespmem:v45+s28+$0x0], $0xffff;
	v51 =	vor.u32 v13, v20;
	[tilespmem:v46+s21+$0x0] =	vst.idx.msk $0xffff, v35  }
0x454: {  	v22 =	vor.u32 v14, v22;
	v53 =	vor.u32 v13, v32;
	[tilespmem:v47+s21+$0x0] =	vst.idx.msk $0xffff, v24;
	v28 =	vld.idx.msk [tilespmem:v28+s28+$0x0], $0xffff  }
0x455: {  	[tilespmem:v48+s21+$0x0] =	vst.idx.msk $0xffff, v31;
	v31 =	vor.u32 v14, v33;
	v24 =	vor.u32 v13, v30;
	v29 =	vld.idx.msk [tilespmem:v29+s28+$0x0], $0xffff  }
0x456: {  	v25 =	vor.u32 v14, v25;
	v17 =	vor.u32 v15, v17;
	[tilespmem:v49+s21+$0x0] =	vst.idx.msk $0xffff, v26;
	v19 =	vld.idx.msk [tilespmem:v19+s28+$0x0], $0xffff  }
0x457: {  	v16 =	vor.u32 v15, v16;
	[tilespmem:v50+s21+$0x0] =	vst.idx.msk $0xffff, v27;
	v18 =	vld.idx.msk [tilespmem:v18+s28+$0x0], $0xffff  }
0x458: {  	v21 =	vor.u32 v15, v21;
	v23 =	vld.idx.msk [tilespmem:v23+s28+$0x0], $0xffff;
	[tilespmem:v51+s21+$0x0] =	vst.idx.msk $0xffff, v52  }
0x459: {  	v20 =	vor.u32 v15, v20;
	v22 =	vld.idx.msk [tilespmem:v22+s28+$0x0], $0xffff;
	[tilespmem:v53+s21+$0x0] =	vst.idx.msk $0xffff, v28  }
0x45a: {  	s14 =	simm.s32 $0x1;
	v26 =	vor.u32 v15, v32;
	[tilespmem:v24+s21+$0x0] =	vst.idx.msk $0xffff, v29;
	v27 =	vld.idx.msk [tilespmem:v31+s28+$0x0], $0xffff  }
0x45b: {  	s15 =	simm.s32 $0x0;
	[tilespmem:v17+s21+$0x0] =	vst.idx.msk $0xffff, v19;
	v17 =	vor.u32 v15, v30;
	v24 =	vadd.s32 s14, v0;
	v19 =	vld.idx.msk [tilespmem:v25+s28+$0x0], $0xffff  }
0x45c: {  	s16 =	sand.u32 $0x30, s15;
	[tilespmem:v16+s21+$0x0] =	vst.idx.msk $0xffff, v18;
	v24 =	vand.u32 $0xF, v24  }
0x45d: {  	v16 =	vadd.s32 s15, v0;
	[tilespmem:v21+s21+$0x0] =	vst.idx.msk $0xffff, v23;
	v25 =	vor.u32 s16, v24  }
0x45e: {  	v16 =	vand.u32 $0xF, v16;
	[tilespmem:v20+s21+$0x0] =	vst.idx.msk $0xffff, v22;
	v18 =	vor.u32 v1, v25  }
0x45f: {  	v29 =	vor.u32 s16, v16;
	[tilespmem:v26+s21+$0x0] =	vst.idx.msk $0xffff, v27  }
0x460: {  	v16 =	vor.u32 v1, v29;
	[tilespmem:v17+s21+$0x0] =	vst.idx.msk $0xffff, v19  }
0x461: {  	s17 =	rddreg [dreg:$0xa]  }
0x462: {  	v30 =	vshll.u32 v25, $0x7;
	[hbm4b:s17+s19] =	stream.strided.scatter [tilespmem:s21], [sflag:$0x3], $0x4000, s20, s19, $0x38;
	[tilespmem:$0x1F800] =	vst v63  }
0x463: {  	v17 =	vld.idx.msk [tilespmem:v18+s29+$0x0], $0xffff;
	v18 =	vor.u32 v0, v30  }
0x464: {  	v32 =	vshll.u32 v29, $0x7;
	v19 =	vor.u32 v2, v25  }
0x465: {  	v20 =	vor.u32 v0, v32;
	v16 =	vld.idx.msk [tilespmem:v16+s29+$0x0], $0xffff  }
0x466: {  	v21 =	vor.u32 v2, v29;
	_ =	sdelay $0x1  }
0x467: {  	[tilespmem:v18+s25+$0x0] =	vst.idx.msk $0xffff, v17  }
0x468: {  	v22 =	vor.u32 v3, v30;
	v17 =	vld.idx.msk [tilespmem:v19+s29+$0x0], $0xffff  }
0x469: {  	s24 =	simm.s32 $0x3;
	[tilespmem:v20+s25+$0x0] =	vst.idx.msk $0xffff, v16;
	v16 =	vor.u32 v4, v25  }
0x46a: {  	s18 =	simm.s32 $0x2;
	v20 =	vld.idx.msk [tilespmem:v21+s29+$0x0], $0xffff;
	v21 =	vor.u32 v3, v32;
	v19 =	vadd.s32 s24, v0  }
0x46b: {  	s14 =	sand.u32 $0x30, s18;
	v23 =	vor.u32 v4, v29;
	v18 =	vadd.s32 s18, v0;
	v19 =	vand.u32 $0xF, v19  }
0x46c: {  	v18 =	vand.u32 $0xF, v18;
	v19 =	vor.u32 s14, v19  }
0x46d: {  	v18 =	vor.u32 s14, v18;
	v26 =	vor.u32 v1, v19;
	[tilespmem:v22+s25+$0x0] =	vst.idx.msk $0xffff, v17  }
0x46e: {  	v27 =	vor.u32 v5, v30;
	v24 =	vor.u32 v1, v18;
	v22 =	vld.idx.msk [tilespmem:v16+s29+$0x0], $0xffff  }
0x46f: {  	v28 =	vor.u32 v6, v25;
	[tilespmem:v21+s25+$0x0] =	vst.idx.msk $0xffff, v20  }
0x470: {  	v20 =	vor.u32 v5, v32;
	v21 =	vld.idx.msk [tilespmem:v23+s29+$0x0], $0xffff  }
0x471: {  	v50 =	vor.u32 v10, v29;
	v48 =	vor.u32 v9, v32;
	v17 =	vshll.u32 v19, $0x7  }
0x472: {  	v16 =	vshll.u32 v18, $0x7;
	v23 =	vor.u32 v6, v29;
	v54 =	vor.u32 v0, v17;
	v26 =	vld.idx.msk [tilespmem:v26+s29+$0x0], $0xffff  }
0x473: {  	v24 =	vld.idx.msk [tilespmem:v24+s29+$0x0], $0xffff;
	v31 =	vor.u32 v0, v16;
	[tilespmem:v27+s25+$0x0] =	vst.idx.msk $0xffff, v22;
	v22 =	vor.u32 v2, v19  }
0x474: {  	v60 =	vor.u32 v10, v25;
	v55 =	vor.u32 v2, v18;
	v27 =	vld.idx.msk [tilespmem:v28+s29+$0x0], $0xffff;
	v28 =	vor.u32 v7, v30  }
0x475: {  	v45 =	vor.u32 v12, v25;
	[tilespmem:v20+s25+$0x0] =	vst.idx.msk $0xffff, v21;
	v20 =	vor.u32 v8, v25  }
0x476: {  	v59 =	vor.u32 v4, v18;
	v53 =	vor.u32 v6, v18;
	v58 =	vor.u32 v3, v17  }
0x477: {  	v52 =	vor.u32 v5, v17;
	v21 =	vld.idx.msk [tilespmem:v23+s29+$0x0], $0xffff;
	v23 =	vor.u32 v7, v32;
	[tilespmem:v54+s25+$0x0] =	vst.idx.msk $0xffff, v26  }
0x478: {  	s16 =	simm.s32 $0x4;
	v56 =	vor.u32 v3, v16;
	[tilespmem:v31+s25+$0x0] =	vst.idx.msk $0xffff, v24;
	v26 =	vor.u32 v8, v29;
	v57 =	vld.idx.msk [tilespmem:v22+s29+$0x0], $0xffff  }
0x479: {  	s17 =	simm.s32 $0x5;
	v24 =	vld.idx.msk [tilespmem:v55+s29+$0x0], $0xffff;
	v22 =	vadd.s32 s16, v0;
	[tilespmem:v28+s25+$0x0] =	vst.idx.msk $0xffff, v27;
	v27 =	vor.u32 v4, v19  }
0x47a: {  	s14 =	sand.u32 $0x30, s16;
	v28 =	vor.u32 v9, v30;
	v22 =	vand.u32 $0xF, v22;
	v36 =	vld.idx.msk [tilespmem:v20+s29+$0x0], $0xffff;
	v20 =	vadd.s32 s17, v0  }
0x47b: {  	v61 =	vor.u32 v5, v16;
	v22 =	vor.u32 s14, v22;
	v20 =	vand.u32 $0xF, v20  }
0x47c: {  	v35 =	vor.u32 v9, v16;
	[tilespmem:v23+s25+$0x0] =	vst.idx.msk $0xffff, v21;
	v62 =	vor.u32 v1, v22;
	v23 =	vor.u32 s14, v20  }
0x47d: {  	v31 =	vor.u32 v6, v19;
	v63 =	vld.idx.msk [tilespmem:v26+s29+$0x0], $0xffff;
	v49 =	vor.u32 v1, v23;
	[tilespmem:v58+s25+$0x0] =	vst.idx.msk $0xffff, v57  }
0x47e: {  	v54 =	vor.u32 v11, v30;
	[tilespmem:v56+s25+$0x0] =	vst.idx.msk $0xffff, v24;
	v24 =	vor.u32 v15, v32;
	v51 =	vld.idx.msk [tilespmem:v27+s29+$0x0], $0xffff  }
0x47f: {  	v37 =	vld.idx.msk [tilespmem:v59+s29+$0x0], $0xffff;
	v59 =	vor.u32 v11, v32;
	v20 =	vshll.u32 v22, $0x7;
	[tilespmem:v28+s25+$0x0] =	vst.idx.msk $0xffff, v36  }
0x480: {  	v21 =	vshll.u32 v23, $0x7;
	v26 =	vor.u32 v6, v23;
	v55 =	vor.u32 v0, v20;
	v38 =	vld.idx.msk [tilespmem:v60+s29+$0x0], $0xffff  }
0x481: {  	v57 =	vor.u32 v2, v22;
	v27 =	vor.u32 v5, v20;
	v56 =	vor.u32 v0, v21;
	v40 =	vld.idx.msk [tilespmem:v62+s29+$0x0], $0xffff  }
0x482: {  	v42 =	vor.u32 v5, v21;
	[tilespmem:v48+s25+$0x0] =	vst.idx.msk $0xffff, v63;
	v28 =	vor.u32 v15, v30;
	v43 =	vld.idx.msk [tilespmem:v49+s29+$0x0], $0xffff  }
0x483: {  	v63 =	vor.u32 v12, v29;
	v58 =	vld.idx.msk [tilespmem:v50+s29+$0x0], $0xffff;
	v60 =	vor.u32 v2, v23;
	[tilespmem:v52+s25+$0x0] =	vst.idx.msk $0xffff, v51  }
0x484: {  	v30 =	vor.u32 v13, v30;
	[tilespmem:v61+s25+$0x0] =	vst.idx.msk $0xffff, v37;
	v61 =	vor.u32 v7, v17;
	v62 =	vld.idx.msk [tilespmem:v31+s29+$0x0], $0xffff  }
0x485: {  	v36 =	vld.idx.msk [tilespmem:v53+s29+$0x0], $0xffff;
	v53 =	vor.u32 v8, v19;
	v52 =	vor.u32 v7, v16;
	[tilespmem:v54+s25+$0x0] =	vst.idx.msk $0xffff, v38  }
0x486: {  	v50 =	vor.u32 v4, v22;
	v49 =	vor.u32 v9, v17;
	[tilespmem:v55+s25+$0x0] =	vst.idx.msk $0xffff, v40;
	v44 =	vld.idx.msk [tilespmem:v45+s29+$0x0], $0xffff  }
0x487: {  	v54 =	vor.u32 v8, v18;
	v41 =	vld.idx.msk [tilespmem:v57+s29+$0x0], $0xffff;
	[tilespmem:v56+s25+$0x0] =	vst.idx.msk $0xffff, v43;
	v56 =	vor.u32 v3, v20  }
0x488: {  	[tilespmem:v59+s25+$0x0] =	vst.idx.msk $0xffff, v58;
	v58 =	vor.u32 v14, v25;
	v59 =	vor.u32 v3, v21;
	v57 =	vld.idx.msk [tilespmem:v60+s29+$0x0], $0xffff  }
0x489: {  	s18 =	simm.s32 $0x6;
	v31 =	vor.u32 v14, v29;
	v55 =	vor.u32 v13, v32;
	v60 =	vld.idx.msk [tilespmem:v63+s29+$0x0], $0xffff;
	[tilespmem:v61+s25+$0x0] =	vst.idx.msk $0xffff, v62  }
0x48a: {  	s24 =	simm.s32 $0x7;
	v25 =	vadd.s32 s18, v0;
	[tilespmem:v52+s25+$0x0] =	vst.idx.msk $0xffff, v36;
	v61 =	vor.u32 v4, v23;
	v62 =	vld.idx.msk [tilespmem:v53+s29+$0x0], $0xffff  }
0x48b: {  	s14 =	sand.u32 $0x30, s18;
	v29 =	vor.u32 v10, v18;
	v25 =	vand.u32 $0xF, v25;
	v63 =	vadd.s32 s24, v0;
	[tilespmem:v30+s25+$0x0] =	vst.idx.msk $0xffff, v44  }
0x48c: {  	v25 =	vor.u32 s14, v25;
	v36 =	vor.u32 v10, v19;
	v33 =	vand.u32 $0xF, v63;
	v34 =	vld.idx.msk [tilespmem:v54+s29+$0x0], $0xffff;
	[tilespmem:v56+s25+$0x0] =	vst.idx.msk $0xffff, v41  }
0x48d: {  	v33 =	vor.u32 s14, v33;
	v44 =	vor.u32 v1, v25;
	v37 =	vld.idx.msk [tilespmem:v58+s29+$0x0], $0xffff;
	[tilespmem:v59+s25+$0x0] =	vst.idx.msk $0xffff, v57  }
0x48e: {  	v43 =	vor.u32 v1, v33;
	v32 =	vshll.u32 v33, $0x7;
	v30 =	vshll.u32 v25, $0x7;
	[tilespmem:v55+s25+$0x0] =	vst.idx.msk $0xffff, v60;
	v39 =	vld.idx.msk [tilespmem:v50+s29+$0x0], $0xffff  }
0x48f: {  	s14 =	simm.s32 $0x8;
	v40 =	vor.u32 v6, v33;
	v41 =	vor.u32 v5, v30;
	v38 =	vld.idx.msk [tilespmem:v61+s29+$0x0], $0xffff;
	[tilespmem:v49+s25+$0x0] =	vst.idx.msk $0xffff, v62  }
.LBB2_22:
0x490: {  	v45 =	vmovc v33;
	v33 =	vmovc v17;
	v17 =	vmov v21;
	v21 =	vmov v32;
	v32 =	vmov v16  }
0x491: {  	p0 =	slt.u32 s14, $0x3E;
	v31 =	vld.idx.msk [tilespmem:v31+s29+$0x0], $0xffff;
	v16 =	vmovc v20;
	v20 =	vmovc v30;
	v30 =	vmov v26;
	v26 =	vmov v40;
	v40 =	vmov v27;
	s15 =	smov.u32 s14;
	s14 =	sadd.s32 $0x2, s14  }
0x492: {  	v46 =	vor.u32 v6, v22;
	v27 =	vmov v41;
	v47 =	vor.u32 v15, v32;
	v36 =	vld.idx.msk [tilespmem:v36+s29+$0x0], $0xffff  }
0x493: {  	v48 =	vor.u32 v12, v19;
	v41 =	vld.idx.msk [tilespmem:v44+s29+$0x0], $0xffff;
	v44 =	vor.u32 v11, v33;
	[tilespmem:v28+s25+$0x0] =	vst.idx.msk $0xffff, v37  }
0x494: {  	v49 =	vor.u32 v0, v21;
	v37 =	vor.u32 v0, v20;
	v43 =	vld.idx.msk [tilespmem:v43+s29+$0x0], $0xffff;
	[tilespmem:v35+s25+$0x0] =	vst.idx.msk $0xffff, v34  }
0x495: {  	v28 =	vor.u32 v15, v33;
	v34 =	vor.u32 v2, v25;
	[tilespmem:v42+s25+$0x0] =	vst.idx.msk $0xffff, v38;
	v29 =	vld.idx.msk [tilespmem:v29+s29+$0x0], $0xffff  }
0x496: {  	v35 =	vor.u32 v2, v45;
	v38 =	vor.u32 v11, v32;
	[tilespmem:v40+s25+$0x0] =	vst.idx.msk $0xffff, v39;
	v30 =	vld.idx.msk [tilespmem:v30+s29+$0x0], $0xffff  }
0x497: {  	v42 =	vor.u32 v12, v18;
	v40 =	vor.u32 v7, v17;
	v39 =	vld.idx.msk [tilespmem:v46+s29+$0x0], $0xffff;
	[tilespmem:v24+s25+$0x0] =	vst.idx.msk $0xffff, v31  }
0x498: {  	v50 =	vor.u32 v8, v23;
	v46 =	vor.u32 v7, v16;
	v24 =	vmov v47;
	[tilespmem:v44+s25+$0x0] =	vst.idx.msk $0xffff, v36  }
0x499: {  	v31 =	vor.u32 v14, v18;
	v36 =	vor.u32 v8, v22;
	[tilespmem:v37+s25+$0x0] =	vst.idx.msk $0xffff, v41;
	v37 =	vld.idx.msk [tilespmem:v48+s29+$0x0], $0xffff  }
0x49a: {  	v47 =	vor.u32 v13, v32;
	v32 =	vor.u32 v13, v33;
	v41 =	vld.idx.msk [tilespmem:v34+s29+$0x0], $0xffff;
	[tilespmem:v49+s25+$0x0] =	vst.idx.msk $0xffff, v43  }
0x49b: {  	v43 =	vor.u32 v3, v20;
	v48 =	vld.idx.msk [tilespmem:v35+s29+$0x0], $0xffff;
	[tilespmem:v38+s25+$0x0] =	vst.idx.msk $0xffff, v29;
	v38 =	vor.u32 v14, v19  }
0x49c: {  	v49 =	vor.u32 v3, v21;
	v29 =	vor.u32 v10, v22;
	[tilespmem:v40+s25+$0x0] =	vst.idx.msk $0xffff, v30;
	v42 =	vld.idx.msk [tilespmem:v42+s29+$0x0], $0xffff  }
0x49d: {  	s16 =	sadd.s32 $0x1, s15;
	v51 =	vor.u32 v4, v45;
	[tilespmem:v46+s25+$0x0] =	vst.idx.msk $0xffff, v39;
	v46 =	vld.idx.msk [tilespmem:v50+s29+$0x0], $0xffff;
	v50 =	vor.u32 v9, v17  }
0x49e: {  	v33 =	vadd.s32 s15, v0;
	v18 =	vmovc v22;
	v22 =	vmovc v25;
	v30 =	vadd.s32 s16, v0;
	v39 =	vor.u32 v4, v25;
	v34 =	vld.idx.msk [tilespmem:v36+s29+$0x0], $0xffff  }
.Ltmp10:
0x49f: {  	s15 =	sand.u32 $0x30, s15;
	v35 =	vor.u32 v9, v16;
	v19 =	vmovc v23;
	v25 =	vand.u32 $0xF, v33;
	v30 =	vand.u32 $0xF, v30;
	[tilespmem:v32+s25+$0x0] =	vst.idx.msk $0xffff, v37;
	(pc) =	sbr.rel @p0 .LBB2_22-.Ltmp10, $4  }
0x4a0: {  	v25 =	vor.u32 s15, v25;
	v33 =	vor.u32 s15, v30;
	v36 =	vor.u32 v10, v19;
	[tilespmem:v43+s25+$0x0] =	vst.idx.msk $0xffff, v41;
	v37 =	vld.idx.msk [tilespmem:v38+s29+$0x0], $0xffff  }
0x4a1: {  	v44 =	vor.u32 v1, v25;
	v32 =	vshll.u32 v33, $0x7;
	v43 =	vor.u32 v1, v33;
	[tilespmem:v49+s25+$0x0] =	vst.idx.msk $0xffff, v48  }
0x4a2: {  	v23 =	vmov v45;
	v30 =	vshll.u32 v25, $0x7;
	v40 =	vor.u32 v6, v33;
	v38 =	vld.idx.msk [tilespmem:v51+s29+$0x0], $0xffff;
	[tilespmem:v47+s25+$0x0] =	vst.idx.msk $0xffff, v42  }
0x4a3: {  	v41 =	vor.u32 v5, v30;
	v42 =	vor.u32 v5, v21;
	v39 =	vld.idx.msk [tilespmem:v39+s29+$0x0], $0xffff;
	[tilespmem:v50+s25+$0x0] =	vst.idx.msk $0xffff, v46  }
0x4a4: {  	_ =	sdelay $0x3  }
0x4a5: {  	v43 =	vld.idx.msk [tilespmem:v43+s29+$0x0], $0xffff;
	v45 =	vor.u32 v0, v32  }
0x4a6: {  	v44 =	vld.idx.msk [tilespmem:v44+s29+$0x0], $0xffff;
	v46 =	vor.u32 v0, v30;
	v47 =	vor.u32 v2, v33  }
0x4a7: {  	v48 =	vor.u32 v2, v25;
	_ =	sdelay $0x2  }
0x4a8: {  	[tilespmem:v45+s25+$0x0] =	vst.idx.msk $0xffff, v43  }
0x4a9: {  	v63 =	vor.u32 v3, v32;
	[tilespmem:v46+s25+$0x0] =	vst.idx.msk $0xffff, v44;
	v43 =	vld.idx.msk [tilespmem:v47+s29+$0x0], $0xffff  }
0x4aa: {  	v53 =	vor.u32 v3, v30;
	v54 =	vor.u32 v4, v33;
	v52 =	vld.idx.msk [tilespmem:v48+s29+$0x0], $0xffff  }
0x4ab: {  	v55 =	vor.u32 v4, v25;
	_ =	sdelay $0x2  }
0x4ac: {  	[tilespmem:v63+s25+$0x0] =	vst.idx.msk $0xffff, v43  }
0x4ad: {  	v56 =	vor.u32 v6, v22;
	v57 =	vor.u32 v5, v32;
	[tilespmem:v53+s25+$0x0] =	vst.idx.msk $0xffff, v52;
	v44 =	vld.idx.msk [tilespmem:v54+s29+$0x0], $0xffff  }
0x4ae: {  	v46 =	vld.idx.msk [tilespmem:v55+s29+$0x0], $0xffff  }
0x4af: {  	v58 =	vor.u32 v6, v25  }
0x4b0: {  	[tilespmem:v42+s25+$0x0] =	vst.idx.msk $0xffff, v38  }
0x4b1: {  	[tilespmem:v27+s25+$0x0] =	vst.idx.msk $0xffff, v39;
	v26 =	vld.idx.msk [tilespmem:v26+s29+$0x0], $0xffff;
	v27 =	vor.u32 v7, v21  }
0x4b2: {  	v60 =	vor.u32 v7, v20;
	v61 =	vor.u32 v8, v23;
	v59 =	vld.idx.msk [tilespmem:v56+s29+$0x0], $0xffff;
	[tilespmem:v57+s25+$0x0] =	vst.idx.msk $0xffff, v44  }
0x4b3: {  	v62 =	vor.u32 v8, v22;
	v63 =	vor.u32 v7, v32;
	[tilespmem:v41+s25+$0x0] =	vst.idx.msk $0xffff, v46;
	v40 =	vld.idx.msk [tilespmem:v40+s29+$0x0], $0xffff  }
0x4b4: {  	v49 =	vor.u32 v7, v30;
	v50 =	vor.u32 v8, v33;
	v48 =	vld.idx.msk [tilespmem:v58+s29+$0x0], $0xffff  }
0x4b5: {  	[tilespmem:v28+s25+$0x0] =	vst.idx.msk $0xffff, v37;
	v28 =	vor.u32 v8, v25  }
0x4b6: {  	v31 =	vld.idx.msk [tilespmem:v31+s29+$0x0], $0xffff;
	[tilespmem:v27+s25+$0x0] =	vst.idx.msk $0xffff, v26  }
0x4b7: {  	v27 =	vor.u32 v9, v21;
	[tilespmem:v60+s25+$0x0] =	vst.idx.msk $0xffff, v59;
	v26 =	vld.idx.msk [tilespmem:v61+s29+$0x0], $0xffff  }
0x4b8: {  	v51 =	vld.idx.msk [tilespmem:v62+s29+$0x0], $0xffff;
	v52 =	vor.u32 v9, v20;
	v53 =	vor.u32 v10, v23;
	[tilespmem:v63+s25+$0x0] =	vst.idx.msk $0xffff, v40  }
0x4b9: {  	v54 =	vor.u32 v10, v22;
	v55 =	vor.u32 v9, v32;
	[tilespmem:v49+s25+$0x0] =	vst.idx.msk $0xffff, v48;
	v41 =	vld.idx.msk [tilespmem:v50+s29+$0x0], $0xffff  }
0x4ba: {  	[tilespmem:v35+s25+$0x0] =	vst.idx.msk $0xffff, v34;
	v56 =	vor.u32 v9, v30;
	v57 =	vor.u32 v10, v33;
	v28 =	vld.idx.msk [tilespmem:v28+s29+$0x0], $0xffff  }
0x4bb: {  	v36 =	vld.idx.msk [tilespmem:v36+s29+$0x0], $0xffff;
	[tilespmem:v24+s25+$0x0] =	vst.idx.msk $0xffff, v31;
	v24 =	vor.u32 v10, v25;
	v58 =	vor.u32 v11, v17  }
0x4bc: {  	v29 =	vld.idx.msk [tilespmem:v29+s29+$0x0], $0xffff;
	v31 =	vor.u32 v12, v19;
	v59 =	vor.u32 v11, v16;
	[tilespmem:v27+s25+$0x0] =	vst.idx.msk $0xffff, v26  }
0x4bd: {  	v60 =	vor.u32 v11, v21;
	v26 =	vor.u32 v12, v18;
	v27 =	vld.idx.msk [tilespmem:v53+s29+$0x0], $0xffff;
	[tilespmem:v52+s25+$0x0] =	vst.idx.msk $0xffff, v51  }
0x4be: {  	v61 =	vor.u32 v12, v23;
	v62 =	vor.u32 v11, v20;
	v38 =	vld.idx.msk [tilespmem:v54+s29+$0x0], $0xffff;
	[tilespmem:v55+s25+$0x0] =	vst.idx.msk $0xffff, v41  }
0x4bf: {  	v45 =	vor.u32 v11, v32;
	v63 =	vor.u32 v12, v22;
	[tilespmem:v56+s25+$0x0] =	vst.idx.msk $0xffff, v28;
	v35 =	vld.idx.msk [tilespmem:v57+s29+$0x0], $0xffff  }
0x4c0: {  	v46 =	vor.u32 v11, v30;
	[tilespmem:v58+s25+$0x0] =	vst.idx.msk $0xffff, v36;
	v28 =	vor.u32 v12, v33;
	v24 =	vld.idx.msk [tilespmem:v24+s29+$0x0], $0xffff  }
0x4c1: {  	v47 =	vor.u32 v13, v17;
	[tilespmem:v59+s25+$0x0] =	vst.idx.msk $0xffff, v29;
	v29 =	vor.u32 v12, v25;
	v31 =	vld.idx.msk [tilespmem:v31+s29+$0x0], $0xffff  }
0x4c2: {  	v19 =	vor.u32 v14, v19;
	v26 =	vld.idx.msk [tilespmem:v26+s29+$0x0], $0xffff;
	[tilespmem:v60+s25+$0x0] =	vst.idx.msk $0xffff, v27;
	v48 =	vor.u32 v13, v16  }
0x4c3: {  	v18 =	vor.u32 v14, v18;
	v27 =	vld.idx.msk [tilespmem:v61+s29+$0x0], $0xffff;
	[tilespmem:v62+s25+$0x0] =	vst.idx.msk $0xffff, v38;
	v49 =	vor.u32 v13, v21  }
0x4c4: {  	v23 =	vor.u32 v14, v23;
	v50 =	vor.u32 v13, v20;
	v51 =	vld.idx.msk [tilespmem:v63+s29+$0x0], $0xffff;
	[tilespmem:v45+s25+$0x0] =	vst.idx.msk $0xffff, v35  }
0x4c5: {  	v52 =	vor.u32 v13, v32;
	v22 =	vor.u32 v14, v22;
	[tilespmem:v46+s25+$0x0] =	vst.idx.msk $0xffff, v24;
	v28 =	vld.idx.msk [tilespmem:v28+s29+$0x0], $0xffff  }
0x4c6: {  	[tilespmem:v47+s25+$0x0] =	vst.idx.msk $0xffff, v31;
	v31 =	vor.u32 v14, v33;
	v24 =	vor.u32 v13, v30;
	v29 =	vld.idx.msk [tilespmem:v29+s29+$0x0], $0xffff  }
0x4c7: {  	v25 =	vor.u32 v14, v25;
	v17 =	vor.u32 v15, v17;
	[tilespmem:v48+s25+$0x0] =	vst.idx.msk $0xffff, v26;
	v19 =	vld.idx.msk [tilespmem:v19+s29+$0x0], $0xffff  }
0x4c8: {  	v16 =	vor.u32 v15, v16;
	[tilespmem:v49+s25+$0x0] =	vst.idx.msk $0xffff, v27;
	v18 =	vld.idx.msk [tilespmem:v18+s29+$0x0], $0xffff  }
0x4c9: {  	v21 =	vor.u32 v15, v21;
	v23 =	vld.idx.msk [tilespmem:v23+s29+$0x0], $0xffff;
	[tilespmem:v50+s25+$0x0] =	vst.idx.msk $0xffff, v51  }
0x4ca: {  	v20 =	vor.u32 v15, v20;
	v22 =	vld.idx.msk [tilespmem:v22+s29+$0x0], $0xffff;
	[tilespmem:v52+s25+$0x0] =	vst.idx.msk $0xffff, v28  }
0x4cb: {  	v26 =	vor.u32 v15, v32;
	[tilespmem:v24+s25+$0x0] =	vst.idx.msk $0xffff, v29;
	v27 =	vld.idx.msk [tilespmem:v31+s29+$0x0], $0xffff  }
0x4cc: {  	[tilespmem:v17+s25+$0x0] =	vst.idx.msk $0xffff, v19;
	v17 =	vor.u32 v15, v30;
	v19 =	vld.idx.msk [tilespmem:v25+s29+$0x0], $0xffff  }
0x4cd: {  	[tilespmem:v16+s25+$0x0] =	vst.idx.msk $0xffff, v18  }
0x4ce: {  	[tilespmem:v21+s25+$0x0] =	vst.idx.msk $0xffff, v23  }
0x4cf: {  	[tilespmem:v20+s25+$0x0] =	vst.idx.msk $0xffff, v22  }
0x4d0: {  	[tilespmem:v26+s25+$0x0] =	vst.idx.msk $0xffff, v27  }
0x4d1: {  	[tilespmem:v17+s25+$0x0] =	vst.idx.msk $0xffff, v19  }
0x4d2: {  	s14 =	rddreg [dreg:$0xb]  }
0x4d3: {  	[hbm4b:s14+s19] =	stream.strided.scatter [tilespmem:s25], [sflag:$0x3], $0x2000, s20, s19, $0x38;
	[tilespmem:$0x1F800] =	vst v63  }
0x4d4: {  	_ =	swait.ge [sflag:s31], $0x4000  }
0x4d5: {  	[sflag:s31] =	ssyncset.done $0x0  }
0x4d6: {  	[sflag:s31] =	ssyncadd.s32 $0xFFFFC000  }
0x4d7: {  	s16 =	simm.s32 $0x1;
	_ =	swait.ge [sflag:s31], $0x4000  }
0x4d8: {  	s15 =	simm.s32 $0x0;
	v16 =	vadd.s32 s16, v0;
	[sflag:s31] =	ssyncset.done $0x0  }
0x4d9: {  	s17 =	sand.u32 $0x70, s15;
	v16 =	vand.u32 $0xF, v16;
	[sflag:s31] =	ssyncadd.s32 $0xFFFFC000  }
0x4da: {  	v25 =	vor.u32 s17, v16;
	v17 =	vadd.s32 s15, v0;
	_ =	swait.ge [sflag:s12], $0x4000  }
0x4db: {  	v16 =	vand.u32 $0xF, v17;
	v17 =	vor.u32 v1, v25;
	[sflag:s12] =	ssyncset.done $0x0  }
0x4dc: {  	v29 =	vor.u32 s17, v16;
	[sflag:s12] =	ssyncadd.s32 $0xFFFFC000  }
0x4dd: {  	v16 =	vor.u32 v1, v29;
	_ =	swait.ge [sflag:s12], $0x2000  }
0x4de: {  	[sflag:s12] =	ssyncset.done $0x0  }
0x4df: {  	v30 =	vshll.u32 v25, $0x7;
	[sflag:s12] =	ssyncadd.s32 $0xFFFFE000  }
0x4e0: {  	v18 =	vor.u32 v0, v30;
	v17 =	vld.idx.msk [tilespmem:v17+s30+$0x0], $0xffff  }
0x4e1: {  	v19 =	vor.u32 v2, v25;
	v32 =	vshll.u32 v29, $0x7  }
0x4e2: {  	v20 =	vor.u32 v0, v32;
	v16 =	vld.idx.msk [tilespmem:v16+s30+$0x0], $0xffff  }
0x4e3: {  	v21 =	vor.u32 v2, v29;
	_ =	sdelay $0x1  }
0x4e4: {  	[tilespmem:v18+s23+$0x0] =	vst.idx.msk $0xffff, v17  }
0x4e5: {  	v22 =	vor.u32 v3, v30;
	v17 =	vld.idx.msk [tilespmem:v19+s30+$0x0], $0xffff  }
0x4e6: {  	s24 =	simm.s32 $0x3;
	[tilespmem:v20+s23+$0x0] =	vst.idx.msk $0xffff, v16;
	v16 =	vor.u32 v4, v25  }
0x4e7: {  	s18 =	simm.s32 $0x2;
	v20 =	vld.idx.msk [tilespmem:v21+s30+$0x0], $0xffff;
	v21 =	vor.u32 v3, v32;
	v19 =	vadd.s32 s24, v0  }
0x4e8: {  	s14 =	sand.u32 $0x70, s18;
	v23 =	vor.u32 v4, v29;
	v18 =	vadd.s32 s18, v0;
	v19 =	vand.u32 $0xF, v19  }
0x4e9: {  	v18 =	vand.u32 $0xF, v18;
	v19 =	vor.u32 s14, v19  }
0x4ea: {  	v18 =	vor.u32 s14, v18;
	v26 =	vor.u32 v1, v19;
	[tilespmem:v22+s23+$0x0] =	vst.idx.msk $0xffff, v17  }
0x4eb: {  	v27 =	vor.u32 v5, v30;
	v24 =	vor.u32 v1, v18;
	v22 =	vld.idx.msk [tilespmem:v16+s30+$0x0], $0xffff  }
0x4ec: {  	v28 =	vor.u32 v6, v25;
	[tilespmem:v21+s23+$0x0] =	vst.idx.msk $0xffff, v20  }
0x4ed: {  	v20 =	vor.u32 v5, v32;
	v21 =	vld.idx.msk [tilespmem:v23+s30+$0x0], $0xffff  }
0x4ee: {  	v60 =	vor.u32 v10, v25;
	v45 =	vor.u32 v12, v25;
	v17 =	vshll.u32 v19, $0x7  }
0x4ef: {  	v16 =	vshll.u32 v18, $0x7;
	v23 =	vor.u32 v6, v29;
	v53 =	vor.u32 v0, v17;
	v26 =	vld.idx.msk [tilespmem:v26+s30+$0x0], $0xffff  }
0x4f0: {  	v24 =	vld.idx.msk [tilespmem:v24+s30+$0x0], $0xffff;
	v31 =	vor.u32 v0, v16;
	[tilespmem:v27+s23+$0x0] =	vst.idx.msk $0xffff, v22;
	v22 =	vor.u32 v2, v19  }
0x4f1: {  	v50 =	vor.u32 v10, v29;
	v54 =	vor.u32 v2, v18;
	v27 =	vld.idx.msk [tilespmem:v28+s30+$0x0], $0xffff;
	v28 =	vor.u32 v7, v30  }
0x4f2: {  	v48 =	vor.u32 v9, v32;
	[tilespmem:v20+s23+$0x0] =	vst.idx.msk $0xffff, v21;
	v20 =	vor.u32 v8, v25  }
0x4f3: {  	v59 =	vor.u32 v4, v18;
	v57 =	vor.u32 v3, v17;
	v52 =	vor.u32 v5, v17  }
0x4f4: {  	v55 =	vor.u32 v3, v16;
	v21 =	vld.idx.msk [tilespmem:v23+s30+$0x0], $0xffff;
	v23 =	vor.u32 v7, v32;
	[tilespmem:v53+s23+$0x0] =	vst.idx.msk $0xffff, v26  }
0x4f5: {  	s16 =	simm.s32 $0x4;
	v61 =	vor.u32 v5, v16;
	[tilespmem:v31+s23+$0x0] =	vst.idx.msk $0xffff, v24;
	v26 =	vor.u32 v8, v29;
	v56 =	vld.idx.msk [tilespmem:v22+s30+$0x0], $0xffff  }
0x4f6: {  	s17 =	simm.s32 $0x5;
	v24 =	vld.idx.msk [tilespmem:v54+s30+$0x0], $0xffff;
	v22 =	vadd.s32 s16, v0;
	[tilespmem:v28+s23+$0x0] =	vst.idx.msk $0xffff, v27;
	v27 =	vor.u32 v4, v19  }
0x4f7: {  	s14 =	sand.u32 $0x70, s16;
	v28 =	vor.u32 v9, v30;
	v22 =	vand.u32 $0xF, v22;
	v58 =	vld.idx.msk [tilespmem:v20+s30+$0x0], $0xffff;
	v20 =	vadd.s32 s17, v0  }
0x4f8: {  	v35 =	vor.u32 v9, v16;
	v22 =	vor.u32 s14, v22;
	v20 =	vand.u32 $0xF, v20  }
0x4f9: {  	v31 =	vor.u32 v6, v19;
	[tilespmem:v23+s23+$0x0] =	vst.idx.msk $0xffff, v21;
	v62 =	vor.u32 v1, v22;
	v23 =	vor.u32 s14, v20  }
0x4fa: {  	v53 =	vor.u32 v6, v18;
	v63 =	vld.idx.msk [tilespmem:v26+s30+$0x0], $0xffff;
	v49 =	vor.u32 v1, v23;
	[tilespmem:v57+s23+$0x0] =	vst.idx.msk $0xffff, v56  }
0x4fb: {  	v54 =	vor.u32 v11, v30;
	[tilespmem:v55+s23+$0x0] =	vst.idx.msk $0xffff, v24;
	v24 =	vor.u32 v15, v32;
	v51 =	vld.idx.msk [tilespmem:v27+s30+$0x0], $0xffff  }
0x4fc: {  	v37 =	vld.idx.msk [tilespmem:v59+s30+$0x0], $0xffff;
	v59 =	vor.u32 v11, v32;
	v20 =	vshll.u32 v22, $0x7;
	[tilespmem:v28+s23+$0x0] =	vst.idx.msk $0xffff, v58  }
0x4fd: {  	v21 =	vshll.u32 v23, $0x7;
	v26 =	vor.u32 v6, v23;
	v55 =	vor.u32 v0, v20;
	v38 =	vld.idx.msk [tilespmem:v60+s30+$0x0], $0xffff  }
0x4fe: {  	v57 =	vor.u32 v2, v22;
	v27 =	vor.u32 v5, v20;
	v56 =	vor.u32 v0, v21;
	v40 =	vld.idx.msk [tilespmem:v62+s30+$0x0], $0xffff  }
0x4ff: {  	v42 =	vor.u32 v5, v21;
	[tilespmem:v48+s23+$0x0] =	vst.idx.msk $0xffff, v63;
	v28 =	vor.u32 v15, v30;
	v43 =	vld.idx.msk [tilespmem:v49+s30+$0x0], $0xffff  }
0x500: {  	v63 =	vor.u32 v12, v29;
	v58 =	vld.idx.msk [tilespmem:v50+s30+$0x0], $0xffff;
	v60 =	vor.u32 v2, v23;
	[tilespmem:v52+s23+$0x0] =	vst.idx.msk $0xffff, v51  }
0x501: {  	v30 =	vor.u32 v13, v30;
	[tilespmem:v61+s23+$0x0] =	vst.idx.msk $0xffff, v37;
	v61 =	vor.u32 v7, v17;
	v62 =	vld.idx.msk [tilespmem:v31+s30+$0x0], $0xffff  }
0x502: {  	v36 =	vld.idx.msk [tilespmem:v53+s30+$0x0], $0xffff;
	v53 =	vor.u32 v8, v19;
	v52 =	vor.u32 v7, v16;
	[tilespmem:v54+s23+$0x0] =	vst.idx.msk $0xffff, v38  }
0x503: {  	v50 =	vor.u32 v4, v22;
	v49 =	vor.u32 v9, v17;
	[tilespmem:v55+s23+$0x0] =	vst.idx.msk $0xffff, v40;
	v44 =	vld.idx.msk [tilespmem:v45+s30+$0x0], $0xffff  }
0x504: {  	v54 =	vor.u32 v8, v18;
	v41 =	vld.idx.msk [tilespmem:v57+s30+$0x0], $0xffff;
	[tilespmem:v56+s23+$0x0] =	vst.idx.msk $0xffff, v43;
	v56 =	vor.u32 v3, v20  }
0x505: {  	[tilespmem:v59+s23+$0x0] =	vst.idx.msk $0xffff, v58;
	v58 =	vor.u32 v14, v25;
	v59 =	vor.u32 v3, v21;
	v57 =	vld.idx.msk [tilespmem:v60+s30+$0x0], $0xffff  }
0x506: {  	s18 =	simm.s32 $0x6;
	v31 =	vor.u32 v14, v29;
	v55 =	vor.u32 v13, v32;
	v60 =	vld.idx.msk [tilespmem:v63+s30+$0x0], $0xffff;
	[tilespmem:v61+s23+$0x0] =	vst.idx.msk $0xffff, v62  }
0x507: {  	s24 =	simm.s32 $0x7;
	v25 =	vadd.s32 s18, v0;
	[tilespmem:v52+s23+$0x0] =	vst.idx.msk $0xffff, v36;
	v61 =	vor.u32 v4, v23;
	v62 =	vld.idx.msk [tilespmem:v53+s30+$0x0], $0xffff  }
0x508: {  	s14 =	sand.u32 $0x70, s18;
	v29 =	vor.u32 v10, v18;
	v25 =	vand.u32 $0xF, v25;
	v63 =	vadd.s32 s24, v0;
	[tilespmem:v30+s23+$0x0] =	vst.idx.msk $0xffff, v44  }
0x509: {  	v25 =	vor.u32 s14, v25;
	v36 =	vor.u32 v10, v19;
	v33 =	vand.u32 $0xF, v63;
	v34 =	vld.idx.msk [tilespmem:v54+s30+$0x0], $0xffff;
	[tilespmem:v56+s23+$0x0] =	vst.idx.msk $0xffff, v41  }
0x50a: {  	v33 =	vor.u32 s14, v33;
	v44 =	vor.u32 v1, v25;
	v37 =	vld.idx.msk [tilespmem:v58+s30+$0x0], $0xffff;
	[tilespmem:v59+s23+$0x0] =	vst.idx.msk $0xffff, v57  }
0x50b: {  	v43 =	vor.u32 v1, v33;
	v32 =	vshll.u32 v33, $0x7;
	v30 =	vshll.u32 v25, $0x7;
	[tilespmem:v55+s23+$0x0] =	vst.idx.msk $0xffff, v60;
	v39 =	vld.idx.msk [tilespmem:v50+s30+$0x0], $0xffff  }
0x50c: {  	s14 =	simm.s32 $0x8;
	v40 =	vor.u32 v6, v33;
	v41 =	vor.u32 v5, v30;
	v38 =	vld.idx.msk [tilespmem:v61+s30+$0x0], $0xffff;
	[tilespmem:v49+s23+$0x0] =	vst.idx.msk $0xffff, v62  }
.LBB2_24:
0x50d: {  	v45 =	vmovc v33;
	v33 =	vmovc v17;
	v17 =	vmov v21;
	v21 =	vmov v32;
	v32 =	vmov v16  }
0x50e: {  	p0 =	slt.u32 s14, $0x7E;
	v31 =	vld.idx.msk [tilespmem:v31+s30+$0x0], $0xffff;
	v16 =	vmovc v20;
	v20 =	vmovc v30;
	v30 =	vmov v26;
	v26 =	vmov v40;
	v40 =	vmov v27;
	s15 =	smov.u32 s14;
	s14 =	sadd.s32 $0x2, s14  }
0x50f: {  	v46 =	vor.u32 v6, v22;
	v27 =	vmov v41;
	v47 =	vor.u32 v15, v32;
	v36 =	vld.idx.msk [tilespmem:v36+s30+$0x0], $0xffff  }
0x510: {  	v48 =	vor.u32 v12, v19;
	v41 =	vld.idx.msk [tilespmem:v44+s30+$0x0], $0xffff;
	v44 =	vor.u32 v11, v33;
	[tilespmem:v28+s23+$0x0] =	vst.idx.msk $0xffff, v37  }
0x511: {  	v49 =	vor.u32 v0, v21;
	v37 =	vor.u32 v0, v20;
	v43 =	vld.idx.msk [tilespmem:v43+s30+$0x0], $0xffff;
	[tilespmem:v35+s23+$0x0] =	vst.idx.msk $0xffff, v34  }
0x512: {  	v28 =	vor.u32 v15, v33;
	v34 =	vor.u32 v2, v25;
	[tilespmem:v42+s23+$0x0] =	vst.idx.msk $0xffff, v38;
	v29 =	vld.idx.msk [tilespmem:v29+s30+$0x0], $0xffff  }
0x513: {  	v35 =	vor.u32 v2, v45;
	v38 =	vor.u32 v11, v32;
	[tilespmem:v40+s23+$0x0] =	vst.idx.msk $0xffff, v39;
	v30 =	vld.idx.msk [tilespmem:v30+s30+$0x0], $0xffff  }
0x514: {  	v42 =	vor.u32 v12, v18;
	v40 =	vor.u32 v7, v17;
	v39 =	vld.idx.msk [tilespmem:v46+s30+$0x0], $0xffff;
	[tilespmem:v24+s23+$0x0] =	vst.idx.msk $0xffff, v31  }
0x515: {  	v50 =	vor.u32 v8, v23;
	v46 =	vor.u32 v7, v16;
	v24 =	vmov v47;
	[tilespmem:v44+s23+$0x0] =	vst.idx.msk $0xffff, v36  }
0x516: {  	v31 =	vor.u32 v14, v18;
	v36 =	vor.u32 v8, v22;
	[tilespmem:v37+s23+$0x0] =	vst.idx.msk $0xffff, v41;
	v37 =	vld.idx.msk [tilespmem:v48+s30+$0x0], $0xffff  }
0x517: {  	v47 =	vor.u32 v13, v32;
	v32 =	vor.u32 v13, v33;
	v41 =	vld.idx.msk [tilespmem:v34+s30+$0x0], $0xffff;
	[tilespmem:v49+s23+$0x0] =	vst.idx.msk $0xffff, v43  }
0x518: {  	v43 =	vor.u32 v3, v20;
	v48 =	vld.idx.msk [tilespmem:v35+s30+$0x0], $0xffff;
	[tilespmem:v38+s23+$0x0] =	vst.idx.msk $0xffff, v29;
	v38 =	vor.u32 v14, v19  }
0x519: {  	v49 =	vor.u32 v3, v21;
	v29 =	vor.u32 v10, v22;
	[tilespmem:v40+s23+$0x0] =	vst.idx.msk $0xffff, v30;
	v42 =	vld.idx.msk [tilespmem:v42+s30+$0x0], $0xffff  }
0x51a: {  	s16 =	sadd.s32 $0x1, s15;
	v51 =	vor.u32 v4, v45;
	[tilespmem:v46+s23+$0x0] =	vst.idx.msk $0xffff, v39;
	v46 =	vld.idx.msk [tilespmem:v50+s30+$0x0], $0xffff;
	v50 =	vor.u32 v9, v17  }
0x51b: {  	v33 =	vadd.s32 s15, v0;
	v18 =	vmovc v22;
	v22 =	vmovc v25;
	v30 =	vadd.s32 s16, v0;
	v39 =	vor.u32 v4, v25;
	v34 =	vld.idx.msk [tilespmem:v36+s30+$0x0], $0xffff  }
.Ltmp11:
0x51c: {  	s15 =	sand.u32 $0x70, s15;
	v35 =	vor.u32 v9, v16;
	v19 =	vmovc v23;
	v25 =	vand.u32 $0xF, v33;
	v30 =	vand.u32 $0xF, v30;
	[tilespmem:v32+s23+$0x0] =	vst.idx.msk $0xffff, v37;
	(pc) =	sbr.rel @p0 .LBB2_24-.Ltmp11, $4  }
0x51d: {  	v25 =	vor.u32 s15, v25;
	v33 =	vor.u32 s15, v30;
	v36 =	vor.u32 v10, v19;
	[tilespmem:v43+s23+$0x0] =	vst.idx.msk $0xffff, v41;
	v37 =	vld.idx.msk [tilespmem:v38+s30+$0x0], $0xffff  }
0x51e: {  	v44 =	vor.u32 v1, v25;
	v32 =	vshll.u32 v33, $0x7;
	v43 =	vor.u32 v1, v33;
	[tilespmem:v49+s23+$0x0] =	vst.idx.msk $0xffff, v48  }
0x51f: {  	v23 =	vmov v45;
	v30 =	vshll.u32 v25, $0x7;
	v40 =	vor.u32 v6, v33;
	v38 =	vld.idx.msk [tilespmem:v51+s30+$0x0], $0xffff;
	[tilespmem:v47+s23+$0x0] =	vst.idx.msk $0xffff, v42  }
0x520: {  	v41 =	vor.u32 v5, v30;
	v42 =	vor.u32 v5, v21;
	v39 =	vld.idx.msk [tilespmem:v39+s30+$0x0], $0xffff;
	[tilespmem:v50+s23+$0x0] =	vst.idx.msk $0xffff, v46  }
0x521: {  	_ =	sdelay $0x3  }
0x522: {  	v43 =	vld.idx.msk [tilespmem:v43+s30+$0x0], $0xffff;
	v45 =	vor.u32 v0, v32  }
0x523: {  	v44 =	vld.idx.msk [tilespmem:v44+s30+$0x0], $0xffff;
	v46 =	vor.u32 v0, v30;
	v47 =	vor.u32 v2, v33  }
0x524: {  	v48 =	vor.u32 v2, v25;
	_ =	sdelay $0x2  }
0x525: {  	[tilespmem:v45+s23+$0x0] =	vst.idx.msk $0xffff, v43  }
0x526: {  	v52 =	vor.u32 v3, v32;
	[tilespmem:v46+s23+$0x0] =	vst.idx.msk $0xffff, v44;
	v43 =	vld.idx.msk [tilespmem:v47+s30+$0x0], $0xffff  }
0x527: {  	v54 =	vor.u32 v3, v30;
	v55 =	vor.u32 v4, v33;
	v53 =	vld.idx.msk [tilespmem:v48+s30+$0x0], $0xffff  }
0x528: {  	v56 =	vor.u32 v4, v25;
	_ =	sdelay $0x2  }
0x529: {  	[tilespmem:v52+s23+$0x0] =	vst.idx.msk $0xffff, v43  }
0x52a: {  	v57 =	vor.u32 v6, v22;
	v58 =	vor.u32 v5, v32;
	[tilespmem:v54+s23+$0x0] =	vst.idx.msk $0xffff, v53;
	v44 =	vld.idx.msk [tilespmem:v55+s30+$0x0], $0xffff  }
0x52b: {  	v46 =	vld.idx.msk [tilespmem:v56+s30+$0x0], $0xffff  }
0x52c: {  	v59 =	vor.u32 v6, v25  }
0x52d: {  	[tilespmem:v42+s23+$0x0] =	vst.idx.msk $0xffff, v38  }
0x52e: {  	[tilespmem:v27+s23+$0x0] =	vst.idx.msk $0xffff, v39;
	v26 =	vld.idx.msk [tilespmem:v26+s30+$0x0], $0xffff;
	v27 =	vor.u32 v7, v21  }
0x52f: {  	v61 =	vor.u32 v7, v20;
	v62 =	vor.u32 v8, v23;
	v60 =	vld.idx.msk [tilespmem:v57+s30+$0x0], $0xffff;
	[tilespmem:v58+s23+$0x0] =	vst.idx.msk $0xffff, v44  }
0x530: {  	v63 =	vor.u32 v8, v22;
	v48 =	vor.u32 v7, v32;
	[tilespmem:v41+s23+$0x0] =	vst.idx.msk $0xffff, v46;
	v40 =	vld.idx.msk [tilespmem:v40+s30+$0x0], $0xffff  }
0x531: {  	v50 =	vor.u32 v7, v30;
	v51 =	vor.u32 v8, v33;
	v49 =	vld.idx.msk [tilespmem:v59+s30+$0x0], $0xffff  }
0x532: {  	[tilespmem:v28+s23+$0x0] =	vst.idx.msk $0xffff, v37;
	v28 =	vor.u32 v8, v25  }
0x533: {  	v31 =	vld.idx.msk [tilespmem:v31+s30+$0x0], $0xffff;
	[tilespmem:v27+s23+$0x0] =	vst.idx.msk $0xffff, v26  }
0x534: {  	v27 =	vor.u32 v9, v21;
	[tilespmem:v61+s23+$0x0] =	vst.idx.msk $0xffff, v60;
	v26 =	vld.idx.msk [tilespmem:v62+s30+$0x0], $0xffff  }
0x535: {  	v52 =	vld.idx.msk [tilespmem:v63+s30+$0x0], $0xffff;
	v53 =	vor.u32 v9, v20;
	v54 =	vor.u32 v10, v23;
	[tilespmem:v48+s23+$0x0] =	vst.idx.msk $0xffff, v40  }
0x536: {  	v55 =	vor.u32 v10, v22;
	v56 =	vor.u32 v9, v32;
	[tilespmem:v50+s23+$0x0] =	vst.idx.msk $0xffff, v49;
	v41 =	vld.idx.msk [tilespmem:v51+s30+$0x0], $0xffff  }
0x537: {  	[tilespmem:v35+s23+$0x0] =	vst.idx.msk $0xffff, v34;
	v57 =	vor.u32 v9, v30;
	v58 =	vor.u32 v10, v33;
	v28 =	vld.idx.msk [tilespmem:v28+s30+$0x0], $0xffff  }
0x538: {  	v36 =	vld.idx.msk [tilespmem:v36+s30+$0x0], $0xffff;
	[tilespmem:v24+s23+$0x0] =	vst.idx.msk $0xffff, v31;
	v24 =	vor.u32 v10, v25;
	v59 =	vor.u32 v11, v17  }
0x539: {  	v29 =	vld.idx.msk [tilespmem:v29+s30+$0x0], $0xffff;
	v31 =	vor.u32 v12, v19;
	v60 =	vor.u32 v11, v16;
	[tilespmem:v27+s23+$0x0] =	vst.idx.msk $0xffff, v26  }
0x53a: {  	v61 =	vor.u32 v11, v21;
	v26 =	vor.u32 v12, v18;
	v27 =	vld.idx.msk [tilespmem:v54+s30+$0x0], $0xffff;
	[tilespmem:v53+s23+$0x0] =	vst.idx.msk $0xffff, v52  }
0x53b: {  	v62 =	vor.u32 v12, v23;
	v63 =	vor.u32 v11, v20;
	v38 =	vld.idx.msk [tilespmem:v55+s30+$0x0], $0xffff;
	[tilespmem:v56+s23+$0x0] =	vst.idx.msk $0xffff, v41  }
0x53c: {  	v45 =	vor.u32 v12, v22;
	v46 =	vor.u32 v11, v32;
	[tilespmem:v57+s23+$0x0] =	vst.idx.msk $0xffff, v28;
	v35 =	vld.idx.msk [tilespmem:v58+s30+$0x0], $0xffff  }
0x53d: {  	v47 =	vor.u32 v11, v30;
	[tilespmem:v59+s23+$0x0] =	vst.idx.msk $0xffff, v36;
	v28 =	vor.u32 v12, v33;
	v24 =	vld.idx.msk [tilespmem:v24+s30+$0x0], $0xffff  }
0x53e: {  	[tilespmem:v60+s23+$0x0] =	vst.idx.msk $0xffff, v29;
	v29 =	vor.u32 v12, v25;
	v48 =	vor.u32 v13, v17;
	v31 =	vld.idx.msk [tilespmem:v31+s30+$0x0], $0xffff  }
0x53f: {  	v19 =	vor.u32 v14, v19;
	v26 =	vld.idx.msk [tilespmem:v26+s30+$0x0], $0xffff;
	[tilespmem:v61+s23+$0x0] =	vst.idx.msk $0xffff, v27;
	v49 =	vor.u32 v13, v16  }
0x540: {  	v18 =	vor.u32 v14, v18;
	v27 =	vld.idx.msk [tilespmem:v62+s30+$0x0], $0xffff;
	[tilespmem:v63+s23+$0x0] =	vst.idx.msk $0xffff, v38;
	v50 =	vor.u32 v13, v21  }
0x541: {  	v23 =	vor.u32 v14, v23;
	v52 =	vld.idx.msk [tilespmem:v45+s30+$0x0], $0xffff;
	v51 =	vor.u32 v13, v20;
	[tilespmem:v46+s23+$0x0] =	vst.idx.msk $0xffff, v35  }
0x542: {  	v22 =	vor.u32 v14, v22;
	v53 =	vor.u32 v13, v32;
	[tilespmem:v47+s23+$0x0] =	vst.idx.msk $0xffff, v24;
	v28 =	vld.idx.msk [tilespmem:v28+s30+$0x0], $0xffff  }
0x543: {  	[tilespmem:v48+s23+$0x0] =	vst.idx.msk $0xffff, v31;
	v31 =	vor.u32 v14, v33;
	v24 =	vor.u32 v13, v30;
	v29 =	vld.idx.msk [tilespmem:v29+s30+$0x0], $0xffff  }
0x544: {  	v25 =	vor.u32 v14, v25;
	v17 =	vor.u32 v15, v17;
	[tilespmem:v49+s23+$0x0] =	vst.idx.msk $0xffff, v26;
	v19 =	vld.idx.msk [tilespmem:v19+s30+$0x0], $0xffff  }
0x545: {  	v16 =	vor.u32 v15, v16;
	[tilespmem:v50+s23+$0x0] =	vst.idx.msk $0xffff, v27;
	v18 =	vld.idx.msk [tilespmem:v18+s30+$0x0], $0xffff  }
0x546: {  	v21 =	vor.u32 v15, v21;
	v23 =	vld.idx.msk [tilespmem:v23+s30+$0x0], $0xffff;
	[tilespmem:v51+s23+$0x0] =	vst.idx.msk $0xffff, v52  }
0x547: {  	v20 =	vor.u32 v15, v20;
	v22 =	vld.idx.msk [tilespmem:v22+s30+$0x0], $0xffff;
	[tilespmem:v53+s23+$0x0] =	vst.idx.msk $0xffff, v28  }
0x548: {  	s14 =	simm.s32 $0x1;
	v26 =	vor.u32 v15, v32;
	[tilespmem:v24+s23+$0x0] =	vst.idx.msk $0xffff, v29;
	v27 =	vld.idx.msk [tilespmem:v31+s30+$0x0], $0xffff  }
0x549: {  	s15 =	simm.s32 $0x0;
	[tilespmem:v17+s23+$0x0] =	vst.idx.msk $0xffff, v19;
	v17 =	vor.u32 v15, v30;
	v24 =	vadd.s32 s14, v0;
	v19 =	vld.idx.msk [tilespmem:v25+s30+$0x0], $0xffff  }
0x54a: {  	s16 =	sand.u32 $0x30, s15;
	[tilespmem:v16+s23+$0x0] =	vst.idx.msk $0xffff, v18;
	v24 =	vand.u32 $0xF, v24  }
0x54b: {  	v16 =	vadd.s32 s15, v0;
	[tilespmem:v21+s23+$0x0] =	vst.idx.msk $0xffff, v23;
	v25 =	vor.u32 s16, v24  }
0x54c: {  	v16 =	vand.u32 $0xF, v16;
	[tilespmem:v20+s23+$0x0] =	vst.idx.msk $0xffff, v22;
	v18 =	vor.u32 v1, v25  }
0x54d: {  	v29 =	vor.u32 s16, v16;
	[tilespmem:v26+s23+$0x0] =	vst.idx.msk $0xffff, v27  }
0x54e: {  	v16 =	vor.u32 v1, v29;
	[tilespmem:v17+s23+$0x0] =	vst.idx.msk $0xffff, v19  }
0x54f: {  	s17 =	rddreg [dreg:$0xc]  }
0x550: {  	v30 =	vshll.u32 v25, $0x7;
	[hbm4b:s17+s19] =	stream.strided.scatter [tilespmem:s23], [sflag:$0x4], $0x4000, s20, s19, $0x38;
	[tilespmem:$0x1F800] =	vst v63  }
0x551: {  	v17 =	vld.idx.msk [tilespmem:v18+s0+$0x0], $0xffff;
	v18 =	vor.u32 v0, v30  }
0x552: {  	v32 =	vshll.u32 v29, $0x7;
	v19 =	vor.u32 v2, v25  }
0x553: {  	v20 =	vor.u32 v0, v32;
	v16 =	vld.idx.msk [tilespmem:v16+s0+$0x0], $0xffff  }
0x554: {  	v21 =	vor.u32 v2, v29;
	_ =	sdelay $0x1  }
0x555: {  	[tilespmem:v18+s9+$0x0] =	vst.idx.msk $0xffff, v17  }
0x556: {  	v22 =	vor.u32 v3, v30;
	v17 =	vld.idx.msk [tilespmem:v19+s0+$0x0], $0xffff  }
0x557: {  	s24 =	simm.s32 $0x3;
	[tilespmem:v20+s9+$0x0] =	vst.idx.msk $0xffff, v16;
	v16 =	vor.u32 v4, v25  }
0x558: {  	s18 =	simm.s32 $0x2;
	v20 =	vld.idx.msk [tilespmem:v21+s0+$0x0], $0xffff;
	v21 =	vor.u32 v3, v32;
	v19 =	vadd.s32 s24, v0  }
0x559: {  	s14 =	sand.u32 $0x30, s18;
	v23 =	vor.u32 v4, v29;
	v18 =	vadd.s32 s18, v0;
	v19 =	vand.u32 $0xF, v19  }
0x55a: {  	v18 =	vand.u32 $0xF, v18;
	v19 =	vor.u32 s14, v19  }
0x55b: {  	v18 =	vor.u32 s14, v18;
	v26 =	vor.u32 v1, v19;
	[tilespmem:v22+s9+$0x0] =	vst.idx.msk $0xffff, v17  }
0x55c: {  	v27 =	vor.u32 v5, v30;
	v24 =	vor.u32 v1, v18;
	v22 =	vld.idx.msk [tilespmem:v16+s0+$0x0], $0xffff  }
0x55d: {  	v28 =	vor.u32 v6, v25;
	[tilespmem:v21+s9+$0x0] =	vst.idx.msk $0xffff, v20  }
0x55e: {  	v20 =	vor.u32 v5, v32;
	v21 =	vld.idx.msk [tilespmem:v23+s0+$0x0], $0xffff  }
0x55f: {  	v50 =	vor.u32 v10, v29;
	v48 =	vor.u32 v9, v32;
	v17 =	vshll.u32 v19, $0x7  }
0x560: {  	v16 =	vshll.u32 v18, $0x7;
	v23 =	vor.u32 v6, v29;
	v54 =	vor.u32 v0, v17;
	v26 =	vld.idx.msk [tilespmem:v26+s0+$0x0], $0xffff  }
0x561: {  	v24 =	vld.idx.msk [tilespmem:v24+s0+$0x0], $0xffff;
	v31 =	vor.u32 v0, v16;
	[tilespmem:v27+s9+$0x0] =	vst.idx.msk $0xffff, v22;
	v22 =	vor.u32 v2, v19  }
0x562: {  	v60 =	vor.u32 v10, v25;
	v55 =	vor.u32 v2, v18;
	v27 =	vld.idx.msk [tilespmem:v28+s0+$0x0], $0xffff;
	v28 =	vor.u32 v7, v30  }
0x563: {  	v45 =	vor.u32 v12, v25;
	[tilespmem:v20+s9+$0x0] =	vst.idx.msk $0xffff, v21;
	v20 =	vor.u32 v8, v25  }
0x564: {  	v59 =	vor.u32 v4, v18;
	v53 =	vor.u32 v6, v18;
	v58 =	vor.u32 v3, v17  }
0x565: {  	v52 =	vor.u32 v5, v17;
	v21 =	vld.idx.msk [tilespmem:v23+s0+$0x0], $0xffff;
	v23 =	vor.u32 v7, v32;
	[tilespmem:v54+s9+$0x0] =	vst.idx.msk $0xffff, v26  }
0x566: {  	s16 =	simm.s32 $0x4;
	v56 =	vor.u32 v3, v16;
	[tilespmem:v31+s9+$0x0] =	vst.idx.msk $0xffff, v24;
	v26 =	vor.u32 v8, v29;
	v57 =	vld.idx.msk [tilespmem:v22+s0+$0x0], $0xffff  }
0x567: {  	s17 =	simm.s32 $0x5;
	v24 =	vld.idx.msk [tilespmem:v55+s0+$0x0], $0xffff;
	v22 =	vadd.s32 s16, v0;
	[tilespmem:v28+s9+$0x0] =	vst.idx.msk $0xffff, v27;
	v27 =	vor.u32 v4, v19  }
0x568: {  	s14 =	sand.u32 $0x30, s16;
	v28 =	vor.u32 v9, v30;
	v22 =	vand.u32 $0xF, v22;
	v36 =	vld.idx.msk [tilespmem:v20+s0+$0x0], $0xffff;
	v20 =	vadd.s32 s17, v0  }
0x569: {  	v61 =	vor.u32 v5, v16;
	v22 =	vor.u32 s14, v22;
	v20 =	vand.u32 $0xF, v20  }
0x56a: {  	v35 =	vor.u32 v9, v16;
	[tilespmem:v23+s9+$0x0] =	vst.idx.msk $0xffff, v21;
	v62 =	vor.u32 v1, v22;
	v23 =	vor.u32 s14, v20  }
0x56b: {  	v31 =	vor.u32 v6, v19;
	v63 =	vld.idx.msk [tilespmem:v26+s0+$0x0], $0xffff;
	v49 =	vor.u32 v1, v23;
	[tilespmem:v58+s9+$0x0] =	vst.idx.msk $0xffff, v57  }
0x56c: {  	v54 =	vor.u32 v11, v30;
	[tilespmem:v56+s9+$0x0] =	vst.idx.msk $0xffff, v24;
	v24 =	vor.u32 v15, v32;
	v51 =	vld.idx.msk [tilespmem:v27+s0+$0x0], $0xffff  }
0x56d: {  	v37 =	vld.idx.msk [tilespmem:v59+s0+$0x0], $0xffff;
	v59 =	vor.u32 v11, v32;
	v20 =	vshll.u32 v22, $0x7;
	[tilespmem:v28+s9+$0x0] =	vst.idx.msk $0xffff, v36  }
0x56e: {  	v21 =	vshll.u32 v23, $0x7;
	v26 =	vor.u32 v6, v23;
	v55 =	vor.u32 v0, v20;
	v38 =	vld.idx.msk [tilespmem:v60+s0+$0x0], $0xffff  }
0x56f: {  	v57 =	vor.u32 v2, v22;
	v27 =	vor.u32 v5, v20;
	v56 =	vor.u32 v0, v21;
	v40 =	vld.idx.msk [tilespmem:v62+s0+$0x0], $0xffff  }
0x570: {  	v42 =	vor.u32 v5, v21;
	[tilespmem:v48+s9+$0x0] =	vst.idx.msk $0xffff, v63;
	v28 =	vor.u32 v15, v30;
	v43 =	vld.idx.msk [tilespmem:v49+s0+$0x0], $0xffff  }
0x571: {  	v63 =	vor.u32 v12, v29;
	v58 =	vld.idx.msk [tilespmem:v50+s0+$0x0], $0xffff;
	v60 =	vor.u32 v2, v23;
	[tilespmem:v52+s9+$0x0] =	vst.idx.msk $0xffff, v51  }
0x572: {  	v30 =	vor.u32 v13, v30;
	[tilespmem:v61+s9+$0x0] =	vst.idx.msk $0xffff, v37;
	v61 =	vor.u32 v7, v17;
	v62 =	vld.idx.msk [tilespmem:v31+s0+$0x0], $0xffff  }
0x573: {  	v36 =	vld.idx.msk [tilespmem:v53+s0+$0x0], $0xffff;
	v53 =	vor.u32 v8, v19;
	v52 =	vor.u32 v7, v16;
	[tilespmem:v54+s9+$0x0] =	vst.idx.msk $0xffff, v38  }
0x574: {  	v50 =	vor.u32 v4, v22;
	v49 =	vor.u32 v9, v17;
	[tilespmem:v55+s9+$0x0] =	vst.idx.msk $0xffff, v40;
	v44 =	vld.idx.msk [tilespmem:v45+s0+$0x0], $0xffff  }
0x575: {  	v54 =	vor.u32 v8, v18;
	v41 =	vld.idx.msk [tilespmem:v57+s0+$0x0], $0xffff;
	[tilespmem:v56+s9+$0x0] =	vst.idx.msk $0xffff, v43;
	v56 =	vor.u32 v3, v20  }
0x576: {  	[tilespmem:v59+s9+$0x0] =	vst.idx.msk $0xffff, v58;
	v58 =	vor.u32 v14, v25;
	v59 =	vor.u32 v3, v21;
	v57 =	vld.idx.msk [tilespmem:v60+s0+$0x0], $0xffff  }
0x577: {  	s18 =	simm.s32 $0x6;
	v31 =	vor.u32 v14, v29;
	v55 =	vor.u32 v13, v32;
	v60 =	vld.idx.msk [tilespmem:v63+s0+$0x0], $0xffff;
	[tilespmem:v61+s9+$0x0] =	vst.idx.msk $0xffff, v62  }
0x578: {  	s24 =	simm.s32 $0x7;
	v25 =	vadd.s32 s18, v0;
	[tilespmem:v52+s9+$0x0] =	vst.idx.msk $0xffff, v36;
	v61 =	vor.u32 v4, v23;
	v62 =	vld.idx.msk [tilespmem:v53+s0+$0x0], $0xffff  }
0x579: {  	s14 =	sand.u32 $0x30, s18;
	v29 =	vor.u32 v10, v18;
	v25 =	vand.u32 $0xF, v25;
	v63 =	vadd.s32 s24, v0;
	[tilespmem:v30+s9+$0x0] =	vst.idx.msk $0xffff, v44  }
0x57a: {  	v25 =	vor.u32 s14, v25;
	v36 =	vor.u32 v10, v19;
	v33 =	vand.u32 $0xF, v63;
	v34 =	vld.idx.msk [tilespmem:v54+s0+$0x0], $0xffff;
	[tilespmem:v56+s9+$0x0] =	vst.idx.msk $0xffff, v41  }
0x57b: {  	v33 =	vor.u32 s14, v33;
	v44 =	vor.u32 v1, v25;
	v37 =	vld.idx.msk [tilespmem:v58+s0+$0x0], $0xffff;
	[tilespmem:v59+s9+$0x0] =	vst.idx.msk $0xffff, v57  }
0x57c: {  	v43 =	vor.u32 v1, v33;
	v32 =	vshll.u32 v33, $0x7;
	v30 =	vshll.u32 v25, $0x7;
	[tilespmem:v55+s9+$0x0] =	vst.idx.msk $0xffff, v60;
	v39 =	vld.idx.msk [tilespmem:v50+s0+$0x0], $0xffff  }
0x57d: {  	s14 =	simm.s32 $0x8;
	v40 =	vor.u32 v6, v33;
	v41 =	vor.u32 v5, v30;
	v38 =	vld.idx.msk [tilespmem:v61+s0+$0x0], $0xffff;
	[tilespmem:v49+s9+$0x0] =	vst.idx.msk $0xffff, v62  }
.LBB2_26:
0x57e: {  	v45 =	vmovc v33;
	v33 =	vmovc v17;
	v17 =	vmov v21;
	v21 =	vmov v32;
	v32 =	vmov v16  }
0x57f: {  	p0 =	slt.u32 s14, $0x3E;
	v31 =	vld.idx.msk [tilespmem:v31+s0+$0x0], $0xffff;
	v16 =	vmovc v20;
	v20 =	vmovc v30;
	v30 =	vmov v26;
	v26 =	vmov v40;
	v40 =	vmov v27;
	s15 =	smov.u32 s14;
	s14 =	sadd.s32 $0x2, s14  }
0x580: {  	v46 =	vor.u32 v6, v22;
	v27 =	vmov v41;
	v47 =	vor.u32 v15, v32;
	v36 =	vld.idx.msk [tilespmem:v36+s0+$0x0], $0xffff  }
0x581: {  	v48 =	vor.u32 v12, v19;
	v41 =	vld.idx.msk [tilespmem:v44+s0+$0x0], $0xffff;
	v44 =	vor.u32 v11, v33;
	[tilespmem:v28+s9+$0x0] =	vst.idx.msk $0xffff, v37  }
0x582: {  	v49 =	vor.u32 v0, v21;
	v37 =	vor.u32 v0, v20;
	v43 =	vld.idx.msk [tilespmem:v43+s0+$0x0], $0xffff;
	[tilespmem:v35+s9+$0x0] =	vst.idx.msk $0xffff, v34  }
0x583: {  	v28 =	vor.u32 v15, v33;
	v34 =	vor.u32 v2, v25;
	[tilespmem:v42+s9+$0x0] =	vst.idx.msk $0xffff, v38;
	v29 =	vld.idx.msk [tilespmem:v29+s0+$0x0], $0xffff  }
0x584: {  	v35 =	vor.u32 v2, v45;
	v38 =	vor.u32 v11, v32;
	[tilespmem:v40+s9+$0x0] =	vst.idx.msk $0xffff, v39;
	v30 =	vld.idx.msk [tilespmem:v30+s0+$0x0], $0xffff  }
0x585: {  	v42 =	vor.u32 v12, v18;
	v40 =	vor.u32 v7, v17;
	v39 =	vld.idx.msk [tilespmem:v46+s0+$0x0], $0xffff;
	[tilespmem:v24+s9+$0x0] =	vst.idx.msk $0xffff, v31  }
0x586: {  	v50 =	vor.u32 v8, v23;
	v46 =	vor.u32 v7, v16;
	v24 =	vmov v47;
	[tilespmem:v44+s9+$0x0] =	vst.idx.msk $0xffff, v36  }
0x587: {  	v31 =	vor.u32 v14, v18;
	v36 =	vor.u32 v8, v22;
	[tilespmem:v37+s9+$0x0] =	vst.idx.msk $0xffff, v41;
	v37 =	vld.idx.msk [tilespmem:v48+s0+$0x0], $0xffff  }
0x588: {  	v47 =	vor.u32 v13, v32;
	v32 =	vor.u32 v13, v33;
	v41 =	vld.idx.msk [tilespmem:v34+s0+$0x0], $0xffff;
	[tilespmem:v49+s9+$0x0] =	vst.idx.msk $0xffff, v43  }
0x589: {  	v43 =	vor.u32 v3, v20;
	v48 =	vld.idx.msk [tilespmem:v35+s0+$0x0], $0xffff;
	[tilespmem:v38+s9+$0x0] =	vst.idx.msk $0xffff, v29;
	v38 =	vor.u32 v14, v19  }
0x58a: {  	v49 =	vor.u32 v3, v21;
	v29 =	vor.u32 v10, v22;
	[tilespmem:v40+s9+$0x0] =	vst.idx.msk $0xffff, v30;
	v42 =	vld.idx.msk [tilespmem:v42+s0+$0x0], $0xffff  }
0x58b: {  	s16 =	sadd.s32 $0x1, s15;
	v51 =	vor.u32 v4, v45;
	[tilespmem:v46+s9+$0x0] =	vst.idx.msk $0xffff, v39;
	v46 =	vld.idx.msk [tilespmem:v50+s0+$0x0], $0xffff;
	v50 =	vor.u32 v9, v17  }
0x58c: {  	v33 =	vadd.s32 s15, v0;
	v18 =	vmovc v22;
	v22 =	vmovc v25;
	v30 =	vadd.s32 s16, v0;
	v39 =	vor.u32 v4, v25;
	v34 =	vld.idx.msk [tilespmem:v36+s0+$0x0], $0xffff  }
.Ltmp12:
0x58d: {  	s15 =	sand.u32 $0x30, s15;
	v35 =	vor.u32 v9, v16;
	v19 =	vmovc v23;
	v25 =	vand.u32 $0xF, v33;
	v30 =	vand.u32 $0xF, v30;
	[tilespmem:v32+s9+$0x0] =	vst.idx.msk $0xffff, v37;
	(pc) =	sbr.rel @p0 .LBB2_26-.Ltmp12, $4  }
0x58e: {  	v25 =	vor.u32 s15, v25;
	v33 =	vor.u32 s15, v30;
	v36 =	vor.u32 v10, v19;
	[tilespmem:v43+s9+$0x0] =	vst.idx.msk $0xffff, v41;
	v37 =	vld.idx.msk [tilespmem:v38+s0+$0x0], $0xffff  }
0x58f: {  	v44 =	vor.u32 v1, v25;
	v32 =	vshll.u32 v33, $0x7;
	v43 =	vor.u32 v1, v33;
	[tilespmem:v49+s9+$0x0] =	vst.idx.msk $0xffff, v48  }
0x590: {  	v23 =	vmov v45;
	v30 =	vshll.u32 v25, $0x7;
	v40 =	vor.u32 v6, v33;
	v38 =	vld.idx.msk [tilespmem:v51+s0+$0x0], $0xffff;
	[tilespmem:v47+s9+$0x0] =	vst.idx.msk $0xffff, v42  }
0x591: {  	v41 =	vor.u32 v5, v30;
	v42 =	vor.u32 v5, v21;
	v39 =	vld.idx.msk [tilespmem:v39+s0+$0x0], $0xffff;
	[tilespmem:v50+s9+$0x0] =	vst.idx.msk $0xffff, v46  }
0x592: {  	_ =	sdelay $0x3  }
0x593: {  	v43 =	vld.idx.msk [tilespmem:v43+s0+$0x0], $0xffff;
	v45 =	vor.u32 v0, v32  }
0x594: {  	v44 =	vld.idx.msk [tilespmem:v44+s0+$0x0], $0xffff;
	v46 =	vor.u32 v0, v30;
	v47 =	vor.u32 v2, v33  }
0x595: {  	v48 =	vor.u32 v2, v25;
	_ =	sdelay $0x2  }
0x596: {  	[tilespmem:v45+s9+$0x0] =	vst.idx.msk $0xffff, v43  }
0x597: {  	v57 =	vor.u32 v3, v32;
	[tilespmem:v46+s9+$0x0] =	vst.idx.msk $0xffff, v44;
	v43 =	vld.idx.msk [tilespmem:v47+s0+$0x0], $0xffff  }
0x598: {  	v59 =	vor.u32 v3, v30;
	v60 =	vor.u32 v4, v33;
	v58 =	vld.idx.msk [tilespmem:v48+s0+$0x0], $0xffff  }
0x599: {  	v61 =	vor.u32 v4, v25;
	_ =	sdelay $0x2  }
0x59a: {  	[tilespmem:v57+s9+$0x0] =	vst.idx.msk $0xffff, v43  }
0x59b: {  	v62 =	vor.u32 v6, v22;
	v63 =	vor.u32 v5, v32;
	[tilespmem:v59+s9+$0x0] =	vst.idx.msk $0xffff, v58;
	v44 =	vld.idx.msk [tilespmem:v60+s0+$0x0], $0xffff  }
0x59c: {  	v46 =	vld.idx.msk [tilespmem:v61+s0+$0x0], $0xffff  }
0x59d: {  	v49 =	vor.u32 v6, v25  }
0x59e: {  	[tilespmem:v42+s9+$0x0] =	vst.idx.msk $0xffff, v38  }
0x59f: {  	v50 =	vor.u32 v7, v21;
	[tilespmem:v27+s9+$0x0] =	vst.idx.msk $0xffff, v39;
	v26 =	vld.idx.msk [tilespmem:v26+s0+$0x0], $0xffff  }
0x5a0: {  	v52 =	vor.u32 v7, v20;
	v53 =	vor.u32 v8, v23;
	v51 =	vld.idx.msk [tilespmem:v62+s0+$0x0], $0xffff;
	[tilespmem:v63+s9+$0x0] =	vst.idx.msk $0xffff, v44  }
0x5a1: {  	v54 =	vor.u32 v8, v22;
	v55 =	vor.u32 v7, v32;
	[tilespmem:v41+s9+$0x0] =	vst.idx.msk $0xffff, v46;
	v40 =	vld.idx.msk [tilespmem:v40+s0+$0x0], $0xffff  }
0x5a2: {  	v57 =	vor.u32 v7, v30;
	v58 =	vor.u32 v8, v33;
	v56 =	vld.idx.msk [tilespmem:v49+s0+$0x0], $0xffff  }
0x5a3: {  	[tilespmem:v35+s9+$0x0] =	vst.idx.msk $0xffff, v34;
	v59 =	vor.u32 v8, v25  }
0x5a4: {  	v31 =	vld.idx.msk [tilespmem:v31+s0+$0x0], $0xffff;
	[tilespmem:v50+s9+$0x0] =	vst.idx.msk $0xffff, v26  }
0x5a5: {  	[tilespmem:v52+s9+$0x0] =	vst.idx.msk $0xffff, v51;
	v26 =	vld.idx.msk [tilespmem:v53+s0+$0x0], $0xffff;
	v60 =	vor.u32 v9, v21  }
0x5a6: {  	v62 =	vor.u32 v9, v20;
	v61 =	vld.idx.msk [tilespmem:v54+s0+$0x0], $0xffff;
	v63 =	vor.u32 v10, v23;
	[tilespmem:v55+s9+$0x0] =	vst.idx.msk $0xffff, v40  }
0x5a7: {  	v48 =	vor.u32 v10, v22;
	v49 =	vor.u32 v9, v32;
	[tilespmem:v57+s9+$0x0] =	vst.idx.msk $0xffff, v56;
	v41 =	vld.idx.msk [tilespmem:v58+s0+$0x0], $0xffff  }
0x5a8: {  	[tilespmem:v28+s9+$0x0] =	vst.idx.msk $0xffff, v37;
	v50 =	vor.u32 v9, v30;
	v51 =	vor.u32 v10, v33;
	v28 =	vld.idx.msk [tilespmem:v59+s0+$0x0], $0xffff  }
0x5a9: {  	v36 =	vld.idx.msk [tilespmem:v36+s0+$0x0], $0xffff;
	[tilespmem:v24+s9+$0x0] =	vst.idx.msk $0xffff, v31;
	v52 =	vor.u32 v11, v17;
	v53 =	vor.u32 v10, v25  }
0x5aa: {  	v29 =	vld.idx.msk [tilespmem:v29+s0+$0x0], $0xffff;
	v54 =	vor.u32 v12, v19;
	[tilespmem:v60+s9+$0x0] =	vst.idx.msk $0xffff, v26;
	v55 =	vor.u32 v11, v16  }
0x5ab: {  	[tilespmem:v62+s9+$0x0] =	vst.idx.msk $0xffff, v61;
	v27 =	vld.idx.msk [tilespmem:v63+s0+$0x0], $0xffff;
	v56 =	vor.u32 v12, v18;
	v57 =	vor.u32 v11, v21  }
0x5ac: {  	v38 =	vld.idx.msk [tilespmem:v48+s0+$0x0], $0xffff;
	v58 =	vor.u32 v12, v23;
	v59 =	vor.u32 v11, v20;
	[tilespmem:v49+s9+$0x0] =	vst.idx.msk $0xffff, v41  }
0x5ad: {  	v60 =	vor.u32 v12, v22;
	v61 =	vor.u32 v11, v32;
	[tilespmem:v50+s9+$0x0] =	vst.idx.msk $0xffff, v28;
	v35 =	vld.idx.msk [tilespmem:v51+s0+$0x0], $0xffff  }
0x5ae: {  	[tilespmem:v52+s9+$0x0] =	vst.idx.msk $0xffff, v36;
	v62 =	vor.u32 v12, v33;
	v63 =	vor.u32 v11, v30;
	v24 =	vld.idx.msk [tilespmem:v53+s0+$0x0], $0xffff  }
0x5af: {  	v45 =	vor.u32 v13, v17;
	v31 =	vld.idx.msk [tilespmem:v54+s0+$0x0], $0xffff;
	v46 =	vor.u32 v12, v25;
	[tilespmem:v55+s9+$0x0] =	vst.idx.msk $0xffff, v29  }
0x5b0: {  	v47 =	vor.u32 v13, v16;
	v48 =	vor.u32 v14, v19;
	[tilespmem:v57+s9+$0x0] =	vst.idx.msk $0xffff, v27;
	v26 =	vld.idx.msk [tilespmem:v56+s0+$0x0], $0xffff  }
0x5b1: {  	v49 =	vor.u32 v14, v18;
	v27 =	vld.idx.msk [tilespmem:v58+s0+$0x0], $0xffff;
	v50 =	vor.u32 v13, v21;
	[tilespmem:v59+s9+$0x0] =	vst.idx.msk $0xffff, v38  }
0x5b2: {  	v52 =	vor.u32 v14, v23;
	v51 =	vor.u32 v13, v20;
	v53 =	vld.idx.msk [tilespmem:v60+s0+$0x0], $0xffff;
	[tilespmem:v61+s9+$0x0] =	vst.idx.msk $0xffff, v35  }
0x5b3: {  	v54 =	vor.u32 v14, v22;
	v55 =	vor.u32 v13, v32;
	[tilespmem:v63+s9+$0x0] =	vst.idx.msk $0xffff, v24;
	v28 =	vld.idx.msk [tilespmem:v62+s0+$0x0], $0xffff  }
0x5b4: {  	[tilespmem:v45+s9+$0x0] =	vst.idx.msk $0xffff, v31;
	v57 =	vor.u32 v14, v33;
	v56 =	vor.u32 v13, v30;
	v29 =	vld.idx.msk [tilespmem:v46+s0+$0x0], $0xffff  }
0x5b5: {  	v17 =	vor.u32 v15, v17;
	v19 =	vld.idx.msk [tilespmem:v48+s0+$0x0], $0xffff;
	v58 =	vor.u32 v14, v25;
	[tilespmem:v47+s9+$0x0] =	vst.idx.msk $0xffff, v26  }
0x5b6: {  	v16 =	vor.u32 v15, v16;
	[tilespmem:v50+s9+$0x0] =	vst.idx.msk $0xffff, v27;
	v18 =	vld.idx.msk [tilespmem:v49+s0+$0x0], $0xffff  }
0x5b7: {  	v59 =	vor.u32 v15, v21;
	v23 =	vld.idx.msk [tilespmem:v52+s0+$0x0], $0xffff;
	[tilespmem:v51+s9+$0x0] =	vst.idx.msk $0xffff, v53  }
0x5b8: {  	v60 =	vor.u32 v15, v20;
	v22 =	vld.idx.msk [tilespmem:v54+s0+$0x0], $0xffff;
	[tilespmem:v55+s9+$0x0] =	vst.idx.msk $0xffff, v28  }
0x5b9: {  	v61 =	vor.u32 v15, v32;
	[tilespmem:v56+s9+$0x0] =	vst.idx.msk $0xffff, v29;
	v62 =	vld.idx.msk [tilespmem:v57+s0+$0x0], $0xffff  }
0x5ba: {  	[tilespmem:v17+s9+$0x0] =	vst.idx.msk $0xffff, v19;
	v17 =	vor.u32 v15, v30;
	v63 =	vld.idx.msk [tilespmem:v58+s0+$0x0], $0xffff  }
0x5bb: {  	[tilespmem:v16+s9+$0x0] =	vst.idx.msk $0xffff, v18  }
0x5bc: {  	[tilespmem:v59+s9+$0x0] =	vst.idx.msk $0xffff, v23  }
0x5bd: {  	[tilespmem:v60+s9+$0x0] =	vst.idx.msk $0xffff, v22  }
0x5be: {  	[tilespmem:v61+s9+$0x0] =	vst.idx.msk $0xffff, v62  }
0x5bf: {  	[tilespmem:v17+s9+$0x0] =	vst.idx.msk $0xffff, v63  }
0x5c0: {  	s14 =	rddreg [dreg:$0xd]  }
0x5c1: {  	[hbm4b:s14+s19] =	stream.strided.scatter [tilespmem:s9], [sflag:$0x4], $0x2000, s20, s19, $0x38;
	[tilespmem:$0x1F800] =	vst v63  }
0x5c2: {  	_ =	swait.ge [sflag:s11], $0x4000  }
0x5c3: {  	[sflag:s11] =	ssyncset.done $0x0  }
0x5c4: {  	[sflag:s11] =	ssyncadd.s32 $0xFFFFC000  }
0x5c5: {  	_ =	swait.ge [sflag:s11], $0x2000  }
0x5c6: {  	[sflag:s11] =	ssyncset.done $0x0  }
0x5c7: {  	[sflag:s11] =	ssyncadd.s32 $0xFFFFE000  }
0x5c8: {  	_ =	swait.ge [sflag:s12], $0x4000  }
0x5c9: {  	[sflag:s12] =	ssyncset.done $0x0  }
0x5ca: {  	[sflag:s12] =	ssyncadd.s32 $0xFFFFC000  }
0x5cb: {  	_ =	swait.ge [sflag:s12], $0x2000  }
0x5cc: {  	s13 =	sadd.s32 $0x1, s13;
	s24 =	rddreg [dreg:$0xe]  }
0x5cd: {  	p0 =	sne.s32 s13, s24  }
.Ltmp13:
0x5ce: {  	_ = 	snop;
	(pc) =	sbr.rel @p0 .LBB2_1-.Ltmp13, $3  }
0x5cf: {  	_ =	sdelay $0x1  }
0x5d0: {  	[sflag:s12] =	ssyncset.done $0x0  }
0x5d1: {  	[sflag:s12] =	ssyncadd.s32 $0xFFFFE000  }
0x5d2: {  	_ =	sfence.sel $0x180000  }
0x5d3: {  	[bflag:$0x0] =	sbarrier.arrive $0xFFFF  }
0x5d4: {  	_ =	strace $0x90000047  }
0x5d5: {  	s0 =	stileid.u32;
	[bflag:$0x2] =	sbarrier.arrive $0xFFFF  }
0x5d6: {  	p0 =	sne.s32 s0, $0x0;
	s0 =	rddreg [dreg:$0x5]  }
0x5d7: {  	s0 =	sadd.s32 @!p0 $0x100000, s0  }
0x5d8: {  	[sflag:s0] =	ssyncadd.tile.s32 @!p0 $0x1;
	_ =	shalt  }
.Lfunc_end2:
_tile_overlayer_lowered:
.L_overlay_start_2:
0x5d9: {  	(tag) =	ssettag $0x2  }
0x5da: {  	s0 =	rddreg [dreg:$0x0];
	s2 =	stileid.u32  }
0x5db: {  	s1 =	rddreg [dreg:$0x1];
	p0 =	sne.s32 s2, $0x0  }
0x5dc: {  	s3 =	rddreg [dreg:$0x2];
	[bflag:$0x3] =	sbarrier.arrive $0xFFFF;
	s2 =	simm.s32 @!p0 $0x1C05  }
0x5dd: {  	[timem:s3], [sflag:s2] =	dma.local @!p0 [hbm:s0], s1  }
0x5de: {  	s0 =	simm.s32 @!p0 $0x5  }
0x5df: {  	_ =	swait.ge @!p0 [sflag:s0], s1  }
0x5e0: {  	s1 =	ssub.s32 @!p0 $0x0, s1;
	[sflag:s0] =	ssyncset.done @!p0 $0x0  }
0x5e1: {  	[sflag:s0] =	ssyncadd.s32 @!p0 s1  }
0x5e2: {  	[bflag:$0x3] =	sbarrier.arrive $0xFFFF  }
0x5e3: {  	_ =	shalt  }

</sc_bundles>
